<compile_context>
chip_gen: v7x
topology: tpu7x:2x2x1
jax: 0.10.2.dev20260603
libtpu: 0.0.44.dev20260713+nightly
codegen_flags: <defaults>
</compile_context>

<pallas_src>
import functools

import jax
import jax.numpy as jnp
from jax import lax
from jax.experimental import pallas as pl
from jax.experimental.pallas import tpu as pltpu
from jax.experimental.pallas import tpu_sc as plsc

NC = 2
NS = 16
NW = NC * NS
L = 16

_RSQRT_MAGIC = 0x5F3759DF


def _rsqrt(x):
    i = plsc.bitcast(x, jnp.int32)
    i = _RSQRT_MAGIC - lax.shift_right_logical(i, 1)
    y = plsc.bitcast(i, jnp.float32)
    xh = x * 0.5
    for _ in range(3):
        y = y * (1.5 - xh * y * y)
    return y


def _make_sc_call(B, N, M, K):
    SPB = NW // B
    CW = M // SPB
    NQ = CW // L
    mesh = plsc.VectorSubcoreMesh(core_axis_name="c", subcore_axis_name="s")

    @functools.partial(
        pl.kernel,
        mesh=mesh,
        out_type=jax.ShapeDtypeStruct((NW, CW * K), jnp.float32),
        compiler_params=pltpu.CompilerParams(needs_layout_passes=False),
        scratch_types=[
            pltpu.VMEM((N,), jnp.float32),
            pltpu.VMEM((K * CW,), jnp.int32),
            pltpu.VMEM((K * CW,), jnp.float32),
            pltpu.VMEM((3 * CW,), jnp.float32),
            pltpu.SemaphoreType.DMA,
            pltpu.SemaphoreType.DMA,
            pltpu.SemaphoreType.DMA,
        ],
    )
    def sc_call(tab_hbm, idx_hbm, q_hbm, out_hbm,
                table_v, idx_v, acc_v, q_v, sem0, sem1, sem2):
        c = lax.axis_index("c")
        s = lax.axis_index("s")
        w = c * NS + s
        bidx = w // SPB

        with jax.named_scope("init_dma"):
            cp_i = pltpu.async_copy(idx_hbm.at[w], idx_v, sem0)
            cp_q = pltpu.async_copy(q_hbm.at[w], q_v, sem1)
            cp_t = pltpu.async_copy(tab_hbm.at[bidx * 3], table_v, sem2)
            cp_i.wait()
            cp_q.wait()
            cp_t.wait()

        for comp in range(2):
            if comp:
                with jax.named_scope(f"tab_dma{comp}"):
                    pltpu.sync_copy(tab_hbm.at[bidx * 3 + comp], table_v)

            with jax.named_scope(f"gather{comp}"):
                @plsc.parallel_loop(0, NQ, unroll=4)
                def jloop(j, comp=comp):
                    qv = q_v[pl.ds(comp * CW + j * L, L)]
                    for k in range(K):
                        off = k * CW + j * L
                        g = plsc.load_gather(table_v, [idx_v[pl.ds(off, L)]])
                        d = g - qv
                        if comp == 0:
                            acc_v[pl.ds(off, L)] = d * d
                        else:
                            acc_v[pl.ds(off, L)] = acc_v[pl.ds(off, L)] + d * d

        with jax.named_scope("tab_dma2"):
            pltpu.sync_copy(tab_hbm.at[bidx * 3 + 2], table_v)

        with jax.named_scope("gather2_softmax"):
            @plsc.parallel_loop(0, NQ, unroll=2)
            def sloop(j):
                base = j * L
                qv = q_v[pl.ds(2 * CW + base, L)]
                dists = []
                for k in range(K):
                    off = k * CW + base
                    g = plsc.load_gather(table_v, [idx_v[pl.ds(off, L)]])
                    d = g - qv
                    x = acc_v[pl.ds(off, L)] + d * d
                    x = jnp.maximum(x, 1e-30)
                    dists.append(x * _rsqrt(x))
                mn = dists[0]
                for k in range(1, K):
                    mn = jnp.minimum(mn, dists[k])
                es = []
                tot = None
                for k in range(K):
                    e = jnp.exp(mn - dists[k])
                    es.append(e)
                    tot = e if tot is None else tot + e
                r = 0.5 / tot
                for k in range(K):
                    wv = es[k] * r
                    if k == 0:
                        wv = wv + 0.5
                    acc_v[pl.ds(k * CW + base, L)] = wv

        with jax.named_scope("out_dma"):
            pltpu.sync_copy(acc_v, out_hbm.at[w])

    return sc_call


def kernel(feature1, xyz1, query_xyz, error, point_index, W, b):
    B, N, _ = xyz1.shape
    M = query_xyz.shape[1]
    K = point_index.shape[2]
    SPB = NW // B
    CW = M // SPB

    tables = (xyz1 * 200.0).transpose(0, 2, 1).reshape(B * 3, N)
    idx = (
        point_index.astype(jnp.int32)
        .reshape(B, SPB, CW, K)
        .transpose(0, 1, 3, 2)
        .reshape(NW, K * CW)
    )
    q = (
        (query_xyz * 200.0).reshape(B, SPB, CW, 3)
        .transpose(0, 1, 3, 2)
        .reshape(NW, 3 * CW)
    )

    out = _make_sc_call(B, N, M, K)(tables, idx, q)
    return (
        out.reshape(B, SPB, K, CW)
        .transpose(0, 1, 3, 2)
        .reshape(B, M, K)
    )

# --- scband reference (transcript-rebuilt; emitter-appended) ---
"""Pipeline reference for scband-weight-generator-36876589203657 (READ-ONLY COPY).

The authoritative reference and input builder live on the scoring server;
editing this copy changes nothing except your own understanding.
"""

import jax, jax.numpy as jnp
import numpy as np


def index_points(points, idx):
    # points: [B, N, C], idx: [B, M, K] -> [B, M, K, C]
    B = points.shape[0]
    batch_idx = jnp.arange(B)[:, None, None]
    return points[batch_idx, idx]


def setup_inputs(seed: int = 0) -> dict:
    key = jax.random.key(seed)
    ks = jax.random.split(key, 8)
    B, N, M, K = 4, 65536, 16384, 12
    input_dim, out_dim = 64, 64
    feature1 = jax.random.normal(ks[0], (B, N, input_dim), dtype=jnp.float32)
    xyz1 = jax.random.normal(ks[1], (B, N, 3), dtype=jnp.float32)
    query_xyz = jax.random.normal(ks[2], (B, M, 3), dtype=jnp.float32)
    error = jax.random.normal(ks[3], (B, N), dtype=jnp.float32)
    point_index = jax.random.randint(ks[4], (B, M, K), 0, N, dtype=jnp.int64)
    # prefix_linear params (nn.Linear(input_dim, out_dim))
    bound = 1.0 / np.sqrt(input_dim)
    W = jax.random.uniform(ks[5], (out_dim, input_dim), minval=-bound, maxval=bound, dtype=jnp.float32)
    b = jax.random.uniform(ks[6], (out_dim,), minval=-bound, maxval=bound, dtype=jnp.float32)
    return {"feature1": feature1, "xyz1": xyz1, "query_xyz": query_xyz, "error": error, "point_index": point_index, "W": W, "b": b}


def reference(feature1, xyz1, query_xyz, error, point_index, W, b):
    B, N, _ = xyz1.shape
    M = query_xyz.shape[1]
    feature_1 = jnp.einsum('bnc,oc->bno', feature1, W) + b
    err = error.reshape(B, N, 1)
    err = jnp.tanh(err) * 0.001 + 0.002
    g_feature = index_points(feature_1, point_index)
    g_error = index_points(err, point_index)[:, :, :, 0]
    g_xyz = index_points(xyz1, point_index)
    g_xyz = g_xyz - query_xyz[:, :, None, :]
    distance = jnp.linalg.norm(g_xyz, axis=-1)
    weight = jax.nn.softmax(-distance * 200.0, axis=-1)
    weight = weight * 0.5
    ones = jnp.ones_like(weight) * 0.5
    ones = ones.at[:, :, 1:].set(0.0)
    weight = weight + ones
    return weight

if __name__ == "__main__":
    import jax
    _d = setup_inputs()
    print(jax.jit(kernel)(*tuple(_d.values())))

</pallas_src>

<mosaic_0001>
#map = affine_map<(d0, d1) -> (0, 0)>
module attributes {stable_mosaic.version = 14 : i64} {
  func.func @sc_call(%arg0: i32, %arg1: i32, %arg2: memref<12x65536xf32, #tpu.memory_space<hbm>>, %arg3: memref<32x24576xi32, #tpu.memory_space<hbm>>, %arg4: memref<32x6144xf32, #tpu.memory_space<hbm>>, %arg5: memref<32x24576xf32, #tpu.memory_space<hbm>>, %arg6: memref<65536xf32, #tpu.memory_space<vmem>>, %arg7: memref<24576xi32, #tpu.memory_space<vmem>>, %arg8: memref<24576xf32, #tpu.memory_space<vmem>>, %arg9: memref<6144xf32, #tpu.memory_space<vmem>>, %arg10: memref<!tpu.dma_semaphore, #tpu.memory_space<semaphore_mem>>, %arg11: memref<!tpu.dma_semaphore, #tpu.memory_space<semaphore_mem>>, %arg12: memref<!tpu.dma_semaphore, #tpu.memory_space<semaphore_mem>>) attributes {dimension_semantics = [#tpu.dimension_semantics<core_parallel>, #tpu.dimension_semantics<subcore_parallel>], iteration_bounds = array<i64: 2, 16>, scalar_prefetch = 0 : i64, scratch_operands = 7 : i64, tpu.core_type = #tpu.core_type<sc_vector_subcore>, window_params = [{transform_indices = #map}, {transform_indices = #map}, {transform_indices = #map}, {transform_indices = #map}]} {
    %mul3A = arith.constant 16 : i32
    %mul3A_0 = arith.muli %arg0, %mul3A : i32
    %add3A = arith.addi %mul3A_0, %arg1 : i32
    %jit3A = arith.constant 8 : i32
    %div3A = arith.divsi %add3A, %jit3A : i32
    %sign3A = arith.constant 0 : i32
    %sign3A_1 = arith.cmpi sgt, %add3A, %sign3A : i32
    %sign3A_2 = arith.extui %sign3A_1 : i1 to i32
    %sign3A_3 = arith.constant 0 : i32
    %sign3A_4 = arith.cmpi slt, %add3A, %sign3A_3 : i32
    %sign3A_5 = arith.extui %sign3A_4 : i1 to i32
    %sign3A_6 = arith.subi %sign3A_2, %sign3A_5 : i32
    %sign3A_7 = arith.constant 0 : i32
    %sign3A_8 = arith.cmpi sgt, %jit3A, %sign3A_7 : i32
    %sign3A_9 = arith.extui %sign3A_8 : i1 to i32
    %sign3A_10 = arith.constant 0 : i32
    %sign3A_11 = arith.cmpi slt, %jit3A, %sign3A_10 : i32
    %sign3A_12 = arith.extui %sign3A_11 : i1 to i32
    %sign3A_13 = arith.subi %sign3A_9, %sign3A_12 : i32
    %ne3A = arith.cmpi ne, %sign3A_6, %sign3A_13 : i32
    %rem3A = arith.remsi %add3A, %jit3A : i32
    %ne3A_14 = arith.constant 0 : i32
    %ne3A_15 = arith.cmpi ne, %rem3A, %ne3A_14 : i32
    %and3A = arith.andi %ne3A, %ne3A_15 : i1
    %sub3A = arith.constant 1 : i32
    %sub3A_16 = arith.subi %div3A, %sub3A : i32
    %select_n3A = arith.select %and3A, %sub3A_16, %div3A : i32
    "tpu.trace_start"() <{level = 10 : i32, message = "init_dma"}> : () -> ()
    %dma_start3A = arith.constant 0 : i32
    %dma_start3A_17 = tpu.memref_slice %arg3[%add3A, %dma_start3A] : memref<32x24576xi32, #tpu.memory_space<hbm>> -> memref<1x24576xi32, #tpu.memory_space<hbm>>
    %dma_start3A_18 = tpu.memref_squeeze %dma_start3A_17 : memref<1x24576xi32, #tpu.memory_space<hbm>> -> memref<24576xi32, #tpu.memory_space<hbm>>
    %dma_start3A_19 = arith.constant 0 : i32
    %dma_start3A_20 = tpu.memref_slice %arg3[%add3A, %dma_start3A_19] : memref<32x24576xi32, #tpu.memory_space<hbm>> -> memref<1x24576xi32, #tpu.memory_space<hbm>>
    %dma_start3A_21 = tpu.memref_squeeze %dma_start3A_20 : memref<1x24576xi32, #tpu.memory_space<hbm>> -> memref<24576xi32, #tpu.memory_space<hbm>>
    tpu.enqueue_dma source(%dma_start3A_21 : memref<24576xi32, #tpu.memory_space<hbm>>) target(%arg7 : memref<24576xi32, #tpu.memory_space<vmem>>) target_semaphore(%arg10 : memref<!tpu.dma_semaphore, #tpu.memory_space<semaphore_mem>>)
    %dma_start3A_22 = arith.constant 0 : i32
    %dma_start3A_23 = tpu.memref_slice %arg4[%add3A, %dma_start3A_22] : memref<32x6144xf32, #tpu.memory_space<hbm>> -> memref<1x6144xf32, #tpu.memory_space<hbm>>
    %dma_start3A_24 = tpu.memref_squeeze %dma_start3A_23 : memref<1x6144xf32, #tpu.memory_space<hbm>> -> memref<6144xf32, #tpu.memory_space<hbm>>
    %dma_start3A_25 = arith.constant 0 : i32
    %dma_start3A_26 = tpu.memref_slice %arg4[%add3A, %dma_start3A_25] : memref<32x6144xf32, #tpu.memory_space<hbm>> -> memref<1x6144xf32, #tpu.memory_space<hbm>>
    %dma_start3A_27 = tpu.memref_squeeze %dma_start3A_26 : memref<1x6144xf32, #tpu.memory_space<hbm>> -> memref<6144xf32, #tpu.memory_space<hbm>>
    tpu.enqueue_dma source(%dma_start3A_27 : memref<6144xf32, #tpu.memory_space<hbm>>) target(%arg9 : memref<6144xf32, #tpu.memory_space<vmem>>) target_semaphore(%arg11 : memref<!tpu.dma_semaphore, #tpu.memory_space<semaphore_mem>>)
    %mul3A_28 = arith.constant 3 : i32
    %mul3A_29 = arith.muli %select_n3A, %mul3A_28 : i32
    %dma_start3A_30 = arith.constant 0 : i32
    %dma_start3A_31 = tpu.memref_slice %arg2[%mul3A_29, %dma_start3A_30] : memref<12x65536xf32, #tpu.memory_space<hbm>> -> memref<1x65536xf32, #tpu.memory_space<hbm>>
    %dma_start3A_32 = tpu.memref_squeeze %dma_start3A_31 : memref<1x65536xf32, #tpu.memory_space<hbm>> -> memref<65536xf32, #tpu.memory_space<hbm>>
    %dma_start3A_33 = arith.constant 0 : i32
    %dma_start3A_34 = tpu.memref_slice %arg2[%mul3A_29, %dma_start3A_33] : memref<12x65536xf32, #tpu.memory_space<hbm>> -> memref<1x65536xf32, #tpu.memory_space<hbm>>
    %dma_start3A_35 = tpu.memref_squeeze %dma_start3A_34 : memref<1x65536xf32, #tpu.memory_space<hbm>> -> memref<65536xf32, #tpu.memory_space<hbm>>
    tpu.enqueue_dma source(%dma_start3A_35 : memref<65536xf32, #tpu.memory_space<hbm>>) target(%arg6 : memref<65536xf32, #tpu.memory_space<vmem>>) target_semaphore(%arg12 : memref<!tpu.dma_semaphore, #tpu.memory_space<semaphore_mem>>)
    %dma_wait3A = arith.constant 0 : i32
    %dma_wait3A_36 = tpu.memref_slice %arg3[%add3A, %dma_wait3A] : memref<32x24576xi32, #tpu.memory_space<hbm>> -> memref<1x24576xi32, #tpu.memory_space<hbm>>
    %dma_wait3A_37 = tpu.memref_squeeze %dma_wait3A_36 : memref<1x24576xi32, #tpu.memory_space<hbm>> -> memref<24576xi32, #tpu.memory_space<hbm>>
    %dma_wait3A_38 = arith.constant 0 : i32
    %dma_wait3A_39 = tpu.memref_slice %arg3[%add3A, %dma_wait3A_38] : memref<32x24576xi32, #tpu.memory_space<hbm>> -> memref<1x24576xi32, #tpu.memory_space<hbm>>
    %dma_wait3A_40 = tpu.memref_squeeze %dma_wait3A_39 : memref<1x24576xi32, #tpu.memory_space<hbm>> -> memref<24576xi32, #tpu.memory_space<hbm>>
    tpu.wait_dma2 semaphore(%arg10 : memref<!tpu.dma_semaphore, #tpu.memory_space<semaphore_mem>>) src(%dma_wait3A_40 : memref<24576xi32, #tpu.memory_space<hbm>>) dst(%arg7 : memref<24576xi32, #tpu.memory_space<vmem>>)
    %dma_wait3A_41 = arith.constant 0 : i32
    %dma_wait3A_42 = tpu.memref_slice %arg4[%add3A, %dma_wait3A_41] : memref<32x6144xf32, #tpu.memory_space<hbm>> -> memref<1x6144xf32, #tpu.memory_space<hbm>>
    %dma_wait3A_43 = tpu.memref_squeeze %dma_wait3A_42 : memref<1x6144xf32, #tpu.memory_space<hbm>> -> memref<6144xf32, #tpu.memory_space<hbm>>
    %dma_wait3A_44 = arith.constant 0 : i32
    %dma_wait3A_45 = tpu.memref_slice %arg4[%add3A, %dma_wait3A_44] : memref<32x6144xf32, #tpu.memory_space<hbm>> -> memref<1x6144xf32, #tpu.memory_space<hbm>>
    %dma_wait3A_46 = tpu.memref_squeeze %dma_wait3A_45 : memref<1x6144xf32, #tpu.memory_space<hbm>> -> memref<6144xf32, #tpu.memory_space<hbm>>
    tpu.wait_dma2 semaphore(%arg11 : memref<!tpu.dma_semaphore, #tpu.memory_space<semaphore_mem>>) src(%dma_wait3A_46 : memref<6144xf32, #tpu.memory_space<hbm>>) dst(%arg9 : memref<6144xf32, #tpu.memory_space<vmem>>)
    %dma_wait3A_47 = arith.constant 0 : i32
    %dma_wait3A_48 = tpu.memref_slice %arg2[%mul3A_29, %dma_wait3A_47] : memref<12x65536xf32, #tpu.memory_space<hbm>> -> memref<1x65536xf32, #tpu.memory_space<hbm>>
    %dma_wait3A_49 = tpu.memref_squeeze %dma_wait3A_48 : memref<1x65536xf32, #tpu.memory_space<hbm>> -> memref<65536xf32, #tpu.memory_space<hbm>>
    %dma_wait3A_50 = arith.constant 0 : i32
    %dma_wait3A_51 = tpu.memref_slice %arg2[%mul3A_29, %dma_wait3A_50] : memref<12x65536xf32, #tpu.memory_space<hbm>> -> memref<1x65536xf32, #tpu.memory_space<hbm>>
    %dma_wait3A_52 = tpu.memref_squeeze %dma_wait3A_51 : memref<1x65536xf32, #tpu.memory_space<hbm>> -> memref<65536xf32, #tpu.memory_space<hbm>>
    tpu.wait_dma2 semaphore(%arg12 : memref<!tpu.dma_semaphore, #tpu.memory_space<semaphore_mem>>) src(%dma_wait3A_52 : memref<65536xf32, #tpu.memory_space<hbm>>) dst(%arg6 : memref<65536xf32, #tpu.memory_space<vmem>>)
    %parallel_loop3A = arith.constant 0 : i32
    %parallel_loop3A_53 = arith.constant 128 : i32
    %parallel_loop3A_54 = arith.constant 1 : i32
    "tpu.trace_stop"() : () -> ()
    "tpu.trace_start"() <{level = 10 : i32, message = "gather0"}> : () -> ()
    scf.for %parallel_loop3A_69 = %parallel_loop3A to %parallel_loop3A_53 step %parallel_loop3A_54  : i32 {
      %parallel_loop3A_70 = arith.constant 16 : i32
      %parallel_loop3A_71 = arith.muli %parallel_loop3A_69, %parallel_loop3A_70 : i32
      %parallel_loop3A_72 = arith.constant 0 : i32
      %parallel_loop3A_73 = arith.addi %parallel_loop3A_72, %parallel_loop3A_71 : i32
      %parallel_loop3A_74 = arith.index_cast %parallel_loop3A_73 : i32 to index
      %parallel_loop3A_75 = tpu.vector_load %arg9[%parallel_loop3A_74] {strides = array<i32>} : memref<6144xf32, #tpu.memory_space<vmem>>, vector<16xf32>,
      %parallel_loop3A_76 = arith.constant 16 : i32
      %parallel_loop3A_77 = arith.muli %parallel_loop3A_69, %parallel_loop3A_76 : i32
      %parallel_loop3A_78 = arith.constant 0 : i32
      %parallel_loop3A_79 = arith.addi %parallel_loop3A_78, %parallel_loop3A_77 : i32
      %parallel_loop3A_80 = arith.index_cast %parallel_loop3A_79 : i32 to index
      %parallel_loop3A_81 = tpu.vector_load %arg7[%parallel_loop3A_80] {strides = array<i32>} : memref<24576xi32, #tpu.memory_space<vmem>>, vector<16xi32>,
      %parallel_loop3A_82 = tpu.vector_load_idx %arg6[%parallel_loop3A_81] : memref<65536xf32, #tpu.memory_space<vmem>>[vector<16xi32>], vector<16xf32>,
      %parallel_loop3A_83 = arith.subf %parallel_loop3A_82, %parallel_loop3A_75 : vector<16xf32>
      %parallel_loop3A_84 = arith.mulf %parallel_loop3A_83, %parallel_loop3A_83 : vector<16xf32>
      %parallel_loop3A_85 = arith.index_cast %parallel_loop3A_79 : i32 to index
      %parallel_loop3A_86 = tpu.vector_load %arg8[%parallel_loop3A_85] {strides = array<i32>} : memref<24576xf32, #tpu.memory_space<vmem>>, vector<16xf32>,
      tpu.vector_store %arg8[%parallel_loop3A_85], %parallel_loop3A_84 {strides = array<i32>} : memref<24576xf32, #tpu.memory_space<vmem>>, vector<16xf32>,
      %parallel_loop3A_87 = arith.constant 16 : i32
      %parallel_loop3A_88 = arith.muli %parallel_loop3A_69, %parallel_loop3A_87 : i32
      %parallel_loop3A_89 = arith.constant 2048 : i32
      %parallel_loop3A_90 = arith.addi %parallel_loop3A_89, %parallel_loop3A_88 : i32
      %parallel_loop3A_91 = arith.index_cast %parallel_loop3A_90 : i32 to index
      %parallel_loop3A_92 = tpu.vector_load %arg7[%parallel_loop3A_91] {strides = array<i32>} : memref<24576xi32, #tpu.memory_space<vmem>>, vector<16xi32>,
      %parallel_loop3A_93 = tpu.vector_load_idx %arg6[%parallel_loop3A_92] : memref<65536xf32, #tpu.memory_space<vmem>>[vector<16xi32>], vector<16xf32>,
      %parallel_loop3A_94 = arith.subf %parallel_loop3A_93, %parallel_loop3A_75 : vector<16xf32>
      %parallel_loop3A_95 = arith.mulf %parallel_loop3A_94, %parallel_loop3A_94 : vector<16xf32>
      %parallel_loop3A_96 = arith.index_cast %parallel_loop3A_90 : i32 to index
      %parallel_loop3A_97 = tpu.vector_load %arg8[%parallel_loop3A_96] {strides = array<i32>} : memref<24576xf32, #tpu.memory_space<vmem>>, vector<16xf32>,
      tpu.vector_store %arg8[%parallel_loop3A_96], %parallel_loop3A_95 {strides = array<i32>} : memref<24576xf32, #tpu.memory_space<vmem>>, vector<16xf32>,
      %parallel_loop3A_98 = arith.constant 16 : i32
      %parallel_loop3A_99 = arith.muli %parallel_loop3A_69, %parallel_loop3A_98 : i32
      %parallel_loop3A_100 = arith.constant 4096 : i32
      %parallel_loop3A_101 = arith.addi %parallel_loop3A_100, %parallel_loop3A_99 : i32
      %parallel_loop3A_102 = arith.index_cast %parallel_loop3A_101 : i32 to index
      %parallel_loop3A_103 = tpu.vector_load %arg7[%parallel_loop3A_102] {strides = array<i32>} : memref<24576xi32, #tpu.memory_space<vmem>>, vector<16xi32>,
      %parallel_loop3A_104 = tpu.vector_load_idx %arg6[%parallel_loop3A_103] : memref<65536xf32, #tpu.memory_space<vmem>>[vector<16xi32>], vector<16xf32>,
      %parallel_loop3A_105 = arith.subf %parallel_loop3A_104, %parallel_loop3A_75 : vector<16xf32>
      %parallel_loop3A_106 = arith.mulf %parallel_loop3A_105, %parallel_loop3A_105 : vector<16xf32>
      %parallel_loop3A_107 = arith.index_cast %parallel_loop3A_101 : i32 to index
      %parallel_loop3A_108 = tpu.vector_load %arg8[%parallel_loop3A_107] {strides = array<i32>} : memref<24576xf32, #tpu.memory_space<vmem>>, vector<16xf32>,
      tpu.vector_store %arg8[%parallel_loop3A_107], %parallel_loop3A_106 {strides = array<i32>} : memref<24576xf32, #tpu.memory_space<vmem>>, vector<16xf32>,
      %parallel_loop3A_109 = arith.constant 16 : i32
      %parallel_loop3A_110 = arith.muli %parallel_loop3A_69, %parallel_loop3A_109 : i32
      %parallel_loop3A_111 = arith.constant 6144 : i32
      %parallel_loop3A_112 = arith.addi %parallel_loop3A_111, %parallel_loop3A_110 : i32
      %parallel_loop3A_113 = arith.index_cast %parallel_loop3A_112 : i32 to index
      %parallel_loop3A_114 = tpu.vector_load %arg7[%parallel_loop3A_113] {strides = array<i32>} : memref<24576xi32, #tpu.memory_space<vmem>>, vector<16xi32>,
      %parallel_loop3A_115 = tpu.vector_load_idx %arg6[%parallel_loop3A_114] : memref<65536xf32, #tpu.memory_space<vmem>>[vector<16xi32>], vector<16xf32>,
      %parallel_loop3A_116 = arith.subf %parallel_loop3A_115, %parallel_loop3A_75 : vector<16xf32>
      %parallel_loop3A_117 = arith.mulf %parallel_loop3A_116, %parallel_loop3A_116 : vector<16xf32>
      %parallel_loop3A_118 = arith.index_cast %parallel_loop3A_112 : i32 to index
      %parallel_loop3A_119 = tpu.vector_load %arg8[%parallel_loop3A_118] {strides = array<i32>} : memref<24576xf32, #tpu.memory_space<vmem>>, vector<16xf32>,
      tpu.vector_store %arg8[%parallel_loop3A_118], %parallel_loop3A_117 {strides = array<i32>} : memref<24576xf32, #tpu.memory_space<vmem>>, vector<16xf32>,
      %parallel_loop3A_120 = arith.constant 16 : i32
      %parallel_loop3A_121 = arith.muli %parallel_loop3A_69, %parallel_loop3A_120 : i32
      %parallel_loop3A_122 = arith.constant 8192 : i32
      %parallel_loop3A_123 = arith.addi %parallel_loop3A_122, %parallel_loop3A_121 : i32
      %parallel_loop3A_124 = arith.index_cast %parallel_loop3A_123 : i32 to index
      %parallel_loop3A_125 = tpu.vector_load %arg7[%parallel_loop3A_124] {strides = array<i32>} : memref<24576xi32, #tpu.memory_space<vmem>>, vector<16xi32>,
      %parallel_loop3A_126 = tpu.vector_load_idx %arg6[%parallel_loop3A_125] : memref<65536xf32, #tpu.memory_space<vmem>>[vector<16xi32>], vector<16xf32>,
      %parallel_loop3A_127 = arith.subf %parallel_loop3A_126, %parallel_loop3A_75 : vector<16xf32>
      %parallel_loop3A_128 = arith.mulf %parallel_loop3A_127, %parallel_loop3A_127 : vector<16xf32>
      %parallel_loop3A_129 = arith.index_cast %parallel_loop3A_123 : i32 to index
      %parallel_loop3A_130 = tpu.vector_load %arg8[%parallel_loop3A_129] {strides = array<i32>} : memref<24576xf32, #tpu.memory_space<vmem>>, vector<16xf32>,
      tpu.vector_store %arg8[%parallel_loop3A_129], %parallel_loop3A_128 {strides = array<i32>} : memref<24576xf32, #tpu.memory_space<vmem>>, vector<16xf32>,
      %parallel_loop3A_131 = arith.constant 16 : i32
      %parallel_loop3A_132 = arith.muli %parallel_loop3A_69, %parallel_loop3A_131 : i32
      %parallel_loop3A_133 = arith.constant 10240 : i32
      %parallel_loop3A_134 = arith.addi %parallel_loop3A_133, %parallel_loop3A_132 : i32
      %parallel_loop3A_135 = arith.index_cast %parallel_loop3A_134 : i32 to index
      %parallel_loop3A_136 = tpu.vector_load %arg7[%parallel_loop3A_135] {strides = array<i32>} : memref<24576xi32, #tpu.memory_space<vmem>>, vector<16xi32>,
      %parallel_loop3A_137 = tpu.vector_load_idx %arg6[%parallel_loop3A_136] : memref<65536xf32, #tpu.memory_space<vmem>>[vector<16xi32>], vector<16xf32>,
      %parallel_loop3A_138 = arith.subf %parallel_loop3A_137, %parallel_loop3A_75 : vector<16xf32>
      %parallel_loop3A_139 = arith.mulf %parallel_loop3A_138, %parallel_loop3A_138 : vector<16xf32>
      %parallel_loop3A_140 = arith.index_cast %parallel_loop3A_134 : i32 to index
      %parallel_loop3A_141 = tpu.vector_load %arg8[%parallel_loop3A_140] {strides = array<i32>} : memref<24576xf32, #tpu.memory_space<vmem>>, vector<16xf32>,
      tpu.vector_store %arg8[%parallel_loop3A_140], %parallel_loop3A_139 {strides = array<i32>} : memref<24576xf32, #tpu.memory_space<vmem>>, vector<16xf32>,
      %parallel_loop3A_142 = arith.constant 16 : i32
      %parallel_loop3A_143 = arith.muli %parallel_loop3A_69, %parallel_loop3A_142 : i32
      %parallel_loop3A_144 = arith.constant 12288 : i32
      %parallel_loop3A_145 = arith.addi %parallel_loop3A_144, %parallel_loop3A_143 : i32
      %parallel_loop3A_146 = arith.index_cast %parallel_loop3A_145 : i32 to index
      %parallel_loop3A_147 = tpu.vector_load %arg7[%parallel_loop3A_146] {strides = array<i32>} : memref<24576xi32, #tpu.memory_space<vmem>>, vector<16xi32>,
      %parallel_loop3A_148 = tpu.vector_load_idx %arg6[%parallel_loop3A_147] : memref<65536xf32, #tpu.memory_space<vmem>>[vector<16xi32>], vector<16xf32>,
      %parallel_loop3A_149 = arith.subf %parallel_loop3A_148, %parallel_loop3A_75 : vector<16xf32>
      %parallel_loop3A_150 = arith.mulf %parallel_loop3A_149, %parallel_loop3A_149 : vector<16xf32>
      %parallel_loop3A_151 = arith.index_cast %parallel_loop3A_145 : i32 to index
      %parallel_loop3A_152 = tpu.vector_load %arg8[%parallel_loop3A_151] {strides = array<i32>} : memref<24576xf32, #tpu.memory_space<vmem>>, vector<16xf32>,
      tpu.vector_store %arg8[%parallel_loop3A_151], %parallel_loop3A_150 {strides = array<i32>} : memref<24576xf32, #tpu.memory_space<vmem>>, vector<16xf32>,
      %parallel_loop3A_153 = arith.constant 16 : i32
      %parallel_loop3A_154 = arith.muli %parallel_loop3A_69, %parallel_loop3A_153 : i32
      %parallel_loop3A_155 = arith.constant 14336 : i32
      %parallel_loop3A_156 = arith.addi %parallel_loop3A_155, %parallel_loop3A_154 : i32
      %parallel_loop3A_157 = arith.index_cast %parallel_loop3A_156 : i32 to index
      %parallel_loop3A_158 = tpu.vector_load %arg7[%parallel_loop3A_157] {strides = array<i32>} : memref<24576xi32, #tpu.memory_space<vmem>>, vector<16xi32>,
      %parallel_loop3A_159 = tpu.vector_load_idx %arg6[%parallel_loop3A_158] : memref<65536xf32, #tpu.memory_space<vmem>>[vector<16xi32>], vector<16xf32>,
      %parallel_loop3A_160 = arith.subf %parallel_loop3A_159, %parallel_loop3A_75 : vector<16xf32>
      %parallel_loop3A_161 = arith.mulf %parallel_loop3A_160, %parallel_loop3A_160 : vector<16xf32>
      %parallel_loop3A_162 = arith.index_cast %parallel_loop3A_156 : i32 to index
      %parallel_loop3A_163 = tpu.vector_load %arg8[%parallel_loop3A_162] {strides = array<i32>} : memref<24576xf32, #tpu.memory_space<vmem>>, vector<16xf32>,
      tpu.vector_store %arg8[%parallel_loop3A_162], %parallel_loop3A_161 {strides = array<i32>} : memref<24576xf32, #tpu.memory_space<vmem>>, vector<16xf32>,
      %parallel_loop3A_164 = arith.constant 16 : i32
      %parallel_loop3A_165 = arith.muli %parallel_loop3A_69, %parallel_loop3A_164 : i32
      %parallel_loop3A_166 = arith.constant 16384 : i32
      %parallel_loop3A_167 = arith.addi %parallel_loop3A_166, %parallel_loop3A_165 : i32
      %parallel_loop3A_168 = arith.index_cast %parallel_loop3A_167 : i32 to index
      %parallel_loop3A_169 = tpu.vector_load %arg7[%parallel_loop3A_168] {strides = array<i32>} : memref<24576xi32, #tpu.memory_space<vmem>>, vector<16xi32>,
      %parallel_loop3A_170 = tpu.vector_load_idx %arg6[%parallel_loop3A_169] : memref<65536xf32, #tpu.memory_space<vmem>>[vector<16xi32>], vector<16xf32>,
      %parallel_loop3A_171 = arith.subf %parallel_loop3A_170, %parallel_loop3A_75 : vector<16xf32>
      %parallel_loop3A_172 = arith.mulf %parallel_loop3A_171, %parallel_loop3A_171 : vector<16xf32>
      %parallel_loop3A_173 = arith.index_cast %parallel_loop3A_167 : i32 to index
      %parallel_loop3A_174 = tpu.vector_load %arg8[%parallel_loop3A_173] {strides = array<i32>} : memref<24576xf32, #tpu.memory_space<vmem>>, vector<16xf32>,
      tpu.vector_store %arg8[%parallel_loop3A_173], %parallel_loop3A_172 {strides = array<i32>} : memref<24576xf32, #tpu.memory_space<vmem>>, vector<16xf32>,
      %parallel_loop3A_175 = arith.constant 16 : i32
      %parallel_loop3A_176 = arith.muli %parallel_loop3A_69, %parallel_loop3A_175 : i32
      %parallel_loop3A_177 = arith.constant 18432 : i32
      %parallel_loop3A_178 = arith.addi %parallel_loop3A_177, %parallel_loop3A_176 : i32
      %parallel_loop3A_179 = arith.index_cast %parallel_loop3A_178 : i32 to index
      %parallel_loop3A_180 = tpu.vector_load %arg7[%parallel_loop3A_179] {strides = array<i32>} : memref<24576xi32, #tpu.memory_space<vmem>>, vector<16xi32>,
      %parallel_loop3A_181 = tpu.vector_load_idx %arg6[%parallel_loop3A_180] : memref<65536xf32, #tpu.memory_space<vmem>>[vector<16xi32>], vector<16xf32>,
      %parallel_loop3A_182 = arith.subf %parallel_loop3A_181, %parallel_loop3A_75 : vector<16xf32>
      %parallel_loop3A_183 = arith.mulf %parallel_loop3A_182, %parallel_loop3A_182 : vector<16xf32>
      %parallel_loop3A_184 = arith.index_cast %parallel_loop3A_178 : i32 to index
      %parallel_loop3A_185 = tpu.vector_load %arg8[%parallel_loop3A_184] {strides = array<i32>} : memref<24576xf32, #tpu.memory_space<vmem>>, vector<16xf32>,
      tpu.vector_store %arg8[%parallel_loop3A_184], %parallel_loop3A_183 {strides = array<i32>} : memref<24576xf32, #tpu.memory_space<vmem>>, vector<16xf32>,
      %parallel_loop3A_186 = arith.constant 16 : i32
      %parallel_loop3A_187 = arith.muli %parallel_loop3A_69, %parallel_loop3A_186 : i32
      %parallel_loop3A_188 = arith.constant 20480 : i32
      %parallel_loop3A_189 = arith.addi %parallel_loop3A_188, %parallel_loop3A_187 : i32
      %parallel_loop3A_190 = arith.index_cast %parallel_loop3A_189 : i32 to index
      %parallel_loop3A_191 = tpu.vector_load %arg7[%parallel_loop3A_190] {strides = array<i32>} : memref<24576xi32, #tpu.memory_space<vmem>>, vector<16xi32>,
      %parallel_loop3A_192 = tpu.vector_load_idx %arg6[%parallel_loop3A_191] : memref<65536xf32, #tpu.memory_space<vmem>>[vector<16xi32>], vector<16xf32>,
      %parallel_loop3A_193 = arith.subf %parallel_loop3A_192, %parallel_loop3A_75 : vector<16xf32>
      %parallel_loop3A_194 = arith.mulf %parallel_loop3A_193, %parallel_loop3A_193 : vector<16xf32>
      %parallel_loop3A_195 = arith.index_cast %parallel_loop3A_189 : i32 to index
      %parallel_loop3A_196 = tpu.vector_load %arg8[%parallel_loop3A_195] {strides = array<i32>} : memref<24576xf32, #tpu.memory_space<vmem>>, vector<16xf32>,
      tpu.vector_store %arg8[%parallel_loop3A_195], %parallel_loop3A_194 {strides = array<i32>} : memref<24576xf32, #tpu.memory_space<vmem>>, vector<16xf32>,
      %parallel_loop3A_197 = arith.constant 16 : i32
      %parallel_loop3A_198 = arith.muli %parallel_loop3A_69, %parallel_loop3A_197 : i32
      %parallel_loop3A_199 = arith.constant 22528 : i32
      %parallel_loop3A_200 = arith.addi %parallel_loop3A_199, %parallel_loop3A_198 : i32
      %parallel_loop3A_201 = arith.index_cast %parallel_loop3A_200 : i32 to index
      %parallel_loop3A_202 = tpu.vector_load %arg7[%parallel_loop3A_201] {strides = array<i32>} : memref<24576xi32, #tpu.memory_space<vmem>>, vector<16xi32>,
      %parallel_loop3A_203 = tpu.vector_load_idx %arg6[%parallel_loop3A_202] : memref<65536xf32, #tpu.memory_space<vmem>>[vector<16xi32>], vector<16xf32>,
      %parallel_loop3A_204 = arith.subf %parallel_loop3A_203, %parallel_loop3A_75 : vector<16xf32>
      %parallel_loop3A_205 = arith.mulf %parallel_loop3A_204, %parallel_loop3A_204 : vector<16xf32>
      %parallel_loop3A_206 = arith.index_cast %parallel_loop3A_200 : i32 to index
      %parallel_loop3A_207 = tpu.vector_load %arg8[%parallel_loop3A_206] {strides = array<i32>} : memref<24576xf32, #tpu.memory_space<vmem>>, vector<16xf32>,
      tpu.vector_store %arg8[%parallel_loop3A_206], %parallel_loop3A_205 {strides = array<i32>} : memref<24576xf32, #tpu.memory_space<vmem>>, vector<16xf32>,
    } {sc.loop_unroll_factor = 4 : i64, sc.parallel_access}
    "tpu.trace_stop"() : () -> ()
    "tpu.trace_start"() <{level = 10 : i32, message = "tab_dma1"}> : () -> ()
    %mul3A_55 = arith.constant 3 : i32
    %mul3A_56 = arith.muli %select_n3A, %mul3A_55 : i32
    %add3A_57 = arith.constant 1 : i32
    %add3A_58 = arith.addi %mul3A_56, %add3A_57 : i32
    "tpu.region"() ({
      %run_scoped3A = tpu.sem_alloc : memref<!tpu.dma_semaphore, #tpu.memory_space<semaphore_mem>>
      %dma_start3A_69 = arith.constant 0 : i32
      %dma_start3A_70 = tpu.memref_slice %arg2[%add3A_58, %dma_start3A_69] : memref<12x65536xf32, #tpu.memory_space<hbm>> -> memref<1x65536xf32, #tpu.memory_space<hbm>>
      %dma_start3A_71 = tpu.memref_squeeze %dma_start3A_70 : memref<1x65536xf32, #tpu.memory_space<hbm>> -> memref<65536xf32, #tpu.memory_space<hbm>>
      %dma_start3A_72 = arith.constant 0 : i32
      %dma_start3A_73 = tpu.memref_slice %arg2[%add3A_58, %dma_start3A_72] : memref<12x65536xf32, #tpu.memory_space<hbm>> -> memref<1x65536xf32, #tpu.memory_space<hbm>>
      %dma_start3A_74 = tpu.memref_squeeze %dma_start3A_73 : memref<1x65536xf32, #tpu.memory_space<hbm>> -> memref<65536xf32, #tpu.memory_space<hbm>>
      tpu.enqueue_dma source(%dma_start3A_74 : memref<65536xf32, #tpu.memory_space<hbm>>) target(%arg6 : memref<65536xf32, #tpu.memory_space<vmem>>) target_semaphore(%run_scoped3A : memref<!tpu.dma_semaphore, #tpu.memory_space<semaphore_mem>>)
      %dma_wait3A_75 = arith.constant 0 : i32
      %dma_wait3A_76 = tpu.memref_slice %arg2[%add3A_58, %dma_wait3A_75] : memref<12x65536xf32, #tpu.memory_space<hbm>> -> memref<1x65536xf32, #tpu.memory_space<hbm>>
      %dma_wait3A_77 = tpu.memref_squeeze %dma_wait3A_76 : memref<1x65536xf32, #tpu.memory_space<hbm>> -> memref<65536xf32, #tpu.memory_space<hbm>>
      %dma_wait3A_78 = arith.constant 0 : i32
      %dma_wait3A_79 = tpu.memref_slice %arg2[%add3A_58, %dma_wait3A_78] : memref<12x65536xf32, #tpu.memory_space<hbm>> -> memref<1x65536xf32, #tpu.memory_space<hbm>>
      %dma_wait3A_80 = tpu.memref_squeeze %dma_wait3A_79 : memref<1x65536xf32, #tpu.memory_space<hbm>> -> memref<65536xf32, #tpu.memory_space<hbm>>
      tpu.wait_dma2 semaphore(%run_scoped3A : memref<!tpu.dma_semaphore, #tpu.memory_space<semaphore_mem>>) src(%dma_wait3A_80 : memref<65536xf32, #tpu.memory_space<hbm>>) dst(%arg6 : memref<65536xf32, #tpu.memory_space<vmem>>)
      tpu.yield
    }) : () -> ()
    %parallel_loop3A_59 = arith.constant 0 : i32
    %parallel_loop3A_60 = arith.constant 128 : i32
    %parallel_loop3A_61 = arith.constant 1 : i32
    "tpu.trace_stop"() : () -> ()
    "tpu.trace_start"() <{level = 10 : i32, message = "gather1"}> : () -> ()
    scf.for %parallel_loop3A_69 = %parallel_loop3A_59 to %parallel_loop3A_60 step %parallel_loop3A_61  : i32 {
      %parallel_loop3A_70 = arith.constant 16 : i32
      %parallel_loop3A_71 = arith.muli %parallel_loop3A_69, %parallel_loop3A_70 : i32
      %parallel_loop3A_72 = arith.constant 2048 : i32
      %parallel_loop3A_73 = arith.addi %parallel_loop3A_72, %parallel_loop3A_71 : i32
      %parallel_loop3A_74 = arith.index_cast %parallel_loop3A_73 : i32 to index
      %parallel_loop3A_75 = tpu.vector_load %arg9[%parallel_loop3A_74] {strides = array<i32>} : memref<6144xf32, #tpu.memory_space<vmem>>, vector<16xf32>,
      %parallel_loop3A_76 = arith.constant 16 : i32
      %parallel_loop3A_77 = arith.muli %parallel_loop3A_69, %parallel_loop3A_76 : i32
      %parallel_loop3A_78 = arith.constant 0 : i32
      %parallel_loop3A_79 = arith.addi %parallel_loop3A_78, %parallel_loop3A_77 : i32
      %parallel_loop3A_80 = arith.index_cast %parallel_loop3A_79 : i32 to index
      %parallel_loop3A_81 = tpu.vector_load %arg7[%parallel_loop3A_80] {strides = array<i32>} : memref<24576xi32, #tpu.memory_space<vmem>>, vector<16xi32>,
      %parallel_loop3A_82 = tpu.vector_load_idx %arg6[%parallel_loop3A_81] : memref<65536xf32, #tpu.memory_space<vmem>>[vector<16xi32>], vector<16xf32>,
      %parallel_loop3A_83 = arith.subf %parallel_loop3A_82, %parallel_loop3A_75 : vector<16xf32>
      %parallel_loop3A_84 = arith.index_cast %parallel_loop3A_79 : i32 to index
      %parallel_loop3A_85 = tpu.vector_load %arg8[%parallel_loop3A_84] {strides = array<i32>} : memref<24576xf32, #tpu.memory_space<vmem>>, vector<16xf32>,
      %parallel_loop3A_86 = arith.mulf %parallel_loop3A_83, %parallel_loop3A_83 : vector<16xf32>
      %parallel_loop3A_87 = arith.addf %parallel_loop3A_85, %parallel_loop3A_86 : vector<16xf32>
      %parallel_loop3A_88 = arith.index_cast %parallel_loop3A_79 : i32 to index
      %parallel_loop3A_89 = tpu.vector_load %arg8[%parallel_loop3A_88] {strides = array<i32>} : memref<24576xf32, #tpu.memory_space<vmem>>, vector<16xf32>,
      tpu.vector_store %arg8[%parallel_loop3A_88], %parallel_loop3A_87 {strides = array<i32>} : memref<24576xf32, #tpu.memory_space<vmem>>, vector<16xf32>,
      %parallel_loop3A_90 = arith.constant 16 : i32
      %parallel_loop3A_91 = arith.muli %parallel_loop3A_69, %parallel_loop3A_90 : i32
      %parallel_loop3A_92 = arith.constant 2048 : i32
      %parallel_loop3A_93 = arith.addi %parallel_loop3A_92, %parallel_loop3A_91 : i32
      %parallel_loop3A_94 = arith.index_cast %parallel_loop3A_93 : i32 to index
      %parallel_loop3A_95 = tpu.vector_load %arg7[%parallel_loop3A_94] {strides = array<i32>} : memref<24576xi32, #tpu.memory_space<vmem>>, vector<16xi32>,
      %parallel_loop3A_96 = tpu.vector_load_idx %arg6[%parallel_loop3A_95] : memref<65536xf32, #tpu.memory_space<vmem>>[vector<16xi32>], vector<16xf32>,
      %parallel_loop3A_97 = arith.subf %parallel_loop3A_96, %parallel_loop3A_75 : vector<16xf32>
      %parallel_loop3A_98 = arith.index_cast %parallel_loop3A_93 : i32 to index
      %parallel_loop3A_99 = tpu.vector_load %arg8[%parallel_loop3A_98] {strides = array<i32>} : memref<24576xf32, #tpu.memory_space<vmem>>, vector<16xf32>,
      %parallel_loop3A_100 = arith.mulf %parallel_loop3A_97, %parallel_loop3A_97 : vector<16xf32>
      %parallel_loop3A_101 = arith.addf %parallel_loop3A_99, %parallel_loop3A_100 : vector<16xf32>
      %parallel_loop3A_102 = arith.index_cast %parallel_loop3A_93 : i32 to index
      %parallel_loop3A_103 = tpu.vector_load %arg8[%parallel_loop3A_102] {strides = array<i32>} : memref<24576xf32, #tpu.memory_space<vmem>>, vector<16xf32>,
      tpu.vector_store %arg8[%parallel_loop3A_102], %parallel_loop3A_101 {strides = array<i32>} : memref<24576xf32, #tpu.memory_space<vmem>>, vector<16xf32>,
      %parallel_loop3A_104 = arith.constant 16 : i32
      %parallel_loop3A_105 = arith.muli %parallel_loop3A_69, %parallel_loop3A_104 : i32
      %parallel_loop3A_106 = arith.constant 4096 : i32
      %parallel_loop3A_107 = arith.addi %parallel_loop3A_106, %parallel_loop3A_105 : i32
      %parallel_loop3A_108 = arith.index_cast %parallel_loop3A_107 : i32 to index
      %parallel_loop3A_109 = tpu.vector_load %arg7[%parallel_loop3A_108] {strides = array<i32>} : memref<24576xi32, #tpu.memory_space<vmem>>, vector<16xi32>,
      %parallel_loop3A_110 = tpu.vector_load_idx %arg6[%parallel_loop3A_109] : memref<65536xf32, #tpu.memory_space<vmem>>[vector<16xi32>], vector<16xf32>,
      %parallel_loop3A_111 = arith.subf %parallel_loop3A_110, %parallel_loop3A_75 : vector<16xf32>
      %parallel_loop3A_112 = arith.index_cast %parallel_loop3A_107 : i32 to index
      %parallel_loop3A_113 = tpu.vector_load %arg8[%parallel_loop3A_112] {strides = array<i32>} : memref<24576xf32, #tpu.memory_space<vmem>>, vector<16xf32>,
      %parallel_loop3A_114 = arith.mulf %parallel_loop3A_111, %parallel_loop3A_111 : vector<16xf32>
      %parallel_loop3A_115 = arith.addf %parallel_loop3A_113, %parallel_loop3A_114 : vector<16xf32>
      %parallel_loop3A_116 = arith.index_cast %parallel_loop3A_107 : i32 to index
      %parallel_loop3A_117 = tpu.vector_load %arg8[%parallel_loop3A_116] {strides = array<i32>} : memref<24576xf32, #tpu.memory_space<vmem>>, vector<16xf32>,
      tpu.vector_store %arg8[%parallel_loop3A_116], %parallel_loop3A_115 {strides = array<i32>} : memref<24576xf32, #tpu.memory_space<vmem>>, vector<16xf32>,
      %parallel_loop3A_118 = arith.constant 16 : i32
      %parallel_loop3A_119 = arith.muli %parallel_loop3A_69, %parallel_loop3A_118 : i32
      %parallel_loop3A_120 = arith.constant 6144 : i32
      %parallel_loop3A_121 = arith.addi %parallel_loop3A_120, %parallel_loop3A_119 : i32
      %parallel_loop3A_122 = arith.index_cast %parallel_loop3A_121 : i32 to index
      %parallel_loop3A_123 = tpu.vector_load %arg7[%parallel_loop3A_122] {strides = array<i32>} : memref<24576xi32, #tpu.memory_space<vmem>>, vector<16xi32>,
      %parallel_loop3A_124 = tpu.vector_load_idx %arg6[%parallel_loop3A_123] : memref<65536xf32, #tpu.memory_space<vmem>>[vector<16xi32>], vector<16xf32>,
      %parallel_loop3A_125 = arith.subf %parallel_loop3A_124, %parallel_loop3A_75 : vector<16xf32>
      %parallel_loop3A_126 = arith.index_cast %parallel_loop3A_121 : i32 to index
      %parallel_loop3A_127 = tpu.vector_load %arg8[%parallel_loop3A_126] {strides = array<i32>} : memref<24576xf32, #tpu.memory_space<vmem>>, vector<16xf32>,
      %parallel_loop3A_128 = arith.mulf %parallel_loop3A_125, %parallel_loop3A_125 : vector<16xf32>
      %parallel_loop3A_129 = arith.addf %parallel_loop3A_127, %parallel_loop3A_128 : vector<16xf32>
      %parallel_loop3A_130 = arith.index_cast %parallel_loop3A_121 : i32 to index
      %parallel_loop3A_131 = tpu.vector_load %arg8[%parallel_loop3A_130] {strides = array<i32>} : memref<24576xf32, #tpu.memory_space<vmem>>, vector<16xf32>,
      tpu.vector_store %arg8[%parallel_loop3A_130], %parallel_loop3A_129 {strides = array<i32>} : memref<24576xf32, #tpu.memory_space<vmem>>, vector<16xf32>,
      %parallel_loop3A_132 = arith.constant 16 : i32
      %parallel_loop3A_133 = arith.muli %parallel_loop3A_69, %parallel_loop3A_132 : i32
      %parallel_loop3A_134 = arith.constant 8192 : i32
      %parallel_loop3A_135 = arith.addi %parallel_loop3A_134, %parallel_loop3A_133 : i32
      %parallel_loop3A_136 = arith.index_cast %parallel_loop3A_135 : i32 to index
      %parallel_loop3A_137 = tpu.vector_load %arg7[%parallel_loop3A_136] {strides = array<i32>} : memref<24576xi32, #tpu.memory_space<vmem>>, vector<16xi32>,
      %parallel_loop3A_138 = tpu.vector_load_idx %arg6[%parallel_loop3A_137] : memref<65536xf32, #tpu.memory_space<vmem>>[vector<16xi32>], vector<16xf32>,
      %parallel_loop3A_139 = arith.subf %parallel_loop3A_138, %parallel_loop3A_75 : vector<16xf32>
      %parallel_loop3A_140 = arith.index_cast %parallel_loop3A_135 : i32 to index
      %parallel_loop3A_141 = tpu.vector_load %arg8[%parallel_loop3A_140] {strides = array<i32>} : memref<24576xf32, #tpu.memory_space<vmem>>, vector<16xf32>,
      %parallel_loop3A_142 = arith.mulf %parallel_loop3A_139, %parallel_loop3A_139 : vector<16xf32>
      %parallel_loop3A_143 = arith.addf %parallel_loop3A_141, %parallel_loop3A_142 : vector<16xf32>
      %parallel_loop3A_144 = arith.index_cast %parallel_loop3A_135 : i32 to index
      %parallel_loop3A_145 = tpu.vector_load %arg8[%parallel_loop3A_144] {strides = array<i32>} : memref<24576xf32, #tpu.memory_space<vmem>>, vector<16xf32>,
      tpu.vector_store %arg8[%parallel_loop3A_144], %parallel_loop3A_143 {strides = array<i32>} : memref<24576xf32, #tpu.memory_space<vmem>>, vector<16xf32>,
      %parallel_loop3A_146 = arith.constant 16 : i32
      %parallel_loop3A_147 = arith.muli %parallel_loop3A_69, %parallel_loop3A_146 : i32
      %parallel_loop3A_148 = arith.constant 10240 : i32
      %parallel_loop3A_149 = arith.addi %parallel_loop3A_148, %parallel_loop3A_147 : i32
      %parallel_loop3A_150 = arith.index_cast %parallel_loop3A_149 : i32 to index
      %parallel_loop3A_151 = tpu.vector_load %arg7[%parallel_loop3A_150] {strides = array<i32>} : memref<24576xi32, #tpu.memory_space<vmem>>, vector<16xi32>,
      %parallel_loop3A_152 = tpu.vector_load_idx %arg6[%parallel_loop3A_151] : memref<65536xf32, #tpu.memory_space<vmem>>[vector<16xi32>], vector<16xf32>,
      %parallel_loop3A_153 = arith.subf %parallel_loop3A_152, %parallel_loop3A_75 : vector<16xf32>
      %parallel_loop3A_154 = arith.index_cast %parallel_loop3A_149 : i32 to index
      %parallel_loop3A_155 = tpu.vector_load %arg8[%parallel_loop3A_154] {strides = array<i32>} : memref<24576xf32, #tpu.memory_space<vmem>>, vector<16xf32>,
      %parallel_loop3A_156 = arith.mulf %parallel_loop3A_153, %parallel_loop3A_153 : vector<16xf32>
      %parallel_loop3A_157 = arith.addf %parallel_loop3A_155, %parallel_loop3A_156 : vector<16xf32>
      %parallel_loop3A_158 = arith.index_cast %parallel_loop3A_149 : i32 to index
      %parallel_loop3A_159 = tpu.vector_load %arg8[%parallel_loop3A_158] {strides = array<i32>} : memref<24576xf32, #tpu.memory_space<vmem>>, vector<16xf32>,
      tpu.vector_store %arg8[%parallel_loop3A_158], %parallel_loop3A_157 {strides = array<i32>} : memref<24576xf32, #tpu.memory_space<vmem>>, vector<16xf32>,
      %parallel_loop3A_160 = arith.constant 16 : i32
      %parallel_loop3A_161 = arith.muli %parallel_loop3A_69, %parallel_loop3A_160 : i32
      %parallel_loop3A_162 = arith.constant 12288 : i32
      %parallel_loop3A_163 = arith.addi %parallel_loop3A_162, %parallel_loop3A_161 : i32
      %parallel_loop3A_164 = arith.index_cast %parallel_loop3A_163 : i32 to index
      %parallel_loop3A_165 = tpu.vector_load %arg7[%parallel_loop3A_164] {strides = array<i32>} : memref<24576xi32, #tpu.memory_space<vmem>>, vector<16xi32>,
      %parallel_loop3A_166 = tpu.vector_load_idx %arg6[%parallel_loop3A_165] : memref<65536xf32, #tpu.memory_space<vmem>>[vector<16xi32>], vector<16xf32>,
      %parallel_loop3A_167 = arith.subf %parallel_loop3A_166, %parallel_loop3A_75 : vector<16xf32>
      %parallel_loop3A_168 = arith.index_cast %parallel_loop3A_163 : i32 to index
      %parallel_loop3A_169 = tpu.vector_load %arg8[%parallel_loop3A_168] {strides = array<i32>} : memref<24576xf32, #tpu.memory_space<vmem>>, vector<16xf32>,
      %parallel_loop3A_170 = arith.mulf %parallel_loop3A_167, %parallel_loop3A_167 : vector<16xf32>
      %parallel_loop3A_171 = arith.addf %parallel_loop3A_169, %parallel_loop3A_170 : vector<16xf32>
      %parallel_loop3A_172 = arith.index_cast %parallel_loop3A_163 : i32 to index
      %parallel_loop3A_173 = tpu.vector_load %arg8[%parallel_loop3A_172] {strides = array<i32>} : memref<24576xf32, #tpu.memory_space<vmem>>, vector<16xf32>,
      tpu.vector_store %arg8[%parallel_loop3A_172], %parallel_loop3A_171 {strides = array<i32>} : memref<24576xf32, #tpu.memory_space<vmem>>, vector<16xf32>,
      %parallel_loop3A_174 = arith.constant 16 : i32
      %parallel_loop3A_175 = arith.muli %parallel_loop3A_69, %parallel_loop3A_174 : i32
      %parallel_loop3A_176 = arith.constant 14336 : i32
      %parallel_loop3A_177 = arith.addi %parallel_loop3A_176, %parallel_loop3A_175 : i32
      %parallel_loop3A_178 = arith.index_cast %parallel_loop3A_177 : i32 to index
      %parallel_loop3A_179 = tpu.vector_load %arg7[%parallel_loop3A_178] {strides = array<i32>} : memref<24576xi32, #tpu.memory_space<vmem>>, vector<16xi32>,
      %parallel_loop3A_180 = tpu.vector_load_idx %arg6[%parallel_loop3A_179] : memref<65536xf32, #tpu.memory_space<vmem>>[vector<16xi32>], vector<16xf32>,
      %parallel_loop3A_181 = arith.subf %parallel_loop3A_180, %parallel_loop3A_75 : vector<16xf32>
      %parallel_loop3A_182 = arith.index_cast %parallel_loop3A_177 : i32 to index
      %parallel_loop3A_183 = tpu.vector_load %arg8[%parallel_loop3A_182] {strides = array<i32>} : memref<24576xf32, #tpu.memory_space<vmem>>, vector<16xf32>,
      %parallel_loop3A_184 = arith.mulf %parallel_loop3A_181, %parallel_loop3A_181 : vector<16xf32>
      %parallel_loop3A_185 = arith.addf %parallel_loop3A_183, %parallel_loop3A_184 : vector<16xf32>
      %parallel_loop3A_186 = arith.index_cast %parallel_loop3A_177 : i32 to index
      %parallel_loop3A_187 = tpu.vector_load %arg8[%parallel_loop3A_186] {strides = array<i32>} : memref<24576xf32, #tpu.memory_space<vmem>>, vector<16xf32>,
      tpu.vector_store %arg8[%parallel_loop3A_186], %parallel_loop3A_185 {strides = array<i32>} : memref<24576xf32, #tpu.memory_space<vmem>>, vector<16xf32>,
      %parallel_loop3A_188 = arith.constant 16 : i32
      %parallel_loop3A_189 = arith.muli %parallel_loop3A_69, %parallel_loop3A_188 : i32
      %parallel_loop3A_190 = arith.constant 16384 : i32
      %parallel_loop3A_191 = arith.addi %parallel_loop3A_190, %parallel_loop3A_189 : i32
      %parallel_loop3A_192 = arith.index_cast %parallel_loop3A_191 : i32 to index
      %parallel_loop3A_193 = tpu.vector_load %arg7[%parallel_loop3A_192] {strides = array<i32>} : memref<24576xi32, #tpu.memory_space<vmem>>, vector<16xi32>,
      %parallel_loop3A_194 = tpu.vector_load_idx %arg6[%parallel_loop3A_193] : memref<65536xf32, #tpu.memory_space<vmem>>[vector<16xi32>], vector<16xf32>,
      %parallel_loop3A_195 = arith.subf %parallel_loop3A_194, %parallel_loop3A_75 : vector<16xf32>
      %parallel_loop3A_196 = arith.index_cast %parallel_loop3A_191 : i32 to index
      %parallel_loop3A_197 = tpu.vector_load %arg8[%parallel_loop3A_196] {strides = array<i32>} : memref<24576xf32, #tpu.memory_space<vmem>>, vector<16xf32>,
      %parallel_loop3A_198 = arith.mulf %parallel_loop3A_195, %parallel_loop3A_195 : vector<16xf32>
      %parallel_loop3A_199 = arith.addf %parallel_loop3A_197, %parallel_loop3A_198 : vector<16xf32>
      %parallel_loop3A_200 = arith.index_cast %parallel_loop3A_191 : i32 to index
      %parallel_loop3A_201 = tpu.vector_load %arg8[%parallel_loop3A_200] {strides = array<i32>} : memref<24576xf32, #tpu.memory_space<vmem>>, vector<16xf32>,
      tpu.vector_store %arg8[%parallel_loop3A_200], %parallel_loop3A_199 {strides = array<i32>} : memref<24576xf32, #tpu.memory_space<vmem>>, vector<16xf32>,
      %parallel_loop3A_202 = arith.constant 16 : i32
      %parallel_loop3A_203 = arith.muli %parallel_loop3A_69, %parallel_loop3A_202 : i32
      %parallel_loop3A_204 = arith.constant 18432 : i32
      %parallel_loop3A_205 = arith.addi %parallel_loop3A_204, %parallel_loop3A_203 : i32
      %parallel_loop3A_206 = arith.index_cast %parallel_loop3A_205 : i32 to index
      %parallel_loop3A_207 = tpu.vector_load %arg7[%parallel_loop3A_206] {strides = array<i32>} : memref<24576xi32, #tpu.memory_space<vmem>>, vector<16xi32>,
      %parallel_loop3A_208 = tpu.vector_load_idx %arg6[%parallel_loop3A_207] : memref<65536xf32, #tpu.memory_space<vmem>>[vector<16xi32>], vector<16xf32>,
      %parallel_loop3A_209 = arith.subf %parallel_loop3A_208, %parallel_loop3A_75 : vector<16xf32>
      %parallel_loop3A_210 = arith.index_cast %parallel_loop3A_205 : i32 to index
      %parallel_loop3A_211 = tpu.vector_load %arg8[%parallel_loop3A_210] {strides = array<i32>} : memref<24576xf32, #tpu.memory_space<vmem>>, vector<16xf32>,
      %parallel_loop3A_212 = arith.mulf %parallel_loop3A_209, %parallel_loop3A_209 : vector<16xf32>
      %parallel_loop3A_213 = arith.addf %parallel_loop3A_211, %parallel_loop3A_212 : vector<16xf32>
      %parallel_loop3A_214 = arith.index_cast %parallel_loop3A_205 : i32 to index
      %parallel_loop3A_215 = tpu.vector_load %arg8[%parallel_loop3A_214] {strides = array<i32>} : memref<24576xf32, #tpu.memory_space<vmem>>, vector<16xf32>,
      tpu.vector_store %arg8[%parallel_loop3A_214], %parallel_loop3A_213 {strides = array<i32>} : memref<24576xf32, #tpu.memory_space<vmem>>, vector<16xf32>,
      %parallel_loop3A_216 = arith.constant 16 : i32
      %parallel_loop3A_217 = arith.muli %parallel_loop3A_69, %parallel_loop3A_216 : i32
      %parallel_loop3A_218 = arith.constant 20480 : i32
      %parallel_loop3A_219 = arith.addi %parallel_loop3A_218, %parallel_loop3A_217 : i32
      %parallel_loop3A_220 = arith.index_cast %parallel_loop3A_219 : i32 to index
      %parallel_loop3A_221 = tpu.vector_load %arg7[%parallel_loop3A_220] {strides = array<i32>} : memref<24576xi32, #tpu.memory_space<vmem>>, vector<16xi32>,
      %parallel_loop3A_222 = tpu.vector_load_idx %arg6[%parallel_loop3A_221] : memref<65536xf32, #tpu.memory_space<vmem>>[vector<16xi32>], vector<16xf32>,
      %parallel_loop3A_223 = arith.subf %parallel_loop3A_222, %parallel_loop3A_75 : vector<16xf32>
      %parallel_loop3A_224 = arith.index_cast %parallel_loop3A_219 : i32 to index
      %parallel_loop3A_225 = tpu.vector_load %arg8[%parallel_loop3A_224] {strides = array<i32>} : memref<24576xf32, #tpu.memory_space<vmem>>, vector<16xf32>,
      %parallel_loop3A_226 = arith.mulf %parallel_loop3A_223, %parallel_loop3A_223 : vector<16xf32>
      %parallel_loop3A_227 = arith.addf %parallel_loop3A_225, %parallel_loop3A_226 : vector<16xf32>
      %parallel_loop3A_228 = arith.index_cast %parallel_loop3A_219 : i32 to index
      %parallel_loop3A_229 = tpu.vector_load %arg8[%parallel_loop3A_228] {strides = array<i32>} : memref<24576xf32, #tpu.memory_space<vmem>>, vector<16xf32>,
      tpu.vector_store %arg8[%parallel_loop3A_228], %parallel_loop3A_227 {strides = array<i32>} : memref<24576xf32, #tpu.memory_space<vmem>>, vector<16xf32>,
      %parallel_loop3A_230 = arith.constant 16 : i32
      %parallel_loop3A_231 = arith.muli %parallel_loop3A_69, %parallel_loop3A_230 : i32
      %parallel_loop3A_232 = arith.constant 22528 : i32
      %parallel_loop3A_233 = arith.addi %parallel_loop3A_232, %parallel_loop3A_231 : i32
      %parallel_loop3A_234 = arith.index_cast %parallel_loop3A_233 : i32 to index
      %parallel_loop3A_235 = tpu.vector_load %arg7[%parallel_loop3A_234] {strides = array<i32>} : memref<24576xi32, #tpu.memory_space<vmem>>, vector<16xi32>,
      %parallel_loop3A_236 = tpu.vector_load_idx %arg6[%parallel_loop3A_235] : memref<65536xf32, #tpu.memory_space<vmem>>[vector<16xi32>], vector<16xf32>,
      %parallel_loop3A_237 = arith.subf %parallel_loop3A_236, %parallel_loop3A_75 : vector<16xf32>
      %parallel_loop3A_238 = arith.index_cast %parallel_loop3A_233 : i32 to index
      %parallel_loop3A_239 = tpu.vector_load %arg8[%parallel_loop3A_238] {strides = array<i32>} : memref<24576xf32, #tpu.memory_space<vmem>>, vector<16xf32>,
      %parallel_loop3A_240 = arith.mulf %parallel_loop3A_237, %parallel_loop3A_237 : vector<16xf32>
      %parallel_loop3A_241 = arith.addf %parallel_loop3A_239, %parallel_loop3A_240 : vector<16xf32>
      %parallel_loop3A_242 = arith.index_cast %parallel_loop3A_233 : i32 to index
      %parallel_loop3A_243 = tpu.vector_load %arg8[%parallel_loop3A_242] {strides = array<i32>} : memref<24576xf32, #tpu.memory_space<vmem>>, vector<16xf32>,
      tpu.vector_store %arg8[%parallel_loop3A_242], %parallel_loop3A_241 {strides = array<i32>} : memref<24576xf32, #tpu.memory_space<vmem>>, vector<16xf32>,
    } {sc.loop_unroll_factor = 4 : i64, sc.parallel_access}
    "tpu.trace_stop"() : () -> ()
    "tpu.trace_start"() <{level = 10 : i32, message = "tab_dma2"}> : () -> ()
    %mul3A_62 = arith.constant 3 : i32
    %mul3A_63 = arith.muli %select_n3A, %mul3A_62 : i32
    %add3A_64 = arith.constant 2 : i32
    %add3A_65 = arith.addi %mul3A_63, %add3A_64 : i32
    "tpu.region"() ({
      %run_scoped3A = tpu.sem_alloc : memref<!tpu.dma_semaphore, #tpu.memory_space<semaphore_mem>>
      %dma_start3A_69 = arith.constant 0 : i32
      %dma_start3A_70 = tpu.memref_slice %arg2[%add3A_65, %dma_start3A_69] : memref<12x65536xf32, #tpu.memory_space<hbm>> -> memref<1x65536xf32, #tpu.memory_space<hbm>>
      %dma_start3A_71 = tpu.memref_squeeze %dma_start3A_70 : memref<1x65536xf32, #tpu.memory_space<hbm>> -> memref<65536xf32, #tpu.memory_space<hbm>>
      %dma_start3A_72 = arith.constant 0 : i32
      %dma_start3A_73 = tpu.memref_slice %arg2[%add3A_65, %dma_start3A_72] : memref<12x65536xf32, #tpu.memory_space<hbm>> -> memref<1x65536xf32, #tpu.memory_space<hbm>>
      %dma_start3A_74 = tpu.memref_squeeze %dma_start3A_73 : memref<1x65536xf32, #tpu.memory_space<hbm>> -> memref<65536xf32, #tpu.memory_space<hbm>>
      tpu.enqueue_dma source(%dma_start3A_74 : memref<65536xf32, #tpu.memory_space<hbm>>) target(%arg6 : memref<65536xf32, #tpu.memory_space<vmem>>) target_semaphore(%run_scoped3A : memref<!tpu.dma_semaphore, #tpu.memory_space<semaphore_mem>>)
      %dma_wait3A_75 = arith.constant 0 : i32
      %dma_wait3A_76 = tpu.memref_slice %arg2[%add3A_65, %dma_wait3A_75] : memref<12x65536xf32, #tpu.memory_space<hbm>> -> memref<1x65536xf32, #tpu.memory_space<hbm>>
      %dma_wait3A_77 = tpu.memref_squeeze %dma_wait3A_76 : memref<1x65536xf32, #tpu.memory_space<hbm>> -> memref<65536xf32, #tpu.memory_space<hbm>>
      %dma_wait3A_78 = arith.constant 0 : i32
      %dma_wait3A_79 = tpu.memref_slice %arg2[%add3A_65, %dma_wait3A_78] : memref<12x65536xf32, #tpu.memory_space<hbm>> -> memref<1x65536xf32, #tpu.memory_space<hbm>>
      %dma_wait3A_80 = tpu.memref_squeeze %dma_wait3A_79 : memref<1x65536xf32, #tpu.memory_space<hbm>> -> memref<65536xf32, #tpu.memory_space<hbm>>
      tpu.wait_dma2 semaphore(%run_scoped3A : memref<!tpu.dma_semaphore, #tpu.memory_space<semaphore_mem>>) src(%dma_wait3A_80 : memref<65536xf32, #tpu.memory_space<hbm>>) dst(%arg6 : memref<65536xf32, #tpu.memory_space<vmem>>)
      tpu.yield
    }) : () -> ()
    %parallel_loop3A_66 = arith.constant 0 : i32
    %parallel_loop3A_67 = arith.constant 128 : i32
    %parallel_loop3A_68 = arith.constant 1 : i32
    "tpu.trace_stop"() : () -> ()
    "tpu.trace_start"() <{level = 10 : i32, message = "gather2_softmax"}> : () -> ()
    scf.for %parallel_loop3A_69 = %parallel_loop3A_66 to %parallel_loop3A_67 step %parallel_loop3A_68  : i32 {
      %parallel_loop3A_70 = arith.constant 16 : i32
      %parallel_loop3A_71 = arith.muli %parallel_loop3A_69, %parallel_loop3A_70 : i32
      %parallel_loop3A_72 = arith.constant 4096 : i32
      %parallel_loop3A_73 = arith.addi %parallel_loop3A_72, %parallel_loop3A_71 : i32
      %parallel_loop3A_74 = arith.index_cast %parallel_loop3A_73 : i32 to index
      %parallel_loop3A_75 = tpu.vector_load %arg9[%parallel_loop3A_74] {strides = array<i32>} : memref<6144xf32, #tpu.memory_space<vmem>>, vector<16xf32>,
      %parallel_loop3A_76 = arith.constant 0 : i32
      %parallel_loop3A_77 = arith.addi %parallel_loop3A_76, %parallel_loop3A_71 : i32
      %parallel_loop3A_78 = arith.index_cast %parallel_loop3A_77 : i32 to index
      %parallel_loop3A_79 = tpu.vector_load %arg7[%parallel_loop3A_78] {strides = array<i32>} : memref<24576xi32, #tpu.memory_space<vmem>>, vector<16xi32>,
      %parallel_loop3A_80 = tpu.vector_load_idx %arg6[%parallel_loop3A_79] : memref<65536xf32, #tpu.memory_space<vmem>>[vector<16xi32>], vector<16xf32>,
      %parallel_loop3A_81 = arith.subf %parallel_loop3A_80, %parallel_loop3A_75 : vector<16xf32>
      %parallel_loop3A_82 = arith.index_cast %parallel_loop3A_77 : i32 to index
      %parallel_loop3A_83 = tpu.vector_load %arg8[%parallel_loop3A_82] {strides = array<i32>} : memref<24576xf32, #tpu.memory_space<vmem>>, vector<16xf32>,
      %parallel_loop3A_84 = arith.mulf %parallel_loop3A_81, %parallel_loop3A_81 : vector<16xf32>
      %parallel_loop3A_85 = arith.addf %parallel_loop3A_83, %parallel_loop3A_84 : vector<16xf32>
      %parallel_loop3A_86 = arith.constant 1.000000e-30 : f32
      %parallel_loop3A_87 = vector.broadcast %parallel_loop3A_86 : f32 to vector<16xf32>
      %parallel_loop3A_88 = arith.maximumf %parallel_loop3A_85, %parallel_loop3A_87 : vector<16xf32>
      %parallel_loop3A_89 = vector.bitcast %parallel_loop3A_88 : vector<16xf32> to vector<16xi32>
      %parallel_loop3A_90 = arith.constant 1 : i32
      %parallel_loop3A_91 = vector.broadcast %parallel_loop3A_90 : i32 to vector<16xi32>
      %parallel_loop3A_92 = arith.shrui %parallel_loop3A_89, %parallel_loop3A_91 : vector<16xi32>
      %parallel_loop3A_93 = arith.constant 1597463007 : i32
      %parallel_loop3A_94 = vector.broadcast %parallel_loop3A_93 : i32 to vector<16xi32>
      %parallel_loop3A_95 = arith.subi %parallel_loop3A_94, %parallel_loop3A_92 : vector<16xi32>
      %parallel_loop3A_96 = vector.bitcast %parallel_loop3A_95 : vector<16xi32> to vector<16xf32>
      %parallel_loop3A_97 = arith.constant 5.000000e-01 : f32
      %parallel_loop3A_98 = vector.broadcast %parallel_loop3A_97 : f32 to vector<16xf32>
      %parallel_loop3A_99 = arith.mulf %parallel_loop3A_88, %parallel_loop3A_98 : vector<16xf32>
      %parallel_loop3A_100 = arith.mulf %parallel_loop3A_99, %parallel_loop3A_96 : vector<16xf32>
      %parallel_loop3A_101 = arith.mulf %parallel_loop3A_100, %parallel_loop3A_96 : vector<16xf32>
      %parallel_loop3A_102 = arith.constant 1.500000e+00 : f32
      %parallel_loop3A_103 = vector.broadcast %parallel_loop3A_102 : f32 to vector<16xf32>
      %parallel_loop3A_104 = arith.subf %parallel_loop3A_103, %parallel_loop3A_101 : vector<16xf32>
      %parallel_loop3A_105 = arith.mulf %parallel_loop3A_96, %parallel_loop3A_104 : vector<16xf32>
      %parallel_loop3A_106 = arith.mulf %parallel_loop3A_99, %parallel_loop3A_105 : vector<16xf32>
      %parallel_loop3A_107 = arith.mulf %parallel_loop3A_106, %parallel_loop3A_105 : vector<16xf32>
      %parallel_loop3A_108 = arith.constant 1.500000e+00 : f32
      %parallel_loop3A_109 = vector.broadcast %parallel_loop3A_108 : f32 to vector<16xf32>
      %parallel_loop3A_110 = arith.subf %parallel_loop3A_109, %parallel_loop3A_107 : vector<16xf32>
      %parallel_loop3A_111 = arith.mulf %parallel_loop3A_105, %parallel_loop3A_110 : vector<16xf32>
      %parallel_loop3A_112 = arith.mulf %parallel_loop3A_99, %parallel_loop3A_111 : vector<16xf32>
      %parallel_loop3A_113 = arith.mulf %parallel_loop3A_112, %parallel_loop3A_111 : vector<16xf32>
      %parallel_loop3A_114 = arith.constant 1.500000e+00 : f32
      %parallel_loop3A_115 = vector.broadcast %parallel_loop3A_114 : f32 to vector<16xf32>
      %parallel_loop3A_116 = arith.subf %parallel_loop3A_115, %parallel_loop3A_113 : vector<16xf32>
      %parallel_loop3A_117 = arith.mulf %parallel_loop3A_111, %parallel_loop3A_116 : vector<16xf32>
      %parallel_loop3A_118 = arith.mulf %parallel_loop3A_88, %parallel_loop3A_117 : vector<16xf32>
      %parallel_loop3A_119 = arith.constant 2048 : i32
      %parallel_loop3A_120 = arith.addi %parallel_loop3A_119, %parallel_loop3A_71 : i32
      %parallel_loop3A_121 = arith.index_cast %parallel_loop3A_120 : i32 to index
      %parallel_loop3A_122 = tpu.vector_load %arg7[%parallel_loop3A_121] {strides = array<i32>} : memref<24576xi32, #tpu.memory_space<vmem>>, vector<16xi32>,
      %parallel_loop3A_123 = tpu.vector_load_idx %arg6[%parallel_loop3A_122] : memref<65536xf32, #tpu.memory_space<vmem>>[vector<16xi32>], vector<16xf32>,
      %parallel_loop3A_124 = arith.subf %parallel_loop3A_123, %parallel_loop3A_75 : vector<16xf32>
      %parallel_loop3A_125 = arith.index_cast %parallel_loop3A_120 : i32 to index
      %parallel_loop3A_126 = tpu.vector_load %arg8[%parallel_loop3A_125] {strides = array<i32>} : memref<24576xf32, #tpu.memory_space<vmem>>, vector<16xf32>,
      %parallel_loop3A_127 = arith.mulf %parallel_loop3A_124, %parallel_loop3A_124 : vector<16xf32>
      %parallel_loop3A_128 = arith.addf %parallel_loop3A_126, %parallel_loop3A_127 : vector<16xf32>
      %parallel_loop3A_129 = arith.constant 1.000000e-30 : f32
      %parallel_loop3A_130 = vector.broadcast %parallel_loop3A_129 : f32 to vector<16xf32>
      %parallel_loop3A_131 = arith.maximumf %parallel_loop3A_128, %parallel_loop3A_130 : vector<16xf32>
      %parallel_loop3A_132 = vector.bitcast %parallel_loop3A_131 : vector<16xf32> to vector<16xi32>
      %parallel_loop3A_133 = arith.constant 1 : i32
      %parallel_loop3A_134 = vector.broadcast %parallel_loop3A_133 : i32 to vector<16xi32>
      %parallel_loop3A_135 = arith.shrui %parallel_loop3A_132, %parallel_loop3A_134 : vector<16xi32>
      %parallel_loop3A_136 = arith.constant 1597463007 : i32
      %parallel_loop3A_137 = vector.broadcast %parallel_loop3A_136 : i32 to vector<16xi32>
      %parallel_loop3A_138 = arith.subi %parallel_loop3A_137, %parallel_loop3A_135 : vector<16xi32>
      %parallel_loop3A_139 = vector.bitcast %parallel_loop3A_138 : vector<16xi32> to vector<16xf32>
      %parallel_loop3A_140 = arith.constant 5.000000e-01 : f32
      %parallel_loop3A_141 = vector.broadcast %parallel_loop3A_140 : f32 to vector<16xf32>
      %parallel_loop3A_142 = arith.mulf %parallel_loop3A_131, %parallel_loop3A_141 : vector<16xf32>
      %parallel_loop3A_143 = arith.mulf %parallel_loop3A_142, %parallel_loop3A_139 : vector<16xf32>
      %parallel_loop3A_144 = arith.mulf %parallel_loop3A_143, %parallel_loop3A_139 : vector<16xf32>
      %parallel_loop3A_145 = arith.constant 1.500000e+00 : f32
      %parallel_loop3A_146 = vector.broadcast %parallel_loop3A_145 : f32 to vector<16xf32>
      %parallel_loop3A_147 = arith.subf %parallel_loop3A_146, %parallel_loop3A_144 : vector<16xf32>
      %parallel_loop3A_148 = arith.mulf %parallel_loop3A_139, %parallel_loop3A_147 : vector<16xf32>
      %parallel_loop3A_149 = arith.mulf %parallel_loop3A_142, %parallel_loop3A_148 : vector<16xf32>
      %parallel_loop3A_150 = arith.mulf %parallel_loop3A_149, %parallel_loop3A_148 : vector<16xf32>
      %parallel_loop3A_151 = arith.constant 1.500000e+00 : f32
      %parallel_loop3A_152 = vector.broadcast %parallel_loop3A_151 : f32 to vector<16xf32>
      %parallel_loop3A_153 = arith.subf %parallel_loop3A_152, %parallel_loop3A_150 : vector<16xf32>
      %parallel_loop3A_154 = arith.mulf %parallel_loop3A_148, %parallel_loop3A_153 : vector<16xf32>
      %parallel_loop3A_155 = arith.mulf %parallel_loop3A_142, %parallel_loop3A_154 : vector<16xf32>
      %parallel_loop3A_156 = arith.mulf %parallel_loop3A_155, %parallel_loop3A_154 : vector<16xf32>
      %parallel_loop3A_157 = arith.constant 1.500000e+00 : f32
      %parallel_loop3A_158 = vector.broadcast %parallel_loop3A_157 : f32 to vector<16xf32>
      %parallel_loop3A_159 = arith.subf %parallel_loop3A_158, %parallel_loop3A_156 : vector<16xf32>
      %parallel_loop3A_160 = arith.mulf %parallel_loop3A_154, %parallel_loop3A_159 : vector<16xf32>
      %parallel_loop3A_161 = arith.mulf %parallel_loop3A_131, %parallel_loop3A_160 : vector<16xf32>
      %parallel_loop3A_162 = arith.constant 4096 : i32
      %parallel_loop3A_163 = arith.addi %parallel_loop3A_162, %parallel_loop3A_71 : i32
      %parallel_loop3A_164 = arith.index_cast %parallel_loop3A_163 : i32 to index
      %parallel_loop3A_165 = tpu.vector_load %arg7[%parallel_loop3A_164] {strides = array<i32>} : memref<24576xi32, #tpu.memory_space<vmem>>, vector<16xi32>,
      %parallel_loop3A_166 = tpu.vector_load_idx %arg6[%parallel_loop3A_165] : memref<65536xf32, #tpu.memory_space<vmem>>[vector<16xi32>], vector<16xf32>,
      %parallel_loop3A_167 = arith.subf %parallel_loop3A_166, %parallel_loop3A_75 : vector<16xf32>
      %parallel_loop3A_168 = arith.index_cast %parallel_loop3A_163 : i32 to index
      %parallel_loop3A_169 = tpu.vector_load %arg8[%parallel_loop3A_168] {strides = array<i32>} : memref<24576xf32, #tpu.memory_space<vmem>>, vector<16xf32>,
      %parallel_loop3A_170 = arith.mulf %parallel_loop3A_167, %parallel_loop3A_167 : vector<16xf32>
      %parallel_loop3A_171 = arith.addf %parallel_loop3A_169, %parallel_loop3A_170 : vector<16xf32>
      %parallel_loop3A_172 = arith.constant 1.000000e-30 : f32
      %parallel_loop3A_173 = vector.broadcast %parallel_loop3A_172 : f32 to vector<16xf32>
      %parallel_loop3A_174 = arith.maximumf %parallel_loop3A_171, %parallel_loop3A_173 : vector<16xf32>
      %parallel_loop3A_175 = vector.bitcast %parallel_loop3A_174 : vector<16xf32> to vector<16xi32>
      %parallel_loop3A_176 = arith.constant 1 : i32
      %parallel_loop3A_177 = vector.broadcast %parallel_loop3A_176 : i32 to vector<16xi32>
      %parallel_loop3A_178 = arith.shrui %parallel_loop3A_175, %parallel_loop3A_177 : vector<16xi32>
      %parallel_loop3A_179 = arith.constant 1597463007 : i32
      %parallel_loop3A_180 = vector.broadcast %parallel_loop3A_179 : i32 to vector<16xi32>
      %parallel_loop3A_181 = arith.subi %parallel_loop3A_180, %parallel_loop3A_178 : vector<16xi32>
      %parallel_loop3A_182 = vector.bitcast %parallel_loop3A_181 : vector<16xi32> to vector<16xf32>
      %parallel_loop3A_183 = arith.constant 5.000000e-01 : f32
      %parallel_loop3A_184 = vector.broadcast %parallel_loop3A_183 : f32 to vector<16xf32>
      %parallel_loop3A_185 = arith.mulf %parallel_loop3A_174, %parallel_loop3A_184 : vector<16xf32>
      %parallel_loop3A_186 = arith.mulf %parallel_loop3A_185, %parallel_loop3A_182 : vector<16xf32>
      %parallel_loop3A_187 = arith.mulf %parallel_loop3A_186, %parallel_loop3A_182 : vector<16xf32>
      %parallel_loop3A_188 = arith.constant 1.500000e+00 : f32
      %parallel_loop3A_189 = vector.broadcast %parallel_loop3A_188 : f32 to vector<16xf32>
      %parallel_loop3A_190 = arith.subf %parallel_loop3A_189, %parallel_loop3A_187 : vector<16xf32>
      %parallel_loop3A_191 = arith.mulf %parallel_loop3A_182, %parallel_loop3A_190 : vector<16xf32>
      %parallel_loop3A_192 = arith.mulf %parallel_loop3A_185, %parallel_loop3A_191 : vector<16xf32>
      %parallel_loop3A_193 = arith.mulf %parallel_loop3A_192, %parallel_loop3A_191 : vector<16xf32>
      %parallel_loop3A_194 = arith.constant 1.500000e+00 : f32
      %parallel_loop3A_195 = vector.broadcast %parallel_loop3A_194 : f32 to vector<16xf32>
      %parallel_loop3A_196 = arith.subf %parallel_loop3A_195, %parallel_loop3A_193 : vector<16xf32>
      %parallel_loop3A_197 = arith.mulf %parallel_loop3A_191, %parallel_loop3A_196 : vector<16xf32>
      %parallel_loop3A_198 = arith.mulf %parallel_loop3A_185, %parallel_loop3A_197 : vector<16xf32>
      %parallel_loop3A_199 = arith.mulf %parallel_loop3A_198, %parallel_loop3A_197 : vector<16xf32>
      %parallel_loop3A_200 = arith.constant 1.500000e+00 : f32
      %parallel_loop3A_201 = vector.broadcast %parallel_loop3A_200 : f32 to vector<16xf32>
      %parallel_loop3A_202 = arith.subf %parallel_loop3A_201, %parallel_loop3A_199 : vector<16xf32>
      %parallel_loop3A_203 = arith.mulf %parallel_loop3A_197, %parallel_loop3A_202 : vector<16xf32>
      %parallel_loop3A_204 = arith.mulf %parallel_loop3A_174, %parallel_loop3A_203 : vector<16xf32>
      %parallel_loop3A_205 = arith.constant 6144 : i32
      %parallel_loop3A_206 = arith.addi %parallel_loop3A_205, %parallel_loop3A_71 : i32
      %parallel_loop3A_207 = arith.index_cast %parallel_loop3A_206 : i32 to index
      %parallel_loop3A_208 = tpu.vector_load %arg7[%parallel_loop3A_207] {strides = array<i32>} : memref<24576xi32, #tpu.memory_space<vmem>>, vector<16xi32>,
      %parallel_loop3A_209 = tpu.vector_load_idx %arg6[%parallel_loop3A_208] : memref<65536xf32, #tpu.memory_space<vmem>>[vector<16xi32>], vector<16xf32>,
      %parallel_loop3A_210 = arith.subf %parallel_loop3A_209, %parallel_loop3A_75 : vector<16xf32>
      %parallel_loop3A_211 = arith.index_cast %parallel_loop3A_206 : i32 to index
      %parallel_loop3A_212 = tpu.vector_load %arg8[%parallel_loop3A_211] {strides = array<i32>} : memref<24576xf32, #tpu.memory_space<vmem>>, vector<16xf32>,
      %parallel_loop3A_213 = arith.mulf %parallel_loop3A_210, %parallel_loop3A_210 : vector<16xf32>
      %parallel_loop3A_214 = arith.addf %parallel_loop3A_212, %parallel_loop3A_213 : vector<16xf32>
      %parallel_loop3A_215 = arith.constant 1.000000e-30 : f32
      %parallel_loop3A_216 = vector.broadcast %parallel_loop3A_215 : f32 to vector<16xf32>
      %parallel_loop3A_217 = arith.maximumf %parallel_loop3A_214, %parallel_loop3A_216 : vector<16xf32>
      %parallel_loop3A_218 = vector.bitcast %parallel_loop3A_217 : vector<16xf32> to vector<16xi32>
      %parallel_loop3A_219 = arith.constant 1 : i32
      %parallel_loop3A_220 = vector.broadcast %parallel_loop3A_219 : i32 to vector<16xi32>
      %parallel_loop3A_221 = arith.shrui %parallel_loop3A_218, %parallel_loop3A_220 : vector<16xi32>
      %parallel_loop3A_222 = arith.constant 1597463007 : i32
      %parallel_loop3A_223 = vector.broadcast %parallel_loop3A_222 : i32 to vector<16xi32>
      %parallel_loop3A_224 = arith.subi %parallel_loop3A_223, %parallel_loop3A_221 : vector<16xi32>
      %parallel_loop3A_225 = vector.bitcast %parallel_loop3A_224 : vector<16xi32> to vector<16xf32>
      %parallel_loop3A_226 = arith.constant 5.000000e-01 : f32
      %parallel_loop3A_227 = vector.broadcast %parallel_loop3A_226 : f32 to vector<16xf32>
      %parallel_loop3A_228 = arith.mulf %parallel_loop3A_217, %parallel_loop3A_227 : vector<16xf32>
      %parallel_loop3A_229 = arith.mulf %parallel_loop3A_228, %parallel_loop3A_225 : vector<16xf32>
      %parallel_loop3A_230 = arith.mulf %parallel_loop3A_229, %parallel_loop3A_225 : vector<16xf32>
      %parallel_loop3A_231 = arith.constant 1.500000e+00 : f32
      %parallel_loop3A_232 = vector.broadcast %parallel_loop3A_231 : f32 to vector<16xf32>
      %parallel_loop3A_233 = arith.subf %parallel_loop3A_232, %parallel_loop3A_230 : vector<16xf32>
      %parallel_loop3A_234 = arith.mulf %parallel_loop3A_225, %parallel_loop3A_233 : vector<16xf32>
      %parallel_loop3A_235 = arith.mulf %parallel_loop3A_228, %parallel_loop3A_234 : vector<16xf32>
      %parallel_loop3A_236 = arith.mulf %parallel_loop3A_235, %parallel_loop3A_234 : vector<16xf32>
      %parallel_loop3A_237 = arith.constant 1.500000e+00 : f32
      %parallel_loop3A_238 = vector.broadcast %parallel_loop3A_237 : f32 to vector<16xf32>
      %parallel_loop3A_239 = arith.subf %parallel_loop3A_238, %parallel_loop3A_236 : vector<16xf32>
      %parallel_loop3A_240 = arith.mulf %parallel_loop3A_234, %parallel_loop3A_239 : vector<16xf32>
      %parallel_loop3A_241 = arith.mulf %parallel_loop3A_228, %parallel_loop3A_240 : vector<16xf32>
      %parallel_loop3A_242 = arith.mulf %parallel_loop3A_241, %parallel_loop3A_240 : vector<16xf32>
      %parallel_loop3A_243 = arith.constant 1.500000e+00 : f32
      %parallel_loop3A_244 = vector.broadcast %parallel_loop3A_243 : f32 to vector<16xf32>
      %parallel_loop3A_245 = arith.subf %parallel_loop3A_244, %parallel_loop3A_242 : vector<16xf32>
      %parallel_loop3A_246 = arith.mulf %parallel_loop3A_240, %parallel_loop3A_245 : vector<16xf32>
      %parallel_loop3A_247 = arith.mulf %parallel_loop3A_217, %parallel_loop3A_246 : vector<16xf32>
      %parallel_loop3A_248 = arith.constant 8192 : i32
      %parallel_loop3A_249 = arith.addi %parallel_loop3A_248, %parallel_loop3A_71 : i32
      %parallel_loop3A_250 = arith.index_cast %parallel_loop3A_249 : i32 to index
      %parallel_loop3A_251 = tpu.vector_load %arg7[%parallel_loop3A_250] {strides = array<i32>} : memref<24576xi32, #tpu.memory_space<vmem>>, vector<16xi32>,
      %parallel_loop3A_252 = tpu.vector_load_idx %arg6[%parallel_loop3A_251] : memref<65536xf32, #tpu.memory_space<vmem>>[vector<16xi32>], vector<16xf32>,
      %parallel_loop3A_253 = arith.subf %parallel_loop3A_252, %parallel_loop3A_75 : vector<16xf32>
      %parallel_loop3A_254 = arith.index_cast %parallel_loop3A_249 : i32 to index
      %parallel_loop3A_255 = tpu.vector_load %arg8[%parallel_loop3A_254] {strides = array<i32>} : memref<24576xf32, #tpu.memory_space<vmem>>, vector<16xf32>,
      %parallel_loop3A_256 = arith.mulf %parallel_loop3A_253, %parallel_loop3A_253 : vector<16xf32>
      %parallel_loop3A_257 = arith.addf %parallel_loop3A_255, %parallel_loop3A_256 : vector<16xf32>
      %parallel_loop3A_258 = arith.constant 1.000000e-30 : f32
      %parallel_loop3A_259 = vector.broadcast %parallel_loop3A_258 : f32 to vector<16xf32>
      %parallel_loop3A_260 = arith.maximumf %parallel_loop3A_257, %parallel_loop3A_259 : vector<16xf32>
      %parallel_loop3A_261 = vector.bitcast %parallel_loop3A_260 : vector<16xf32> to vector<16xi32>
      %parallel_loop3A_262 = arith.constant 1 : i32
      %parallel_loop3A_263 = vector.broadcast %parallel_loop3A_262 : i32 to vector<16xi32>
      %parallel_loop3A_264 = arith.shrui %parallel_loop3A_261, %parallel_loop3A_263 : vector<16xi32>
      %parallel_loop3A_265 = arith.constant 1597463007 : i32
      %parallel_loop3A_266 = vector.broadcast %parallel_loop3A_265 : i32 to vector<16xi32>
      %parallel_loop3A_267 = arith.subi %parallel_loop3A_266, %parallel_loop3A_264 : vector<16xi32>
      %parallel_loop3A_268 = vector.bitcast %parallel_loop3A_267 : vector<16xi32> to vector<16xf32>
      %parallel_loop3A_269 = arith.constant 5.000000e-01 : f32
      %parallel_loop3A_270 = vector.broadcast %parallel_loop3A_269 : f32 to vector<16xf32>
      %parallel_loop3A_271 = arith.mulf %parallel_loop3A_260, %parallel_loop3A_270 : vector<16xf32>
      %parallel_loop3A_272 = arith.mulf %parallel_loop3A_271, %parallel_loop3A_268 : vector<16xf32>
      %parallel_loop3A_273 = arith.mulf %parallel_loop3A_272, %parallel_loop3A_268 : vector<16xf32>
      %parallel_loop3A_274 = arith.constant 1.500000e+00 : f32
      %parallel_loop3A_275 = vector.broadcast %parallel_loop3A_274 : f32 to vector<16xf32>
      %parallel_loop3A_276 = arith.subf %parallel_loop3A_275, %parallel_loop3A_273 : vector<16xf32>
      %parallel_loop3A_277 = arith.mulf %parallel_loop3A_268, %parallel_loop3A_276 : vector<16xf32>
      %parallel_loop3A_278 = arith.mulf %parallel_loop3A_271, %parallel_loop3A_277 : vector<16xf32>
      %parallel_loop3A_279 = arith.mulf %parallel_loop3A_278, %parallel_loop3A_277 : vector<16xf32>
      %parallel_loop3A_280 = arith.constant 1.500000e+00 : f32
      %parallel_loop3A_281 = vector.broadcast %parallel_loop3A_280 : f32 to vector<16xf32>
      %parallel_loop3A_282 = arith.subf %parallel_loop3A_281, %parallel_loop3A_279 : vector<16xf32>
      %parallel_loop3A_283 = arith.mulf %parallel_loop3A_277, %parallel_loop3A_282 : vector<16xf32>
      %parallel_loop3A_284 = arith.mulf %parallel_loop3A_271, %parallel_loop3A_283 : vector<16xf32>
      %parallel_loop3A_285 = arith.mulf %parallel_loop3A_284, %parallel_loop3A_283 : vector<16xf32>
      %parallel_loop3A_286 = arith.constant 1.500000e+00 : f32
      %parallel_loop3A_287 = vector.broadcast %parallel_loop3A_286 : f32 to vector<16xf32>
      %parallel_loop3A_288 = arith.subf %parallel_loop3A_287, %parallel_loop3A_285 : vector<16xf32>
      %parallel_loop3A_289 = arith.mulf %parallel_loop3A_283, %parallel_loop3A_288 : vector<16xf32>
      %parallel_loop3A_290 = arith.mulf %parallel_loop3A_260, %parallel_loop3A_289 : vector<16xf32>
      %parallel_loop3A_291 = arith.constant 10240 : i32
      %parallel_loop3A_292 = arith.addi %parallel_loop3A_291, %parallel_loop3A_71 : i32
      %parallel_loop3A_293 = arith.index_cast %parallel_loop3A_292 : i32 to index
      %parallel_loop3A_294 = tpu.vector_load %arg7[%parallel_loop3A_293] {strides = array<i32>} : memref<24576xi32, #tpu.memory_space<vmem>>, vector<16xi32>,
      %parallel_loop3A_295 = tpu.vector_load_idx %arg6[%parallel_loop3A_294] : memref<65536xf32, #tpu.memory_space<vmem>>[vector<16xi32>], vector<16xf32>,
      %parallel_loop3A_296 = arith.subf %parallel_loop3A_295, %parallel_loop3A_75 : vector<16xf32>
      %parallel_loop3A_297 = arith.index_cast %parallel_loop3A_292 : i32 to index
      %parallel_loop3A_298 = tpu.vector_load %arg8[%parallel_loop3A_297] {strides = array<i32>} : memref<24576xf32, #tpu.memory_space<vmem>>, vector<16xf32>,
      %parallel_loop3A_299 = arith.mulf %parallel_loop3A_296, %parallel_loop3A_296 : vector<16xf32>
      %parallel_loop3A_300 = arith.addf %parallel_loop3A_298, %parallel_loop3A_299 : vector<16xf32>
      %parallel_loop3A_301 = arith.constant 1.000000e-30 : f32
      %parallel_loop3A_302 = vector.broadcast %parallel_loop3A_301 : f32 to vector<16xf32>
      %parallel_loop3A_303 = arith.maximumf %parallel_loop3A_300, %parallel_loop3A_302 : vector<16xf32>
      %parallel_loop3A_304 = vector.bitcast %parallel_loop3A_303 : vector<16xf32> to vector<16xi32>
      %parallel_loop3A_305 = arith.constant 1 : i32
      %parallel_loop3A_306 = vector.broadcast %parallel_loop3A_305 : i32 to vector<16xi32>
      %parallel_loop3A_307 = arith.shrui %parallel_loop3A_304, %parallel_loop3A_306 : vector<16xi32>
      %parallel_loop3A_308 = arith.constant 1597463007 : i32
      %parallel_loop3A_309 = vector.broadcast %parallel_loop3A_308 : i32 to vector<16xi32>
      %parallel_loop3A_310 = arith.subi %parallel_loop3A_309, %parallel_loop3A_307 : vector<16xi32>
      %parallel_loop3A_311 = vector.bitcast %parallel_loop3A_310 : vector<16xi32> to vector<16xf32>
      %parallel_loop3A_312 = arith.constant 5.000000e-01 : f32
      %parallel_loop3A_313 = vector.broadcast %parallel_loop3A_312 : f32 to vector<16xf32>
      %parallel_loop3A_314 = arith.mulf %parallel_loop3A_303, %parallel_loop3A_313 : vector<16xf32>
      %parallel_loop3A_315 = arith.mulf %parallel_loop3A_314, %parallel_loop3A_311 : vector<16xf32>
      %parallel_loop3A_316 = arith.mulf %parallel_loop3A_315, %parallel_loop3A_311 : vector<16xf32>
      %parallel_loop3A_317 = arith.constant 1.500000e+00 : f32
      %parallel_loop3A_318 = vector.broadcast %parallel_loop3A_317 : f32 to vector<16xf32>
      %parallel_loop3A_319 = arith.subf %parallel_loop3A_318, %parallel_loop3A_316 : vector<16xf32>
      %parallel_loop3A_320 = arith.mulf %parallel_loop3A_311, %parallel_loop3A_319 : vector<16xf32>
      %parallel_loop3A_321 = arith.mulf %parallel_loop3A_314, %parallel_loop3A_320 : vector<16xf32>
      %parallel_loop3A_322 = arith.mulf %parallel_loop3A_321, %parallel_loop3A_320 : vector<16xf32>
      %parallel_loop3A_323 = arith.constant 1.500000e+00 : f32
      %parallel_loop3A_324 = vector.broadcast %parallel_loop3A_323 : f32 to vector<16xf32>
      %parallel_loop3A_325 = arith.subf %parallel_loop3A_324, %parallel_loop3A_322 : vector<16xf32>
      %parallel_loop3A_326 = arith.mulf %parallel_loop3A_320, %parallel_loop3A_325 : vector<16xf32>
      %parallel_loop3A_327 = arith.mulf %parallel_loop3A_314, %parallel_loop3A_326 : vector<16xf32>
      %parallel_loop3A_328 = arith.mulf %parallel_loop3A_327, %parallel_loop3A_326 : vector<16xf32>
      %parallel_loop3A_329 = arith.constant 1.500000e+00 : f32
      %parallel_loop3A_330 = vector.broadcast %parallel_loop3A_329 : f32 to vector<16xf32>
      %parallel_loop3A_331 = arith.subf %parallel_loop3A_330, %parallel_loop3A_328 : vector<16xf32>
      %parallel_loop3A_332 = arith.mulf %parallel_loop3A_326, %parallel_loop3A_331 : vector<16xf32>
      %parallel_loop3A_333 = arith.mulf %parallel_loop3A_303, %parallel_loop3A_332 : vector<16xf32>
      %parallel_loop3A_334 = arith.constant 12288 : i32
      %parallel_loop3A_335 = arith.addi %parallel_loop3A_334, %parallel_loop3A_71 : i32
      %parallel_loop3A_336 = arith.index_cast %parallel_loop3A_335 : i32 to index
      %parallel_loop3A_337 = tpu.vector_load %arg7[%parallel_loop3A_336] {strides = array<i32>} : memref<24576xi32, #tpu.memory_space<vmem>>, vector<16xi32>,
      %parallel_loop3A_338 = tpu.vector_load_idx %arg6[%parallel_loop3A_337] : memref<65536xf32, #tpu.memory_space<vmem>>[vector<16xi32>], vector<16xf32>,
      %parallel_loop3A_339 = arith.subf %parallel_loop3A_338, %parallel_loop3A_75 : vector<16xf32>
      %parallel_loop3A_340 = arith.index_cast %parallel_loop3A_335 : i32 to index
      %parallel_loop3A_341 = tpu.vector_load %arg8[%parallel_loop3A_340] {strides = array<i32>} : memref<24576xf32, #tpu.memory_space<vmem>>, vector<16xf32>,
      %parallel_loop3A_342 = arith.mulf %parallel_loop3A_339, %parallel_loop3A_339 : vector<16xf32>
      %parallel_loop3A_343 = arith.addf %parallel_loop3A_341, %parallel_loop3A_342 : vector<16xf32>
      %parallel_loop3A_344 = arith.constant 1.000000e-30 : f32
      %parallel_loop3A_345 = vector.broadcast %parallel_loop3A_344 : f32 to vector<16xf32>
      %parallel_loop3A_346 = arith.maximumf %parallel_loop3A_343, %parallel_loop3A_345 : vector<16xf32>
      %parallel_loop3A_347 = vector.bitcast %parallel_loop3A_346 : vector<16xf32> to vector<16xi32>
      %parallel_loop3A_348 = arith.constant 1 : i32
      %parallel_loop3A_349 = vector.broadcast %parallel_loop3A_348 : i32 to vector<16xi32>
      %parallel_loop3A_350 = arith.shrui %parallel_loop3A_347, %parallel_loop3A_349 : vector<16xi32>
      %parallel_loop3A_351 = arith.constant 1597463007 : i32
      %parallel_loop3A_352 = vector.broadcast %parallel_loop3A_351 : i32 to vector<16xi32>
      %parallel_loop3A_353 = arith.subi %parallel_loop3A_352, %parallel_loop3A_350 : vector<16xi32>
      %parallel_loop3A_354 = vector.bitcast %parallel_loop3A_353 : vector<16xi32> to vector<16xf32>
      %parallel_loop3A_355 = arith.constant 5.000000e-01 : f32
      %parallel_loop3A_356 = vector.broadcast %parallel_loop3A_355 : f32 to vector<16xf32>
      %parallel_loop3A_357 = arith.mulf %parallel_loop3A_346, %parallel_loop3A_356 : vector<16xf32>
      %parallel_loop3A_358 = arith.mulf %parallel_loop3A_357, %parallel_loop3A_354 : vector<16xf32>
      %parallel_loop3A_359 = arith.mulf %parallel_loop3A_358, %parallel_loop3A_354 : vector<16xf32>
      %parallel_loop3A_360 = arith.constant 1.500000e+00 : f32
      %parallel_loop3A_361 = vector.broadcast %parallel_loop3A_360 : f32 to vector<16xf32>
      %parallel_loop3A_362 = arith.subf %parallel_loop3A_361, %parallel_loop3A_359 : vector<16xf32>
      %parallel_loop3A_363 = arith.mulf %parallel_loop3A_354, %parallel_loop3A_362 : vector<16xf32>
      %parallel_loop3A_364 = arith.mulf %parallel_loop3A_357, %parallel_loop3A_363 : vector<16xf32>
      %parallel_loop3A_365 = arith.mulf %parallel_loop3A_364, %parallel_loop3A_363 : vector<16xf32>
      %parallel_loop3A_366 = arith.constant 1.500000e+00 : f32
      %parallel_loop3A_367 = vector.broadcast %parallel_loop3A_366 : f32 to vector<16xf32>
      %parallel_loop3A_368 = arith.subf %parallel_loop3A_367, %parallel_loop3A_365 : vector<16xf32>
      %parallel_loop3A_369 = arith.mulf %parallel_loop3A_363, %parallel_loop3A_368 : vector<16xf32>
      %parallel_loop3A_370 = arith.mulf %parallel_loop3A_357, %parallel_loop3A_369 : vector<16xf32>
      %parallel_loop3A_371 = arith.mulf %parallel_loop3A_370, %parallel_loop3A_369 : vector<16xf32>
      %parallel_loop3A_372 = arith.constant 1.500000e+00 : f32
      %parallel_loop3A_373 = vector.broadcast %parallel_loop3A_372 : f32 to vector<16xf32>
      %parallel_loop3A_374 = arith.subf %parallel_loop3A_373, %parallel_loop3A_371 : vector<16xf32>
      %parallel_loop3A_375 = arith.mulf %parallel_loop3A_369, %parallel_loop3A_374 : vector<16xf32>
      %parallel_loop3A_376 = arith.mulf %parallel_loop3A_346, %parallel_loop3A_375 : vector<16xf32>
      %parallel_loop3A_377 = arith.constant 14336 : i32
      %parallel_loop3A_378 = arith.addi %parallel_loop3A_377, %parallel_loop3A_71 : i32
      %parallel_loop3A_379 = arith.index_cast %parallel_loop3A_378 : i32 to index
      %parallel_loop3A_380 = tpu.vector_load %arg7[%parallel_loop3A_379] {strides = array<i32>} : memref<24576xi32, #tpu.memory_space<vmem>>, vector<16xi32>,
      %parallel_loop3A_381 = tpu.vector_load_idx %arg6[%parallel_loop3A_380] : memref<65536xf32, #tpu.memory_space<vmem>>[vector<16xi32>], vector<16xf32>,
      %parallel_loop3A_382 = arith.subf %parallel_loop3A_381, %parallel_loop3A_75 : vector<16xf32>
      %parallel_loop3A_383 = arith.index_cast %parallel_loop3A_378 : i32 to index
      %parallel_loop3A_384 = tpu.vector_load %arg8[%parallel_loop3A_383] {strides = array<i32>} : memref<24576xf32, #tpu.memory_space<vmem>>, vector<16xf32>,
      %parallel_loop3A_385 = arith.mulf %parallel_loop3A_382, %parallel_loop3A_382 : vector<16xf32>
      %parallel_loop3A_386 = arith.addf %parallel_loop3A_384, %parallel_loop3A_385 : vector<16xf32>
      %parallel_loop3A_387 = arith.constant 1.000000e-30 : f32
      %parallel_loop3A_388 = vector.broadcast %parallel_loop3A_387 : f32 to vector<16xf32>
      %parallel_loop3A_389 = arith.maximumf %parallel_loop3A_386, %parallel_loop3A_388 : vector<16xf32>
      %parallel_loop3A_390 = vector.bitcast %parallel_loop3A_389 : vector<16xf32> to vector<16xi32>
      %parallel_loop3A_391 = arith.constant 1 : i32
      %parallel_loop3A_392 = vector.broadcast %parallel_loop3A_391 : i32 to vector<16xi32>
      %parallel_loop3A_393 = arith.shrui %parallel_loop3A_390, %parallel_loop3A_392 : vector<16xi32>
      %parallel_loop3A_394 = arith.constant 1597463007 : i32
      %parallel_loop3A_395 = vector.broadcast %parallel_loop3A_394 : i32 to vector<16xi32>
      %parallel_loop3A_396 = arith.subi %parallel_loop3A_395, %parallel_loop3A_393 : vector<16xi32>
      %parallel_loop3A_397 = vector.bitcast %parallel_loop3A_396 : vector<16xi32> to vector<16xf32>
      %parallel_loop3A_398 = arith.constant 5.000000e-01 : f32
      %parallel_loop3A_399 = vector.broadcast %parallel_loop3A_398 : f32 to vector<16xf32>
      %parallel_loop3A_400 = arith.mulf %parallel_loop3A_389, %parallel_loop3A_399 : vector<16xf32>
      %parallel_loop3A_401 = arith.mulf %parallel_loop3A_400, %parallel_loop3A_397 : vector<16xf32>
      %parallel_loop3A_402 = arith.mulf %parallel_loop3A_401, %parallel_loop3A_397 : vector<16xf32>
      %parallel_loop3A_403 = arith.constant 1.500000e+00 : f32
      %parallel_loop3A_404 = vector.broadcast %parallel_loop3A_403 : f32 to vector<16xf32>
      %parallel_loop3A_405 = arith.subf %parallel_loop3A_404, %parallel_loop3A_402 : vector<16xf32>
      %parallel_loop3A_406 = arith.mulf %parallel_loop3A_397, %parallel_loop3A_405 : vector<16xf32>
      %parallel_loop3A_407 = arith.mulf %parallel_loop3A_400, %parallel_loop3A_406 : vector<16xf32>
      %parallel_loop3A_408 = arith.mulf %parallel_loop3A_407, %parallel_loop3A_406 : vector<16xf32>
      %parallel_loop3A_409 = arith.constant 1.500000e+00 : f32
      %parallel_loop3A_410 = vector.broadcast %parallel_loop3A_409 : f32 to vector<16xf32>
      %parallel_loop3A_411 = arith.subf %parallel_loop3A_410, %parallel_loop3A_408 : vector<16xf32>
      %parallel_loop3A_412 = arith.mulf %parallel_loop3A_406, %parallel_loop3A_411 : vector<16xf32>
      %parallel_loop3A_413 = arith.mulf %parallel_loop3A_400, %parallel_loop3A_412 : vector<16xf32>
      %parallel_loop3A_414 = arith.mulf %parallel_loop3A_413, %parallel_loop3A_412 : vector<16xf32>
      %parallel_loop3A_415 = arith.constant 1.500000e+00 : f32
      %parallel_loop3A_416 = vector.broadcast %parallel_loop3A_415 : f32 to vector<16xf32>
      %parallel_loop3A_417 = arith.subf %parallel_loop3A_416, %parallel_loop3A_414 : vector<16xf32>
      %parallel_loop3A_418 = arith.mulf %parallel_loop3A_412, %parallel_loop3A_417 : vector<16xf32>
      %parallel_loop3A_419 = arith.mulf %parallel_loop3A_389, %parallel_loop3A_418 : vector<16xf32>
      %parallel_loop3A_420 = arith.constant 16384 : i32
      %parallel_loop3A_421 = arith.addi %parallel_loop3A_420, %parallel_loop3A_71 : i32
      %parallel_loop3A_422 = arith.index_cast %parallel_loop3A_421 : i32 to index
      %parallel_loop3A_423 = tpu.vector_load %arg7[%parallel_loop3A_422] {strides = array<i32>} : memref<24576xi32, #tpu.memory_space<vmem>>, vector<16xi32>,
      %parallel_loop3A_424 = tpu.vector_load_idx %arg6[%parallel_loop3A_423] : memref<65536xf32, #tpu.memory_space<vmem>>[vector<16xi32>], vector<16xf32>,
      %parallel_loop3A_425 = arith.subf %parallel_loop3A_424, %parallel_loop3A_75 : vector<16xf32>
      %parallel_loop3A_426 = arith.index_cast %parallel_loop3A_421 : i32 to index
      %parallel_loop3A_427 = tpu.vector_load %arg8[%parallel_loop3A_426] {strides = array<i32>} : memref<24576xf32, #tpu.memory_space<vmem>>, vector<16xf32>,
      %parallel_loop3A_428 = arith.mulf %parallel_loop3A_425, %parallel_loop3A_425 : vector<16xf32>
      %parallel_loop3A_429 = arith.addf %parallel_loop3A_427, %parallel_loop3A_428 : vector<16xf32>
      %parallel_loop3A_430 = arith.constant 1.000000e-30 : f32
      %parallel_loop3A_431 = vector.broadcast %parallel_loop3A_430 : f32 to vector<16xf32>
      %parallel_loop3A_432 = arith.maximumf %parallel_loop3A_429, %parallel_loop3A_431 : vector<16xf32>
      %parallel_loop3A_433 = vector.bitcast %parallel_loop3A_432 : vector<16xf32> to vector<16xi32>
      %parallel_loop3A_434 = arith.constant 1 : i32
      %parallel_loop3A_435 = vector.broadcast %parallel_loop3A_434 : i32 to vector<16xi32>
      %parallel_loop3A_436 = arith.shrui %parallel_loop3A_433, %parallel_loop3A_435 : vector<16xi32>
      %parallel_loop3A_437 = arith.constant 1597463007 : i32
      %parallel_loop3A_438 = vector.broadcast %parallel_loop3A_437 : i32 to vector<16xi32>
      %parallel_loop3A_439 = arith.subi %parallel_loop3A_438, %parallel_loop3A_436 : vector<16xi32>
      %parallel_loop3A_440 = vector.bitcast %parallel_loop3A_439 : vector<16xi32> to vector<16xf32>
      %parallel_loop3A_441 = arith.constant 5.000000e-01 : f32
      %parallel_loop3A_442 = vector.broadcast %parallel_loop3A_441 : f32 to vector<16xf32>
      %parallel_loop3A_443 = arith.mulf %parallel_loop3A_432, %parallel_loop3A_442 : vector<16xf32>
      %parallel_loop3A_444 = arith.mulf %parallel_loop3A_443, %parallel_loop3A_440 : vector<16xf32>
      %parallel_loop3A_445 = arith.mulf %parallel_loop3A_444, %parallel_loop3A_440 : vector<16xf32>
      %parallel_loop3A_446 = arith.constant 1.500000e+00 : f32
      %parallel_loop3A_447 = vector.broadcast %parallel_loop3A_446 : f32 to vector<16xf32>
      %parallel_loop3A_448 = arith.subf %parallel_loop3A_447, %parallel_loop3A_445 : vector<16xf32>
      %parallel_loop3A_449 = arith.mulf %parallel_loop3A_440, %parallel_loop3A_448 : vector<16xf32>
      %parallel_loop3A_450 = arith.mulf %parallel_loop3A_443, %parallel_loop3A_449 : vector<16xf32>
      %parallel_loop3A_451 = arith.mulf %parallel_loop3A_450, %parallel_loop3A_449 : vector<16xf32>
      %parallel_loop3A_452 = arith.constant 1.500000e+00 : f32
      %parallel_loop3A_453 = vector.broadcast %parallel_loop3A_452 : f32 to vector<16xf32>
      %parallel_loop3A_454 = arith.subf %parallel_loop3A_453, %parallel_loop3A_451 : vector<16xf32>
      %parallel_loop3A_455 = arith.mulf %parallel_loop3A_449, %parallel_loop3A_454 : vector<16xf32>
      %parallel_loop3A_456 = arith.mulf %parallel_loop3A_443, %parallel_loop3A_455 : vector<16xf32>
      %parallel_loop3A_457 = arith.mulf %parallel_loop3A_456, %parallel_loop3A_455 : vector<16xf32>
      %parallel_loop3A_458 = arith.constant 1.500000e+00 : f32
      %parallel_loop3A_459 = vector.broadcast %parallel_loop3A_458 : f32 to vector<16xf32>
      %parallel_loop3A_460 = arith.subf %parallel_loop3A_459, %parallel_loop3A_457 : vector<16xf32>
      %parallel_loop3A_461 = arith.mulf %parallel_loop3A_455, %parallel_loop3A_460 : vector<16xf32>
      %parallel_loop3A_462 = arith.mulf %parallel_loop3A_432, %parallel_loop3A_461 : vector<16xf32>
      %parallel_loop3A_463 = arith.constant 18432 : i32
      %parallel_loop3A_464 = arith.addi %parallel_loop3A_463, %parallel_loop3A_71 : i32
      %parallel_loop3A_465 = arith.index_cast %parallel_loop3A_464 : i32 to index
      %parallel_loop3A_466 = tpu.vector_load %arg7[%parallel_loop3A_465] {strides = array<i32>} : memref<24576xi32, #tpu.memory_space<vmem>>, vector<16xi32>,
      %parallel_loop3A_467 = tpu.vector_load_idx %arg6[%parallel_loop3A_466] : memref<65536xf32, #tpu.memory_space<vmem>>[vector<16xi32>], vector<16xf32>,
      %parallel_loop3A_468 = arith.subf %parallel_loop3A_467, %parallel_loop3A_75 : vector<16xf32>
      %parallel_loop3A_469 = arith.index_cast %parallel_loop3A_464 : i32 to index
      %parallel_loop3A_470 = tpu.vector_load %arg8[%parallel_loop3A_469] {strides = array<i32>} : memref<24576xf32, #tpu.memory_space<vmem>>, vector<16xf32>,
      %parallel_loop3A_471 = arith.mulf %parallel_loop3A_468, %parallel_loop3A_468 : vector<16xf32>
      %parallel_loop3A_472 = arith.addf %parallel_loop3A_470, %parallel_loop3A_471 : vector<16xf32>
      %parallel_loop3A_473 = arith.constant 1.000000e-30 : f32
      %parallel_loop3A_474 = vector.broadcast %parallel_loop3A_473 : f32 to vector<16xf32>
      %parallel_loop3A_475 = arith.maximumf %parallel_loop3A_472, %parallel_loop3A_474 : vector<16xf32>
      %parallel_loop3A_476 = vector.bitcast %parallel_loop3A_475 : vector<16xf32> to vector<16xi32>
      %parallel_loop3A_477 = arith.constant 1 : i32
      %parallel_loop3A_478 = vector.broadcast %parallel_loop3A_477 : i32 to vector<16xi32>
      %parallel_loop3A_479 = arith.shrui %parallel_loop3A_476, %parallel_loop3A_478 : vector<16xi32>
      %parallel_loop3A_480 = arith.constant 1597463007 : i32
      %parallel_loop3A_481 = vector.broadcast %parallel_loop3A_480 : i32 to vector<16xi32>
      %parallel_loop3A_482 = arith.subi %parallel_loop3A_481, %parallel_loop3A_479 : vector<16xi32>
      %parallel_loop3A_483 = vector.bitcast %parallel_loop3A_482 : vector<16xi32> to vector<16xf32>
      %parallel_loop3A_484 = arith.constant 5.000000e-01 : f32
      %parallel_loop3A_485 = vector.broadcast %parallel_loop3A_484 : f32 to vector<16xf32>
      %parallel_loop3A_486 = arith.mulf %parallel_loop3A_475, %parallel_loop3A_485 : vector<16xf32>
      %parallel_loop3A_487 = arith.mulf %parallel_loop3A_486, %parallel_loop3A_483 : vector<16xf32>
      %parallel_loop3A_488 = arith.mulf %parallel_loop3A_487, %parallel_loop3A_483 : vector<16xf32>
      %parallel_loop3A_489 = arith.constant 1.500000e+00 : f32
      %parallel_loop3A_490 = vector.broadcast %parallel_loop3A_489 : f32 to vector<16xf32>
      %parallel_loop3A_491 = arith.subf %parallel_loop3A_490, %parallel_loop3A_488 : vector<16xf32>
      %parallel_loop3A_492 = arith.mulf %parallel_loop3A_483, %parallel_loop3A_491 : vector<16xf32>
      %parallel_loop3A_493 = arith.mulf %parallel_loop3A_486, %parallel_loop3A_492 : vector<16xf32>
      %parallel_loop3A_494 = arith.mulf %parallel_loop3A_493, %parallel_loop3A_492 : vector<16xf32>
      %parallel_loop3A_495 = arith.constant 1.500000e+00 : f32
      %parallel_loop3A_496 = vector.broadcast %parallel_loop3A_495 : f32 to vector<16xf32>
      %parallel_loop3A_497 = arith.subf %parallel_loop3A_496, %parallel_loop3A_494 : vector<16xf32>
      %parallel_loop3A_498 = arith.mulf %parallel_loop3A_492, %parallel_loop3A_497 : vector<16xf32>
      %parallel_loop3A_499 = arith.mulf %parallel_loop3A_486, %parallel_loop3A_498 : vector<16xf32>
      %parallel_loop3A_500 = arith.mulf %parallel_loop3A_499, %parallel_loop3A_498 : vector<16xf32>
      %parallel_loop3A_501 = arith.constant 1.500000e+00 : f32
      %parallel_loop3A_502 = vector.broadcast %parallel_loop3A_501 : f32 to vector<16xf32>
      %parallel_loop3A_503 = arith.subf %parallel_loop3A_502, %parallel_loop3A_500 : vector<16xf32>
      %parallel_loop3A_504 = arith.mulf %parallel_loop3A_498, %parallel_loop3A_503 : vector<16xf32>
      %parallel_loop3A_505 = arith.mulf %parallel_loop3A_475, %parallel_loop3A_504 : vector<16xf32>
      %parallel_loop3A_506 = arith.constant 20480 : i32
      %parallel_loop3A_507 = arith.addi %parallel_loop3A_506, %parallel_loop3A_71 : i32
      %parallel_loop3A_508 = arith.index_cast %parallel_loop3A_507 : i32 to index
      %parallel_loop3A_509 = tpu.vector_load %arg7[%parallel_loop3A_508] {strides = array<i32>} : memref<24576xi32, #tpu.memory_space<vmem>>, vector<16xi32>,
      %parallel_loop3A_510 = tpu.vector_load_idx %arg6[%parallel_loop3A_509] : memref<65536xf32, #tpu.memory_space<vmem>>[vector<16xi32>], vector<16xf32>,
      %parallel_loop3A_511 = arith.subf %parallel_loop3A_510, %parallel_loop3A_75 : vector<16xf32>
      %parallel_loop3A_512 = arith.index_cast %parallel_loop3A_507 : i32 to index
      %parallel_loop3A_513 = tpu.vector_load %arg8[%parallel_loop3A_512] {strides = array<i32>} : memref<24576xf32, #tpu.memory_space<vmem>>, vector<16xf32>,
      %parallel_loop3A_514 = arith.mulf %parallel_loop3A_511, %parallel_loop3A_511 : vector<16xf32>
      %parallel_loop3A_515 = arith.addf %parallel_loop3A_513, %parallel_loop3A_514 : vector<16xf32>
      %parallel_loop3A_516 = arith.constant 1.000000e-30 : f32
      %parallel_loop3A_517 = vector.broadcast %parallel_loop3A_516 : f32 to vector<16xf32>
      %parallel_loop3A_518 = arith.maximumf %parallel_loop3A_515, %parallel_loop3A_517 : vector<16xf32>
      %parallel_loop3A_519 = vector.bitcast %parallel_loop3A_518 : vector<16xf32> to vector<16xi32>
      %parallel_loop3A_520 = arith.constant 1 : i32
      %parallel_loop3A_521 = vector.broadcast %parallel_loop3A_520 : i32 to vector<16xi32>
      %parallel_loop3A_522 = arith.shrui %parallel_loop3A_519, %parallel_loop3A_521 : vector<16xi32>
      %parallel_loop3A_523 = arith.constant 1597463007 : i32
      %parallel_loop3A_524 = vector.broadcast %parallel_loop3A_523 : i32 to vector<16xi32>
      %parallel_loop3A_525 = arith.subi %parallel_loop3A_524, %parallel_loop3A_522 : vector<16xi32>
      %parallel_loop3A_526 = vector.bitcast %parallel_loop3A_525 : vector<16xi32> to vector<16xf32>
      %parallel_loop3A_527 = arith.constant 5.000000e-01 : f32
      %parallel_loop3A_528 = vector.broadcast %parallel_loop3A_527 : f32 to vector<16xf32>
      %parallel_loop3A_529 = arith.mulf %parallel_loop3A_518, %parallel_loop3A_528 : vector<16xf32>
      %parallel_loop3A_530 = arith.mulf %parallel_loop3A_529, %parallel_loop3A_526 : vector<16xf32>
      %parallel_loop3A_531 = arith.mulf %parallel_loop3A_530, %parallel_loop3A_526 : vector<16xf32>
      %parallel_loop3A_532 = arith.constant 1.500000e+00 : f32
      %parallel_loop3A_533 = vector.broadcast %parallel_loop3A_532 : f32 to vector<16xf32>
      %parallel_loop3A_534 = arith.subf %parallel_loop3A_533, %parallel_loop3A_531 : vector<16xf32>
      %parallel_loop3A_535 = arith.mulf %parallel_loop3A_526, %parallel_loop3A_534 : vector<16xf32>
      %parallel_loop3A_536 = arith.mulf %parallel_loop3A_529, %parallel_loop3A_535 : vector<16xf32>
      %parallel_loop3A_537 = arith.mulf %parallel_loop3A_536, %parallel_loop3A_535 : vector<16xf32>
      %parallel_loop3A_538 = arith.constant 1.500000e+00 : f32
      %parallel_loop3A_539 = vector.broadcast %parallel_loop3A_538 : f32 to vector<16xf32>
      %parallel_loop3A_540 = arith.subf %parallel_loop3A_539, %parallel_loop3A_537 : vector<16xf32>
      %parallel_loop3A_541 = arith.mulf %parallel_loop3A_535, %parallel_loop3A_540 : vector<16xf32>
      %parallel_loop3A_542 = arith.mulf %parallel_loop3A_529, %parallel_loop3A_541 : vector<16xf32>
      %parallel_loop3A_543 = arith.mulf %parallel_loop3A_542, %parallel_loop3A_541 : vector<16xf32>
      %parallel_loop3A_544 = arith.constant 1.500000e+00 : f32
      %parallel_loop3A_545 = vector.broadcast %parallel_loop3A_544 : f32 to vector<16xf32>
      %parallel_loop3A_546 = arith.subf %parallel_loop3A_545, %parallel_loop3A_543 : vector<16xf32>
      %parallel_loop3A_547 = arith.mulf %parallel_loop3A_541, %parallel_loop3A_546 : vector<16xf32>
      %parallel_loop3A_548 = arith.mulf %parallel_loop3A_518, %parallel_loop3A_547 : vector<16xf32>
      %parallel_loop3A_549 = arith.constant 22528 : i32
      %parallel_loop3A_550 = arith.addi %parallel_loop3A_549, %parallel_loop3A_71 : i32
      %parallel_loop3A_551 = arith.index_cast %parallel_loop3A_550 : i32 to index
      %parallel_loop3A_552 = tpu.vector_load %arg7[%parallel_loop3A_551] {strides = array<i32>} : memref<24576xi32, #tpu.memory_space<vmem>>, vector<16xi32>,
      %parallel_loop3A_553 = tpu.vector_load_idx %arg6[%parallel_loop3A_552] : memref<65536xf32, #tpu.memory_space<vmem>>[vector<16xi32>], vector<16xf32>,
      %parallel_loop3A_554 = arith.subf %parallel_loop3A_553, %parallel_loop3A_75 : vector<16xf32>
      %parallel_loop3A_555 = arith.index_cast %parallel_loop3A_550 : i32 to index
      %parallel_loop3A_556 = tpu.vector_load %arg8[%parallel_loop3A_555] {strides = array<i32>} : memref<24576xf32, #tpu.memory_space<vmem>>, vector<16xf32>,
      %parallel_loop3A_557 = arith.mulf %parallel_loop3A_554, %parallel_loop3A_554 : vector<16xf32>
      %parallel_loop3A_558 = arith.addf %parallel_loop3A_556, %parallel_loop3A_557 : vector<16xf32>
      %parallel_loop3A_559 = arith.constant 1.000000e-30 : f32
      %parallel_loop3A_560 = vector.broadcast %parallel_loop3A_559 : f32 to vector<16xf32>
      %parallel_loop3A_561 = arith.maximumf %parallel_loop3A_558, %parallel_loop3A_560 : vector<16xf32>
      %parallel_loop3A_562 = vector.bitcast %parallel_loop3A_561 : vector<16xf32> to vector<16xi32>
      %parallel_loop3A_563 = arith.constant 1 : i32
      %parallel_loop3A_564 = vector.broadcast %parallel_loop3A_563 : i32 to vector<16xi32>
      %parallel_loop3A_565 = arith.shrui %parallel_loop3A_562, %parallel_loop3A_564 : vector<16xi32>
      %parallel_loop3A_566 = arith.constant 1597463007 : i32
      %parallel_loop3A_567 = vector.broadcast %parallel_loop3A_566 : i32 to vector<16xi32>
      %parallel_loop3A_568 = arith.subi %parallel_loop3A_567, %parallel_loop3A_565 : vector<16xi32>
      %parallel_loop3A_569 = vector.bitcast %parallel_loop3A_568 : vector<16xi32> to vector<16xf32>
      %parallel_loop3A_570 = arith.constant 5.000000e-01 : f32
      %parallel_loop3A_571 = vector.broadcast %parallel_loop3A_570 : f32 to vector<16xf32>
      %parallel_loop3A_572 = arith.mulf %parallel_loop3A_561, %parallel_loop3A_571 : vector<16xf32>
      %parallel_loop3A_573 = arith.mulf %parallel_loop3A_572, %parallel_loop3A_569 : vector<16xf32>
      %parallel_loop3A_574 = arith.mulf %parallel_loop3A_573, %parallel_loop3A_569 : vector<16xf32>
      %parallel_loop3A_575 = arith.constant 1.500000e+00 : f32
      %parallel_loop3A_576 = vector.broadcast %parallel_loop3A_575 : f32 to vector<16xf32>
      %parallel_loop3A_577 = arith.subf %parallel_loop3A_576, %parallel_loop3A_574 : vector<16xf32>
      %parallel_loop3A_578 = arith.mulf %parallel_loop3A_569, %parallel_loop3A_577 : vector<16xf32>
      %parallel_loop3A_579 = arith.mulf %parallel_loop3A_572, %parallel_loop3A_578 : vector<16xf32>
      %parallel_loop3A_580 = arith.mulf %parallel_loop3A_579, %parallel_loop3A_578 : vector<16xf32>
      %parallel_loop3A_581 = arith.constant 1.500000e+00 : f32
      %parallel_loop3A_582 = vector.broadcast %parallel_loop3A_581 : f32 to vector<16xf32>
      %parallel_loop3A_583 = arith.subf %parallel_loop3A_582, %parallel_loop3A_580 : vector<16xf32>
      %parallel_loop3A_584 = arith.mulf %parallel_loop3A_578, %parallel_loop3A_583 : vector<16xf32>
      %parallel_loop3A_585 = arith.mulf %parallel_loop3A_572, %parallel_loop3A_584 : vector<16xf32>
      %parallel_loop3A_586 = arith.mulf %parallel_loop3A_585, %parallel_loop3A_584 : vector<16xf32>
      %parallel_loop3A_587 = arith.constant 1.500000e+00 : f32
      %parallel_loop3A_588 = vector.broadcast %parallel_loop3A_587 : f32 to vector<16xf32>
      %parallel_loop3A_589 = arith.subf %parallel_loop3A_588, %parallel_loop3A_586 : vector<16xf32>
      %parallel_loop3A_590 = arith.mulf %parallel_loop3A_584, %parallel_loop3A_589 : vector<16xf32>
      %parallel_loop3A_591 = arith.mulf %parallel_loop3A_561, %parallel_loop3A_590 : vector<16xf32>
      %parallel_loop3A_592 = arith.minimumf %parallel_loop3A_118, %parallel_loop3A_161 : vector<16xf32>
      %parallel_loop3A_593 = arith.minimumf %parallel_loop3A_592, %parallel_loop3A_204 : vector<16xf32>
      %parallel_loop3A_594 = arith.minimumf %parallel_loop3A_593, %parallel_loop3A_247 : vector<16xf32>
      %parallel_loop3A_595 = arith.minimumf %parallel_loop3A_594, %parallel_loop3A_290 : vector<16xf32>
      %parallel_loop3A_596 = arith.minimumf %parallel_loop3A_595, %parallel_loop3A_333 : vector<16xf32>
      %parallel_loop3A_597 = arith.minimumf %parallel_loop3A_596, %parallel_loop3A_376 : vector<16xf32>
      %parallel_loop3A_598 = arith.minimumf %parallel_loop3A_597, %parallel_loop3A_419 : vector<16xf32>
      %parallel_loop3A_599 = arith.minimumf %parallel_loop3A_598, %parallel_loop3A_462 : vector<16xf32>
      %parallel_loop3A_600 = arith.minimumf %parallel_loop3A_599, %parallel_loop3A_505 : vector<16xf32>
      %parallel_loop3A_601 = arith.minimumf %parallel_loop3A_600, %parallel_loop3A_548 : vector<16xf32>
      %parallel_loop3A_602 = arith.minimumf %parallel_loop3A_601, %parallel_loop3A_591 : vector<16xf32>
      %parallel_loop3A_603 = arith.subf %parallel_loop3A_602, %parallel_loop3A_118 : vector<16xf32>
      %parallel_loop3A_604 = math.exp %parallel_loop3A_603 : vector<16xf32>
      %parallel_loop3A_605 = arith.subf %parallel_loop3A_602, %parallel_loop3A_161 : vector<16xf32>
      %parallel_loop3A_606 = math.exp %parallel_loop3A_605 : vector<16xf32>
      %parallel_loop3A_607 = arith.addf %parallel_loop3A_604, %parallel_loop3A_606 : vector<16xf32>
      %parallel_loop3A_608 = arith.subf %parallel_loop3A_602, %parallel_loop3A_204 : vector<16xf32>
      %parallel_loop3A_609 = math.exp %parallel_loop3A_608 : vector<16xf32>
      %parallel_loop3A_610 = arith.addf %parallel_loop3A_607, %parallel_loop3A_609 : vector<16xf32>
      %parallel_loop3A_611 = arith.subf %parallel_loop3A_602, %parallel_loop3A_247 : vector<16xf32>
      %parallel_loop3A_612 = math.exp %parallel_loop3A_611 : vector<16xf32>
      %parallel_loop3A_613 = arith.addf %parallel_loop3A_610, %parallel_loop3A_612 : vector<16xf32>
      %parallel_loop3A_614 = arith.subf %parallel_loop3A_602, %parallel_loop3A_290 : vector<16xf32>
      %parallel_loop3A_615 = math.exp %parallel_loop3A_614 : vector<16xf32>
      %parallel_loop3A_616 = arith.addf %parallel_loop3A_613, %parallel_loop3A_615 : vector<16xf32>
      %parallel_loop3A_617 = arith.subf %parallel_loop3A_602, %parallel_loop3A_333 : vector<16xf32>
      %parallel_loop3A_618 = math.exp %parallel_loop3A_617 : vector<16xf32>
      %parallel_loop3A_619 = arith.addf %parallel_loop3A_616, %parallel_loop3A_618 : vector<16xf32>
      %parallel_loop3A_620 = arith.subf %parallel_loop3A_602, %parallel_loop3A_376 : vector<16xf32>
      %parallel_loop3A_621 = math.exp %parallel_loop3A_620 : vector<16xf32>
      %parallel_loop3A_622 = arith.addf %parallel_loop3A_619, %parallel_loop3A_621 : vector<16xf32>
      %parallel_loop3A_623 = arith.subf %parallel_loop3A_602, %parallel_loop3A_419 : vector<16xf32>
      %parallel_loop3A_624 = math.exp %parallel_loop3A_623 : vector<16xf32>
      %parallel_loop3A_625 = arith.addf %parallel_loop3A_622, %parallel_loop3A_624 : vector<16xf32>
      %parallel_loop3A_626 = arith.subf %parallel_loop3A_602, %parallel_loop3A_462 : vector<16xf32>
      %parallel_loop3A_627 = math.exp %parallel_loop3A_626 : vector<16xf32>
      %parallel_loop3A_628 = arith.addf %parallel_loop3A_625, %parallel_loop3A_627 : vector<16xf32>
      %parallel_loop3A_629 = arith.subf %parallel_loop3A_602, %parallel_loop3A_505 : vector<16xf32>
      %parallel_loop3A_630 = math.exp %parallel_loop3A_629 : vector<16xf32>
      %parallel_loop3A_631 = arith.addf %parallel_loop3A_628, %parallel_loop3A_630 : vector<16xf32>
      %parallel_loop3A_632 = arith.subf %parallel_loop3A_602, %parallel_loop3A_548 : vector<16xf32>
      %parallel_loop3A_633 = math.exp %parallel_loop3A_632 : vector<16xf32>
      %parallel_loop3A_634 = arith.addf %parallel_loop3A_631, %parallel_loop3A_633 : vector<16xf32>
      %parallel_loop3A_635 = arith.subf %parallel_loop3A_602, %parallel_loop3A_591 : vector<16xf32>
      %parallel_loop3A_636 = math.exp %parallel_loop3A_635 : vector<16xf32>
      %parallel_loop3A_637 = arith.addf %parallel_loop3A_634, %parallel_loop3A_636 : vector<16xf32>
      %parallel_loop3A_638 = arith.constant 5.000000e-01 : f32
      %parallel_loop3A_639 = vector.broadcast %parallel_loop3A_638 : f32 to vector<16xf32>
      %parallel_loop3A_640 = arith.divf %parallel_loop3A_639, %parallel_loop3A_637 : vector<16xf32>
      %parallel_loop3A_641 = arith.mulf %parallel_loop3A_604, %parallel_loop3A_640 : vector<16xf32>
      %parallel_loop3A_642 = arith.constant 5.000000e-01 : f32
      %parallel_loop3A_643 = vector.broadcast %parallel_loop3A_642 : f32 to vector<16xf32>
      %parallel_loop3A_644 = arith.addf %parallel_loop3A_641, %parallel_loop3A_643 : vector<16xf32>
      %parallel_loop3A_645 = arith.constant 0 : i32
      %parallel_loop3A_646 = arith.addi %parallel_loop3A_645, %parallel_loop3A_71 : i32
      %parallel_loop3A_647 = arith.index_cast %parallel_loop3A_646 : i32 to index
      %parallel_loop3A_648 = tpu.vector_load %arg8[%parallel_loop3A_647] {strides = array<i32>} : memref<24576xf32, #tpu.memory_space<vmem>>, vector<16xf32>,
      tpu.vector_store %arg8[%parallel_loop3A_647], %parallel_loop3A_644 {strides = array<i32>} : memref<24576xf32, #tpu.memory_space<vmem>>, vector<16xf32>,
      %parallel_loop3A_649 = arith.mulf %parallel_loop3A_606, %parallel_loop3A_640 : vector<16xf32>
      %parallel_loop3A_650 = arith.constant 2048 : i32
      %parallel_loop3A_651 = arith.addi %parallel_loop3A_650, %parallel_loop3A_71 : i32
      %parallel_loop3A_652 = arith.index_cast %parallel_loop3A_651 : i32 to index
      %parallel_loop3A_653 = tpu.vector_load %arg8[%parallel_loop3A_652] {strides = array<i32>} : memref<24576xf32, #tpu.memory_space<vmem>>, vector<16xf32>,
      tpu.vector_store %arg8[%parallel_loop3A_652], %parallel_loop3A_649 {strides = array<i32>} : memref<24576xf32, #tpu.memory_space<vmem>>, vector<16xf32>,
      %parallel_loop3A_654 = arith.mulf %parallel_loop3A_609, %parallel_loop3A_640 : vector<16xf32>
      %parallel_loop3A_655 = arith.constant 4096 : i32
      %parallel_loop3A_656 = arith.addi %parallel_loop3A_655, %parallel_loop3A_71 : i32
      %parallel_loop3A_657 = arith.index_cast %parallel_loop3A_656 : i32 to index
      %parallel_loop3A_658 = tpu.vector_load %arg8[%parallel_loop3A_657] {strides = array<i32>} : memref<24576xf32, #tpu.memory_space<vmem>>, vector<16xf32>,
      tpu.vector_store %arg8[%parallel_loop3A_657], %parallel_loop3A_654 {strides = array<i32>} : memref<24576xf32, #tpu.memory_space<vmem>>, vector<16xf32>,
      %parallel_loop3A_659 = arith.mulf %parallel_loop3A_612, %parallel_loop3A_640 : vector<16xf32>
      %parallel_loop3A_660 = arith.constant 6144 : i32
      %parallel_loop3A_661 = arith.addi %parallel_loop3A_660, %parallel_loop3A_71 : i32
      %parallel_loop3A_662 = arith.index_cast %parallel_loop3A_661 : i32 to index
      %parallel_loop3A_663 = tpu.vector_load %arg8[%parallel_loop3A_662] {strides = array<i32>} : memref<24576xf32, #tpu.memory_space<vmem>>, vector<16xf32>,
      tpu.vector_store %arg8[%parallel_loop3A_662], %parallel_loop3A_659 {strides = array<i32>} : memref<24576xf32, #tpu.memory_space<vmem>>, vector<16xf32>,
      %parallel_loop3A_664 = arith.mulf %parallel_loop3A_615, %parallel_loop3A_640 : vector<16xf32>
      %parallel_loop3A_665 = arith.constant 8192 : i32
      %parallel_loop3A_666 = arith.addi %parallel_loop3A_665, %parallel_loop3A_71 : i32
      %parallel_loop3A_667 = arith.index_cast %parallel_loop3A_666 : i32 to index
      %parallel_loop3A_668 = tpu.vector_load %arg8[%parallel_loop3A_667] {strides = array<i32>} : memref<24576xf32, #tpu.memory_space<vmem>>, vector<16xf32>,
      tpu.vector_store %arg8[%parallel_loop3A_667], %parallel_loop3A_664 {strides = array<i32>} : memref<24576xf32, #tpu.memory_space<vmem>>, vector<16xf32>,
      %parallel_loop3A_669 = arith.mulf %parallel_loop3A_618, %parallel_loop3A_640 : vector<16xf32>
      %parallel_loop3A_670 = arith.constant 10240 : i32
      %parallel_loop3A_671 = arith.addi %parallel_loop3A_670, %parallel_loop3A_71 : i32
      %parallel_loop3A_672 = arith.index_cast %parallel_loop3A_671 : i32 to index
      %parallel_loop3A_673 = tpu.vector_load %arg8[%parallel_loop3A_672] {strides = array<i32>} : memref<24576xf32, #tpu.memory_space<vmem>>, vector<16xf32>,
      tpu.vector_store %arg8[%parallel_loop3A_672], %parallel_loop3A_669 {strides = array<i32>} : memref<24576xf32, #tpu.memory_space<vmem>>, vector<16xf32>,
      %parallel_loop3A_674 = arith.mulf %parallel_loop3A_621, %parallel_loop3A_640 : vector<16xf32>
      %parallel_loop3A_675 = arith.constant 12288 : i32
      %parallel_loop3A_676 = arith.addi %parallel_loop3A_675, %parallel_loop3A_71 : i32
      %parallel_loop3A_677 = arith.index_cast %parallel_loop3A_676 : i32 to index
      %parallel_loop3A_678 = tpu.vector_load %arg8[%parallel_loop3A_677] {strides = array<i32>} : memref<24576xf32, #tpu.memory_space<vmem>>, vector<16xf32>,
      tpu.vector_store %arg8[%parallel_loop3A_677], %parallel_loop3A_674 {strides = array<i32>} : memref<24576xf32, #tpu.memory_space<vmem>>, vector<16xf32>,
      %parallel_loop3A_679 = arith.mulf %parallel_loop3A_624, %parallel_loop3A_640 : vector<16xf32>
      %parallel_loop3A_680 = arith.constant 14336 : i32
      %parallel_loop3A_681 = arith.addi %parallel_loop3A_680, %parallel_loop3A_71 : i32
      %parallel_loop3A_682 = arith.index_cast %parallel_loop3A_681 : i32 to index
      %parallel_loop3A_683 = tpu.vector_load %arg8[%parallel_loop3A_682] {strides = array<i32>} : memref<24576xf32, #tpu.memory_space<vmem>>, vector<16xf32>,
      tpu.vector_store %arg8[%parallel_loop3A_682], %parallel_loop3A_679 {strides = array<i32>} : memref<24576xf32, #tpu.memory_space<vmem>>, vector<16xf32>,
      %parallel_loop3A_684 = arith.mulf %parallel_loop3A_627, %parallel_loop3A_640 : vector<16xf32>
      %parallel_loop3A_685 = arith.constant 16384 : i32
      %parallel_loop3A_686 = arith.addi %parallel_loop3A_685, %parallel_loop3A_71 : i32
      %parallel_loop3A_687 = arith.index_cast %parallel_loop3A_686 : i32 to index
      %parallel_loop3A_688 = tpu.vector_load %arg8[%parallel_loop3A_687] {strides = array<i32>} : memref<24576xf32, #tpu.memory_space<vmem>>, vector<16xf32>,
      tpu.vector_store %arg8[%parallel_loop3A_687], %parallel_loop3A_684 {strides = array<i32>} : memref<24576xf32, #tpu.memory_space<vmem>>, vector<16xf32>,
      %parallel_loop3A_689 = arith.mulf %parallel_loop3A_630, %parallel_loop3A_640 : vector<16xf32>
      %parallel_loop3A_690 = arith.constant 18432 : i32
      %parallel_loop3A_691 = arith.addi %parallel_loop3A_690, %parallel_loop3A_71 : i32
      %parallel_loop3A_692 = arith.index_cast %parallel_loop3A_691 : i32 to index
      %parallel_loop3A_693 = tpu.vector_load %arg8[%parallel_loop3A_692] {strides = array<i32>} : memref<24576xf32, #tpu.memory_space<vmem>>, vector<16xf32>,
      tpu.vector_store %arg8[%parallel_loop3A_692], %parallel_loop3A_689 {strides = array<i32>} : memref<24576xf32, #tpu.memory_space<vmem>>, vector<16xf32>,
      %parallel_loop3A_694 = arith.mulf %parallel_loop3A_633, %parallel_loop3A_640 : vector<16xf32>
      %parallel_loop3A_695 = arith.constant 20480 : i32
      %parallel_loop3A_696 = arith.addi %parallel_loop3A_695, %parallel_loop3A_71 : i32
      %parallel_loop3A_697 = arith.index_cast %parallel_loop3A_696 : i32 to index
      %parallel_loop3A_698 = tpu.vector_load %arg8[%parallel_loop3A_697] {strides = array<i32>} : memref<24576xf32, #tpu.memory_space<vmem>>, vector<16xf32>,
      tpu.vector_store %arg8[%parallel_loop3A_697], %parallel_loop3A_694 {strides = array<i32>} : memref<24576xf32, #tpu.memory_space<vmem>>, vector<16xf32>,
      %parallel_loop3A_699 = arith.mulf %parallel_loop3A_636, %parallel_loop3A_640 : vector<16xf32>
      %parallel_loop3A_700 = arith.constant 22528 : i32
      %parallel_loop3A_701 = arith.addi %parallel_loop3A_700, %parallel_loop3A_71 : i32
      %parallel_loop3A_702 = arith.index_cast %parallel_loop3A_701 : i32 to index
      %parallel_loop3A_703 = tpu.vector_load %arg8[%parallel_loop3A_702] {strides = array<i32>} : memref<24576xf32, #tpu.memory_space<vmem>>, vector<16xf32>,
      tpu.vector_store %arg8[%parallel_loop3A_702], %parallel_loop3A_699 {strides = array<i32>} : memref<24576xf32, #tpu.memory_space<vmem>>, vector<16xf32>,
    } {sc.loop_unroll_factor = 2 : i64, sc.parallel_access}
    "tpu.trace_stop"() : () -> ()
    "tpu.trace_start"() <{level = 10 : i32, message = "out_dma"}> : () -> ()
    "tpu.region"() ({
      %run_scoped3A = tpu.sem_alloc : memref<!tpu.dma_semaphore, #tpu.memory_space<semaphore_mem>>
      %dma_start3A_69 = arith.constant 0 : i32
      %dma_start3A_70 = tpu.memref_slice %arg5[%add3A, %dma_start3A_69] : memref<32x24576xf32, #tpu.memory_space<hbm>> -> memref<1x24576xf32, #tpu.memory_space<hbm>>
      %dma_start3A_71 = tpu.memref_squeeze %dma_start3A_70 : memref<1x24576xf32, #tpu.memory_space<hbm>> -> memref<24576xf32, #tpu.memory_space<hbm>>
      %dma_start3A_72 = arith.constant 0 : i32
      %dma_start3A_73 = tpu.memref_slice %arg5[%add3A, %dma_start3A_72] : memref<32x24576xf32, #tpu.memory_space<hbm>> -> memref<1x24576xf32, #tpu.memory_space<hbm>>
      %dma_start3A_74 = tpu.memref_squeeze %dma_start3A_73 : memref<1x24576xf32, #tpu.memory_space<hbm>> -> memref<24576xf32, #tpu.memory_space<hbm>>
      tpu.enqueue_dma source(%arg8 : memref<24576xf32, #tpu.memory_space<vmem>>) target(%dma_start3A_74 : memref<24576xf32, #tpu.memory_space<hbm>>) target_semaphore(%run_scoped3A : memref<!tpu.dma_semaphore, #tpu.memory_space<semaphore_mem>>)
      %dma_wait3A_75 = arith.constant 0 : i32
      %dma_wait3A_76 = tpu.memref_slice %arg5[%add3A, %dma_wait3A_75] : memref<32x24576xf32, #tpu.memory_space<hbm>> -> memref<1x24576xf32, #tpu.memory_space<hbm>>
      %dma_wait3A_77 = tpu.memref_squeeze %dma_wait3A_76 : memref<1x24576xf32, #tpu.memory_space<hbm>> -> memref<24576xf32, #tpu.memory_space<hbm>>
      %dma_wait3A_78 = arith.constant 0 : i32
      %dma_wait3A_79 = tpu.memref_slice %arg5[%add3A, %dma_wait3A_78] : memref<32x24576xf32, #tpu.memory_space<hbm>> -> memref<1x24576xf32, #tpu.memory_space<hbm>>
      %dma_wait3A_80 = tpu.memref_squeeze %dma_wait3A_79 : memref<1x24576xf32, #tpu.memory_space<hbm>> -> memref<24576xf32, #tpu.memory_space<hbm>>
      tpu.wait_dma2 semaphore(%run_scoped3A : memref<!tpu.dma_semaphore, #tpu.memory_space<semaphore_mem>>) src(%arg8 : memref<24576xf32, #tpu.memory_space<vmem>>) dst(%dma_wait3A_80 : memref<24576xf32, #tpu.memory_space<hbm>>)
      tpu.yield
    }) : () -> ()
    "tpu.trace_stop"() : () -> ()
    return
  }
}

</mosaic_0001>

<sc_bundles>
// kernel: kernel.3.cloned.1.call-start
scs
__scs_entry_jumppad:
0x0: {  	(pc) =	sbr.rel $0x88, $3  }
0x1: {  	(tag) =	ssettag $0x0;
	lr =	simm.s32 $0x1  }
0x2: {  	[smem:$0x3F9E] =	sst lr;
	_ =	strace $0xD0000000  }
0x3: {  	_ = 	snop  }
0x4: {  	_ = 	snop  }
0x5: {  	_ = 	snop  }
0x6: {  	_ = 	snop  }
0x7: {  	_ = 	snop  }
__scs_overlays_trampoline_lowered:
0x8: {  	[smem:$0x3FAD] =	sst s0  }
0x9: {  	[smem:$0x3FAE] =	sst s1  }
0xa: {  	[smem:$0x3FAF] =	sst s2  }
0xb: {  	[smem:$0x3FB0] =	sst s3  }
0xc: {  	[smem:$0x3FB1] =	sst s4  }
0xd: {  	[smem:$0x3FB2] =	sst s5  }
0xe: {  	[smem:$0x3FB3] =	sst s6  }
0xf: {  	[smem:$0x3FB4] =	sst s7  }
0x10: {  	[smem:$0x3FB5] =	sst s8  }
0x11: {  	[smem:$0x3FB6] =	sst s9;
	s0 =	simm.s32 @!p0 $0x0  }
0x12: {  	s1 =	sld [smem:$0x3F9C];
	s0 =	simm.s32 @p0 $0x1  }
0x13: {  	[smem:$0x3FB7] =	sst s0;
	s0 =	simm.s32 @!p1 $0x0  }
0x14: {  	s2 =	sld [smem:$0x3F9B];
	s0 =	simm.s32 @p1 $0x1  }
0x15: {  	[smem:$0x3FB8] =	sst s0;
	s0 =	simm.s32 @!p2 $0x0  }
0x16: {  	s3 =	sld [smem:$0x3FDB];
	s0 =	simm.s32 @p2 $0x1  }
0x17: {  	s4 =	simm.s32 $0x1BF5;
	[smem:$0x3FBA] =	sst s0  }
0x18: {  	s0 =	sld [smem:$0x3F9D];
	_ =	swait.ge [sflag:s4], $0x0  }
0x19: {  	s7 =	sld [smem:$0x3F9E]  }
0x1a: {  	s8 =	sadd.s32 $0xFFFFE003, lr  }
0x1b: {  	s9 =	sadd.s32 $0xFFFFFEF7, lr;
	s5 =	simm.s32 $0xFFFFFFFF;
	p2 =	slt.u32 s8, $0xFFFFF086  }
0x1c: {  	p1 =	slt.u32 s9, $0xF7A;
	s5 =	simm.s32 @!p2 $0x0  }
0x1d: {  	s5 =	simm.s32 @p1 $0x1;
	p0 =	seq.s32 s7, s2  }
0x1e: {  	s7 =	smul.u32 @!p0 $0xF7A, s2;
	p2 =	seq.s32 @!p0 s5, $0x0  }
0x1f: {  	s9 =	smul.u32 $0xF7A, s1;
	s8 =	simm.s32 @!p0 $0x1BF5;
	p2 =	por !p2, p0  }
0x20: {  	[sflag:s8] =	ssyncset.s32 @!p0 $0xFFFFF086;
	s6 =	sadd.s32 @!p0 s3, s7;
	s7 =	simm.s32 @!p0 $0x108  }
0x21: {  	s3 =	sadd.s32 s3, s9;
	s6 =	sadd.s32 @!p0 $0x88, s6;
	s7 =	simm.s32 @p2 $0x1082  }
0x22: {  	[simem:s7], [sflag:s8] =	dma.local @!p0 [hbm:s6], $0xF7A  }
0x23: {  	s9 =	sor.u32 $0xD0000000, s2;
	s6 =	simm.s32 $0x108;
	_ =	swait.ge @!p0 [sflag:s8], $0x0  }
0x24: {  	s3 =	sadd.s32 $0x88, s3;
	s6 =	simm.s32 @!p1 $0x1082;
	[sflag:s4] =	ssyncset.s32 $0xFFFFF086  }
0x25: {  	[simem:s6], [sflag:s4] =	dma.local [hbm:s3], $0xF7A  }
0x26: {  	[smem:$0x3F9E] =	sst s1;
	(tag) =	ssettag s2;
	_ =	strace s9  }
0x27: {  	s1 =	sld [smem:$0x3FAE]  }
0x28: {  	s2 =	sld [smem:$0x3FAF]  }
0x29: {  	s4 =	sld [smem:$0x3FB1]  }
0x2a: {  	p0 =	seq.s32 s5, $0x0;
	s5 =	sld [smem:$0x3FB2]  }
0x2b: {  	s6 =	sld [smem:$0x3FB3]  }
0x2c: {  	s7 =	sld [smem:$0x3FB4]  }
0x2d: {  	s3 =	simm.s32 $0x108;
	s8 =	sld [smem:$0x3FB5]  }
0x2e: {  	s3 =	simm.s32 @!p0 $0x1082;
	s9 =	sld [smem:$0x3FB6]  }
0x2f: {  	lr =	sadd.s32 s0, s3;
	s0 =	sld [smem:$0x3FAD]  }
0x30: {  	s3 =	sld [smem:$0x3FB0]  }
0x31: {  	[smem:$0x3FB9] =	sst s10  }
0x32: {  	s10 =	sld [smem:$0x3FB7];
	_ =	sdelay $0x3  }
0x33: {  	p0 =	seq.s32 s10, $0x1;
	s10 =	sld [smem:$0x3FB9];
	_ =	sdelay $0x3  }
0x34: {  	[smem:$0x3FB9] =	sst s10  }
0x35: {  	s10 =	sld [smem:$0x3FB8];
	_ =	sdelay $0x3  }
0x36: {  	p1 =	seq.s32 s10, $0x1;
	s10 =	sld [smem:$0x3FB9];
	_ =	sdelay $0x3  }
0x37: {  	[smem:$0x3FB9] =	sst s10  }
0x38: {  	s10 =	sld [smem:$0x3FBA]  }
0x39: {  	_ = 	snop;
	(pc) =	sbr.ind lr, $3  }
0x3a: {  	_ = 	snop  }
0x3b: {  	_ = 	snop  }
0x3c: {  	p2 =	seq.s32 s10, $0x1;
	s10 =	sld [smem:$0x3FB9]  }
0x3d: {  	_ =	shalt  }
0x3e: {  	_ =	shalt  }
0x3f: {  	_ =	shalt  }
0x40: {  	_ =	shalt  }
0x41: {  	_ =	shalt  }
0x42: {  	_ =	shalt  }
0x43: {  	_ =	shalt  }
0x44: {  	_ =	shalt  }
0x45: {  	_ =	shalt  }
0x46: {  	_ =	shalt  }
0x47: {  	_ =	shalt  }
0x48: {  	_ =	shalt  }
0x49: {  	_ =	shalt  }
0x4a: {  	_ =	shalt  }
0x4b: {  	_ =	shalt  }
0x4c: {  	_ =	shalt  }
0x4d: {  	_ =	shalt  }
0x4e: {  	_ =	shalt  }
0x4f: {  	_ =	shalt  }
0x50: {  	_ =	shalt  }
0x51: {  	_ =	shalt  }
0x52: {  	_ =	shalt  }
0x53: {  	_ =	shalt  }
0x54: {  	_ =	shalt  }
0x55: {  	_ =	shalt  }
0x56: {  	_ =	shalt  }
0x57: {  	_ =	shalt  }
0x58: {  	_ =	shalt  }
0x59: {  	_ =	shalt  }
0x5a: {  	_ =	shalt  }
0x5b: {  	_ =	shalt  }
0x5c: {  	_ =	shalt  }
0x5d: {  	_ =	shalt  }
0x5e: {  	_ =	shalt  }
0x5f: {  	_ =	shalt  }
0x60: {  	_ =	shalt  }
0x61: {  	_ =	shalt  }
0x62: {  	_ =	shalt  }
0x63: {  	_ =	shalt  }
0x64: {  	_ =	shalt  }
0x65: {  	_ =	shalt  }
0x66: {  	_ =	shalt  }
0x67: {  	_ =	shalt  }
0x68: {  	_ =	shalt  }
0x69: {  	_ =	shalt  }
0x6a: {  	_ =	shalt  }
0x6b: {  	_ =	shalt  }
0x6c: {  	_ =	shalt  }
0x6d: {  	_ =	shalt  }
0x6e: {  	_ =	shalt  }
0x6f: {  	_ =	shalt  }
0x70: {  	_ =	shalt  }
0x71: {  	_ =	shalt  }
0x72: {  	_ =	shalt  }
0x73: {  	_ =	shalt  }
0x74: {  	_ =	shalt  }
0x75: {  	_ =	shalt  }
0x76: {  	_ =	shalt  }
0x77: {  	_ =	shalt  }
0x78: {  	_ =	shalt  }
0x79: {  	_ =	shalt  }
0x7a: {  	_ =	shalt  }
0x7b: {  	_ =	shalt  }
0x7c: {  	_ =	shalt  }
0x7d: {  	_ =	shalt  }
0x7e: {  	_ =	shalt  }
0x7f: {  	_ =	shalt  }
0x80: {  	_ =	shalt  }
0x81: {  	_ =	shalt  }
0x82: {  	_ =	shalt  }
0x83: {  	_ =	shalt  }
0x84: {  	_ =	shalt  }
0x85: {  	_ =	shalt  }
0x86: {  	_ =	shalt  }
0x87: {  	_ =	shalt  }
.Lfunc_end0:
.L_simem_size_0:
called_computation_lowered:
.L_overlay_start_0:
0x88: {  	s2 =	sld [smem:$0x3FD9]  }
0x89: {  	s3 =	sld [smem:$0x3FFE];
	_ =	sdelay $0x1  }
0x8a: {  	s1 =	srdreg.scid  }
0x8b: {  	s0 =	sand.u32 $0x1, s1  }
0x8c: {  	s17 =	sshll.u32 s0, $0xA;
	s2 =	sadd.s32 s3, s2  }
0x8d: {  	s2 =	sadd.s32 s2, s17  }
0x8e: {  	[smem:$0x3FC5] =	sst s2  }
0x8f: {  	_ = 	snop  }
0x90: {  	s2 =	sld [smem:$0x3FD0];
	(tm) =	ssettm $0x1  }
0x91: {  	s18 =	sld [smem:$0x3FFB];
	_ =	sdelay $0x3  }
0x92: {  	_ =	strace s18  }
0x93: {  	s3 =	sld [smem:$0x3FFC];
	_ =	sdelay $0x3  }
0x94: {  	_ =	strace s3  }
0x95: {  	s3 =	sld [smem:$0x3FFD];
	_ =	sdelay $0x3  }
0x96: {  	_ =	strace s3  }
0x97: {  	_ =	strace $0x8FFFFFFF  }
0x98: {  	s19 =	sld [smem:$0x3FDB];
	_ =	sdelay $0x1  }
0x99: {  	s4 =	simm.s32 $_scs_section_size  }
0x9a: {  	s5 =	simm.s32 $_size__tile_overlayer_lowered;
	s6 =	simm.s32 $_tile_overlayer_lowered  }
0x9b: {  	s22 =	simm.s32 $0x1BFF;
	s21 =	sshll.u32 s6, $0x1;
	s3 =	sadd.s32 s4, s19  }
0x9c: {  	s7 =	simm.s32 $0x0;
	s20 =	sshll.u32 s5, $0x1;
	s5 =	sadd.s32 s21, s3  }
0x9d: {  	[timem:s7], [sflag:s22] =	dma.local [hbm:s5], s20  }
0x9e: {  	_ =	swait.ge [sflag:s22], s20  }
0x9f: {  	s4 =	ssub.s32 $0x0, s20;
	[sflag:s22] =	ssyncset.done $0x0  }
0xa0: {  	[sflag:s22] =	ssyncadd.s32 s4;
	_ =	sdelay $0x1  }
0xa1: {  	s23 =	simm.s32 $0x1B8B  }
0xa2: {  	_ =	swait.ge [sflag:s23], $0x1  }
0xa3: {  	[sflag:s23] =	ssyncset.done $0x0  }
0xa4: {  	s25 =	simm.s32 $0x1B8E;
	s24 =	sld [smem:$0x3FFE];
	[sflag:s23] =	ssyncadd.s32 $0xFFFFFFFF  }
0xa5: {  	s26 =	simm.s32 $execute0_lowered;
	[smem:$0x3FD2] =	sst s25  }
0xa6: {  	s5 =	sshll.u32 s26, $0x1;
	_ =	strace $0x80000046;
	[dreg:$0x1] =	wrdreg $0xFFFFFFFF  }
0xa7: {  	s28 =	simm.s32 $_size_execute0_lowered;
	s3 =	sadd.s32 s3, s5;
	[dreg:$0x0] =	wrdreg $0x0  }
0xa8: {  	s5 =	sshll.u32 s28, $0x1;
	[dreg:$0x2] =	wrdreg s3  }
0xa9: {  	[dreg:$0x3] =	wrdreg s5  }
0xaa: {  	[dreg:$0x4] =	wrdreg $0xC0  }
0xab: {  	_ =	task [dreg:s7], $0x5FFFF  }
0xac: {  	[dreg:$0x1] =	wrdreg $0xFFFFFFFF  }
0xad: {  	[dreg:$0x0] =	wrdreg $0x60  }
0xae: {  	[dreg:$0x2] =	wrdreg s24  }
0xaf: {  	[dreg:$0x3] =	wrdreg s2  }
0xb0: {  	[dreg:$0x4] =	wrdreg $0x9  }
0xb1: {  	_ =	task.clear_ibuf [dreg:s7], $0x5FFFF;
	_ =	strace $0x90000046  }
0xb2: {  	s29 =	simm.s32 $0x9;
	_ =	strace $0x8000004F  }
0xb3: {  	_ =	swait.ge [sflag:s29], $0x1  }
0xb4: {  	[sflag:s29] =	ssyncadd.s32 $0xFFFFFFFF  }
0xb5: {  	_ =	strace $0x9000004F  }
0xb6: {  	_ =	sfence  }
0xb7: {  	s30 =	sld [smem:$0x0];
	_ =	sdelay $0x2  }
0xb8: {  	s31 =	sshll.u32 s1, $0xD;
	s1 =	sshrl.u32 s1, $0x2  }
0xb9: {  	s3 =	sand.u32 $0x4000, s31;
	s1 =	sadd.s32 s1, s30  }
0xba: {  	s0 =	sor.u32 s3, s0;
	s1 =	sshll.u32 s1, $0x11  }
0xbb: {  	s0 =	sor.u32 s1, s0  }
0xbc: {  	s0 =	sadd.s32 $0x8F2B, s0  }
0xbd: {  	[sflag:s0] =	ssyncadd.remote.s32 $0x1  }
0xbe: {  	_ =	sfence.sel $0xFFFF  }
0xbf: {  	[dreg:$0x0] =	wrdreg $0xFFFFFFFF;
	(pc) =	sbr.abs _section_cstart, $3  }
0xc0: {  	[dreg:$0x1] =	wrdreg $0xFFFFFFFF  }
0xc1: {  	_ =	task.clear_ibuf [dreg:s7], $0x2FFFF;
	_ =	strace $0x9FFFFFFF  }
0xc2: {  	(tm) =	ssettm $0x7FFFFFFF  }
0xc3: {  	_ =	shalt  }
tec
execute0_lowered:
.L_overlay_start_1:
0x0: {  	(tag) =	ssettag $0x1  }
0x1: {  	s3 =	rddreg [dreg:$0x0]  }
0x2: {  	s4 =	rddreg [dreg:$0x1];
	s1 =	srdreg.scid  }
0x3: {  	s0 =	rddreg [dreg:$0x2];
	s2 =	simm.s32 $0x0;
	s9 =	simm.s32 $0x1  }
0x4: {  	s14 =	simm.s32 $0x1C000;
	s15 =	simm.s32 $0x2;
	s16 =	simm.s32 $0x3  }
0x5: {  	s17 =	simm.s32 $0x4;
	s18 =	simm.s32 $0x16000;
	s19 =	simm.s32 $0x0  }
0x6: {  	s5 =	sand.u32 $0x1, s1;
	[smem:$0x7FF] =	sst s2;
	s1 =	stileid.u32  }
0x7: {  	s11 =	sadd.s32 $0x6800, s3;
	s6 =	sshll.u32 s5, $0x4;
	_ =	strace $0x80000047  }
0x8: {  	s7 =	sand.u32 $0x7, s1;
	s21 =	sshll.u32 s1, $0x7;
	s6 =	sor.u32 s1, s6  }
0x9: {  	p1 =	sne.s32 s7, $0x0;
	s8 =	sshrl.u32 s6, $0x3;
	p0 =	seq.s32 s6, $0x0  }
0xa: {  	s5 =	ssub.s32 $0x2, s5;
	s22 =	smul.u32 $0xC000, s8;
	p0 =	por !p1, !p0  }
0xb: {  	s24 =	sshrl.u32 s5, $0x1;
	s10 =	smul.u32 $0x30000, s8;
	p0 =	por !p0, !p0  }
0xc: {  	s6 =	sand.u32 $0x380, s21;
	s13 =	ssub.s32 s5, s24;
	s9 =	simm.s32 @!p0 $0x0  }
0xd: {  	s7 =	sor.u32 s6, s22;
	s6 =	sor.u32 s6, s10;
	s8 =	ssub.s32 s8, s9  }
0xe: {  	s10 =	smax.u32 s13, $0x1;
	s13 =	simm.s32 $0x10000;
	s9 =	smul.u32 $0x3, s8  }
0xf: {  	s7 =	sshrl.u32 s7, $0x3;
	s6 =	sshrl.u32 s6, $0x3;
	s23 =	smul.u32 $0x30000, s8  }
0x10: {  	s7 =	sadd.s32 s7, s3;
	s12 =	sadd.s32 s6, s3;
	s8 =	smul.u32 $0x180, s8  }
0x11: {  	s3 =	simm.s32 $0x1;
	s4 =	sadd.s32 s4, s6;
	s5 =	sadd.s32 $0x800, s7  }
0x12: {  	s25 =	sand.u32 $0xFFF80000, s23;
	s8 =	sand.u32 $0x380, s8;
	s26 =	sadd.s32 $0x1, s9  }
0x13: {  	s9 =	sadd.s32 $0x2, s9;
	s6 =	sor.u32 s8, s25;
	s28 =	sshll.u32 s26, $0x10  }
0x14: {  	s29 =	sshll.u32 s26, $0x7;
	s30 =	sshll.u32 s9, $0x10;
	s9 =	sshll.u32 s9, $0x7  }
0x15: {  	s7 =	sand.u32 $0xFFF80000, s28;
	s8 =	sand.u32 $0x380, s29;
	s31 =	sand.u32 $0xFFF80000, s30  }
0x16: {  	s9 =	sand.u32 $0x380, s9;
	s6 =	sshrl.u32 s6, $0x3;
	s7 =	sor.u32 s8, s7  }
0x17: {  	s8 =	sor.u32 s9, s31;
	s6 =	sadd.s32 s11, s6;
	s9 =	sadd.s32 $0x26800, s12  }
0x18: {  	s12 =	simm.s32 $0x400;
	s7 =	sshrl.u32 s7, $0x3;
	s8 =	sshrl.u32 s8, $0x3  }
0x19: {  	s7 =	sadd.s32 s11, s7;
	s8 =	sadd.s32 s11, s8;
	s11 =	simm.s32 $0x80  }
.LBB2_1:
0x1a: {  	_ =	strace $0x80000048  }
0x1b: {  	[tilespmem:s13], [sflag:$0x1] =	stream.strided.gather [hbm4b:s4+s11], $0x6000, s12, s11, $0x200038;
	[tilespmem:$0x1D800] =	vst v63  }
0x1c: {  	_ = 	snop  }
0x1d: {  	[tilespmem:s14], [sflag:$0x2] =	stream.strided.gather [hbm4b:s5+s11], $0x1800, s12, s11, $0x200038;
	[tilespmem:$0x1D800] =	vst v63  }
0x1e: {  	_ = 	snop  }
0x1f: {  	[tilespmem:s2], [sflag:$0x3] =	stream.strided.gather [hbm4b:s6+s11], $0x10000, s12, s11, $0x200038;
	[tilespmem:$0x1D800] =	vst v63  }
0x20: {  	_ =	swait.ge [sflag:s3], $0x6000  }
0x21: {  	[sflag:s3] =	ssyncset.done $0x0  }
0x22: {  	[sflag:s3] =	ssyncadd.s32 $0xFFFFA000  }
0x23: {  	_ =	swait.ge [sflag:s15], $0x1800  }
0x24: {  	[sflag:s15] =	ssyncset.done $0x0  }
0x25: {  	[sflag:s15] =	ssyncadd.s32 $0xFFFFE800  }
0x26: {  	_ =	swait.ge [sflag:s16], $0x10000  }
0x27: {  	[sflag:s16] =	ssyncset.done $0x0  }
0x28: {  	[sflag:s16] =	ssyncadd.s32 $0xFFFF0000  }
0x29: {  	_ =	strace $0x90000048  }
0x2a: {  	s20 =	simm.s32 $0x0;
	_ =	strace $0x80000049  }
0x2b: {  	v1 =	vld [tilespmem:s20+$0x10030]  }
0x2c: {  	v3 =	vld [tilespmem:s20+$0x10000]  }
0x2d: {  	v4 =	vld [tilespmem:s20+$0x10010]  }
0x2e: {  	v5 =	vld [tilespmem:s20+$0x10020]  }
0x2f: {  	v2 =	vld [tilespmem:s20+$0x1C000]  }
0x30: {  	v0 =	vld [tilespmem:s20+$0x1C010]  }
0x31: {  	v16 =	vld [tilespmem:s20+$0x1C030]  }
0x32: {  	v7 =	vld [tilespmem:s20+$0x10830]  }
0x33: {  	v6 =	vld.idx.msk [tilespmem:v1+s2+$0x0], $0xffff  }
0x34: {  	v8 =	vld [tilespmem:s20+$0x10800]  }
0x35: {  	v1 =	vld [tilespmem:s20+$0x1C020]  }
0x36: {  	v3 =	vld.idx.msk [tilespmem:v3+s2+$0x0], $0xffff  }
0x37: {  	v4 =	vld.idx.msk [tilespmem:v4+s2+$0x0], $0xffff  }
0x38: {  	v5 =	vld.idx.msk [tilespmem:v5+s2+$0x0], $0xffff;
	v6 =	vsub.f32 v6, v16  }
0x39: {  	v9 =	vld [tilespmem:s20+$0x10810]  }
0x3a: {  	v10 =	vld [tilespmem:s20+$0x10820];
	v6 =	vmul.f32 v6, v6  }
0x3b: {  	v3 =	vsub.f32 v3, v2  }
0x3c: {  	v4 =	vsub.f32 v4, v0;
	[tilespmem:s20+$0x16030] =	vst v6  }
0x3d: {  	v5 =	vsub.f32 v5, v1;
	v3 =	vmul.f32 v3, v3;
	v6 =	vld.idx.msk [tilespmem:v7+s2+$0x0], $0xffff  }
0x3e: {  	v4 =	vmul.f32 v4, v4  }
0x3f: {  	v11 =	vld [tilespmem:s20+$0x11030];
	[tilespmem:s20+$0x16000] =	vst v3;
	v3 =	vmul.f32 v5, v5  }
0x40: {  	[tilespmem:s20+$0x16010] =	vst v4;
	v5 =	vld.idx.msk [tilespmem:v8+s2+$0x0], $0xffff  }
0x41: {  	v4 =	vld.idx.msk [tilespmem:v9+s2+$0x0], $0xffff;
	[tilespmem:s20+$0x16020] =	vst v3  }
0x42: {  	v3 =	vsub.f32 v6, v16;
	v6 =	vld.idx.msk [tilespmem:v10+s2+$0x0], $0xffff  }
0x43: {  	v12 =	vld [tilespmem:s20+$0x11820]  }
0x44: {  	v7 =	vld [tilespmem:s20+$0x11000];
	v3 =	vmul.f32 v3, v3  }
0x45: {  	v8 =	vld [tilespmem:s20+$0x11010];
	v5 =	vsub.f32 v5, v2  }
0x46: {  	v9 =	vld [tilespmem:s20+$0x11020];
	[tilespmem:s20+$0x16830] =	vst v3  }
0x47: {  	v5 =	vmul.f32 v5, v5;
	v3 =	vsub.f32 v4, v0;
	v4 =	vld.idx.msk [tilespmem:v11+s2+$0x0], $0xffff;
	v6 =	vsub.f32 v6, v1  }
0x48: {  	v13 =	vld [tilespmem:s20+$0x12020]  }
0x49: {  	[tilespmem:s20+$0x16800] =	vst v5;
	v5 =	vmul.f32 v6, v6;
	v6 =	vld [tilespmem:s20+$0x11830]  }
0x4a: {  	v14 =	vld [tilespmem:s20+$0x12800];
	v3 =	vmul.f32 v3, v3  }
0x4b: {  	v10 =	vld [tilespmem:s20+$0x11800]  }
0x4c: {  	v7 =	vld.idx.msk [tilespmem:v7+s2+$0x0], $0xffff;
	[tilespmem:s20+$0x16810] =	vst v3;
	v4 =	vsub.f32 v4, v16  }
0x4d: {  	v3 =	vld.idx.msk [tilespmem:v8+s2+$0x0], $0xffff  }
0x4e: {  	v11 =	vld [tilespmem:s20+$0x11810];
	[tilespmem:s20+$0x16820] =	vst v5;
	v4 =	vmul.f32 v4, v4  }
0x4f: {  	v5 =	vld.idx.msk [tilespmem:v9+s2+$0x0], $0xffff  }
0x50: {  	v15 =	vld [tilespmem:s20+$0x12030];
	[tilespmem:s20+$0x17030] =	vst v4  }
0x51: {  	v7 =	vsub.f32 v7, v2;
	v4 =	vld.idx.msk [tilespmem:v6+s2+$0x0], $0xffff  }
0x52: {  	v17 =	vld [tilespmem:s20+$0x12820];
	v3 =	vsub.f32 v3, v0  }
0x53: {  	v18 =	vld [tilespmem:s20+$0x13000];
	v6 =	vmul.f32 v7, v7  }
0x54: {  	v19 =	vld [tilespmem:s20+$0x13010];
	v5 =	vsub.f32 v5, v1;
	v3 =	vmul.f32 v3, v3  }
0x55: {  	v20 =	vld [tilespmem:s20+$0x13020];
	[tilespmem:s20+$0x17000] =	vst v6  }
0x56: {  	v5 =	vmul.f32 v5, v5;
	v6 =	vld.idx.msk [tilespmem:v10+s2+$0x0], $0xffff;
	[tilespmem:s20+$0x17010] =	vst v3;
	v4 =	vsub.f32 v4, v16  }
0x57: {  	v3 =	vld.idx.msk [tilespmem:v11+s2+$0x0], $0xffff  }
0x58: {  	v8 =	vld [tilespmem:s20+$0x12000];
	[tilespmem:s20+$0x17020] =	vst v5;
	v4 =	vmul.f32 v4, v4  }
0x59: {  	v5 =	vld.idx.msk [tilespmem:v12+s2+$0x0], $0xffff  }
0x5a: {  	v23 =	vld [tilespmem:s20+$0x13800];
	[tilespmem:s20+$0x17830] =	vst v4  }
0x5b: {  	v4 =	vsub.f32 v6, v2;
	v6 =	vld.idx.msk [tilespmem:v15+s2+$0x0], $0xffff  }
0x5c: {  	v24 =	vld [tilespmem:s20+$0x13810];
	v3 =	vsub.f32 v3, v0  }
0x5d: {  	v10 =	vld [tilespmem:s20+$0x12830];
	v4 =	vmul.f32 v4, v4  }
0x5e: {  	v9 =	vld [tilespmem:s20+$0x12010];
	v5 =	vsub.f32 v5, v1;
	v3 =	vmul.f32 v3, v3  }
0x5f: {  	v25 =	vld [tilespmem:s20+$0x13820];
	[tilespmem:s20+$0x17800] =	vst v4  }
0x60: {  	v4 =	vmul.f32 v5, v5;
	[tilespmem:s20+$0x17810] =	vst v3;
	v5 =	vld.idx.msk [tilespmem:v8+s2+$0x0], $0xffff;
	v3 =	vsub.f32 v6, v16  }
0x61: {  	v22 =	vld [tilespmem:s20+$0x15000]  }
0x62: {  	v21 =	vld [tilespmem:s20+$0x15010];
	[tilespmem:s20+$0x17820] =	vst v4;
	v3 =	vmul.f32 v3, v3  }
0x63: {  	v4 =	vld.idx.msk [tilespmem:v13+s2+$0x0], $0xffff  }
0x64: {  	v28 =	vld [tilespmem:s20+$0x15030];
	[tilespmem:s20+$0x18030] =	vst v3  }
0x65: {  	v3 =	vsub.f32 v5, v2;
	v5 =	vld.idx.msk [tilespmem:v10+s2+$0x0], $0xffff  }
0x66: {  	v6 =	vld.idx.msk [tilespmem:v9+s2+$0x0], $0xffff  }
0x67: {  	v8 =	vld [tilespmem:s20+$0x13030]  }
0x68: {  	s21 =	simm.s32 $0x40;
	v7 =	vld [tilespmem:s20+$0x12810];
	v3 =	vmul.f32 v3, v3;
	v4 =	vsub.f32 v4, v1  }
0x69: {  	v29 =	vld [tilespmem:s21+$0x10830]  }
0x6a: {  	v30 =	vld [tilespmem:s21+$0x10800];
	[tilespmem:s20+$0x18000] =	vst v3;
	v3 =	vmul.f32 v4, v4;
	v5 =	vsub.f32 v5, v16  }
0x6b: {  	v6 =	vsub.f32 v6, v0;
	v4 =	vld.idx.msk [tilespmem:v14+s2+$0x0], $0xffff  }
0x6c: {  	v31 =	vld [tilespmem:s21+$0x10810];
	[tilespmem:s20+$0x18020] =	vst v3;
	v5 =	vmul.f32 v5, v5  }
0x6d: {  	v6 =	vmul.f32 v6, v6;
	v3 =	vld.idx.msk [tilespmem:v17+s2+$0x0], $0xffff  }
0x6e: {  	v32 =	vld [tilespmem:s21+$0x10820];
	[tilespmem:s20+$0x18830] =	vst v5  }
0x6f: {  	[tilespmem:s20+$0x18010] =	vst v6;
	v5 =	vld.idx.msk [tilespmem:v8+s2+$0x0], $0xffff  }
0x70: {  	v6 =	vld.idx.msk [tilespmem:v7+s2+$0x0], $0xffff;
	v4 =	vsub.f32 v4, v2  }
0x71: {  	v7 =	vld [tilespmem:s20+$0x13830]  }
0x72: {  	v54 =	vld [tilespmem:s21+$0x11000];
	v4 =	vmul.f32 v4, v4;
	v3 =	vsub.f32 v3, v1  }
0x73: {  	v55 =	vld [tilespmem:s20+$0x15830]  }
0x74: {  	v57 =	vld [tilespmem:s21+$0x11020];
	[tilespmem:s20+$0x18800] =	vst v4;
	v3 =	vmul.f32 v3, v3;
	v5 =	vsub.f32 v5, v16  }
0x75: {  	v4 =	vld.idx.msk [tilespmem:v18+s2+$0x0], $0xffff  }
0x76: {  	v33 =	vld [tilespmem:s21+$0x11800];
	[tilespmem:s20+$0x18820] =	vst v3;
	v5 =	vmul.f32 v5, v5  }
0x77: {  	v6 =	vsub.f32 v6, v0;
	v3 =	vld.idx.msk [tilespmem:v20+s2+$0x0], $0xffff  }
0x78: {  	v58 =	vld [tilespmem:s21+$0x11810];
	[tilespmem:s20+$0x19030] =	vst v5  }
0x79: {  	v6 =	vmul.f32 v6, v6;
	v5 =	vld.idx.msk [tilespmem:v7+s2+$0x0], $0xffff  }
0x7a: {  	v60 =	vld [tilespmem:s21+$0x11820];
	v4 =	vsub.f32 v4, v2  }
0x7b: {  	v9 =	vld [tilespmem:s20+$0x14030];
	[tilespmem:s20+$0x18810] =	vst v6  }
0x7c: {  	v6 =	vld.idx.msk [tilespmem:v19+s2+$0x0], $0xffff;
	v4 =	vmul.f32 v4, v4;
	v3 =	vsub.f32 v3, v1  }
0x7d: {  	v61 =	vld [tilespmem:s21+$0x11830]  }
0x7e: {  	v62 =	vld [tilespmem:s21+$0x12010];
	[tilespmem:s20+$0x19000] =	vst v4;
	v3 =	vmul.f32 v3, v3;
	v4 =	vsub.f32 v5, v16  }
0x7f: {  	v34 =	vld [tilespmem:s21+$0x12020]  }
0x80: {  	v35 =	vld [tilespmem:s21+$0x12800];
	[tilespmem:s20+$0x19020] =	vst v3;
	v3 =	vmul.f32 v4, v4  }
0x81: {  	v63 =	vld [tilespmem:s21+$0x12810];
	v6 =	vsub.f32 v6, v0  }
0x82: {  	v26 =	vld.idx.msk [tilespmem:v23+s2+$0x0], $0xffff;
	[tilespmem:s20+$0x19830] =	vst v3  }
0x83: {  	v6 =	vmul.f32 v6, v6;
	v3 =	vld.idx.msk [tilespmem:v9+s2+$0x0], $0xffff  }
0x84: {  	v9 =	vld [tilespmem:s21+$0x10030]  }
0x85: {  	[tilespmem:s20+$0x19010] =	vst v6;
	v6 =	vld [tilespmem:s20+$0x14830]  }
0x86: {  	v23 =	vld [tilespmem:s21+$0x10000]  }
0x87: {  	v8 =	vld.idx.msk [tilespmem:v24+s2+$0x0], $0xffff  }
0x88: {  	v24 =	vld [tilespmem:s21+$0x10010];
	v3 =	vsub.f32 v3, v16  }
0x89: {  	v7 =	vld.idx.msk [tilespmem:v25+s2+$0x0], $0xffff  }
0x8a: {  	v25 =	vld [tilespmem:s21+$0x10020];
	v27 =	vmul.f32 v3, v3  }
0x8b: {  	v5 =	vld [tilespmem:s21+$0x1C000]  }
0x8c: {  	v9 =	vld.idx.msk [tilespmem:v9+s2+$0x0], $0xffff;
	[tilespmem:s20+$0x1A030] =	vst v27  }
0x8d: {  	v27 =	vld.idx.msk [tilespmem:v6+s2+$0x0], $0xffff  }
0x8e: {  	v6 =	vld [tilespmem:s21+$0x1C030]  }
0x8f: {  	v4 =	vld [tilespmem:s21+$0x1C010]  }
0x90: {  	v23 =	vld.idx.msk [tilespmem:v23+s2+$0x0], $0xffff  }
0x91: {  	v24 =	vld.idx.msk [tilespmem:v24+s2+$0x0], $0xffff  }
0x92: {  	v25 =	vld.idx.msk [tilespmem:v25+s2+$0x0], $0xffff;
	v27 =	vsub.f32 v27, v16  }
0x93: {  	v3 =	vld [tilespmem:s21+$0x1C020];
	v9 =	vsub.f32 v9, v6  }
0x94: {  	v36 =	vld [tilespmem:s21+$0x12820];
	v27 =	vmul.f32 v27, v27  }
0x95: {  	v43 =	vld [tilespmem:s21+$0x12030];
	v23 =	vsub.f32 v23, v5;
	v9 =	vmul.f32 v9, v9  }
0x96: {  	v44 =	vld [tilespmem:s21+$0x13000];
	v24 =	vsub.f32 v24, v4;
	[tilespmem:s20+$0x1A830] =	vst v27  }
0x97: {  	v23 =	vmul.f32 v23, v23;
	[tilespmem:s21+$0x16030] =	vst v9;
	v9 =	vld.idx.msk [tilespmem:v28+s2+$0x0], $0xffff  }
0x98: {  	v24 =	vmul.f32 v24, v24;
	v25 =	vsub.f32 v25, v3;
	v27 =	vld.idx.msk [tilespmem:v29+s2+$0x0], $0xffff  }
0x99: {  	v45 =	vld [tilespmem:s21+$0x13010];
	[tilespmem:s21+$0x16000] =	vst v23  }
0x9a: {  	[tilespmem:s21+$0x16010] =	vst v24;
	v23 =	vmul.f32 v25, v25;
	v25 =	vld [tilespmem:s21+$0x11030]  }
0x9b: {  	v24 =	vld.idx.msk [tilespmem:v31+s2+$0x0], $0xffff  }
0x9c: {  	v30 =	vld.idx.msk [tilespmem:v30+s2+$0x0], $0xffff;
	v9 =	vsub.f32 v9, v16  }
0x9d: {  	[tilespmem:s21+$0x16020] =	vst v23;
	v23 =	vsub.f32 v27, v6;
	v27 =	vld [tilespmem:s21+$0x11010]  }
0x9e: {  	v56 =	vld.idx.msk [tilespmem:v32+s2+$0x0], $0xffff;
	v9 =	vmul.f32 v9, v9  }
0x9f: {  	v37 =	vld [tilespmem:s21+$0x13020];
	v23 =	vmul.f32 v23, v23  }
0xa0: {  	v38 =	vld [tilespmem:s21+$0x13800];
	v24 =	vsub.f32 v24, v4;
	[tilespmem:s20+$0x1B030] =	vst v9  }
0xa1: {  	v47 =	vld [tilespmem:s21+$0x13810];
	v9 =	vsub.f32 v30, v5;
	[tilespmem:s21+$0x16830] =	vst v23  }
0xa2: {  	v24 =	vmul.f32 v24, v24;
	v25 =	vld.idx.msk [tilespmem:v25+s2+$0x0], $0xffff  }
0xa3: {  	v39 =	vld [tilespmem:s21+$0x13820];
	v59 =	vsub.f32 v56, v3;
	v9 =	vmul.f32 v9, v9  }
0xa4: {  	v48 =	vld [tilespmem:s21+$0x12830];
	[tilespmem:s21+$0x16810] =	vst v24  }
0xa5: {  	[tilespmem:s21+$0x16800] =	vst v9;
	v9 =	vmul.f32 v59, v59;
	v24 =	vld.idx.msk [tilespmem:v27+s2+$0x0], $0xffff  }
0xa6: {  	v28 =	vld.idx.msk [tilespmem:v54+s2+$0x0], $0xffff  }
0xa7: {  	v11 =	vld [tilespmem:s20+$0x14020];
	[tilespmem:s21+$0x16820] =	vst v9;
	v25 =	vsub.f32 v25, v6  }
0xa8: {  	v9 =	vld.idx.msk [tilespmem:v57+s2+$0x0], $0xffff  }
0xa9: {  	v12 =	vld [tilespmem:s20+$0x14000];
	v25 =	vmul.f32 v25, v25  }
0xaa: {  	v15 =	vld [tilespmem:s20+$0x14800];
	v24 =	vsub.f32 v24, v4  }
0xab: {  	v13 =	vld [tilespmem:s20+$0x14820];
	v28 =	vsub.f32 v28, v5;
	[tilespmem:s21+$0x17030] =	vst v25  }
0xac: {  	v25 =	vld.idx.msk [tilespmem:v61+s2+$0x0], $0xffff;
	v24 =	vmul.f32 v24, v24  }
0xad: {  	v10 =	vld [tilespmem:s20+$0x14010];
	v28 =	vmul.f32 v28, v28;
	v9 =	vsub.f32 v9, v3  }
0xae: {  	v14 =	vld [tilespmem:s20+$0x14810];
	[tilespmem:s21+$0x17010] =	vst v24  }
0xaf: {  	[tilespmem:s21+$0x17000] =	vst v28;
	v9 =	vmul.f32 v9, v9;
	v24 =	vld.idx.msk [tilespmem:v58+s2+$0x0], $0xffff  }
0xb0: {  	v33 =	vld.idx.msk [tilespmem:v33+s2+$0x0], $0xffff  }
0xb1: {  	v27 =	vld [tilespmem:s21+$0x12000];
	[tilespmem:s21+$0x17020] =	vst v9;
	v25 =	vsub.f32 v25, v6  }
0xb2: {  	v9 =	vld.idx.msk [tilespmem:v60+s2+$0x0], $0xffff  }
0xb3: {  	v17 =	vld [tilespmem:s20+$0x15020];
	v25 =	vmul.f32 v25, v25  }
0xb4: {  	v23 =	vld.idx.msk [tilespmem:v55+s2+$0x0], $0xffff;
	v24 =	vsub.f32 v24, v4  }
0xb5: {  	v18 =	vld [tilespmem:s20+$0x15820];
	v33 =	vsub.f32 v33, v5;
	[tilespmem:s21+$0x17830] =	vst v25  }
0xb6: {  	v25 =	vld.idx.msk [tilespmem:v43+s2+$0x0], $0xffff;
	v24 =	vmul.f32 v24, v24  }
0xb7: {  	v19 =	vld [tilespmem:s20+$0x15810];
	v46 =	vmul.f32 v33, v33;
	v9 =	vsub.f32 v9, v3  }
0xb8: {  	v20 =	vld [tilespmem:s20+$0x15800];
	[tilespmem:s21+$0x17810] =	vst v24;
	v24 =	vsub.f32 v26, v2  }
0xb9: {  	v50 =	vsub.f32 v7, v1;
	v7 =	vld [tilespmem:s21+$0x14010];
	v16 =	vsub.f32 v23, v16;
	[tilespmem:s21+$0x17800] =	vst v46;
	v9 =	vmul.f32 v9, v9  }
0xba: {  	v27 =	vld.idx.msk [tilespmem:v27+s2+$0x0], $0xffff;
	v24 =	vmul.f32 v24, v24  }
0xbb: {  	v16 =	vmul.f32 v16, v16;
	v26 =	vld.idx.msk [tilespmem:v62+s2+$0x0], $0xffff;
	[tilespmem:s21+$0x17820] =	vst v9;
	v9 =	vsub.f32 v25, v6  }
0xbc: {  	v25 =	vsub.f32 v8, v0;
	v49 =	vld.idx.msk [tilespmem:v34+s2+$0x0], $0xffff;
	[tilespmem:s20+$0x19800] =	vst v24;
	v24 =	vmul.f32 v50, v50  }
0xbd: {  	[tilespmem:s20+$0x1B830] =	vst v16;
	v16 =	vld [tilespmem:s21+$0x15810];
	v40 =	vmul.f32 v9, v9  }
0xbe: {  	v8 =	vld [tilespmem:s21+$0x14000];
	v25 =	vmul.f32 v25, v25;
	[tilespmem:s20+$0x19820] =	vst v24  }
0xbf: {  	[tilespmem:s21+$0x18030] =	vst v40;
	v27 =	vsub.f32 v27, v5;
	v11 =	vld.idx.msk [tilespmem:v11+s2+$0x0], $0xffff  }
0xc0: {  	v12 =	vld.idx.msk [tilespmem:v12+s2+$0x0], $0xffff;
	[tilespmem:s20+$0x19810] =	vst v25;
	v25 =	vsub.f32 v26, v4  }
0xc1: {  	v26 =	vld.idx.msk [tilespmem:v48+s2+$0x0], $0xffff;
	v24 =	vmul.f32 v27, v27;
	v27 =	vsub.f32 v49, v3  }
0xc2: {  	v9 =	vld [tilespmem:s21+$0x14020];
	v25 =	vmul.f32 v25, v25  }
0xc3: {  	v10 =	vld.idx.msk [tilespmem:v10+s2+$0x0], $0xffff;
	[tilespmem:s21+$0x18000] =	vst v24;
	v24 =	vmul.f32 v27, v27  }
0xc4: {  	v27 =	vld [tilespmem:s21+$0x13030];
	[tilespmem:s21+$0x18010] =	vst v25;
	v54 =	vsub.f32 v11, v1  }
0xc5: {  	v51 =	vld.idx.msk [tilespmem:v35+s2+$0x0], $0xffff;
	[tilespmem:s21+$0x18020] =	vst v24;
	v24 =	vsub.f32 v12, v2  }
0xc6: {  	v25 =	vld.idx.msk [tilespmem:v63+s2+$0x0], $0xffff;
	v26 =	vsub.f32 v26, v6;
	v55 =	vmul.f32 v54, v54  }
0xc7: {  	v52 =	vld.idx.msk [tilespmem:v36+s2+$0x0], $0xffff;
	v24 =	vmul.f32 v24, v24  }
0xc8: {  	v11 =	vld [tilespmem:s21+$0x14820];
	v53 =	vsub.f32 v10, v0;
	v26 =	vmul.f32 v26, v26;
	[tilespmem:s20+$0x1A020] =	vst v55  }
0xc9: {  	v12 =	vld [tilespmem:s21+$0x14800];
	[tilespmem:s20+$0x1A000] =	vst v24  }
0xca: {  	v24 =	vmul.f32 v53, v53;
	[tilespmem:s21+$0x18830] =	vst v26;
	v26 =	vsub.f32 v51, v5;
	v28 =	vld.idx.msk [tilespmem:v13+s2+$0x0], $0xffff  }
0xcb: {  	v25 =	vsub.f32 v25, v4;
	v15 =	vld.idx.msk [tilespmem:v15+s2+$0x0], $0xffff  }
0xcc: {  	v27 =	vld.idx.msk [tilespmem:v27+s2+$0x0], $0xffff;
	[tilespmem:s20+$0x1A010] =	vst v24;
	v24 =	vmul.f32 v26, v26;
	v26 =	vsub.f32 v52, v3  }
0xcd: {  	v25 =	vmul.f32 v25, v25;
	v14 =	vld.idx.msk [tilespmem:v14+s2+$0x0], $0xffff  }
0xce: {  	[tilespmem:s21+$0x18800] =	vst v24;
	v13 =	vmul.f32 v26, v26;
	v24 =	vld [tilespmem:s21+$0x13830]  }
0xcf: {  	v10 =	vld [tilespmem:s21+$0x14810];
	[tilespmem:s21+$0x18810] =	vst v25  }
0xd0: {  	v26 =	vld.idx.msk [tilespmem:v44+s2+$0x0], $0xffff;
	[tilespmem:s21+$0x18820] =	vst v13;
	v13 =	vsub.f32 v15, v2  }
0xd1: {  	v25 =	vld.idx.msk [tilespmem:v45+s2+$0x0], $0xffff;
	v27 =	vsub.f32 v27, v6  }
0xd2: {  	v15 =	vld [tilespmem:s21+$0x15000];
	v57 =	vmul.f32 v13, v13;
	v58 =	vsub.f32 v14, v0  }
0xd3: {  	v28 =	vsub.f32 v28, v1;
	v56 =	vld.idx.msk [tilespmem:v37+s2+$0x0], $0xffff;
	v27 =	vmul.f32 v27, v27  }
0xd4: {  	v13 =	vld [tilespmem:s21+$0x15010];
	[tilespmem:s20+$0x1A800] =	vst v57;
	v59 =	vmul.f32 v58, v58  }
0xd5: {  	v26 =	vsub.f32 v26, v5;
	[tilespmem:s21+$0x19030] =	vst v27;
	v22 =	vld.idx.msk [tilespmem:v22+s2+$0x0], $0xffff;
	v27 =	vmul.f32 v28, v28  }
0xd6: {  	v24 =	vld.idx.msk [tilespmem:v24+s2+$0x0], $0xffff;
	[tilespmem:s20+$0x1A810] =	vst v59  }
0xd7: {  	v25 =	vsub.f32 v25, v4;
	v26 =	vmul.f32 v26, v26;
	v21 =	vld.idx.msk [tilespmem:v21+s2+$0x0], $0xffff;
	[tilespmem:s20+$0x1A820] =	vst v27  }
0xd8: {  	v60 =	vsub.f32 v56, v3;
	v27 =	vld.idx.msk [tilespmem:v17+s2+$0x0], $0xffff  }
0xd9: {  	v25 =	vmul.f32 v25, v25;
	[tilespmem:s21+$0x19000] =	vst v26;
	v26 =	vld [tilespmem:s21+$0x14030]  }
0xda: {  	v14 =	vld [tilespmem:s21+$0x15020];
	v17 =	vmul.f32 v60, v60  }
0xdb: {  	[tilespmem:s21+$0x19010] =	vst v25;
	v23 =	vld.idx.msk [tilespmem:v38+s2+$0x0], $0xffff;
	v22 =	vsub.f32 v22, v2  }
0xdc: {  	v25 =	vld.idx.msk [tilespmem:v47+s2+$0x0], $0xffff;
	[tilespmem:s21+$0x19020] =	vst v17;
	v24 =	vsub.f32 v24, v6  }
0xdd: {  	v61 =	vld.idx.msk [tilespmem:v39+s2+$0x0], $0xffff;
	v22 =	vmul.f32 v22, v22;
	v62 =	vsub.f32 v21, v0  }
0xde: {  	v17 =	vld [tilespmem:s21+$0x15800];
	v24 =	vmul.f32 v24, v24;
	v27 =	vsub.f32 v27, v1  }
0xdf: {  	v21 =	vld [tilespmem:s21+$0x15820];
	[tilespmem:s20+$0x1B000] =	vst v22;
	v22 =	vmul.f32 v62, v62  }
0xe0: {  	[tilespmem:s21+$0x19830] =	vst v24;
	v20 =	vld.idx.msk [tilespmem:v20+s2+$0x0], $0xffff;
	v24 =	vmul.f32 v27, v27;
	v27 =	vsub.f32 v23, v5  }
0xe1: {  	v63 =	vsub.f32 v25, v4;
	v23 =	vld.idx.msk [tilespmem:v26+s2+$0x0], $0xffff;
	[tilespmem:s20+$0x1B010] =	vst v22  }
0xe2: {  	v26 =	vsub.f32 v61, v3;
	v19 =	vld.idx.msk [tilespmem:v19+s2+$0x0], $0xffff;
	[tilespmem:s20+$0x1B020] =	vst v24;
	v25 =	vmul.f32 v27, v27  }
0xe3: {  	s22 =	simm.s32 $0x4;
	s23 =	simm.s32 $0x200;
	v24 =	vmul.f32 v63, v63;
	v22 =	vld.idx.msk [tilespmem:v18+s2+$0x0], $0xffff  }
.LBB2_2:
0xe4: {  	s24 =	sshra.s32 s23, $0x2;
	s22 =	sadd.s32 $0x4, s22;
	[tilespmem:s21+$0x19800] =	vst v25;
	v25 =	vmul.f32 v26, v26;
	v26 =	vld [tilespmem:s21+$0x14830];
	v18 =	vmov v21  }
0xe5: {  	v21 =	vld [tilespmem:s24+$0x10030];
	p0 =	slt.u32 s22, $0x7C;
	[tilespmem:s21+$0x19810] =	vst v24  }
0xe6: {  	v20 =	vsub.f32 v20, v2;
	v2 =	vmov v5;
	v24 =	vld [tilespmem:s24+$0x10000];
	[tilespmem:s21+$0x19820] =	vst v25  }
0xe7: {  	v23 =	vsub.f32 v23, v6;
	v25 =	vld [tilespmem:s24+$0x10010]  }
0xe8: {  	v20 =	vmul.f32 v20, v20;
	v19 =	vsub.f32 v19, v0;
	v0 =	vmov v4;
	v27 =	vld [tilespmem:s24+$0x10020]  }
0xe9: {  	v23 =	vmul.f32 v23, v23;
	v22 =	vsub.f32 v22, v1;
	v1 =	vmov v3;
	v5 =	vld [tilespmem:s24+$0x1C000]  }
0xea: {  	v19 =	vmul.f32 v19, v19;
	v4 =	vld [tilespmem:s24+$0x1C010];
	[tilespmem:s20+$0x1B800] =	vst v20  }
0xeb: {  	v20 =	vmul.f32 v22, v22;
	v3 =	vld [tilespmem:s24+$0x1C020];
	[tilespmem:s21+$0x1A030] =	vst v23  }
0xec: {  	v22 =	vld.idx.msk [tilespmem:v26+s2+$0x0], $0xffff;
	[tilespmem:s20+$0x1B810] =	vst v19  }
0xed: {  	v19 =	vld.idx.msk [tilespmem:v21+s2+$0x0], $0xffff;
	[tilespmem:s20+$0x1B820] =	vst v20;
	s20 =	smov.u32 s21;
	s21 =	smov.u32 s24  }
0xee: {  	v20 =	vld [tilespmem:s21+$0x1C030]  }
0xef: {  	v21 =	vld [tilespmem:s20+$0x15030]  }
0xf0: {  	v23 =	vld [tilespmem:s21+$0x10830]  }
0xf1: {  	v24 =	vld.idx.msk [tilespmem:v24+s2+$0x0], $0xffff  }
0xf2: {  	v22 =	vsub.f32 v22, v6;
	v25 =	vld.idx.msk [tilespmem:v25+s2+$0x0], $0xffff  }
0xf3: {  	v26 =	vld.idx.msk [tilespmem:v27+s2+$0x0], $0xffff;
	v19 =	vsub.f32 v19, v20  }
0xf4: {  	v22 =	vmul.f32 v22, v22;
	v27 =	vld [tilespmem:s21+$0x10800]  }
0xf5: {  	v28 =	vld [tilespmem:s21+$0x10810];
	v19 =	vmul.f32 v19, v19  }
0xf6: {  	v29 =	vld [tilespmem:s21+$0x10820];
	[tilespmem:s20+$0x1A830] =	vst v22  }
0xf7: {  	v22 =	vsub.f32 v24, v5;
	[tilespmem:s21+$0x16030] =	vst v19;
	v19 =	vld.idx.msk [tilespmem:v21+s2+$0x0], $0xffff  }
0xf8: {  	v21 =	vsub.f32 v25, v4;
	v23 =	vld.idx.msk [tilespmem:v23+s2+$0x0], $0xffff  }
0xf9: {  	v22 =	vmul.f32 v22, v22;
	v25 =	vsub.f32 v26, v3;
	v24 =	vld [tilespmem:s21+$0x11000]  }
0xfa: {  	v21 =	vmul.f32 v21, v21;
	v26 =	vld [tilespmem:s20+$0x15830]  }
0xfb: {  	[tilespmem:s21+$0x16000] =	vst v22;
	v22 =	vmul.f32 v25, v25;
	v25 =	vld [tilespmem:s21+$0x11030]  }
0xfc: {  	v27 =	vld.idx.msk [tilespmem:v27+s2+$0x0], $0xffff;
	[tilespmem:s21+$0x16010] =	vst v21  }
0xfd: {  	v19 =	vsub.f32 v19, v6;
	v21 =	vld.idx.msk [tilespmem:v28+s2+$0x0], $0xffff;
	[tilespmem:s21+$0x16020] =	vst v22  }
0xfe: {  	v23 =	vsub.f32 v23, v20;
	v22 =	vld.idx.msk [tilespmem:v29+s2+$0x0], $0xffff  }
0xff: {  	v19 =	vmul.f32 v19, v19;
	v28 =	vld [tilespmem:s21+$0x11010]  }
0x100: {  	v23 =	vmul.f32 v23, v23;
	v29 =	vld [tilespmem:s21+$0x11020]  }
0x101: {  	v30 =	vld [tilespmem:s21+$0x11800];
	[tilespmem:s20+$0x1B030] =	vst v19  }
0x102: {  	v19 =	vsub.f32 v27, v5;
	[tilespmem:s21+$0x16830] =	vst v23;
	v23 =	vld.idx.msk [tilespmem:v26+s2+$0x0], $0xffff  }
0x103: {  	v21 =	vsub.f32 v21, v4;
	v25 =	vld.idx.msk [tilespmem:v25+s2+$0x0], $0xffff  }
0x104: {  	v19 =	vmul.f32 v19, v19;
	v22 =	vsub.f32 v22, v3;
	v26 =	vld [tilespmem:s21+$0x11810]  }
0x105: {  	v21 =	vmul.f32 v21, v21;
	v27 =	vld [tilespmem:s21+$0x11820]  }
0x106: {  	[tilespmem:s21+$0x16800] =	vst v19;
	v19 =	vmul.f32 v22, v22;
	v22 =	vld [tilespmem:s21+$0x11830]  }
0x107: {  	v24 =	vld.idx.msk [tilespmem:v24+s2+$0x0], $0xffff;
	[tilespmem:s21+$0x16810] =	vst v21  }
0x108: {  	v21 =	vld.idx.msk [tilespmem:v28+s2+$0x0], $0xffff;
	[tilespmem:s21+$0x16820] =	vst v19;
	v19 =	vsub.f32 v23, v6;
	v6 =	vmov v20  }
0x109: {  	v20 =	vld.idx.msk [tilespmem:v29+s2+$0x0], $0xffff;
	v23 =	vsub.f32 v25, v6  }
0x10a: {  	v25 =	vld [tilespmem:s21+$0x12000];
	v19 =	vmul.f32 v19, v19  }
0x10b: {  	v28 =	vld [tilespmem:s21+$0x12010];
	v23 =	vmul.f32 v23, v23  }
0x10c: {  	v29 =	vld [tilespmem:s21+$0x12020];
	[tilespmem:s20+$0x1B830] =	vst v19  }
0x10d: {  	v19 =	vsub.f32 v24, v5;
	v24 =	vld [tilespmem:s21+$0x12800];
	[tilespmem:s21+$0x17030] =	vst v23  }
0x10e: {  	v21 =	vsub.f32 v21, v4;
	v22 =	vld.idx.msk [tilespmem:v22+s2+$0x0], $0xffff  }
0x10f: {  	v19 =	vmul.f32 v19, v19;
	v20 =	vsub.f32 v20, v3;
	v23 =	vld [tilespmem:s21+$0x12810]  }
0x110: {  	v21 =	vmul.f32 v21, v21;
	v31 =	vld [tilespmem:s21+$0x12820]  }
0x111: {  	[tilespmem:s21+$0x17000] =	vst v19;
	v19 =	vmul.f32 v20, v20;
	v20 =	vld [tilespmem:s21+$0x12030]  }
0x112: {  	v30 =	vld.idx.msk [tilespmem:v30+s2+$0x0], $0xffff;
	[tilespmem:s21+$0x17010] =	vst v21  }
0x113: {  	v21 =	vld.idx.msk [tilespmem:v26+s2+$0x0], $0xffff;
	[tilespmem:s21+$0x17020] =	vst v19  }
0x114: {  	v19 =	vsub.f32 v22, v6;
	v26 =	vld.idx.msk [tilespmem:v27+s2+$0x0], $0xffff  }
0x115: {  	v22 =	vld [tilespmem:s21+$0x13000]  }
0x116: {  	v32 =	vmul.f32 v19, v19;
	v27 =	vld [tilespmem:s21+$0x13010]  }
0x117: {  	v33 =	vld [tilespmem:s21+$0x13020]  }
0x118: {  	v30 =	vsub.f32 v30, v5;
	v19 =	vld [tilespmem:s21+$0x13800];
	[tilespmem:s21+$0x17830] =	vst v32  }
0x119: {  	v21 =	vsub.f32 v21, v4;
	v32 =	vld.idx.msk [tilespmem:v20+s2+$0x0], $0xffff  }
0x11a: {  	v30 =	vmul.f32 v30, v30;
	v26 =	vsub.f32 v26, v3;
	v20 =	vld [tilespmem:s21+$0x13810]  }
0x11b: {  	v34 =	vmul.f32 v21, v21;
	v21 =	vld [tilespmem:s21+$0x13820]  }
0x11c: {  	v26 =	vmul.f32 v26, v26;
	[tilespmem:s21+$0x17800] =	vst v30;
	v30 =	vld [tilespmem:s21+$0x12830]  }
0x11d: {  	v25 =	vld.idx.msk [tilespmem:v25+s2+$0x0], $0xffff;
	[tilespmem:s21+$0x17810] =	vst v34  }
0x11e: {  	v28 =	vld.idx.msk [tilespmem:v28+s2+$0x0], $0xffff;
	[tilespmem:s21+$0x17820] =	vst v26  }
0x11f: {  	v26 =	vld.idx.msk [tilespmem:v29+s2+$0x0], $0xffff;
	v29 =	vsub.f32 v32, v6  }
0x120: {  	v32 =	vld [tilespmem:s21+$0x14000]  }
0x121: {  	v34 =	vld [tilespmem:s21+$0x14010];
	v29 =	vmul.f32 v29, v29  }
0x122: {  	v35 =	vld [tilespmem:s21+$0x14020]  }
0x123: {  	v25 =	vsub.f32 v25, v5;
	[tilespmem:s21+$0x18030] =	vst v29;
	v29 =	vld.idx.msk [tilespmem:v8+s2+$0x0], $0xffff  }
0x124: {  	v28 =	vsub.f32 v28, v4;
	v30 =	vld.idx.msk [tilespmem:v30+s2+$0x0], $0xffff  }
0x125: {  	v25 =	vmul.f32 v25, v25;
	v26 =	vsub.f32 v26, v3;
	v36 =	vld.idx.msk [tilespmem:v7+s2+$0x0], $0xffff;
	v8 =	vmov v32  }
0x126: {  	v28 =	vmul.f32 v28, v28;
	v32 =	vld.idx.msk [tilespmem:v9+s2+$0x0], $0xffff;
	v7 =	vmov v34  }
0x127: {  	[tilespmem:s21+$0x18000] =	vst v25;
	v25 =	vmul.f32 v26, v26;
	v26 =	vld [tilespmem:s21+$0x13030];
	v9 =	vmov v35  }
0x128: {  	v24 =	vld.idx.msk [tilespmem:v24+s2+$0x0], $0xffff;
	[tilespmem:s21+$0x18010] =	vst v28  }
0x129: {  	v23 =	vld.idx.msk [tilespmem:v23+s2+$0x0], $0xffff;
	[tilespmem:s21+$0x18020] =	vst v25;
	v25 =	vsub.f32 v29, v2  }
0x12a: {  	v29 =	vsub.f32 v30, v6;
	v28 =	vld.idx.msk [tilespmem:v31+s2+$0x0], $0xffff  }
0x12b: {  	v31 =	vsub.f32 v36, v0;
	v30 =	vld [tilespmem:s21+$0x14800];
	v25 =	vmul.f32 v25, v25  }
0x12c: {  	v29 =	vmul.f32 v29, v29;
	v32 =	vsub.f32 v32, v1;
	v34 =	vld [tilespmem:s21+$0x14810]  }
0x12d: {  	v35 =	vld [tilespmem:s21+$0x14820];
	[tilespmem:s20+$0x1A000] =	vst v25;
	v25 =	vmul.f32 v31, v31  }
0x12e: {  	v24 =	vsub.f32 v24, v5;
	v31 =	vmul.f32 v32, v32;
	[tilespmem:s21+$0x18830] =	vst v29;
	v29 =	vld.idx.msk [tilespmem:v12+s2+$0x0], $0xffff  }
0x12f: {  	v23 =	vsub.f32 v23, v4;
	v26 =	vld.idx.msk [tilespmem:v26+s2+$0x0], $0xffff;
	[tilespmem:s20+$0x1A010] =	vst v25  }
0x130: {  	v24 =	vmul.f32 v24, v24;
	v25 =	vsub.f32 v28, v3;
	v28 =	vld.idx.msk [tilespmem:v10+s2+$0x0], $0xffff;
	[tilespmem:s20+$0x1A020] =	vst v31;
	v12 =	vmov v30  }
0x131: {  	v23 =	vmul.f32 v23, v23;
	v30 =	vld.idx.msk [tilespmem:v11+s2+$0x0], $0xffff;
	v10 =	vmov v34  }
0x132: {  	[tilespmem:s21+$0x18800] =	vst v24;
	v24 =	vmul.f32 v25, v25;
	v25 =	vld [tilespmem:s21+$0x13830];
	v11 =	vmov v35  }
0x133: {  	v22 =	vld.idx.msk [tilespmem:v22+s2+$0x0], $0xffff;
	[tilespmem:s21+$0x18810] =	vst v23  }
0x134: {  	v23 =	vld.idx.msk [tilespmem:v27+s2+$0x0], $0xffff;
	[tilespmem:s21+$0x18820] =	vst v24;
	v24 =	vsub.f32 v29, v2  }
0x135: {  	v26 =	vsub.f32 v26, v6;
	v27 =	vld.idx.msk [tilespmem:v33+s2+$0x0], $0xffff  }
0x136: {  	v28 =	vsub.f32 v28, v0;
	v29 =	vld [tilespmem:s21+$0x15000];
	v24 =	vmul.f32 v24, v24  }
0x137: {  	v26 =	vmul.f32 v26, v26;
	v30 =	vsub.f32 v30, v1;
	v31 =	vld [tilespmem:s21+$0x15010]  }
0x138: {  	v32 =	vld [tilespmem:s21+$0x15020];
	[tilespmem:s20+$0x1A800] =	vst v24;
	v24 =	vmul.f32 v28, v28  }
0x139: {  	v22 =	vsub.f32 v22, v5;
	v28 =	vmul.f32 v30, v30;
	[tilespmem:s21+$0x19030] =	vst v26;
	v26 =	vld.idx.msk [tilespmem:v15+s2+$0x0], $0xffff  }
0x13a: {  	v23 =	vsub.f32 v23, v4;
	v25 =	vld.idx.msk [tilespmem:v25+s2+$0x0], $0xffff;
	[tilespmem:s20+$0x1A810] =	vst v24  }
0x13b: {  	v22 =	vmul.f32 v22, v22;
	v24 =	vsub.f32 v27, v3;
	v27 =	vld.idx.msk [tilespmem:v13+s2+$0x0], $0xffff;
	[tilespmem:s20+$0x1A820] =	vst v28;
	v15 =	vmov v29  }
0x13c: {  	v23 =	vmul.f32 v23, v23;
	v28 =	vld.idx.msk [tilespmem:v14+s2+$0x0], $0xffff;
	v13 =	vmov v31  }
0x13d: {  	[tilespmem:s21+$0x19000] =	vst v22;
	v22 =	vmul.f32 v24, v24;
	v24 =	vld [tilespmem:s21+$0x14030];
	v14 =	vmov v32  }
0x13e: {  	v19 =	vld.idx.msk [tilespmem:v19+s2+$0x0], $0xffff;
	[tilespmem:s21+$0x19010] =	vst v23  }
0x13f: {  	v23 =	vld.idx.msk [tilespmem:v20+s2+$0x0], $0xffff;
	[tilespmem:s21+$0x19020] =	vst v22;
	v20 =	vsub.f32 v26, v2  }
0x140: {  	v22 =	vld.idx.msk [tilespmem:v21+s2+$0x0], $0xffff;
	v21 =	vsub.f32 v25, v6  }
0x141: {  	v25 =	vsub.f32 v27, v0;
	v29 =	vld [tilespmem:s21+$0x15800];
	v20 =	vmul.f32 v20, v20  }
0x142: {  	v28 =	vsub.f32 v28, v1;
	v27 =	vld [tilespmem:s21+$0x15810];
	v26 =	vmul.f32 v21, v21  }
.Ltmp0:
0x143: {  	v25 =	vmul.f32 v25, v25;
	v21 =	vld [tilespmem:s21+$0x15820];
	[tilespmem:s20+$0x1B000] =	vst v20;
	(pc) =	sbr.rel @p0 .LBB2_2-.Ltmp0, $4  }
0x144: {  	v19 =	vsub.f32 v19, v5;
	v30 =	vmul.f32 v28, v28;
	[tilespmem:s21+$0x19830] =	vst v26;
	v20 =	vld.idx.msk [tilespmem:v17+s2+$0x0], $0xffff  }
0x145: {  	v28 =	vsub.f32 v23, v4;
	v23 =	vld.idx.msk [tilespmem:v24+s2+$0x0], $0xffff;
	[tilespmem:s20+$0x1B010] =	vst v25  }
0x146: {  	v25 =	vmul.f32 v19, v19;
	v26 =	vsub.f32 v22, v3;
	v19 =	vld.idx.msk [tilespmem:v16+s2+$0x0], $0xffff;
	[tilespmem:s20+$0x1B020] =	vst v30;
	v17 =	vmov v29  }
0x147: {  	s23 =	sadd.s32 $0x100, s23;
	v24 =	vmul.f32 v28, v28;
	v22 =	vld.idx.msk [tilespmem:v18+s2+$0x0], $0xffff;
	v16 =	vmov v27  }
0x148: {  	_ =	sdelay $0x2  }
0x149: {  	[tilespmem:s21+$0x19800] =	vst v25;
	v18 =	vmul.f32 v26, v26;
	v25 =	vld [tilespmem:s21+$0x14830]  }
0x14a: {  	[tilespmem:s21+$0x19810] =	vst v24;
	v8 =	vld.idx.msk [tilespmem:v8+s2+$0x0], $0xffff  }
0x14b: {  	[tilespmem:s21+$0x19820] =	vst v18;
	v7 =	vld.idx.msk [tilespmem:v7+s2+$0x0], $0xffff  }
0x14c: {  	v9 =	vld.idx.msk [tilespmem:v9+s2+$0x0], $0xffff;
	_ =	sdelay $0x1  }
0x14d: {  	v18 =	vsub.f32 v23, v6  }
0x14e: {  	v8 =	vsub.f32 v8, v5  }
0x14f: {  	v18 =	vmul.f32 v18, v18;
	v7 =	vsub.f32 v7, v4  }
0x150: {  	v8 =	vmul.f32 v8, v8;
	v9 =	vsub.f32 v9, v3  }
0x151: {  	v23 =	vld [tilespmem:s21+$0x15030];
	[tilespmem:s21+$0x1A030] =	vst v18;
	v7 =	vmul.f32 v7, v7  }
0x152: {  	v18 =	vld.idx.msk [tilespmem:v25+s2+$0x0], $0xffff;
	[tilespmem:s21+$0x1A000] =	vst v8;
	v8 =	vmul.f32 v9, v9  }
0x153: {  	v9 =	vld.idx.msk [tilespmem:v12+s2+$0x0], $0xffff;
	[tilespmem:s21+$0x1A010] =	vst v7  }
0x154: {  	v7 =	vld.idx.msk [tilespmem:v10+s2+$0x0], $0xffff;
	[tilespmem:s21+$0x1A020] =	vst v8  }
0x155: {  	v8 =	vld.idx.msk [tilespmem:v11+s2+$0x0], $0xffff;
	_ =	sdelay $0x1  }
0x156: {  	v10 =	vsub.f32 v18, v6  }
0x157: {  	v9 =	vsub.f32 v9, v5  }
0x158: {  	v10 =	vmul.f32 v10, v10;
	v7 =	vsub.f32 v7, v4  }
0x159: {  	v9 =	vmul.f32 v9, v9;
	v8 =	vsub.f32 v8, v3  }
0x15a: {  	v11 =	vld [tilespmem:s21+$0x15830];
	[tilespmem:s21+$0x1A830] =	vst v10;
	v7 =	vmul.f32 v7, v7  }
0x15b: {  	v10 =	vld.idx.msk [tilespmem:v23+s2+$0x0], $0xffff;
	[tilespmem:s21+$0x1A800] =	vst v9;
	v8 =	vmul.f32 v8, v8  }
0x15c: {  	v9 =	vld.idx.msk [tilespmem:v15+s2+$0x0], $0xffff;
	[tilespmem:s21+$0x1A810] =	vst v7  }
0x15d: {  	v7 =	vld.idx.msk [tilespmem:v13+s2+$0x0], $0xffff;
	[tilespmem:s21+$0x1A820] =	vst v8  }
0x15e: {  	v8 =	vld.idx.msk [tilespmem:v14+s2+$0x0], $0xffff;
	_ =	sdelay $0x1  }
0x15f: {  	v10 =	vsub.f32 v10, v6  }
0x160: {  	v9 =	vsub.f32 v9, v5  }
0x161: {  	v10 =	vmul.f32 v10, v10;
	v7 =	vsub.f32 v7, v4  }
0x162: {  	v9 =	vmul.f32 v9, v9;
	v8 =	vsub.f32 v8, v3  }
0x163: {  	[tilespmem:s21+$0x1B030] =	vst v10;
	v7 =	vmul.f32 v7, v7  }
0x164: {  	v10 =	vld.idx.msk [tilespmem:v11+s2+$0x0], $0xffff;
	[tilespmem:s21+$0x1B000] =	vst v9;
	v8 =	vmul.f32 v8, v8  }
0x165: {  	v9 =	vld.idx.msk [tilespmem:v17+s2+$0x0], $0xffff;
	[tilespmem:s21+$0x1B010] =	vst v7  }
0x166: {  	v2 =	vsub.f32 v20, v2;
	v7 =	vld.idx.msk [tilespmem:v16+s2+$0x0], $0xffff;
	[tilespmem:s21+$0x1B020] =	vst v8  }
0x167: {  	v0 =	vsub.f32 v19, v0;
	v8 =	vld.idx.msk [tilespmem:v21+s2+$0x0], $0xffff  }
0x168: {  	v2 =	vmul.f32 v2, v2;
	v1 =	vsub.f32 v22, v1  }
0x169: {  	v0 =	vmul.f32 v0, v0;
	v6 =	vsub.f32 v10, v6  }
0x16a: {  	[tilespmem:s20+$0x1B800] =	vst v2;
	v1 =	vmul.f32 v1, v1;
	v2 =	vsub.f32 v9, v5  }
0x16b: {  	[tilespmem:s20+$0x1B810] =	vst v0;
	v0 =	vmul.f32 v6, v6;
	v4 =	vsub.f32 v7, v4  }
0x16c: {  	[tilespmem:s20+$0x1B820] =	vst v1;
	v1 =	vmul.f32 v2, v2;
	v2 =	vsub.f32 v8, v3  }
0x16d: {  	[tilespmem:s21+$0x1B830] =	vst v0;
	v0 =	vmul.f32 v4, v4  }
0x16e: {  	[tilespmem:s21+$0x1B800] =	vst v1;
	v1 =	vmul.f32 v2, v2  }
0x16f: {  	[tilespmem:s21+$0x1B810] =	vst v0  }
0x170: {  	[tilespmem:s21+$0x1B820] =	vst v1  }
0x171: {  	_ =	strace $0x90000049  }
0x172: {  	s31 =	simm.s32 $0x0;
	_ =	strace $0x8000004A  }
0x173: {  	[tilespmem:s31], [sflag:$0x4] =	stream.strided.gather [hbm4b:s7+s11], $0x10000, s12, s11, $0x200038;
	[tilespmem:$0x1D800] =	vst v63  }
0x174: {  	_ =	swait.ge [sflag:s17], $0x10000  }
0x175: {  	[sflag:s17] =	ssyncset.done $0x0  }
0x176: {  	[sflag:s17] =	ssyncadd.s32 $0xFFFF0000  }
0x177: {  	_ =	strace $0x9000004A  }
0x178: {  	s20 =	simm.s32 $0x0;
	_ =	strace $0x8000004B  }
0x179: {  	v0 =	vld [tilespmem:s20+$0x10030]  }
0x17a: {  	v1 =	vld [tilespmem:s20+$0x10000]  }
0x17b: {  	v2 =	vld [tilespmem:s20+$0x10010]  }
0x17c: {  	v3 =	vld [tilespmem:s20+$0x10020]  }
0x17d: {  	v8 =	vld [tilespmem:s20+$0x1C800]  }
0x17e: {  	v7 =	vld [tilespmem:s20+$0x1C810]  }
0x17f: {  	v10 =	vld [tilespmem:s20+$0x1C830]  }
0x180: {  	v4 =	vld [tilespmem:s20+$0x16030]  }
0x181: {  	v5 =	vld [tilespmem:s20+$0x10830]  }
0x182: {  	v6 =	vld [tilespmem:s20+$0x16000]  }
0x183: {  	v11 =	vld [tilespmem:s20+$0x16010]  }
0x184: {  	v9 =	vld [tilespmem:s20+$0x1C820]  }
0x185: {  	v12 =	vld [tilespmem:s20+$0x16020]  }
0x186: {  	v13 =	vld [tilespmem:s20+$0x10810]  }
0x187: {  	v14 =	vld [tilespmem:s20+$0x11020]  }
0x188: {  	v15 =	vld [tilespmem:s20+$0x17010]  }
0x189: {  	v16 =	vld [tilespmem:s20+$0x17820]  }
0x18a: {  	v17 =	vld [tilespmem:s20+$0x12800]  }
0x18b: {  	v18 =	vld [tilespmem:s20+$0x13010]  }
0x18c: {  	v19 =	vld [tilespmem:s20+$0x13820]  }
0x18d: {  	v20 =	vld [tilespmem:s20+$0x1A000]  }
0x18e: {  	v21 =	vld [tilespmem:s20+$0x1A800]  }
0x18f: {  	v22 =	vld [tilespmem:s20+$0x1A810]  }
0x190: {  	s21 =	simm.s32 $0x40;
	v23 =	vld [tilespmem:s20+$0x15020]  }
0x191: {  	v25 =	vld [tilespmem:s21+$0x16030]  }
0x192: {  	v0 =	vld.idx.msk [tilespmem:v0+s2+$0x0], $0xffff  }
0x193: {  	v26 =	vld [tilespmem:s21+$0x10830]  }
0x194: {  	v27 =	vld [tilespmem:s21+$0x16000]  }
0x195: {  	v1 =	vld.idx.msk [tilespmem:v1+s2+$0x0], $0xffff  }
0x196: {  	v2 =	vld.idx.msk [tilespmem:v2+s2+$0x0], $0xffff  }
0x197: {  	v29 =	vld [tilespmem:s21+$0x16010];
	v0 =	vsub.f32 v0, v10  }
0x198: {  	v30 =	vld [tilespmem:s21+$0x16020]  }
0x199: {  	v31 =	vld [tilespmem:s21+$0x10810];
	v0 =	vmul.f32 v0, v0  }
0x19a: {  	v3 =	vld.idx.msk [tilespmem:v3+s2+$0x0], $0xffff;
	v1 =	vsub.f32 v1, v8  }
0x19b: {  	v61 =	vld [tilespmem:s21+$0x16830];
	v2 =	vsub.f32 v2, v7;
	v0 =	vadd.f32 v0, v4  }
0x19c: {  	v1 =	vmul.f32 v1, v1;
	v4 =	vld [tilespmem:s20+$0x10800]  }
0x19d: {  	v62 =	vld [tilespmem:s21+$0x11030];
	v2 =	vmul.f32 v2, v2;
	[tilespmem:s20+$0x16030] =	vst v0  }
0x19e: {  	v0 =	vadd.f32 v1, v6;
	v1 =	vld.idx.msk [tilespmem:v5+s2+$0x0], $0xffff  }
0x19f: {  	v3 =	vsub.f32 v3, v9;
	v2 =	vadd.f32 v2, v11;
	v5 =	vld [tilespmem:s20+$0x10820]  }
0x1a0: {  	v63 =	vld [tilespmem:s21+$0x16820]  }
0x1a1: {  	v11 =	vld [tilespmem:s20+$0x11030];
	[tilespmem:s20+$0x16010] =	vst v2;
	v2 =	vmul.f32 v3, v3  }
0x1a2: {  	v3 =	vld [tilespmem:s20+$0x16810]  }
0x1a3: {  	v6 =	vld [tilespmem:s20+$0x16830];
	[tilespmem:s20+$0x16000] =	vst v0;
	v2 =	vadd.f32 v2, v12  }
0x1a4: {  	v4 =	vld.idx.msk [tilespmem:v4+s2+$0x0], $0xffff;
	v1 =	vsub.f32 v1, v10  }
0x1a5: {  	[tilespmem:s20+$0x16020] =	vst v2;
	v2 =	vld.idx.msk [tilespmem:v13+s2+$0x0], $0xffff  }
0x1a6: {  	v0 =	vld [tilespmem:s20+$0x16800];
	v1 =	vmul.f32 v1, v1  }
0x1a7: {  	v5 =	vld.idx.msk [tilespmem:v5+s2+$0x0], $0xffff  }
0x1a8: {  	v13 =	vld [tilespmem:s20+$0x11000];
	v1 =	vadd.f32 v1, v6  }
0x1a9: {  	v6 =	vld [tilespmem:s20+$0x11010];
	v4 =	vsub.f32 v4, v8  }
0x1aa: {  	v12 =	vld [tilespmem:s20+$0x16820];
	[tilespmem:s20+$0x16830] =	vst v1;
	v1 =	vsub.f32 v2, v7  }
0x1ab: {  	v2 =	vld.idx.msk [tilespmem:v11+s2+$0x0], $0xffff;
	v4 =	vmul.f32 v4, v4  }
0x1ac: {  	v36 =	vld [tilespmem:s21+$0x11000];
	v1 =	vmul.f32 v1, v1;
	v5 =	vsub.f32 v5, v9  }
0x1ad: {  	v11 =	vld [tilespmem:s20+$0x17000];
	v0 =	vadd.f32 v4, v0  }
0x1ae: {  	v1 =	vadd.f32 v1, v3;
	v3 =	vmul.f32 v5, v5;
	v5 =	vld [tilespmem:s20+$0x17030]  }
0x1af: {  	[tilespmem:s20+$0x16800] =	vst v0;
	v0 =	vld [tilespmem:s20+$0x11830]  }
0x1b0: {  	v13 =	vld.idx.msk [tilespmem:v13+s2+$0x0], $0xffff;
	[tilespmem:s20+$0x16810] =	vst v1;
	v1 =	vadd.f32 v3, v12;
	v2 =	vsub.f32 v2, v10  }
0x1b1: {  	v3 =	vld.idx.msk [tilespmem:v6+s2+$0x0], $0xffff  }
0x1b2: {  	v4 =	vld [tilespmem:s20+$0x17020];
	[tilespmem:s20+$0x16820] =	vst v1;
	v1 =	vmul.f32 v2, v2  }
0x1b3: {  	v2 =	vld.idx.msk [tilespmem:v14+s2+$0x0], $0xffff  }
0x1b4: {  	v6 =	vld [tilespmem:s20+$0x11800];
	v1 =	vadd.f32 v1, v5  }
0x1b5: {  	v12 =	vld [tilespmem:s20+$0x11810];
	v13 =	vsub.f32 v13, v8  }
0x1b6: {  	v5 =	vld [tilespmem:s20+$0x11820];
	[tilespmem:s20+$0x17030] =	vst v1;
	v1 =	vsub.f32 v3, v7  }
0x1b7: {  	v0 =	vld.idx.msk [tilespmem:v0+s2+$0x0], $0xffff;
	v3 =	vmul.f32 v13, v13  }
0x1b8: {  	v37 =	vld [tilespmem:s21+$0x11010];
	v1 =	vmul.f32 v1, v1;
	v2 =	vsub.f32 v2, v9  }
0x1b9: {  	v14 =	vld [tilespmem:s20+$0x17800];
	v3 =	vadd.f32 v3, v11  }
0x1ba: {  	v1 =	vadd.f32 v1, v15;
	v2 =	vmul.f32 v2, v2;
	v15 =	vld [tilespmem:s20+$0x17830]  }
0x1bb: {  	[tilespmem:s20+$0x17000] =	vst v3;
	v3 =	vld [tilespmem:s20+$0x12030]  }
0x1bc: {  	v6 =	vld.idx.msk [tilespmem:v6+s2+$0x0], $0xffff;
	[tilespmem:s20+$0x17010] =	vst v1;
	v1 =	vadd.f32 v2, v4;
	v0 =	vsub.f32 v0, v10  }
0x1bd: {  	v2 =	vld.idx.msk [tilespmem:v12+s2+$0x0], $0xffff  }
0x1be: {  	v13 =	vld [tilespmem:s20+$0x17810];
	[tilespmem:s20+$0x17020] =	vst v1;
	v0 =	vmul.f32 v0, v0  }
0x1bf: {  	v1 =	vld.idx.msk [tilespmem:v5+s2+$0x0], $0xffff  }
0x1c0: {  	v11 =	vld [tilespmem:s20+$0x12000];
	v0 =	vadd.f32 v0, v15  }
0x1c1: {  	v4 =	vld [tilespmem:s20+$0x12010];
	v6 =	vsub.f32 v6, v8  }
0x1c2: {  	v5 =	vld [tilespmem:s20+$0x12020];
	[tilespmem:s20+$0x17830] =	vst v0;
	v0 =	vsub.f32 v2, v7  }
0x1c3: {  	v2 =	vld.idx.msk [tilespmem:v3+s2+$0x0], $0xffff;
	v3 =	vmul.f32 v6, v6  }
0x1c4: {  	v32 =	vld [tilespmem:s21+$0x11020];
	v1 =	vsub.f32 v1, v9;
	v0 =	vmul.f32 v0, v0  }
0x1c5: {  	v12 =	vld [tilespmem:s20+$0x18000];
	v3 =	vadd.f32 v3, v14  }
0x1c6: {  	v1 =	vmul.f32 v1, v1;
	v0 =	vadd.f32 v0, v13;
	v13 =	vld [tilespmem:s20+$0x18030]  }
0x1c7: {  	[tilespmem:s20+$0x17800] =	vst v3;
	v3 =	vld [tilespmem:s20+$0x12830]  }
0x1c8: {  	v1 =	vadd.f32 v1, v16;
	v11 =	vld.idx.msk [tilespmem:v11+s2+$0x0], $0xffff;
	[tilespmem:s20+$0x17810] =	vst v0;
	v0 =	vsub.f32 v2, v10  }
0x1c9: {  	v2 =	vld.idx.msk [tilespmem:v4+s2+$0x0], $0xffff  }
0x1ca: {  	v15 =	vld [tilespmem:s20+$0x18010];
	[tilespmem:s20+$0x17820] =	vst v1;
	v0 =	vmul.f32 v0, v0  }
0x1cb: {  	v4 =	vld.idx.msk [tilespmem:v5+s2+$0x0], $0xffff  }
0x1cc: {  	v6 =	vld [tilespmem:s20+$0x18020];
	v0 =	vadd.f32 v0, v13  }
0x1cd: {  	v14 =	vld [tilespmem:s20+$0x12810];
	v11 =	vsub.f32 v11, v8  }
0x1ce: {  	v1 =	vld [tilespmem:s20+$0x12820];
	[tilespmem:s20+$0x18030] =	vst v0;
	v0 =	vsub.f32 v2, v7  }
0x1cf: {  	v2 =	vld.idx.msk [tilespmem:v3+s2+$0x0], $0xffff;
	v3 =	vmul.f32 v11, v11  }
0x1d0: {  	v38 =	vld [tilespmem:s21+$0x17000];
	v0 =	vmul.f32 v0, v0;
	v4 =	vsub.f32 v4, v9  }
0x1d1: {  	v16 =	vld [tilespmem:s20+$0x18820];
	v3 =	vadd.f32 v3, v12  }
0x1d2: {  	v0 =	vadd.f32 v0, v15;
	v4 =	vmul.f32 v4, v4;
	v15 =	vld [tilespmem:s20+$0x18830]  }
0x1d3: {  	[tilespmem:s20+$0x18000] =	vst v3;
	v3 =	vld [tilespmem:s20+$0x13030]  }
0x1d4: {  	v17 =	vld.idx.msk [tilespmem:v17+s2+$0x0], $0xffff;
	[tilespmem:s20+$0x18010] =	vst v0;
	v0 =	vadd.f32 v4, v6;
	v2 =	vsub.f32 v2, v10  }
0x1d5: {  	v4 =	vld.idx.msk [tilespmem:v14+s2+$0x0], $0xffff  }
0x1d6: {  	v5 =	vld [tilespmem:s20+$0x18800];
	[tilespmem:s20+$0x18020] =	vst v0;
	v0 =	vmul.f32 v2, v2  }
0x1d7: {  	v1 =	vld.idx.msk [tilespmem:v1+s2+$0x0], $0xffff  }
0x1d8: {  	v11 =	vld [tilespmem:s20+$0x13000];
	v0 =	vadd.f32 v0, v15  }
0x1d9: {  	v13 =	vld [tilespmem:s20+$0x18810];
	v15 =	vsub.f32 v17, v8  }
0x1da: {  	v12 =	vld [tilespmem:s20+$0x13020];
	[tilespmem:s20+$0x18830] =	vst v0;
	v0 =	vsub.f32 v4, v7  }
0x1db: {  	v3 =	vld.idx.msk [tilespmem:v3+s2+$0x0], $0xffff;
	v4 =	vmul.f32 v15, v15  }
0x1dc: {  	v33 =	vld [tilespmem:s21+$0x17010];
	v0 =	vmul.f32 v0, v0;
	v1 =	vsub.f32 v1, v9  }
0x1dd: {  	v6 =	vld [tilespmem:s20+$0x19000];
	v4 =	vadd.f32 v4, v5  }
0x1de: {  	v0 =	vadd.f32 v0, v13;
	v1 =	vmul.f32 v1, v1;
	v13 =	vld [tilespmem:s20+$0x19030]  }
0x1df: {  	[tilespmem:s20+$0x18800] =	vst v4;
	v4 =	vld [tilespmem:s20+$0x13830]  }
0x1e0: {  	v11 =	vld.idx.msk [tilespmem:v11+s2+$0x0], $0xffff;
	[tilespmem:s20+$0x18810] =	vst v0;
	v0 =	vadd.f32 v1, v16;
	v1 =	vsub.f32 v3, v10  }
0x1e1: {  	v3 =	vld.idx.msk [tilespmem:v18+s2+$0x0], $0xffff  }
0x1e2: {  	v2 =	vld [tilespmem:s20+$0x19010];
	[tilespmem:s20+$0x18820] =	vst v0;
	v0 =	vmul.f32 v1, v1  }
0x1e3: {  	v1 =	vld.idx.msk [tilespmem:v12+s2+$0x0], $0xffff  }
0x1e4: {  	v17 =	vld [tilespmem:s20+$0x13800];
	v0 =	vadd.f32 v0, v13  }
0x1e5: {  	v15 =	vld [tilespmem:s20+$0x13810];
	v11 =	vsub.f32 v11, v8  }
0x1e6: {  	v14 =	vld [tilespmem:s20+$0x19020];
	[tilespmem:s20+$0x19030] =	vst v0;
	v0 =	vsub.f32 v3, v7  }
0x1e7: {  	v3 =	vld.idx.msk [tilespmem:v4+s2+$0x0], $0xffff;
	v4 =	vmul.f32 v11, v11  }
0x1e8: {  	v5 =	vld [tilespmem:s20+$0x19800];
	v1 =	vsub.f32 v1, v9;
	v0 =	vmul.f32 v0, v0  }
0x1e9: {  	v16 =	vld [tilespmem:s20+$0x19810];
	v4 =	vadd.f32 v4, v6  }
0x1ea: {  	v1 =	vmul.f32 v1, v1;
	v0 =	vadd.f32 v0, v2;
	v2 =	vld [tilespmem:s20+$0x19830]  }
0x1eb: {  	[tilespmem:s20+$0x19000] =	vst v4;
	v4 =	vld [tilespmem:s20+$0x14030]  }
0x1ec: {  	v1 =	vadd.f32 v1, v14;
	v14 =	vld.idx.msk [tilespmem:v17+s2+$0x0], $0xffff;
	[tilespmem:s20+$0x19010] =	vst v0;
	v0 =	vsub.f32 v3, v10  }
0x1ed: {  	v3 =	vld.idx.msk [tilespmem:v15+s2+$0x0], $0xffff  }
0x1ee: {  	v18 =	vld [tilespmem:s20+$0x14010];
	[tilespmem:s20+$0x19020] =	vst v1;
	v0 =	vmul.f32 v0, v0  }
0x1ef: {  	v15 =	vld.idx.msk [tilespmem:v19+s2+$0x0], $0xffff  }
0x1f0: {  	v12 =	vld [tilespmem:s20+$0x19820];
	v0 =	vadd.f32 v0, v2  }
0x1f1: {  	v13 =	vld [tilespmem:s20+$0x14000];
	v14 =	vsub.f32 v14, v8  }
0x1f2: {  	v11 =	vld [tilespmem:s20+$0x14020];
	[tilespmem:s20+$0x19830] =	vst v0;
	v0 =	vsub.f32 v3, v7  }
0x1f3: {  	v3 =	vld.idx.msk [tilespmem:v4+s2+$0x0], $0xffff;
	v4 =	vmul.f32 v14, v14  }
0x1f4: {  	v39 =	vld [tilespmem:s21+$0x11800];
	v0 =	vmul.f32 v0, v0;
	v14 =	vsub.f32 v15, v9  }
0x1f5: {  	v40 =	vld [tilespmem:s21+$0x11810];
	v4 =	vadd.f32 v4, v5  }
0x1f6: {  	v41 =	vld [tilespmem:s21+$0x17800];
	v0 =	vadd.f32 v0, v16;
	v14 =	vmul.f32 v14, v14  }
0x1f7: {  	v15 =	vld [tilespmem:s20+$0x1A030];
	[tilespmem:s20+$0x19800] =	vst v4  }
0x1f8: {  	v4 =	vld [tilespmem:s20+$0x14830];
	[tilespmem:s20+$0x19810] =	vst v0;
	v0 =	vadd.f32 v14, v12  }
0x1f9: {  	v13 =	vld.idx.msk [tilespmem:v13+s2+$0x0], $0xffff;
	v3 =	vsub.f32 v3, v10  }
0x1fa: {  	v14 =	vld.idx.msk [tilespmem:v18+s2+$0x0], $0xffff;
	[tilespmem:s20+$0x19820] =	vst v0  }
0x1fb: {  	v0 =	vmul.f32 v3, v3;
	v3 =	vld.idx.msk [tilespmem:v11+s2+$0x0], $0xffff  }
0x1fc: {  	v6 =	vld [tilespmem:s20+$0x1A010]  }
0x1fd: {  	v17 =	vld [tilespmem:s20+$0x14800];
	v0 =	vadd.f32 v0, v15  }
0x1fe: {  	v1 =	vld [tilespmem:s20+$0x1A020];
	v13 =	vsub.f32 v13, v8  }
0x1ff: {  	v19 =	vld [tilespmem:s20+$0x14820];
	[tilespmem:s20+$0x1A030] =	vst v0;
	v0 =	vsub.f32 v14, v7  }
0x200: {  	v2 =	vld [tilespmem:s20+$0x14810];
	v15 =	vmul.f32 v13, v13;
	v3 =	vsub.f32 v3, v9  }
0x201: {  	v4 =	vld.idx.msk [tilespmem:v4+s2+$0x0], $0xffff;
	v0 =	vmul.f32 v0, v0  }
0x202: {  	v42 =	vld [tilespmem:s21+$0x17810];
	v16 =	vadd.f32 v15, v20;
	v3 =	vmul.f32 v3, v3  }
0x203: {  	v34 =	vld [tilespmem:s21+$0x17820];
	v0 =	vadd.f32 v0, v6  }
0x204: {  	v20 =	vld [tilespmem:s20+$0x15030];
	[tilespmem:s20+$0x1A000] =	vst v16;
	v1 =	vadd.f32 v3, v1  }
0x205: {  	v6 =	vld [tilespmem:s20+$0x1A830];
	[tilespmem:s20+$0x1A010] =	vst v0  }
0x206: {  	v3 =	vld.idx.msk [tilespmem:v17+s2+$0x0], $0xffff;
	v0 =	vsub.f32 v4, v10;
	[tilespmem:s20+$0x1A020] =	vst v1  }
0x207: {  	v1 =	vld.idx.msk [tilespmem:v19+s2+$0x0], $0xffff  }
0x208: {  	v2 =	vld.idx.msk [tilespmem:v2+s2+$0x0], $0xffff;
	v0 =	vmul.f32 v0, v0  }
0x209: {  	v43 =	vld [tilespmem:s21+$0x12000]  }
0x20a: {  	v44 =	vld [tilespmem:s21+$0x17830];
	v0 =	vadd.f32 v0, v6  }
0x20b: {  	v5 =	vld [tilespmem:s20+$0x1A820];
	v3 =	vsub.f32 v3, v8  }
0x20c: {  	v11 =	vld [tilespmem:s20+$0x15010];
	[tilespmem:s20+$0x1A830] =	vst v0;
	v6 =	vsub.f32 v1, v9  }
0x20d: {  	v2 =	vsub.f32 v2, v7;
	v4 =	vld.idx.msk [tilespmem:v20+s2+$0x0], $0xffff;
	v3 =	vmul.f32 v3, v3  }
0x20e: {  	v45 =	vld [tilespmem:s21+$0x18000];
	v6 =	vmul.f32 v6, v6  }
0x20f: {  	v46 =	vld [tilespmem:s21+$0x18010];
	v2 =	vmul.f32 v2, v2;
	v3 =	vadd.f32 v3, v21  }
0x210: {  	v19 =	vld [tilespmem:s20+$0x1B030];
	v5 =	vadd.f32 v6, v5  }
0x211: {  	v2 =	vadd.f32 v2, v22;
	[tilespmem:s20+$0x1A800] =	vst v3;
	v3 =	vld [tilespmem:s20+$0x15830]  }
0x212: {  	v4 =	vsub.f32 v4, v10;
	[tilespmem:s20+$0x1A820] =	vst v5;
	v5 =	vld [tilespmem:s21+$0x10030]  }
0x213: {  	[tilespmem:s20+$0x1A810] =	vst v2;
	v6 =	vld [tilespmem:s21+$0x10000]  }
0x214: {  	v21 =	vld.idx.msk [tilespmem:v11+s2+$0x0], $0xffff;
	v4 =	vmul.f32 v4, v4  }
0x215: {  	v11 =	vld [tilespmem:s21+$0x10010]  }
0x216: {  	v20 =	vld.idx.msk [tilespmem:v23+s2+$0x0], $0xffff;
	v4 =	vadd.f32 v4, v19  }
0x217: {  	v23 =	vld [tilespmem:s21+$0x10020]  }
0x218: {  	[tilespmem:s20+$0x1B030] =	vst v4;
	v4 =	vld [tilespmem:s21+$0x1C800]  }
0x219: {  	v19 =	vld.idx.msk [tilespmem:v3+s2+$0x0], $0xffff  }
0x21a: {  	v24 =	vld.idx.msk [tilespmem:v5+s2+$0x0], $0xffff  }
0x21b: {  	v5 =	vld [tilespmem:s21+$0x1C830]  }
0x21c: {  	v3 =	vld [tilespmem:s21+$0x1C810]  }
0x21d: {  	v6 =	vld.idx.msk [tilespmem:v6+s2+$0x0], $0xffff  }
0x21e: {  	v11 =	vld.idx.msk [tilespmem:v11+s2+$0x0], $0xffff  }
0x21f: {  	v47 =	vld [tilespmem:s21+$0x18020]  }
0x220: {  	v35 =	vld [tilespmem:s21+$0x12800];
	v24 =	vsub.f32 v24, v5  }
0x221: {  	v23 =	vld.idx.msk [tilespmem:v23+s2+$0x0], $0xffff  }
0x222: {  	v28 =	vsub.f32 v6, v4;
	v6 =	vld [tilespmem:s21+$0x1C820];
	v24 =	vmul.f32 v24, v24  }
0x223: {  	v48 =	vld [tilespmem:s21+$0x12810];
	v11 =	vsub.f32 v11, v3  }
0x224: {  	v28 =	vmul.f32 v28, v28;
	v24 =	vadd.f32 v24, v25;
	v25 =	vld [tilespmem:s21+$0x10800]  }
0x225: {  	v49 =	vld [tilespmem:s21+$0x18030];
	v11 =	vmul.f32 v11, v11  }
0x226: {  	[tilespmem:s21+$0x16030] =	vst v24;
	v24 =	vadd.f32 v28, v27;
	v27 =	vld [tilespmem:s21+$0x10820]  }
0x227: {  	v11 =	vadd.f32 v11, v29;
	v23 =	vsub.f32 v23, v6;
	v26 =	vld.idx.msk [tilespmem:v26+s2+$0x0], $0xffff  }
0x228: {  	v50 =	vld [tilespmem:s21+$0x18810]  }
0x229: {  	v51 =	vld [tilespmem:s21+$0x18820];
	[tilespmem:s21+$0x16010] =	vst v11;
	v11 =	vmul.f32 v23, v23  }
0x22a: {  	v52 =	vld [tilespmem:s21+$0x13000]  }
0x22b: {  	v53 =	vld [tilespmem:s21+$0x13020];
	v11 =	vadd.f32 v11, v30;
	[tilespmem:s21+$0x16000] =	vst v24  }
0x22c: {  	v25 =	vld.idx.msk [tilespmem:v25+s2+$0x0], $0xffff;
	v26 =	vsub.f32 v26, v5  }
0x22d: {  	[tilespmem:s21+$0x16020] =	vst v11;
	v11 =	vld.idx.msk [tilespmem:v31+s2+$0x0], $0xffff  }
0x22e: {  	v54 =	vld [tilespmem:s21+$0x18830];
	v26 =	vmul.f32 v26, v26  }
0x22f: {  	v27 =	vld.idx.msk [tilespmem:v27+s2+$0x0], $0xffff  }
0x230: {  	v24 =	vld [tilespmem:s21+$0x16800];
	v26 =	vadd.f32 v26, v61  }
0x231: {  	v23 =	vld [tilespmem:s21+$0x16810];
	v25 =	vsub.f32 v25, v4  }
0x232: {  	v55 =	vld [tilespmem:s21+$0x19000];
	v11 =	vsub.f32 v11, v3;
	[tilespmem:s21+$0x16830] =	vst v26  }
0x233: {  	v26 =	vld.idx.msk [tilespmem:v62+s2+$0x0], $0xffff;
	v25 =	vmul.f32 v25, v25  }
0x234: {  	v56 =	vld [tilespmem:s21+$0x19020];
	v11 =	vmul.f32 v11, v11;
	v27 =	vsub.f32 v27, v6  }
0x235: {  	v58 =	vld [tilespmem:s21+$0x13800];
	v24 =	vadd.f32 v25, v24  }
0x236: {  	v11 =	vadd.f32 v11, v23;
	v23 =	vmul.f32 v27, v27;
	v27 =	vld [tilespmem:s21+$0x17030]  }
0x237: {  	[tilespmem:s21+$0x16800] =	vst v24;
	v24 =	vld [tilespmem:s21+$0x11830]  }
0x238: {  	[tilespmem:s21+$0x16810] =	vst v11;
	v11 =	vadd.f32 v23, v63;
	v31 =	vld.idx.msk [tilespmem:v36+s2+$0x0], $0xffff;
	v23 =	vsub.f32 v26, v5  }
0x239: {  	v26 =	vld.idx.msk [tilespmem:v37+s2+$0x0], $0xffff  }
0x23a: {  	v59 =	vld [tilespmem:s21+$0x13810];
	[tilespmem:s21+$0x16820] =	vst v11;
	v11 =	vmul.f32 v23, v23  }
0x23b: {  	v23 =	vld.idx.msk [tilespmem:v32+s2+$0x0], $0xffff  }
0x23c: {  	v60 =	vld [tilespmem:s21+$0x19030];
	v11 =	vadd.f32 v11, v27  }
0x23d: {  	v25 =	vld [tilespmem:s21+$0x17020];
	v31 =	vsub.f32 v31, v4  }
0x23e: {  	v27 =	vld [tilespmem:s21+$0x11820];
	[tilespmem:s21+$0x17030] =	vst v11;
	v11 =	vsub.f32 v26, v3  }
0x23f: {  	v24 =	vld.idx.msk [tilespmem:v24+s2+$0x0], $0xffff;
	v26 =	vmul.f32 v31, v31  }
0x240: {  	v12 =	vld [tilespmem:s20+$0x1B000];
	v23 =	vsub.f32 v23, v6;
	v11 =	vmul.f32 v11, v11  }
0x241: {  	v18 =	vld [tilespmem:s20+$0x15000];
	v26 =	vadd.f32 v26, v38  }
0x242: {  	v14 =	vld [tilespmem:s20+$0x1B020];
	v23 =	vmul.f32 v23, v23;
	v11 =	vadd.f32 v11, v33  }
0x243: {  	[tilespmem:s21+$0x17000] =	vst v26;
	v26 =	vld [tilespmem:s21+$0x12030]  }
0x244: {  	v28 =	vld.idx.msk [tilespmem:v39+s2+$0x0], $0xffff;
	[tilespmem:s21+$0x17010] =	vst v11;
	v11 =	vadd.f32 v23, v25;
	v23 =	vsub.f32 v24, v5  }
0x245: {  	v24 =	vld.idx.msk [tilespmem:v40+s2+$0x0], $0xffff  }
0x246: {  	v13 =	vld [tilespmem:s20+$0x1B010];
	[tilespmem:s21+$0x17020] =	vst v11;
	v11 =	vmul.f32 v23, v23  }
0x247: {  	v23 =	vld.idx.msk [tilespmem:v27+s2+$0x0], $0xffff  }
0x248: {  	v15 =	vld [tilespmem:s20+$0x15800];
	v11 =	vadd.f32 v11, v44  }
0x249: {  	v25 =	vld [tilespmem:s21+$0x12010];
	v28 =	vsub.f32 v28, v4  }
0x24a: {  	v27 =	vld [tilespmem:s21+$0x12020];
	[tilespmem:s21+$0x17830] =	vst v11;
	v11 =	vsub.f32 v24, v3  }
0x24b: {  	v24 =	vld.idx.msk [tilespmem:v26+s2+$0x0], $0xffff;
	v26 =	vmul.f32 v28, v28  }
0x24c: {  	v16 =	vld [tilespmem:s20+$0x15820];
	v23 =	vsub.f32 v23, v6;
	v11 =	vmul.f32 v11, v11  }
0x24d: {  	v17 =	vld [tilespmem:s20+$0x15810];
	v26 =	vadd.f32 v26, v41  }
0x24e: {  	v22 =	vld.idx.msk [tilespmem:v18+s2+$0x0], $0xffff;
	v23 =	vmul.f32 v23, v23;
	v11 =	vadd.f32 v11, v42  }
0x24f: {  	[tilespmem:s21+$0x17800] =	vst v26;
	v26 =	vld [tilespmem:s21+$0x12830]  }
0x250: {  	v23 =	vadd.f32 v23, v34;
	v29 =	vld.idx.msk [tilespmem:v43+s2+$0x0], $0xffff;
	[tilespmem:s21+$0x17810] =	vst v11;
	v11 =	vsub.f32 v24, v5  }
0x251: {  	v24 =	vld.idx.msk [tilespmem:v25+s2+$0x0], $0xffff  }
0x252: {  	v0 =	vld [tilespmem:s20+$0x1B800];
	[tilespmem:s21+$0x17820] =	vst v23;
	v11 =	vmul.f32 v11, v11  }
0x253: {  	v25 =	vld.idx.msk [tilespmem:v27+s2+$0x0], $0xffff  }
0x254: {  	v1 =	vld [tilespmem:s20+$0x1B810];
	v22 =	vsub.f32 v22, v8;
	v11 =	vadd.f32 v11, v49  }
0x255: {  	v2 =	vld [tilespmem:s20+$0x1B820];
	v21 =	vsub.f32 v21, v7;
	v29 =	vsub.f32 v29, v4  }
0x256: {  	v22 =	vmul.f32 v22, v22;
	v23 =	vld [tilespmem:s21+$0x12820];
	[tilespmem:s21+$0x18030] =	vst v11;
	v11 =	vsub.f32 v24, v3  }
0x257: {  	v21 =	vmul.f32 v21, v21;
	v24 =	vld.idx.msk [tilespmem:v26+s2+$0x0], $0xffff;
	v26 =	vmul.f32 v29, v29  }
0x258: {  	v18 =	vld [tilespmem:s20+$0x1B830];
	v20 =	vsub.f32 v20, v9;
	v11 =	vmul.f32 v11, v11;
	v25 =	vsub.f32 v25, v6  }
0x259: {  	v22 =	vadd.f32 v22, v12;
	v12 =	vld [tilespmem:s21+$0x15810];
	v26 =	vadd.f32 v26, v45  }
0x25a: {  	v21 =	vadd.f32 v21, v13;
	v13 =	vld [tilespmem:s21+$0x15820];
	v11 =	vadd.f32 v11, v46;
	v25 =	vmul.f32 v25, v25  }
0x25b: {  	v20 =	vmul.f32 v20, v20;
	[tilespmem:s21+$0x18000] =	vst v26;
	v26 =	vld [tilespmem:s21+$0x13030]  }
0x25c: {  	v35 =	vld.idx.msk [tilespmem:v35+s2+$0x0], $0xffff;
	[tilespmem:s21+$0x18010] =	vst v11;
	v11 =	vadd.f32 v25, v47;
	v24 =	vsub.f32 v24, v5  }
0x25d: {  	[tilespmem:s20+$0x1B000] =	vst v22;
	v25 =	vld.idx.msk [tilespmem:v48+s2+$0x0], $0xffff  }
0x25e: {  	v14 =	vadd.f32 v20, v14;
	v20 =	vld.idx.msk [tilespmem:v15+s2+$0x0], $0xffff;
	[tilespmem:s21+$0x18020] =	vst v11;
	v11 =	vmul.f32 v24, v24  }
0x25f: {  	v23 =	vld.idx.msk [tilespmem:v23+s2+$0x0], $0xffff  }
0x260: {  	v27 =	vld [tilespmem:s21+$0x18800];
	v11 =	vadd.f32 v11, v54  }
0x261: {  	[tilespmem:s20+$0x1B010] =	vst v21;
	v36 =	vld [tilespmem:s21+$0x13010];
	v57 =	vsub.f32 v35, v4  }
0x262: {  	v17 =	vld.idx.msk [tilespmem:v17+s2+$0x0], $0xffff;
	[tilespmem:s21+$0x18830] =	vst v11;
	v11 =	vsub.f32 v25, v3  }
0x263: {  	[tilespmem:s20+$0x1B020] =	vst v14;
	v25 =	vld.idx.msk [tilespmem:v26+s2+$0x0], $0xffff;
	v26 =	vmul.f32 v57, v57  }
0x264: {  	v21 =	vld.idx.msk [tilespmem:v16+s2+$0x0], $0xffff;
	v11 =	vmul.f32 v11, v11;
	v23 =	vsub.f32 v23, v6  }
0x265: {  	v61 =	vld [tilespmem:s21+$0x19810];
	v26 =	vadd.f32 v26, v27  }
0x266: {  	v62 =	vld [tilespmem:s21+$0x19820];
	v11 =	vadd.f32 v11, v50;
	v23 =	vmul.f32 v23, v23  }
0x267: {  	[tilespmem:s21+$0x18800] =	vst v26;
	v26 =	vld [tilespmem:s21+$0x13830]  }
0x268: {  	v29 =	vld.idx.msk [tilespmem:v52+s2+$0x0], $0xffff;
	[tilespmem:s21+$0x18810] =	vst v11;
	v11 =	vadd.f32 v23, v51;
	v23 =	vsub.f32 v25, v5  }
0x269: {  	v25 =	vld.idx.msk [tilespmem:v36+s2+$0x0], $0xffff  }
0x26a: {  	v20 =	vsub.f32 v20, v8;
	v8 =	vld [tilespmem:s21+$0x15830];
	[tilespmem:s21+$0x18820] =	vst v11;
	v11 =	vmul.f32 v23, v23  }
0x26b: {  	v23 =	vld.idx.msk [tilespmem:v53+s2+$0x0], $0xffff  }
0x26c: {  	v63 =	vld [tilespmem:s21+$0x14000];
	v11 =	vadd.f32 v11, v60  }
0x26d: {  	v24 =	vld [tilespmem:s21+$0x19010];
	v29 =	vsub.f32 v29, v4  }
0x26e: {  	v37 =	vld [tilespmem:s21+$0x13820];
	[tilespmem:s21+$0x19030] =	vst v11;
	v11 =	vsub.f32 v25, v3  }
0x26f: {  	v25 =	vld.idx.msk [tilespmem:v26+s2+$0x0], $0xffff;
	v26 =	vmul.f32 v29, v29  }
0x270: {  	v38 =	vld [tilespmem:s21+$0x1A000];
	v23 =	vsub.f32 v23, v6;
	v11 =	vmul.f32 v11, v11  }
0x271: {  	v39 =	vld [tilespmem:s21+$0x1A800];
	v26 =	vadd.f32 v26, v55  }
0x272: {  	v23 =	vmul.f32 v23, v23;
	v11 =	vadd.f32 v11, v24;
	v24 =	vld [tilespmem:s21+$0x19830]  }
0x273: {  	[tilespmem:s21+$0x19000] =	vst v26;
	v26 =	vld [tilespmem:s21+$0x14030]  }
0x274: {  	v23 =	vadd.f32 v23, v56;
	v47 =	vld.idx.msk [tilespmem:v58+s2+$0x0], $0xffff;
	[tilespmem:s21+$0x19010] =	vst v11;
	v11 =	vsub.f32 v25, v5  }
0x275: {  	v25 =	vld.idx.msk [tilespmem:v59+s2+$0x0], $0xffff  }
0x276: {  	v40 =	vld [tilespmem:s21+$0x1A810];
	[tilespmem:s21+$0x19020] =	vst v23;
	v11 =	vmul.f32 v11, v11  }
0x277: {  	v23 =	vld.idx.msk [tilespmem:v37+s2+$0x0], $0xffff  }
0x278: {  	v27 =	vld [tilespmem:s21+$0x19800];
	v11 =	vadd.f32 v11, v24  }
0x279: {  	v44 =	vld [tilespmem:s21+$0x14010];
	v24 =	vsub.f32 v47, v4  }
0x27a: {  	v45 =	vld [tilespmem:s21+$0x14020];
	[tilespmem:s21+$0x19830] =	vst v11;
	v11 =	vsub.f32 v25, v3  }
0x27b: {  	v25 =	vld.idx.msk [tilespmem:v26+s2+$0x0], $0xffff;
	v24 =	vmul.f32 v24, v24  }
0x27c: {  	v49 =	vld [tilespmem:s21+$0x14800];
	v11 =	vmul.f32 v11, v11;
	v23 =	vsub.f32 v23, v6  }
0x27d: {  	v46 =	vld [tilespmem:s21+$0x1A010];
	v24 =	vadd.f32 v24, v27  }
0x27e: {  	v26 =	vld [tilespmem:s21+$0x1A030];
	v11 =	vadd.f32 v11, v61;
	v23 =	vmul.f32 v23, v23  }
0x27f: {  	[tilespmem:s21+$0x19800] =	vst v24;
	v24 =	vld [tilespmem:s21+$0x14830]  }
0x280: {  	v31 =	vld.idx.msk [tilespmem:v63+s2+$0x0], $0xffff;
	[tilespmem:s21+$0x19810] =	vst v11;
	v11 =	vadd.f32 v23, v62;
	v23 =	vsub.f32 v25, v5  }
0x281: {  	v48 =	vld [tilespmem:s21+$0x1A020]  }
0x282: {  	v25 =	vld.idx.msk [tilespmem:v44+s2+$0x0], $0xffff;
	[tilespmem:s21+$0x19820] =	vst v11;
	v11 =	vmul.f32 v23, v23  }
0x283: {  	v29 =	vld.idx.msk [tilespmem:v45+s2+$0x0], $0xffff  }
0x284: {  	v50 =	vld [tilespmem:s21+$0x14810];
	v11 =	vadd.f32 v11, v26  }
0x285: {  	v51 =	vld [tilespmem:s21+$0x14820];
	v31 =	vsub.f32 v31, v4  }
0x286: {  	v52 =	vld [tilespmem:s21+$0x15000];
	[tilespmem:s21+$0x1A030] =	vst v11  }
0x287: {  	v11 =	vsub.f32 v25, v3;
	v54 =	vld.idx.msk [tilespmem:v24+s2+$0x0], $0xffff;
	v24 =	vmul.f32 v31, v31  }
0x288: {  	v53 =	vld [tilespmem:s21+$0x15010];
	v29 =	vsub.f32 v29, v6  }
0x289: {  	v55 =	vld [tilespmem:s21+$0x1A830];
	v11 =	vmul.f32 v11, v11;
	v31 =	vadd.f32 v24, v38  }
0x28a: {  	v56 =	vld [tilespmem:s21+$0x15030];
	v29 =	vmul.f32 v29, v29  }
0x28b: {  	v27 =	vld [tilespmem:s21+$0x1A820];
	v28 =	vadd.f32 v11, v46;
	[tilespmem:s21+$0x1A000] =	vst v31  }
0x28c: {  	v29 =	vadd.f32 v29, v48;
	v57 =	vld.idx.msk [tilespmem:v49+s2+$0x0], $0xffff;
	v58 =	vsub.f32 v54, v5  }
0x28d: {  	v23 =	vld [tilespmem:s21+$0x1B000];
	[tilespmem:s21+$0x1A010] =	vst v28  }
0x28e: {  	v59 =	vld.idx.msk [tilespmem:v50+s2+$0x0], $0xffff;
	[tilespmem:s21+$0x1A020] =	vst v29;
	v60 =	vmul.f32 v58, v58  }
0x28f: {  	v32 =	vld.idx.msk [tilespmem:v51+s2+$0x0], $0xffff  }
0x290: {  	v26 =	vld [tilespmem:s21+$0x15020];
	v22 =	vadd.f32 v60, v55  }
0x291: {  	v25 =	vld [tilespmem:s21+$0x1B010];
	v15 =	vsub.f32 v57, v4  }
0x292: {  	v10 =	vsub.f32 v19, v10;
	v24 =	vld [tilespmem:s21+$0x1B020];
	[tilespmem:s21+$0x1A830] =	vst v22  }
0x293: {  	v14 =	vsub.f32 v59, v3;
	v19 =	vld.idx.msk [tilespmem:v56+s2+$0x0], $0xffff;
	v15 =	vmul.f32 v15, v15  }
0x294: {  	v11 =	vld [tilespmem:s21+$0x15800];
	v22 =	vmul.f32 v10, v10;
	v16 =	vsub.f32 v32, v6  }
0x295: {  	v10 =	vld [tilespmem:s21+$0x1B800];
	v61 =	vmul.f32 v14, v14;
	v62 =	vadd.f32 v15, v39  }
0x296: {  	v14 =	vld [tilespmem:s21+$0x1B810];
	v22 =	vadd.f32 v22, v18;
	v16 =	vmul.f32 v16, v16  }
0x297: {  	v7 =	vsub.f32 v17, v7;
	v15 =	vld [tilespmem:s21+$0x1B030];
	v18 =	vadd.f32 v61, v40;
	[tilespmem:s21+$0x1A800] =	vst v62  }
0x298: {  	[tilespmem:s20+$0x1B830] =	vst v22;
	v27 =	vadd.f32 v16, v27;
	v16 =	vld.idx.msk [tilespmem:v52+s2+$0x0], $0xffff;
	v63 =	vsub.f32 v19, v5  }
0x299: {  	[tilespmem:s21+$0x1A810] =	vst v18;
	v18 =	vmul.f32 v20, v20;
	v19 =	vmul.f32 v7, v7;
	v20 =	vsub.f32 v21, v9;
	v7 =	vld [tilespmem:s21+$0x1B820]  }
0x29a: {  	s22 =	simm.s32 $0x4;
	s23 =	simm.s32 $0x200;
	v17 =	vld.idx.msk [tilespmem:v53+s2+$0x0], $0xffff;
	[tilespmem:s21+$0x1A820] =	vst v27;
	v21 =	vmul.f32 v63, v63  }
.LBB2_4:
0x29b: {  	s24 =	sshra.s32 s23, $0x2;
	s22 =	sadd.s32 $0x4, s22;
	v9 =	vld.idx.msk [tilespmem:v26+s2+$0x0], $0xffff;
	v18 =	vadd.f32 v18, v0;
	v19 =	vadd.f32 v19, v1;
	v20 =	vmul.f32 v20, v20  }
0x29c: {  	v0 =	vmov v10;
	v1 =	vmov v14;
	v22 =	vld [tilespmem:s24+$0x10030];
	p0 =	slt.u32 s22, $0x7C;
	v15 =	vadd.f32 v21, v15  }
0x29d: {  	v10 =	vld [tilespmem:s24+$0x10000];
	[tilespmem:s20+$0x1B800] =	vst v18;
	v14 =	vadd.f32 v20, v2  }
0x29e: {  	v16 =	vsub.f32 v16, v4;
	v18 =	vld [tilespmem:s24+$0x10010];
	[tilespmem:s21+$0x1B030] =	vst v15  }
0x29f: {  	v15 =	vsub.f32 v17, v3;
	v17 =	vld.idx.msk [tilespmem:v8+s2+$0x0], $0xffff;
	[tilespmem:s20+$0x1B810] =	vst v19;
	v2 =	vmov v7  }
0x2a0: {  	v16 =	vmul.f32 v16, v16;
	v19 =	vld [tilespmem:s24+$0x10020];
	[tilespmem:s20+$0x1B820] =	vst v14;
	s20 =	smov.u32 s21;
	s21 =	smov.u32 s24  }
0x2a1: {  	v14 =	vmul.f32 v15, v15;
	v9 =	vsub.f32 v9, v6;
	v8 =	vld [tilespmem:s21+$0x1C800]  }
0x2a2: {  	v15 =	vadd.f32 v16, v23;
	v7 =	vld [tilespmem:s21+$0x1C810]  }
0x2a3: {  	v14 =	vadd.f32 v14, v25;
	v9 =	vmul.f32 v9, v9;
	v16 =	vld [tilespmem:s20+$0x1B830]  }
0x2a4: {  	v20 =	vld.idx.msk [tilespmem:v22+s2+$0x0], $0xffff;
	[tilespmem:s20+$0x1B000] =	vst v15  }
0x2a5: {  	v9 =	vadd.f32 v9, v24;
	[tilespmem:s20+$0x1B010] =	vst v14;
	v14 =	vsub.f32 v17, v5;
	v5 =	vld [tilespmem:s21+$0x1C830]  }
0x2a6: {  	v10 =	vld.idx.msk [tilespmem:v10+s2+$0x0], $0xffff  }
0x2a7: {  	v15 =	vld.idx.msk [tilespmem:v18+s2+$0x0], $0xffff;
	[tilespmem:s20+$0x1B020] =	vst v9;
	v9 =	vmul.f32 v14, v14  }
0x2a8: {  	v14 =	vld [tilespmem:s21+$0x16030]  }
0x2a9: {  	v17 =	vld [tilespmem:s21+$0x10830];
	v16 =	vadd.f32 v9, v16  }
0x2aa: {  	v18 =	vld.idx.msk [tilespmem:v19+s2+$0x0], $0xffff;
	v19 =	vsub.f32 v20, v5  }
0x2ab: {  	v9 =	vld [tilespmem:s21+$0x1C820];
	[tilespmem:s20+$0x1B830] =	vst v16  }
0x2ac: {  	v10 =	vsub.f32 v10, v8;
	v16 =	vld [tilespmem:s21+$0x16000];
	v19 =	vmul.f32 v19, v19  }
0x2ad: {  	v15 =	vsub.f32 v15, v7;
	v20 =	vld [tilespmem:s21+$0x16010]  }
0x2ae: {  	v10 =	vmul.f32 v10, v10;
	v21 =	vld [tilespmem:s21+$0x16020];
	v14 =	vadd.f32 v19, v14  }
0x2af: {  	v15 =	vmul.f32 v15, v15;
	v19 =	vld [tilespmem:s21+$0x10800]  }
0x2b0: {  	v22 =	vld [tilespmem:s21+$0x10810];
	v18 =	vsub.f32 v18, v9;
	[tilespmem:s21+$0x16030] =	vst v14  }
0x2b1: {  	v10 =	vadd.f32 v10, v16;
	v14 =	vld.idx.msk [tilespmem:v17+s2+$0x0], $0xffff  }
0x2b2: {  	v15 =	vadd.f32 v15, v20;
	v16 =	vmul.f32 v18, v18;
	v17 =	vld [tilespmem:s21+$0x10820]  }
0x2b3: {  	[tilespmem:s21+$0x16000] =	vst v10;
	v10 =	vld [tilespmem:s21+$0x16800]  }
0x2b4: {  	[tilespmem:s21+$0x16010] =	vst v15;
	v15 =	vld [tilespmem:s21+$0x16810];
	v16 =	vadd.f32 v16, v21  }
0x2b5: {  	v18 =	vld [tilespmem:s21+$0x16830]  }
0x2b6: {  	[tilespmem:s21+$0x16020] =	vst v16;
	v16 =	vld [tilespmem:s21+$0x11030]  }
0x2b7: {  	v14 =	vsub.f32 v14, v5;
	v19 =	vld.idx.msk [tilespmem:v19+s2+$0x0], $0xffff  }
0x2b8: {  	v20 =	vld.idx.msk [tilespmem:v22+s2+$0x0], $0xffff  }
0x2b9: {  	v14 =	vmul.f32 v14, v14;
	v21 =	vld [tilespmem:s21+$0x16820]  }
0x2ba: {  	v17 =	vld.idx.msk [tilespmem:v17+s2+$0x0], $0xffff  }
0x2bb: {  	v14 =	vadd.f32 v14, v18;
	v22 =	vld [tilespmem:s21+$0x11000]  }
0x2bc: {  	v18 =	vld [tilespmem:s21+$0x11010]  }
0x2bd: {  	v19 =	vsub.f32 v19, v8;
	v23 =	vld [tilespmem:s21+$0x11020];
	[tilespmem:s21+$0x16830] =	vst v14  }
0x2be: {  	v14 =	vsub.f32 v20, v7;
	v16 =	vld.idx.msk [tilespmem:v16+s2+$0x0], $0xffff  }
0x2bf: {  	v19 =	vmul.f32 v19, v19;
	v20 =	vld [tilespmem:s21+$0x17000]  }
0x2c0: {  	v14 =	vmul.f32 v14, v14;
	v17 =	vsub.f32 v17, v9;
	v24 =	vld [tilespmem:s21+$0x17010]  }
0x2c1: {  	v10 =	vadd.f32 v19, v10;
	v19 =	vld [tilespmem:s21+$0x17020]  }
0x2c2: {  	v14 =	vadd.f32 v14, v15;
	v15 =	vmul.f32 v17, v17;
	v17 =	vld [tilespmem:s21+$0x17030]  }
0x2c3: {  	[tilespmem:s21+$0x16800] =	vst v10;
	v10 =	vld [tilespmem:s21+$0x11830]  }
0x2c4: {  	v22 =	vld.idx.msk [tilespmem:v22+s2+$0x0], $0xffff;
	[tilespmem:s21+$0x16810] =	vst v14;
	v14 =	vadd.f32 v15, v21;
	v15 =	vsub.f32 v16, v5  }
0x2c5: {  	v16 =	vld.idx.msk [tilespmem:v18+s2+$0x0], $0xffff  }
0x2c6: {  	v18 =	vld [tilespmem:s21+$0x11800];
	[tilespmem:s21+$0x16820] =	vst v14;
	v14 =	vmul.f32 v15, v15  }
0x2c7: {  	v15 =	vld.idx.msk [tilespmem:v23+s2+$0x0], $0xffff  }
0x2c8: {  	v21 =	vld [tilespmem:s21+$0x11810];
	v14 =	vadd.f32 v14, v17  }
0x2c9: {  	v17 =	vld [tilespmem:s21+$0x11820]  }
0x2ca: {  	v22 =	vsub.f32 v22, v8;
	v23 =	vld [tilespmem:s21+$0x17800];
	[tilespmem:s21+$0x17030] =	vst v14  }
0x2cb: {  	v14 =	vsub.f32 v16, v7;
	v10 =	vld.idx.msk [tilespmem:v10+s2+$0x0], $0xffff  }
0x2cc: {  	v16 =	vmul.f32 v22, v22;
	v22 =	vld [tilespmem:s21+$0x17810]  }
0x2cd: {  	v14 =	vmul.f32 v14, v14;
	v15 =	vsub.f32 v15, v9;
	v25 =	vld [tilespmem:s21+$0x17820]  }
0x2ce: {  	v16 =	vadd.f32 v16, v20;
	v20 =	vld [tilespmem:s21+$0x12000]  }
0x2cf: {  	v14 =	vadd.f32 v14, v24;
	v15 =	vmul.f32 v15, v15;
	v24 =	vld [tilespmem:s21+$0x17830]  }
0x2d0: {  	[tilespmem:s21+$0x17000] =	vst v16;
	v16 =	vld [tilespmem:s21+$0x12030]  }
0x2d1: {  	v10 =	vsub.f32 v10, v5;
	v18 =	vld.idx.msk [tilespmem:v18+s2+$0x0], $0xffff;
	[tilespmem:s21+$0x17010] =	vst v14;
	v14 =	vadd.f32 v15, v19  }
0x2d2: {  	v15 =	vld.idx.msk [tilespmem:v21+s2+$0x0], $0xffff  }
0x2d3: {  	v10 =	vmul.f32 v10, v10;
	v19 =	vld [tilespmem:s21+$0x12010];
	[tilespmem:s21+$0x17020] =	vst v14  }
0x2d4: {  	v14 =	vld.idx.msk [tilespmem:v17+s2+$0x0], $0xffff  }
0x2d5: {  	v10 =	vadd.f32 v10, v24;
	v17 =	vld [tilespmem:s21+$0x12020]  }
0x2d6: {  	v21 =	vld [tilespmem:s21+$0x18000]  }
0x2d7: {  	v18 =	vsub.f32 v18, v8;
	v24 =	vld [tilespmem:s21+$0x18010];
	[tilespmem:s21+$0x17830] =	vst v10  }
0x2d8: {  	v10 =	vsub.f32 v15, v7;
	v15 =	vld.idx.msk [tilespmem:v16+s2+$0x0], $0xffff  }
0x2d9: {  	v16 =	vmul.f32 v18, v18;
	v18 =	vld [tilespmem:s21+$0x18020]  }
0x2da: {  	v10 =	vmul.f32 v10, v10;
	v14 =	vsub.f32 v14, v9;
	v26 =	vld [tilespmem:s21+$0x12800]  }
0x2db: {  	v16 =	vadd.f32 v16, v23;
	v23 =	vld [tilespmem:s21+$0x12810]  }
0x2dc: {  	v10 =	vadd.f32 v10, v22;
	v14 =	vmul.f32 v14, v14;
	v22 =	vld [tilespmem:s21+$0x18030]  }
0x2dd: {  	[tilespmem:s21+$0x17800] =	vst v16;
	v16 =	vld [tilespmem:s21+$0x12830]  }
0x2de: {  	v20 =	vld.idx.msk [tilespmem:v20+s2+$0x0], $0xffff;
	[tilespmem:s21+$0x17810] =	vst v10;
	v10 =	vadd.f32 v14, v25;
	v14 =	vsub.f32 v15, v5  }
0x2df: {  	v15 =	vld.idx.msk [tilespmem:v19+s2+$0x0], $0xffff  }
0x2e0: {  	[tilespmem:s21+$0x17820] =	vst v10;
	v10 =	vld [tilespmem:s21+$0x12820];
	v14 =	vmul.f32 v14, v14  }
0x2e1: {  	v17 =	vld.idx.msk [tilespmem:v17+s2+$0x0], $0xffff  }
0x2e2: {  	v19 =	vld [tilespmem:s21+$0x18800];
	v14 =	vadd.f32 v14, v22  }
0x2e3: {  	v22 =	vld [tilespmem:s21+$0x18810]  }
0x2e4: {  	v20 =	vsub.f32 v20, v8;
	v25 =	vld [tilespmem:s21+$0x18820];
	[tilespmem:s21+$0x18030] =	vst v14  }
0x2e5: {  	v14 =	vsub.f32 v15, v7;
	v15 =	vld.idx.msk [tilespmem:v16+s2+$0x0], $0xffff  }
0x2e6: {  	v16 =	vmul.f32 v20, v20;
	v20 =	vld [tilespmem:s21+$0x13000]  }
0x2e7: {  	v14 =	vmul.f32 v14, v14;
	v17 =	vsub.f32 v17, v9;
	v27 =	vld [tilespmem:s21+$0x13010]  }
0x2e8: {  	v16 =	vadd.f32 v16, v21;
	v21 =	vld [tilespmem:s21+$0x13020]  }
0x2e9: {  	v14 =	vadd.f32 v14, v24;
	v17 =	vmul.f32 v17, v17;
	v24 =	vld [tilespmem:s21+$0x18830]  }
0x2ea: {  	[tilespmem:s21+$0x18000] =	vst v16;
	v16 =	vld [tilespmem:s21+$0x13030]  }
0x2eb: {  	v15 =	vsub.f32 v15, v5;
	v26 =	vld.idx.msk [tilespmem:v26+s2+$0x0], $0xffff;
	[tilespmem:s21+$0x18010] =	vst v14;
	v14 =	vadd.f32 v17, v18  }
0x2ec: {  	v17 =	vld.idx.msk [tilespmem:v23+s2+$0x0], $0xffff  }
0x2ed: {  	v18 =	vld [tilespmem:s21+$0x19000];
	[tilespmem:s21+$0x18020] =	vst v14;
	v14 =	vmul.f32 v15, v15  }
0x2ee: {  	v10 =	vld.idx.msk [tilespmem:v10+s2+$0x0], $0xffff  }
0x2ef: {  	v15 =	vld [tilespmem:s21+$0x19010];
	v14 =	vadd.f32 v14, v24  }
0x2f0: {  	v23 =	vld [tilespmem:s21+$0x19020]  }
0x2f1: {  	v24 =	vsub.f32 v26, v8;
	v26 =	vld [tilespmem:s21+$0x13800];
	[tilespmem:s21+$0x18830] =	vst v14  }
0x2f2: {  	v14 =	vsub.f32 v17, v7;
	v16 =	vld.idx.msk [tilespmem:v16+s2+$0x0], $0xffff  }
0x2f3: {  	v17 =	vmul.f32 v24, v24;
	v24 =	vld [tilespmem:s21+$0x13810]  }
0x2f4: {  	v14 =	vmul.f32 v14, v14;
	v10 =	vsub.f32 v10, v9;
	v28 =	vld [tilespmem:s21+$0x13820]  }
0x2f5: {  	v17 =	vadd.f32 v17, v19;
	v19 =	vld [tilespmem:s21+$0x19800]  }
0x2f6: {  	v14 =	vadd.f32 v14, v22;
	v10 =	vmul.f32 v10, v10;
	v22 =	vld [tilespmem:s21+$0x19030]  }
0x2f7: {  	[tilespmem:s21+$0x18800] =	vst v17;
	v17 =	vld [tilespmem:s21+$0x13830]  }
0x2f8: {  	v10 =	vadd.f32 v10, v25;
	v20 =	vld.idx.msk [tilespmem:v20+s2+$0x0], $0xffff;
	[tilespmem:s21+$0x18810] =	vst v14;
	v14 =	vsub.f32 v16, v5  }
0x2f9: {  	v16 =	vld.idx.msk [tilespmem:v27+s2+$0x0], $0xffff  }
0x2fa: {  	v25 =	vld [tilespmem:s21+$0x19810];
	[tilespmem:s21+$0x18820] =	vst v10;
	v10 =	vmul.f32 v14, v14  }
0x2fb: {  	v14 =	vld.idx.msk [tilespmem:v21+s2+$0x0], $0xffff  }
0x2fc: {  	v21 =	vld [tilespmem:s21+$0x19820];
	v10 =	vadd.f32 v10, v22  }
0x2fd: {  	v22 =	vld [tilespmem:s21+$0x14000]  }
0x2fe: {  	v20 =	vsub.f32 v20, v8;
	v27 =	vld [tilespmem:s21+$0x14010];
	[tilespmem:s21+$0x19030] =	vst v10  }
0x2ff: {  	v10 =	vsub.f32 v16, v7;
	v16 =	vld.idx.msk [tilespmem:v17+s2+$0x0], $0xffff  }
0x300: {  	v17 =	vmul.f32 v20, v20;
	v20 =	vld [tilespmem:s21+$0x14020]  }
0x301: {  	v10 =	vmul.f32 v10, v10;
	v14 =	vsub.f32 v14, v9;
	v29 =	vld [tilespmem:s21+$0x1A000]  }
0x302: {  	v17 =	vadd.f32 v17, v18;
	v18 =	vld [tilespmem:s21+$0x1A010]  }
0x303: {  	v10 =	vadd.f32 v10, v15;
	v14 =	vmul.f32 v14, v14;
	v15 =	vld [tilespmem:s21+$0x19830]  }
0x304: {  	[tilespmem:s21+$0x19000] =	vst v17;
	v17 =	vld [tilespmem:s21+$0x14030]  }
0x305: {  	v26 =	vld.idx.msk [tilespmem:v26+s2+$0x0], $0xffff;
	[tilespmem:s21+$0x19010] =	vst v10;
	v10 =	vadd.f32 v14, v23;
	v14 =	vsub.f32 v16, v5  }
0x306: {  	v16 =	vld.idx.msk [tilespmem:v24+s2+$0x0], $0xffff  }
0x307: {  	[tilespmem:s21+$0x19020] =	vst v10;
	v10 =	vld [tilespmem:s21+$0x1A020];
	v14 =	vmul.f32 v14, v14  }
0x308: {  	v23 =	vld.idx.msk [tilespmem:v28+s2+$0x0], $0xffff  }
0x309: {  	v28 =	vld [tilespmem:s21+$0x14800];
	v14 =	vadd.f32 v14, v15  }
0x30a: {  	v15 =	vld [tilespmem:s21+$0x14810]  }
0x30b: {  	v24 =	vsub.f32 v26, v8;
	v30 =	vld [tilespmem:s21+$0x14820];
	[tilespmem:s21+$0x19830] =	vst v14  }
0x30c: {  	v14 =	vsub.f32 v16, v7;
	v16 =	vld.idx.msk [tilespmem:v17+s2+$0x0], $0xffff  }
0x30d: {  	v17 =	vmul.f32 v24, v24;
	v31 =	vld [tilespmem:s21+$0x1A800]  }
0x30e: {  	v14 =	vmul.f32 v14, v14;
	v23 =	vsub.f32 v23, v9;
	v32 =	vld [tilespmem:s21+$0x1A810]  }
0x30f: {  	v17 =	vadd.f32 v17, v19;
	v19 =	vld [tilespmem:s21+$0x1A820]  }
0x310: {  	v14 =	vadd.f32 v14, v25;
	v23 =	vmul.f32 v23, v23;
	v24 =	vld [tilespmem:s21+$0x1A030]  }
0x311: {  	[tilespmem:s21+$0x19800] =	vst v17;
	v17 =	vld [tilespmem:s21+$0x14830]  }
0x312: {  	v16 =	vsub.f32 v16, v5;
	v22 =	vld.idx.msk [tilespmem:v22+s2+$0x0], $0xffff;
	[tilespmem:s21+$0x19810] =	vst v14;
	v14 =	vadd.f32 v23, v21  }
0x313: {  	v21 =	vld.idx.msk [tilespmem:v27+s2+$0x0], $0xffff  }
0x314: {  	v27 =	vld [tilespmem:s21+$0x15000];
	[tilespmem:s21+$0x19820] =	vst v14;
	v14 =	vmul.f32 v16, v16  }
0x315: {  	v16 =	vld.idx.msk [tilespmem:v20+s2+$0x0], $0xffff  }
0x316: {  	v20 =	vld [tilespmem:s21+$0x15010];
	v14 =	vadd.f32 v14, v24  }
0x317: {  	v26 =	vld [tilespmem:s21+$0x15020]  }
0x318: {  	v22 =	vsub.f32 v22, v8;
	v23 =	vld [tilespmem:s21+$0x1B000];
	[tilespmem:s21+$0x1A030] =	vst v14  }
0x319: {  	v14 =	vsub.f32 v21, v7;
	v17 =	vld.idx.msk [tilespmem:v17+s2+$0x0], $0xffff  }
0x31a: {  	v21 =	vmul.f32 v22, v22;
	v25 =	vld [tilespmem:s21+$0x1B010]  }
0x31b: {  	v14 =	vmul.f32 v14, v14;
	v16 =	vsub.f32 v16, v9;
	v24 =	vld [tilespmem:s21+$0x1B020]  }
0x31c: {  	v21 =	vadd.f32 v21, v29;
	v22 =	vld [tilespmem:s21+$0x15800]  }
0x31d: {  	v14 =	vadd.f32 v14, v18;
	v16 =	vmul.f32 v16, v16;
	v18 =	vld [tilespmem:s21+$0x1A830]  }
0x31e: {  	[tilespmem:s21+$0x1A000] =	vst v21;
	v21 =	vld [tilespmem:s21+$0x15030]  }
0x31f: {  	v10 =	vadd.f32 v16, v10;
	v28 =	vld.idx.msk [tilespmem:v28+s2+$0x0], $0xffff;
	[tilespmem:s21+$0x1A010] =	vst v14;
	v14 =	vsub.f32 v17, v5  }
0x320: {  	v15 =	vld.idx.msk [tilespmem:v15+s2+$0x0], $0xffff  }
0x321: {  	v16 =	vld [tilespmem:s21+$0x15810];
	[tilespmem:s21+$0x1A020] =	vst v10;
	v10 =	vmul.f32 v14, v14  }
0x322: {  	v14 =	vld.idx.msk [tilespmem:v30+s2+$0x0], $0xffff  }
0x323: {  	v17 =	vld [tilespmem:s21+$0x15820];
	v10 =	vadd.f32 v10, v18  }
0x324: {  	v18 =	vld.idx.msk [tilespmem:v11+s2+$0x0], $0xffff;
	v11 =	vmov v22  }
0x325: {  	v22 =	vsub.f32 v28, v8;
	[tilespmem:s21+$0x1A830] =	vst v10;
	v28 =	vld.idx.msk [tilespmem:v12+s2+$0x0], $0xffff  }
0x326: {  	v15 =	vsub.f32 v15, v7;
	v21 =	vld.idx.msk [tilespmem:v21+s2+$0x0], $0xffff;
	v12 =	vmov v16  }
0x327: {  	v16 =	vmul.f32 v22, v22;
	v22 =	vld.idx.msk [tilespmem:v13+s2+$0x0], $0xffff  }
0x328: {  	v15 =	vmul.f32 v15, v15;
	v29 =	vsub.f32 v14, v9;
	v10 =	vld [tilespmem:s21+$0x1B800];
	v13 =	vmov v17  }
0x329: {  	v16 =	vadd.f32 v16, v31;
	v14 =	vld [tilespmem:s21+$0x1B810]  }
.Ltmp1:
0x32a: {  	v17 =	vadd.f32 v15, v32;
	v29 =	vmul.f32 v29, v29;
	v18 =	vsub.f32 v18, v4;
	v4 =	vmovc v8;
	v15 =	vld [tilespmem:s21+$0x1B030];
	(pc) =	sbr.rel @p0 .LBB2_4-.Ltmp1, $4  }
0x32b: {  	v28 =	vsub.f32 v28, v3;
	v3 =	vmov v7;
	[tilespmem:s21+$0x1A800] =	vst v16;
	v8 =	vld [tilespmem:s21+$0x15830]  }
0x32c: {  	v7 =	vadd.f32 v29, v19;
	v21 =	vsub.f32 v21, v5;
	v16 =	vld.idx.msk [tilespmem:v27+s2+$0x0], $0xffff;
	[tilespmem:s21+$0x1A810] =	vst v17  }
0x32d: {  	v18 =	vmul.f32 v18, v18;
	v19 =	vmul.f32 v28, v28;
	v17 =	vld.idx.msk [tilespmem:v20+s2+$0x0], $0xffff;
	v20 =	vsub.f32 v22, v6  }
0x32e: {  	s23 =	sadd.s32 $0x100, s23;
	v21 =	vmul.f32 v21, v21;
	v6 =	vmov v9;
	[tilespmem:s21+$0x1A820] =	vst v7;
	v7 =	vld [tilespmem:s21+$0x1B820]  }
0x32f: {  	_ =	sdelay $0x3  }
0x330: {  	v9 =	vld.idx.msk [tilespmem:v26+s2+$0x0], $0xffff;
	_ =	sdelay $0x2  }
0x331: {  	v16 =	vsub.f32 v16, v4  }
0x332: {  	v17 =	vsub.f32 v17, v3  }
0x333: {  	v16 =	vmul.f32 v16, v16;
	v9 =	vsub.f32 v9, v6  }
0x334: {  	v15 =	vadd.f32 v21, v15;
	v17 =	vmul.f32 v17, v17  }
0x335: {  	v16 =	vadd.f32 v16, v23;
	v9 =	vmul.f32 v9, v9  }
0x336: {  	[tilespmem:s21+$0x1B030] =	vst v15;
	v15 =	vadd.f32 v17, v25  }
0x337: {  	v8 =	vld.idx.msk [tilespmem:v8+s2+$0x0], $0xffff;
	[tilespmem:s21+$0x1B000] =	vst v16;
	v9 =	vadd.f32 v9, v24  }
0x338: {  	[tilespmem:s21+$0x1B010] =	vst v15;
	v11 =	vld.idx.msk [tilespmem:v11+s2+$0x0], $0xffff  }
0x339: {  	v38 =	vld.idx.msk [tilespmem:v12+s2+$0x0], $0xffff;
	[tilespmem:s21+$0x1B020] =	vst v9  }
0x33a: {  	v12 =	vld.idx.msk [tilespmem:v13+s2+$0x0], $0xffff  }
0x33b: {  	v13 =	vld [tilespmem:s21+$0x1B830]  }
0x33c: {  	v5 =	vsub.f32 v8, v5  }
0x33d: {  	v0 =	vadd.f32 v18, v0;
	v39 =	vmul.f32 v20, v20;
	v40 =	vsub.f32 v11, v4  }
0x33e: {  	v1 =	vadd.f32 v19, v1;
	v5 =	vmul.f32 v5, v5;
	v3 =	vsub.f32 v38, v3  }
0x33f: {  	[tilespmem:s20+$0x1B800] =	vst v0;
	v0 =	vadd.f32 v39, v2;
	v2 =	vmul.f32 v40, v40;
	v41 =	vsub.f32 v12, v6  }
0x340: {  	[tilespmem:s20+$0x1B810] =	vst v1;
	v1 =	vadd.f32 v5, v13;
	v3 =	vmul.f32 v3, v3  }
0x341: {  	[tilespmem:s20+$0x1B820] =	vst v0;
	v0 =	vadd.f32 v2, v10;
	v2 =	vmul.f32 v41, v41  }
0x342: {  	[tilespmem:s21+$0x1B830] =	vst v1;
	v1 =	vadd.f32 v3, v14  }
0x343: {  	[tilespmem:s21+$0x1B800] =	vst v0;
	v0 =	vadd.f32 v2, v7  }
0x344: {  	[tilespmem:s21+$0x1B810] =	vst v1  }
0x345: {  	[tilespmem:s21+$0x1B820] =	vst v0  }
0x346: {  	_ =	strace $0x9000004B  }
0x347: {  	s31 =	simm.s32 $0x0;
	_ =	strace $0x8000004C  }
0x348: {  	[tilespmem:s31], [sflag:$0x4] =	stream.strided.gather [hbm4b:s8+s11], $0x10000, s12, s11, $0x200038;
	[tilespmem:$0x1D800] =	vst v63  }
0x349: {  	_ =	swait.ge [sflag:s17], $0x10000  }
0x34a: {  	[sflag:s17] =	ssyncset.done $0x0  }
0x34b: {  	[sflag:s17] =	ssyncadd.s32 $0xFFFF0000  }
0x34c: {  	_ =	strace $0x9000004C  }
0x34d: {  	s20 =	simm.s32 $0x0;
	_ =	strace $0x8000004D  }
0x34e: {  	v0 =	vld [tilespmem:s20+$0x1B810]  }
0x34f: {  	v1 =	vld [tilespmem:s20+$0x1B010]  }
0x350: {  	v2 =	vld [tilespmem:s20+$0x1A810]  }
0x351: {  	v3 =	vld [tilespmem:s20+$0x1A010]  }
0x352: {  	v42 =	vld [tilespmem:s20+$0x19810]  }
0x353: {  	v43 =	vld [tilespmem:s20+$0x15810]  }
0x354: {  	v44 =	vld [tilespmem:s20+$0x1D010]  }
0x355: {  	v45 =	vld [tilespmem:s20+$0x15010]  }
0x356: {  	v46 =	vld [tilespmem:s20+$0x14810]  }
0x357: {  	v47 =	vld [tilespmem:s20+$0x14010]  }
0x358: {  	v48 =	vld [tilespmem:s20+$0x13810]  }
0x359: {  	v49 =	vld [tilespmem:s20+$0x13010]  }
0x35a: {  	v12 =	vld [tilespmem:s20+$0x12810]  }
0x35b: {  	v13 =	vld [tilespmem:s20+$0x12010]  }
0x35c: {  	v14 =	vld [tilespmem:s20+$0x11810]  }
0x35d: {  	v15 =	vld [tilespmem:s20+$0x11010]  }
0x35e: {  	v16 =	vld [tilespmem:s20+$0x10010]  }
0x35f: {  	v17 =	vld [tilespmem:s20+$0x10810]  }
0x360: {  	v18 =	vld [tilespmem:s20+$0x19010]  }
0x361: {  	v5 =	vld.idx.msk [tilespmem:v43+s2+$0x0], $0xffff  }
0x362: {  	v7 =	vld.idx.msk [tilespmem:v45+s2+$0x0], $0xffff  }
0x363: {  	v8 =	vld.idx.msk [tilespmem:v46+s2+$0x0], $0xffff  }
0x364: {  	v9 =	vld.idx.msk [tilespmem:v47+s2+$0x0], $0xffff  }
0x365: {  	v10 =	vld.idx.msk [tilespmem:v48+s2+$0x0], $0xffff  }
0x366: {  	v11 =	vld.idx.msk [tilespmem:v49+s2+$0x0], $0xffff  }
0x367: {  	v12 =	vld.idx.msk [tilespmem:v12+s2+$0x0], $0xffff  }
0x368: {  	v13 =	vld.idx.msk [tilespmem:v13+s2+$0x0], $0xffff  }
0x369: {  	v14 =	vld.idx.msk [tilespmem:v14+s2+$0x0], $0xffff  }
0x36a: {  	v15 =	vld.idx.msk [tilespmem:v15+s2+$0x0], $0xffff;
	v7 =	vsub.f32 v7, v44;
	v5 =	vsub.f32 v5, v44  }
0x36b: {  	v16 =	vld.idx.msk [tilespmem:v16+s2+$0x0], $0xffff;
	v9 =	vsub.f32 v9, v44;
	v8 =	vsub.f32 v8, v44  }
0x36c: {  	v17 =	vld.idx.msk [tilespmem:v17+s2+$0x0], $0xffff;
	v11 =	vsub.f32 v11, v44;
	v10 =	vsub.f32 v10, v44  }
0x36d: {  	v19 =	vld [tilespmem:s20+$0x18810];
	v13 =	vsub.f32 v13, v44;
	v12 =	vsub.f32 v12, v44  }
0x36e: {  	v20 =	vld [tilespmem:s20+$0x18010];
	v14 =	vsub.f32 v14, v44;
	v7 =	vmul.f32 v7, v7;
	v5 =	vmul.f32 v5, v5  }
0x36f: {  	v21 =	vld [tilespmem:s20+$0x17810];
	v15 =	vsub.f32 v15, v44;
	v9 =	vmul.f32 v9, v9;
	v8 =	vmul.f32 v8, v8  }
0x370: {  	v22 =	vld [tilespmem:s20+$0x17010];
	v16 =	vsub.f32 v16, v44;
	v11 =	vmul.f32 v11, v11;
	v10 =	vmul.f32 v10, v10  }
0x371: {  	v23 =	vld [tilespmem:s20+$0x16010];
	v6 =	vsub.f32 v17, v44;
	v13 =	vmul.f32 v13, v13;
	v12 =	vmul.f32 v12, v12  }
0x372: {  	v17 =	vld [tilespmem:s20+$0x16810];
	v14 =	vmul.f32 v14, v14;
	v1 =	vadd.f32 v7, v1;
	v0 =	vadd.f32 v5, v0  }
0x373: {  	v50 =	vmul.f32 v15, v15;
	v3 =	vadd.f32 v9, v3;
	v2 =	vadd.f32 v8, v2  }
0x374: {  	v51 =	vmul.f32 v16, v16;
	v52 =	vadd.f32 v11, v18;
	v4 =	vadd.f32 v10, v42  }
0x375: {  	v6 =	vmul.f32 v6, v6;
	v53 =	vadd.f32 v13, v20;
	v54 =	vadd.f32 v12, v19  }
0x376: {  	v55 =	vadd.f32 v50, v22;
	v12 =	vadd.f32 v14, v21  }
0x377: {  	v13 =	vadd.f32 v51, v23;
	v14 =	vadd.f32 v6, v17;
	v0 =	vmax.f32 v0, $1.000000000e-30  }
0x378: {  	v3 =	vmax.f32 v3, $1.000000000e-30;
	v2 =	vmax.f32 v2, $1.000000000e-30;
	v1 =	vmax.f32 v1, $1.000000000e-30  }
0x379: {  	v6 =	vmax.f32 v54, $1.000000000e-30;
	v5 =	vmax.f32 v52, $1.000000000e-30;
	v4 =	vmax.f32 v4, $1.000000000e-30  }
0x37a: {  	v9 =	vmax.f32 v55, $1.000000000e-30;
	v8 =	vmax.f32 v12, $1.000000000e-30;
	v7 =	vmax.f32 v53, $1.000000000e-30  }
0x37b: {  	v10 =	vmax.f32 v13, $1.000000000e-30;
	v11 =	vmax.f32 v14, $1.000000000e-30;
	v24 =	vshrl.u32 v0, $0x1  }
0x37c: {  	v25 =	vshrl.u32 v1, $0x1;
	v16 =	vmul.f32 $5.000000000e-01, v1;
	v17 =	vmul.f32 $5.000000000e-01, v0  }
0x37d: {  	v26 =	vshrl.u32 v3, $0x1;
	v27 =	vshrl.u32 v2, $0x1;
	v13 =	vmul.f32 $5.000000000e-01, v2  }
0x37e: {  	v28 =	vshrl.u32 v4, $0x1;
	v12 =	vmul.f32 $5.000000000e-01, v4;
	v22 =	vmul.f32 $5.000000000e-01, v3  }
0x37f: {  	v29 =	vshrl.u32 v6, $0x1;
	v30 =	vshrl.u32 v5, $0x1;
	v21 =	vmul.f32 $5.000000000e-01, v5  }
0x380: {  	v31 =	vshrl.u32 v7, $0x1;
	v18 =	vmul.f32 $5.000000000e-01, v7;
	v19 =	vmul.f32 $5.000000000e-01, v6  }
0x381: {  	v32 =	vshrl.u32 v9, $0x1;
	v33 =	vshrl.u32 v8, $0x1;
	v14 =	vmul.f32 $5.000000000e-01, v8  }
0x382: {  	v34 =	vshrl.u32 v10, $0x1;
	v15 =	vmul.f32 $5.000000000e-01, v10;
	v23 =	vmul.f32 $5.000000000e-01, v9  }
0x383: {  	v35 =	vshrl.u32 v11, $0x1;
	v20 =	vmul.f32 $5.000000000e-01, v11;
	v24 =	vsub.s32 $0x5F3759DF, v24  }
0x384: {  	v26 =	vsub.s32 $0x5F3759DF, v26;
	v27 =	vsub.s32 $0x5F3759DF, v27;
	v25 =	vsub.s32 $0x5F3759DF, v25  }
0x385: {  	v29 =	vsub.s32 $0x5F3759DF, v29;
	v30 =	vsub.s32 $0x5F3759DF, v30;
	v28 =	vsub.s32 $0x5F3759DF, v28  }
0x386: {  	v31 =	vsub.s32 $0x5F3759DF, v31;
	v36 =	vmul.f32 v25, v16;
	v37 =	vmul.f32 v24, v17  }
0x387: {  	v33 =	vsub.s32 $0x5F3759DF, v33;
	v38 =	vmul.f32 v26, v22;
	v39 =	vmul.f32 v27, v13  }
0x388: {  	v32 =	vsub.s32 $0x5F3759DF, v32;
	v40 =	vmul.f32 v30, v21;
	v41 =	vmul.f32 v28, v12  }
0x389: {  	v34 =	vsub.s32 $0x5F3759DF, v34;
	v42 =	vmul.f32 v31, v18;
	v43 =	vmul.f32 v29, v19  }
0x38a: {  	v35 =	vsub.s32 $0x5F3759DF, v35;
	v44 =	vmul.f32 v32, v23;
	v45 =	vmul.f32 v33, v14  }
0x38b: {  	v46 =	vmul.f32 v34, v15;
	v47 =	vmul.f32 v35, v20  }
0x38c: {  	v36 =	vmul.f32 v25, v36;
	v37 =	vmul.f32 v24, v37  }
0x38d: {  	v38 =	vmul.f32 v26, v38;
	v39 =	vmul.f32 v27, v39  }
0x38e: {  	v40 =	vmul.f32 v30, v40;
	v41 =	vmul.f32 v28, v41  }
0x38f: {  	v42 =	vmul.f32 v31, v42;
	v43 =	vmul.f32 v29, v43  }
0x390: {  	v45 =	vmul.f32 v33, v45;
	v36 =	vsub.f32 $1.500000000e+00, v36;
	v37 =	vsub.f32 $1.500000000e+00, v37  }
0x391: {  	v44 =	vmul.f32 v32, v44;
	v38 =	vsub.f32 $1.500000000e+00, v38;
	v39 =	vsub.f32 $1.500000000e+00, v39  }
0x392: {  	v46 =	vmul.f32 v34, v46;
	v40 =	vsub.f32 $1.500000000e+00, v40;
	v41 =	vsub.f32 $1.500000000e+00, v41  }
0x393: {  	v47 =	vmul.f32 v35, v47;
	v42 =	vsub.f32 $1.500000000e+00, v42;
	v43 =	vsub.f32 $1.500000000e+00, v43  }
0x394: {  	v45 =	vsub.f32 $1.500000000e+00, v45;
	v25 =	vmul.f32 v25, v36;
	v24 =	vmul.f32 v24, v37  }
0x395: {  	v56 =	vsub.f32 $1.500000000e+00, v44;
	v26 =	vmul.f32 v26, v38;
	v27 =	vmul.f32 v27, v39  }
0x396: {  	v57 =	vsub.f32 $1.500000000e+00, v46;
	v30 =	vmul.f32 v30, v40;
	v28 =	vmul.f32 v28, v41  }
0x397: {  	v58 =	vsub.f32 $1.500000000e+00, v47;
	v31 =	vmul.f32 v31, v42;
	v29 =	vmul.f32 v29, v43  }
0x398: {  	v32 =	vmul.f32 v32, v56;
	v33 =	vmul.f32 v33, v45  }
0x399: {  	v34 =	vmul.f32 v34, v57;
	v35 =	vmul.f32 v35, v58  }
0x39a: {  	v59 =	vmul.f32 v25, v16;
	v60 =	vmul.f32 v24, v17  }
0x39b: {  	v61 =	vmul.f32 v26, v22;
	v39 =	vmul.f32 v27, v13  }
0x39c: {  	v40 =	vmul.f32 v30, v21;
	v41 =	vmul.f32 v28, v12  }
0x39d: {  	v42 =	vmul.f32 v31, v18;
	v43 =	vmul.f32 v29, v19  }
0x39e: {  	v63 =	vmul.f32 v32, v23;
	v57 =	vmul.f32 v33, v14  }
0x39f: {  	v62 =	vld [tilespmem:s20+$0x10000];
	v48 =	vmul.f32 v34, v15;
	v49 =	vmul.f32 v35, v20  }
0x3a0: {  	v36 =	vmul.f32 v59, v25;
	v37 =	vmul.f32 v60, v24  }
0x3a1: {  	v50 =	vld [tilespmem:s20+$0x11000];
	v38 =	vmul.f32 v61, v26;
	v39 =	vmul.f32 v39, v27  }
0x3a2: {  	v51 =	vld [tilespmem:s20+$0x11800];
	v40 =	vmul.f32 v40, v30;
	v41 =	vmul.f32 v41, v28  }
0x3a3: {  	v52 =	vld [tilespmem:s20+$0x12000];
	v42 =	vmul.f32 v42, v31;
	v43 =	vmul.f32 v43, v29  }
0x3a4: {  	v53 =	vld [tilespmem:s20+$0x12800];
	v46 =	vmul.f32 v57, v33;
	v36 =	vsub.f32 $1.500000000e+00, v36;
	v37 =	vsub.f32 $1.500000000e+00, v37  }
0x3a5: {  	v54 =	vld [tilespmem:s20+$0x13000];
	v45 =	vmul.f32 v63, v32;
	v38 =	vsub.f32 $1.500000000e+00, v38;
	v39 =	vsub.f32 $1.500000000e+00, v39  }
0x3a6: {  	v55 =	vld [tilespmem:s20+$0x1D000];
	v48 =	vmul.f32 v48, v34;
	v40 =	vsub.f32 $1.500000000e+00, v40;
	v41 =	vsub.f32 $1.500000000e+00, v41  }
0x3a7: {  	v44 =	vld.idx.msk [tilespmem:v62+s2+$0x0], $0xffff;
	v49 =	vmul.f32 v49, v35;
	v42 =	vsub.f32 $1.500000000e+00, v42;
	v43 =	vsub.f32 $1.500000000e+00, v43  }
0x3a8: {  	v56 =	vld [tilespmem:s20+$0x13800];
	v46 =	vsub.f32 $1.500000000e+00, v46;
	v25 =	vmul.f32 v36, v25;
	v24 =	vmul.f32 v37, v24  }
0x3a9: {  	v58 =	vld [tilespmem:s20+$0x10800];
	v60 =	vsub.f32 $1.500000000e+00, v45;
	v26 =	vmul.f32 v38, v26;
	v27 =	vmul.f32 v39, v27  }
0x3aa: {  	v59 =	vld [tilespmem:s20+$0x14000];
	v62 =	vsub.f32 $1.500000000e+00, v48;
	v30 =	vmul.f32 v40, v30;
	v28 =	vmul.f32 v41, v28  }
0x3ab: {  	v63 =	vld.idx.msk [tilespmem:v50+s2+$0x0], $0xffff;
	v45 =	vsub.f32 $1.500000000e+00, v49;
	v31 =	vmul.f32 v42, v31;
	v29 =	vmul.f32 v43, v29  }
0x3ac: {  	v50 =	vld.idx.msk [tilespmem:v53+s2+$0x0], $0xffff;
	v32 =	vmul.f32 v60, v32;
	v33 =	vmul.f32 v46, v33  }
0x3ad: {  	v48 =	vld.idx.msk [tilespmem:v51+s2+$0x0], $0xffff;
	v34 =	vmul.f32 v62, v34;
	v35 =	vmul.f32 v45, v35  }
0x3ae: {  	v49 =	vld.idx.msk [tilespmem:v52+s2+$0x0], $0xffff;
	v16 =	vmul.f32 v25, v16;
	v17 =	vmul.f32 v24, v17  }
0x3af: {  	v52 =	vld.idx.msk [tilespmem:v54+s2+$0x0], $0xffff;
	v22 =	vmul.f32 v26, v22;
	v13 =	vmul.f32 v27, v13  }
0x3b0: {  	v54 =	vld.idx.msk [tilespmem:v56+s2+$0x0], $0xffff;
	v21 =	vmul.f32 v30, v21;
	v56 =	vmul.f32 v28, v12  }
0x3b1: {  	v61 =	vld [tilespmem:s20+$0x14800];
	v51 =	vsub.f32 v44, v55;
	v18 =	vmul.f32 v31, v18;
	v19 =	vmul.f32 v29, v19  }
0x3b2: {  	v47 =	vld.idx.msk [tilespmem:v58+s2+$0x0], $0xffff;
	v40 =	vsub.f32 v63, v55;
	v23 =	vmul.f32 v32, v23;
	v58 =	vmul.f32 v33, v14  }
0x3b3: {  	v39 =	vsub.f32 v50, v55;
	v15 =	vmul.f32 v34, v15;
	v20 =	vmul.f32 v35, v20  }
0x3b4: {  	v57 =	vsub.f32 v48, v55;
	v16 =	vmul.f32 v16, v25;
	v17 =	vmul.f32 v17, v24  }
0x3b5: {  	v37 =	vsub.f32 v49, v55;
	v22 =	vmul.f32 v22, v26;
	v13 =	vmul.f32 v13, v27  }
0x3b6: {  	v43 =	vsub.f32 v52, v55;
	v21 =	vmul.f32 v21, v30;
	v46 =	vmul.f32 v56, v28  }
0x3b7: {  	v12 =	vld.idx.msk [tilespmem:v59+s2+$0x0], $0xffff;
	v15 =	vmul.f32 v15, v34;
	v59 =	vmul.f32 v58, v33;
	v45 =	vsub.f32 v54, v55  }
0x3b8: {  	v23 =	vmul.f32 v23, v32;
	v53 =	vsub.f32 v47, v55;
	v16 =	vsub.f32 $1.500000000e+00, v16  }
0x3b9: {  	v38 =	vld.idx.msk [tilespmem:v61+s2+$0x0], $0xffff;
	v18 =	vmul.f32 v18, v31;
	v17 =	vsub.f32 $1.500000000e+00, v17;
	v22 =	vsub.f32 $1.500000000e+00, v22  }
0x3ba: {  	v19 =	vmul.f32 v19, v29;
	v13 =	vsub.f32 $1.500000000e+00, v13;
	v15 =	vsub.f32 $1.500000000e+00, v15  }
0x3bb: {  	v20 =	vmul.f32 v20, v35;
	v23 =	vsub.f32 $1.500000000e+00, v23;
	v18 =	vsub.f32 $1.500000000e+00, v18  }
0x3bc: {  	v60 =	vld [tilespmem:s20+$0x15000];
	v62 =	vsub.f32 $1.500000000e+00, v46;
	v46 =	vmul.f32 v43, v43;
	v15 =	vmul.f32 v15, v34  }
0x3bd: {  	v20 =	vsub.f32 $1.500000000e+00, v20;
	v23 =	vmul.f32 v23, v32;
	v18 =	vmul.f32 v18, v31  }
0x3be: {  	v61 =	vld [tilespmem:s20+$0x15800];
	v34 =	vmul.f32 v62, v28;
	v41 =	vmul.f32 v53, v53;
	v14 =	vsub.f32 v38, v55  }
0x3bf: {  	v38 =	vsub.f32 $1.500000000e+00, v59;
	v20 =	vmul.f32 v20, v35;
	v35 =	vmul.f32 v13, v27  }
0x3c0: {  	v12 =	vsub.f32 v12, v55;
	v10 =	vmul.f32 v15, v10;
	v9 =	vmul.f32 v23, v9  }
0x3c1: {  	v15 =	vsub.f32 $1.500000000e+00, v19;
	v63 =	vmul.f32 v38, v33;
	v11 =	vmul.f32 v20, v11  }
0x3c2: {  	v19 =	vsub.f32 $1.500000000e+00, v21;
	v7 =	vmul.f32 v18, v7;
	v4 =	vmul.f32 v34, v4  }
0x3c3: {  	v33 =	vmul.f32 v15, v29;
	v20 =	vmul.f32 v63, v8;
	v15 =	vmin.f32 v10, v11  }
0x3c4: {  	v2 =	vmul.f32 v35, v2;
	v18 =	vmul.f32 v19, v30;
	v19 =	vld.idx.msk [tilespmem:v60+s2+$0x0], $0xffff;
	v15 =	vmin.f32 v15, v9  }
0x3c5: {  	v59 =	vld [tilespmem:s20+$0x1A800];
	v38 =	vmul.f32 v17, v24;
	v6 =	vmul.f32 v33, v6;
	v15 =	vmin.f32 v15, v20  }
0x3c6: {  	v21 =	vld.idx.msk [tilespmem:v61+s2+$0x0], $0xffff;
	v5 =	vmul.f32 v18, v5;
	v18 =	vmul.f32 v22, v26;
	v15 =	vmin.f32 v15, v7  }
0x3c7: {  	v56 =	vmul.f32 v12, v12;
	v58 =	vmul.f32 v14, v14;
	v13 =	vmin.f32 v15, v6;
	v15 =	vld [tilespmem:s20+$0x16000]  }
0x3c8: {  	v62 =	vld [tilespmem:s20+$0x1B000];
	v18 =	vmul.f32 v18, v3;
	v3 =	vmul.f32 v16, v25;
	v13 =	vmin.f32 v13, v5  }
0x3c9: {  	v0 =	vmul.f32 v38, v0;
	v16 =	vld [tilespmem:s20+$0x16800];
	v23 =	vsub.f32 v19, v55;
	v13 =	vmin.f32 v13, v4  }
0x3ca: {  	v17 =	vld [tilespmem:s20+$0x17000];
	v1 =	vmul.f32 v3, v1;
	v3 =	vmin.f32 v13, v18;
	v13 =	vmul.f32 v51, v51  }
0x3cb: {  	v33 =	vadd.f32 v58, v59;
	v23 =	vmul.f32 v23, v23;
	v3 =	vmin.f32 v3, v2  }
0x3cc: {  	v24 =	vsub.f32 v21, v55;
	v3 =	vmin.f32 v3, v1;
	v13 =	vadd.f32 v13, v15  }
0x3cd: {  	v15 =	vmul.f32 v40, v40;
	v40 =	vadd.f32 v23, v62;
	v21 =	vmin.f32 v3, v0  }
0x3ce: {  	v29 =	vmul.f32 v45, v45;
	v3 =	vadd.f32 v41, v16;
	v22 =	vsub.f32 v21, v10  }
0x3cf: {  	v25 =	vmul.f32 v39, v39;
	v15 =	vadd.f32 v15, v17;
	v11 =	vsub.f32 v21, v11  }
0x3d0: {  	v19 =	vld [tilespmem:s20+$0x17800];
	v16 =	vmul.f32 v57, v57;
	v9 =	vsub.f32 v21, v9;
	v42 =	vsub.f32 v21, v20  }
0x3d1: {  	v17 =	vmul.f32 v37, v37;
	v7 =	vsub.f32 v21, v7;
	v6 =	vsub.f32 v21, v6  }
0x3d2: {  	v10 =	vmax.f32 v13, $1.000000000e-30;
	v5 =	vsub.f32 v21, v5;
	v49 =	vsub.f32 v21, v4  }
0x3d3: {  	v50 =	vsub.f32 v21, v18;
	v2 =	vsub.f32 v21, v2;
	v20 =	vmul.f32 $5.000000000e-01, v10  }
0x3d4: {  	v8 =	vmax.f32 v3, $1.000000000e-30;
	v3 =	vmul.f32 $1.442695020e+00, v22;
	v11 =	vmul.f32 $1.442695020e+00, v11  }
0x3d5: {  	v16 =	vadd.f32 v16, v19;
	v19 =	vmul.f32 $5.000000000e-01, v8;
	v7 =	vmul.f32 $1.442695020e+00, v7  }
0x3d6: {  	v1 =	vsub.f32 v21, v1;
	v6 =	vmul.f32 $1.442695020e+00, v6;
	v5 =	vmul.f32 $1.442695020e+00, v5  }
0x3d7: {  	v0 =	vsub.f32 v21, v0;
	v18 =	vmul.f32 $1.442695020e+00, v49;
	(erf) = vpow2.f32 v3  }
0x3d8: {  	v26 =	vshrl.u32 v10, $0x1;
	v3 =	vmul.f32 $1.442695020e+00, v9;
	(erf) = vpow2.f32 v11  }
0x3d9: {  	v44 =	vshrl.u32 v8, $0x1;
	v53 =	vmul.f32 $1.442695020e+00, v50;
	v2 =	vmul.f32 $1.442695020e+00, v2  }
0x3da: {  	v21 =	vld [tilespmem:s20+$0x1A000];
	v13 =	vmax.f32 v15, $1.000000000e-30;
	v9 =	vmul.f32 $1.442695020e+00, v42;
	(erf) = vpow2.f32 v3  }
0x3db: {  	v27 =	vsub.s32 $0x5F3759DF, v26;
	v1 =	vmul.f32 $1.442695020e+00, v1;
	v0 =	vmul.f32 $1.442695020e+00, v0;
	v3 =	vld [tilespmem:s20+$0x18800]  }
0x3dc: {  	v22 =	vld [tilespmem:s20+$0x18000];
	v31 =	vsub.s32 $0x5F3759DF, v44;
	v47 =	vshrl.u32 v13, $0x1;
	(erf) = vpow2.f32 v9  }
0x3dd: {  	v15 =	vmax.f32 v16, $1.000000000e-30;
	v48 =	vmul.f32 v27, v20;
	v30 =	vmul.f32 v31, v19  }
0x3de: {  	v32 =	vsub.s32 $0x5F3759DF, v47;
	v51 =	vshrl.u32 v15, $0x1;
	(erf) = vpow2.f32 v7  }
0x3df: {  	v26 =	vmul.f32 $5.000000000e-01, v15;
	v36 =	vsub.s32 $0x5F3759DF, v51;
	v35 =	vadd.f32 v56, v21  }
0x3e0: {  	v28 =	vld [tilespmem:s20+$0x19000];
	v56 =	vmul.f32 v24, v24;
	(erf) = vpow2.f32 v6;
	v25 =	vadd.f32 v25, v3;
	v3 =	vpop (erf)  }
0x3e1: {  	v60 =	vmul.f32 v31, v30;
	v17 =	vadd.f32 v17, v22;
	v22 =	vmul.f32 $5.000000000e-01, v13;
	v4 =	vpop (erf)  }
0x3e2: {  	v61 =	vmul.f32 v36, v26;
	(erf) = vpow2.f32 v5;
	v16 =	vadd.f32 v4, v3  }
0x3e3: {  	v23 =	vmax.f32 v35, $1.000000000e-30;
	v7 =	vmul.f32 v27, v48;
	v55 =	vmul.f32 v32, v22;
	v6 =	vpop (erf)  }
0x3e4: {  	v38 =	vmul.f32 v36, v61;
	(erf) = vpow2.f32 v18;
	v52 =	vadd.f32 v16, v6  }
0x3e5: {  	v18 =	vadd.f32 v46, v28;
	v34 =	vmul.f32 v32, v55;
	v55 =	vsub.f32 $1.500000000e+00, v60;
	v9 =	vpop (erf)  }
0x3e6: {  	v54 =	vld [tilespmem:s20+$0x19800];
	(erf) = vpow2.f32 v53;
	v16 =	vmax.f32 v17, $1.000000000e-30;
	v17 =	vadd.f32 v52, v9  }
0x3e7: {  	v50 =	vmul.f32 $5.000000000e-01, v23;
	(erf) = vpow2.f32 v2;
	v18 =	vmax.f32 v18, $1.000000000e-30;
	v11 =	vpop (erf)  }
0x3e8: {  	v34 =	vsub.f32 $1.500000000e+00, v34;
	v31 =	vmul.f32 v31, v55;
	v17 =	vadd.f32 v17, v11  }
0x3e9: {  	(erf) = vpow2.f32 v1;
	v53 =	vshrl.u32 v18, $0x1;
	v12 =	vpop (erf);
	v2 =	vshrl.u32 v16, $0x1  }
0x3ea: {  	v28 =	vmul.f32 $5.000000000e-01, v16;
	v39 =	vsub.s32 $0x5F3759DF, v2;
	v57 =	vadd.f32 v17, v12  }
0x3eb: {  	v14 =	vpop (erf);
	v17 =	vmax.f32 v25, $1.000000000e-30;
	v25 =	vadd.f32 v29, v54;
	v54 =	vsub.f32 $1.500000000e+00, v7  }
0x3ec: {  	v2 =	vshrl.u32 v17, $0x1;
	v29 =	vmul.f32 $5.000000000e-01, v17;
	v1 =	vadd.f32 v57, v14  }
0x3ed: {  	(erf) = vpow2.f32 v0;
	v63 =	vmul.f32 v39, v28;
	v43 =	vsub.s32 $0x5F3759DF, v2  }
0x3ee: {  	v44 =	vsub.s32 $0x5F3759DF, v53;
	v0 =	vpop (erf);
	v37 =	vmul.f32 v27, v54;
	v59 =	vmul.f32 v43, v29  }
0x3ef: {  	v32 =	vmul.f32 v32, v34;
	v61 =	vmul.f32 v39, v63;
	v30 =	vadd.f32 v1, v0  }
0x3f0: {  	v21 =	vmax.f32 v25, $1.000000000e-30;
	v5 =	vmul.f32 v43, v59;
	v59 =	vmul.f32 v37, v20;
	v1 =	vpop (erf)  }
0x3f1: {  	v27 =	vsub.f32 $1.500000000e+00, v38;
	v52 =	vadd.f32 v30, v1;
	v30 =	vmul.f32 $5.000000000e-01, v18  }
0x3f2: {  	v48 =	vmul.f32 $5.000000000e-01, v21;
	v2 =	vpop (erf);
	v38 =	vsub.f32 $1.500000000e+00, v5;
	v46 =	vmul.f32 v59, v37  }
0x3f3: {  	v36 =	vmul.f32 v36, v27;
	v25 =	vadd.f32 v52, v2;
	v62 =	vmul.f32 v44, v30  }
0x3f4: {  	v5 =	vmul.f32 v32, v22;
	v57 =	vpop (erf);
	v38 =	vmul.f32 v43, v38;
	v46 =	vsub.f32 $1.500000000e+00, v46  }
0x3f5: {  	v24 =	vadd.f32 v25, v57;
	v25 =	vshrl.u32 v21, $0x1;
	v35 =	vmul.f32 v44, v62  }
0x3f6: {  	[tilespmem:$0x1FEA0] =	vst v57;
	v60 =	vpop (erf);
	v57 =	vsub.f32 $1.500000000e+00, v61;
	v62 =	vmul.f32 v31, v19;
	v37 =	vmul.f32 v46, v37  }
0x3f7: {  	v58 =	vld [tilespmem:s20+$0x1B800];
	v49 =	vsub.s32 $0x5F3759DF, v25;
	v25 =	vshrl.u32 v23, $0x1;
	v24 =	vadd.f32 v24, v60  }
0x3f8: {  	v7 =	vmul.f32 v49, v48;
	v45 =	vsub.s32 $0x5F3759DF, v25;
	v34 =	vmul.f32 v39, v57  }
0x3f9: {  	v25 =	vmax.f32 v40, $1.000000000e-30;
	v53 =	vmul.f32 v62, v31;
	v57 =	vmul.f32 v36, v26  }
0x3fa: {  	v35 =	vsub.f32 $1.500000000e+00, v35;
	v62 =	vmul.f32 v5, v32;
	v5 =	vmul.f32 v38, v29  }
0x3fb: {  	v20 =	vmul.f32 v37, v20;
	v51 =	vmul.f32 $5.000000000e-01, v25;
	v61 =	vshrl.u32 v25, $0x1  }
0x3fc: {  	(erf) = vrcp.f32 v24;
	v24 =	vmax.f32 v33, $1.000000000e-30;
	v63 =	vadd.f32 v56, v58  }
0x3fd: {  	v58 =	vmul.f32 v45, v50;
	v33 =	vmul.f32 v49, v7;
	v52 =	vsub.s32 $0x5F3759DF, v61  }
0x3fe: {  	v35 =	vmul.f32 v44, v35;
	v44 =	vmul.f32 v57, v36;
	v43 =	vsub.f32 $1.500000000e+00, v62  }
0x3ff: {  	v20 =	vmul.f32 v20, v37;
	v56 =	vshrl.u32 v24, $0x1;
	v47 =	vmul.f32 $5.000000000e-01, v24  }
0x400: {  	v61 =	vmul.f32 v52, v51;
	v41 =	vsub.s32 $0x5F3759DF, v56;
	v27 =	vmax.f32 v63, $1.000000000e-30  }
0x401: {  	v7 =	vmul.f32 v45, v58;
	v33 =	vsub.f32 $1.500000000e+00, v33;
	v58 =	vmul.f32 v34, v28  }
0x402: {  	v32 =	vmul.f32 v43, v32;
	v20 =	vsub.f32 $1.500000000e+00, v20;
	v63 =	vmul.f32 v41, v47  }
0x403: {  	[tilespmem:$0x1FEC0] =	vst v60;
	v54 =	vmul.f32 $5.000000000e-01, v27;
	v60 =	vshrl.u32 v27, $0x1;
	v56 =	vmul.f32 v52, v61  }
0x404: {  	v61 =	vmul.f32 v5, v38;
	v5 =	vsub.f32 $1.500000000e+00, v44;
	v39 =	vsub.f32 $1.500000000e+00, v7  }
0x405: {  	v33 =	vmul.f32 v49, v33;
	v7 =	vsub.f32 $1.500000000e+00, v53;
	v53 =	vmul.f32 v58, v34  }
0x406: {  	v40 =	vsub.s32 $0x5F3759DF, v60;
	v60 =	vmul.f32 v35, v30;
	v22 =	vmul.f32 v32, v22  }
0x407: {  	v20 =	vmul.f32 v20, v37;
	v42 =	vmul.f32 v41, v63  }
0x408: {  	v63 =	vmul.f32 v40, v54;
	v36 =	vmul.f32 v5, v36  }
0x409: {  	v39 =	vmul.f32 v45, v39;
	v31 =	vmul.f32 v7, v31  }
0x40a: {  	v61 =	vsub.f32 $1.500000000e+00, v61;
	v62 =	vmul.f32 v33, v48;
	v7 =	vmul.f32 v60, v35  }
0x40b: {  	v58 =	vsub.f32 $1.500000000e+00, v53;
	v22 =	vmul.f32 v22, v32;
	v55 =	vmul.f32 v40, v63  }
0x40c: {  	v42 =	vsub.f32 $1.500000000e+00, v42;
	v26 =	vmul.f32 v36, v26;
	v38 =	vmul.f32 v61, v38  }
0x40d: {  	v63 =	vsub.f32 $1.500000000e+00, v56;
	v56 =	vmul.f32 v39, v50;
	v19 =	vmul.f32 v31, v19  }
0x40e: {  	v46 =	vmul.f32 v62, v33;
	v34 =	vmul.f32 v58, v34  }
0x40f: {  	v41 =	vmul.f32 v41, v42;
	v49 =	vmul.f32 v52, v63  }
0x410: {  	v43 =	vsub.f32 $1.500000000e+00, v7;
	v26 =	vmul.f32 v26, v36;
	v29 =	vmul.f32 v38, v29  }
0x411: {  	v22 =	vsub.f32 $1.500000000e+00, v22;
	v60 =	vmul.f32 v56, v39;
	v19 =	vmul.f32 v19, v31  }
0x412: {  	v57 =	vsub.f32 $1.500000000e+00, v55;
	v28 =	vmul.f32 v34, v28;
	v35 =	vmul.f32 v43, v35  }
0x413: {  	v46 =	vsub.f32 $1.500000000e+00, v46;
	v22 =	vmul.f32 v22, v32;
	v59 =	vmul.f32 v41, v47  }
0x414: {  	v40 =	vmul.f32 v40, v57;
	v62 =	vmul.f32 v49, v51  }
0x415: {  	v29 =	vmul.f32 v29, v38;
	v33 =	vmul.f32 v46, v33  }
0x416: {  	v26 =	vsub.f32 $1.500000000e+00, v26;
	v28 =	vmul.f32 v28, v34;
	v30 =	vmul.f32 v35, v30  }
0x417: {  	v42 =	vsub.f32 $1.500000000e+00, v60;
	v46 =	vmul.f32 v22, v13;
	v63 =	vmul.f32 v59, v41  }
0x418: {  	v19 =	vsub.f32 $1.500000000e+00, v19;
	v52 =	vmul.f32 v40, v54;
	v5 =	vmul.f32 v62, v49  }
0x419: {  	v57 =	vmul.f32 v26, v36;
	v39 =	vmul.f32 v42, v39  }
0x41a: {  	v26 =	vsub.f32 $1.500000000e+00, v29;
	v31 =	vmul.f32 v19, v31;
	v53 =	vmul.f32 v30, v35  }
0x41b: {  	v28 =	vsub.f32 $1.500000000e+00, v28;
	v7 =	vmul.f32 v52, v40;
	v52 =	vmul.f32 v33, v48  }
0x41c: {  	s21 =	simm.s32 $0x20;
	v44 =	vsub.f32 $1.500000000e+00, v63;
	v15 =	vmul.f32 v57, v15;
	v26 =	vmul.f32 v26, v38  }
0x41d: {  	v37 =	vld [tilespmem:s21+$0x14810];
	v19 =	vsub.f32 $1.500000000e+00, v5;
	v42 =	vmul.f32 v39, v50;
	v45 =	vmul.f32 v31, v8  }
0x41e: {  	v32 =	vld [tilespmem:s21+$0x19810];
	v28 =	vmul.f32 v28, v34;
	v41 =	vmul.f32 v44, v41  }
0x41f: {  	v62 =	vld [tilespmem:s21+$0x15810];
	v44 =	vmul.f32 v20, v10;
	v56 =	vmul.f32 v19, v49  }
0x420: {  	v30 =	vld [tilespmem:s21+$0x1A810];
	v59 =	vsub.f32 $1.500000000e+00, v53;
	v29 =	vmul.f32 v52, v33;
	v17 =	vmul.f32 v26, v17  }
0x421: {  	v38 =	vld [tilespmem:s21+$0x1D010];
	v55 =	vsub.f32 $1.500000000e+00, v7;
	v60 =	vmul.f32 v42, v39;
	v16 =	vmul.f32 v28, v16  }
0x422: {  	v63 =	vld [tilespmem:s21+$0x15010];
	v35 =	vmul.f32 v59, v35;
	v58 =	vmul.f32 v41, v47  }
0x423: {  	v57 =	vld [tilespmem:s21+$0x10010];
	v13 =	vmul.f32 v55, v40;
	v61 =	vmul.f32 v56, v51  }
0x424: {  	v31 =	vld [tilespmem:s21+$0x1A010];
	v22 =	vmin.f32 v44, v45;
	v29 =	vsub.f32 $1.500000000e+00, v29;
	v18 =	vmul.f32 v35, v18  }
0x425: {  	v19 =	vld [tilespmem:s21+$0x1B810];
	v22 =	vmin.f32 v22, v46;
	v28 =	vmul.f32 v13, v54;
	v8 =	vmul.f32 v61, v56  }
0x426: {  	v20 =	vld [tilespmem:s21+$0x1B010];
	v34 =	vsub.f32 $1.500000000e+00, v60;
	v36 =	vmul.f32 v58, v41;
	v26 =	vmul.f32 v29, v33  }
0x427: {  	v52 =	vld [tilespmem:s21+$0x12010];
	v22 =	vmin.f32 v22, v15;
	v28 =	vmul.f32 v28, v13;
	v8 =	vsub.f32 $1.500000000e+00, v8  }
0x428: {  	v53 =	vpop (erf);
	v35 =	vld [tilespmem:s21+$0x13810];
	v36 =	vsub.f32 $1.500000000e+00, v36;
	v21 =	vmul.f32 v26, v21;
	v26 =	vmul.f32 v34, v39  }
0x429: {  	v33 =	vld [tilespmem:s21+$0x14010];
	v22 =	vmin.f32 v22, v16;
	v10 =	vmul.f32 v8, v56;
	v8 =	vmul.f32 $5.000000000e-01, v53  }
0x42a: {  	v54 =	vld [tilespmem:s21+$0x11810];
	v22 =	vmin.f32 v22, v17;
	v29 =	vmul.f32 v36, v41;
	v28 =	vsub.f32 $1.500000000e+00, v28  }
0x42b: {  	v34 =	vld [tilespmem:s21+$0x13010];
	v22 =	vmin.f32 v22, v18;
	v39 =	vmul.f32 v26, v23;
	v3 =	vmul.f32 v8, v3  }
0x42c: {  	v36 =	vld [tilespmem:s21+$0x12810];
	v22 =	vmin.f32 v22, v21;
	v24 =	vmul.f32 v29, v24;
	v13 =	vmul.f32 v28, v13  }
0x42d: {  	v56 =	vld [tilespmem:s21+$0x11010];
	v55 =	vmul.f32 v10, v25;
	v22 =	vmin.f32 v22, v39;
	[tilespmem:$0x1FF20] =	vst v3;
	v3 =	vmul.f32 v8, v4  }
0x42e: {  	v59 =	vmul.f32 v8, v6;
	v10 =	vmul.f32 v13, v27;
	v13 =	vmin.f32 v22, v24  }
0x42f: {  	v60 =	vmul.f32 v8, v9;
	[tilespmem:$0x1FF30] =	vst v3;
	v3 =	vmin.f32 v13, v55  }
0x430: {  	v58 =	vld [tilespmem:s21+$0x10810];
	[tilespmem:$0x1FF40] =	vst v59;
	v13 =	vmin.f32 v3, v10;
	v3 =	vmul.f32 v8, v11  }
0x431: {  	[tilespmem:$0x1FF50] =	vst v60  }
0x432: {  	v61 =	vld.idx.msk [tilespmem:v62+s2+$0x0], $0xffff;
	[tilespmem:$0x1FF60] =	vst v3;
	v3 =	vmul.f32 v8, v12  }
0x433: {  	v11 =	vmul.f32 v8, v14;
	v40 =	vsub.f32 v13, v46  }
0x434: {  	v0 =	vmul.f32 v8, v0;
	v14 =	vsub.f32 v13, v15;
	v15 =	vsub.f32 v13, v16;
	[tilespmem:$0x1FF70] =	vst v3  }
0x435: {  	v17 =	vsub.f32 v13, v17;
	v18 =	vsub.f32 v13, v18;
	v62 =	vld.idx.msk [tilespmem:v63+s2+$0x0], $0xffff;
	[tilespmem:$0x1FF80] =	vst v11  }
0x436: {  	v46 =	vsub.f32 v13, v24;
	v14 =	vmul.f32 $1.442695020e+00, v14;
	v3 =	vsub.f32 v13, v44;
	v12 =	vld.idx.msk [tilespmem:v37+s2+$0x0], $0xffff  }
0x437: {  	v15 =	vmul.f32 $1.442695020e+00, v15;
	v17 =	vmul.f32 $1.442695020e+00, v17;
	v63 =	vsub.f32 v13, v45;
	v16 =	vld.idx.msk [tilespmem:v33+s2+$0x0], $0xffff  }
0x438: {  	v18 =	vmul.f32 $1.442695020e+00, v18;
	v3 =	vmul.f32 $1.442695020e+00, v3;
	v42 =	vld.idx.msk [tilespmem:v35+s2+$0x0], $0xffff  }
0x439: {  	v6 =	vmul.f32 $1.442695020e+00, v46;
	v34 =	vld.idx.msk [tilespmem:v34+s2+$0x0], $0xffff;
	v51 =	vsub.f32 v61, v38;
	v4 =	vmul.f32 $1.442695020e+00, v63  }
0x43a: {  	v11 =	vmul.f32 $1.442695020e+00, v40;
	v24 =	vld.idx.msk [tilespmem:v54+s2+$0x0], $0xffff;
	(erf) = vpow2.f32 v3  }
0x43b: {  	v44 =	vsub.f32 v13, v39;
	v48 =	vld.idx.msk [tilespmem:v56+s2+$0x0], $0xffff;
	v39 =	vmul.f32 v51, v51;
	(erf) = vpow2.f32 v4  }
0x43c: {  	v45 =	vld.idx.msk [tilespmem:v52+s2+$0x0], $0xffff;
	v3 =	vsub.f32 v13, v21;
	(erf) = vpow2.f32 v11;
	v49 =	vsub.f32 v62, v38  }
0x43d: {  	v21 =	vld.idx.msk [tilespmem:v36+s2+$0x0], $0xffff;
	v19 =	vadd.f32 v39, v19;
	(erf) = vpow2.f32 v14;
	v14 =	vsub.f32 v13, v55  }
0x43e: {  	v52 =	vld.idx.msk [tilespmem:v58+s2+$0x0], $0xffff;
	v4 =	vmul.f32 $1.442695020e+00, v44;
	v16 =	vsub.f32 v16, v38;
	v12 =	vsub.f32 v12, v38  }
0x43f: {  	v53 =	vld [tilespmem:s21+$0x19010];
	v3 =	vmul.f32 $1.442695020e+00, v3;
	v33 =	vsub.f32 v42, v38;
	v24 =	vsub.f32 v24, v38  }
0x440: {  	v54 =	vld [tilespmem:s21+$0x18810];
	v36 =	vsub.f32 v48, v38;
	(erf) = vpow2.f32 v15;
	v37 =	vmul.f32 v49, v49  }
0x441: {  	v56 =	vld [tilespmem:s21+$0x17810];
	(erf) = vpow2.f32 v17;
	v17 =	vsub.f32 v34, v38;
	v9 =	vmul.f32 $1.442695020e+00, v14  }
0x442: {  	v15 =	vld.idx.msk [tilespmem:v57+s2+$0x0], $0xffff;
	v14 =	vsub.f32 v45, v38;
	v21 =	vsub.f32 v21, v38;
	v16 =	vmul.f32 v16, v16  }
0x443: {  	v55 =	vld [tilespmem:s21+$0x18010];
	v12 =	vmul.f32 v12, v12;
	v33 =	vmul.f32 v33, v33;
	v11 =	vsub.f32 v52, v38  }
0x444: {  	v57 =	vld [tilespmem:s21+$0x17010];
	v24 =	vmul.f32 v24, v24;
	v36 =	vmul.f32 v36, v36;
	v20 =	vadd.f32 v37, v20  }
0x445: {  	v59 =	vld [tilespmem:s21+$0x16810];
	(erf) = vpow2.f32 v18;
	v17 =	vmul.f32 v17, v17;
	v16 =	vadd.f32 v16, v31  }
0x446: {  	v14 =	vmul.f32 v14, v14;
	v12 =	vadd.f32 v12, v30;
	v30 =	vadd.f32 v33, v32  }
0x447: {  	v21 =	vmul.f32 v21, v21;
	v24 =	vadd.f32 v24, v56;
	v15 =	vsub.f32 v15, v38  }
0x448: {  	v11 =	vmul.f32 v11, v11;
	v17 =	vadd.f32 v17, v53;
	v31 =	vadd.f32 v14, v55  }
0x449: {  	(erf) = vpow2.f32 v3;
	v21 =	vadd.f32 v21, v54;
	v60 =	vadd.f32 v36, v57  }
0x44a: {  	v62 =	vadd.f32 v11, v59;
	v11 =	vmax.f32 v19, $1.000000000e-30;
	v14 =	vmax.f32 v12, $1.000000000e-30  }
0x44b: {  	v12 =	vmax.f32 v20, $1.000000000e-30;
	v20 =	vmax.f32 v24, $1.000000000e-30;
	v35 =	vshrl.u32 v11, $0x1  }
0x44c: {  	v63 =	vshrl.u32 v12, $0x1;
	v32 =	vmul.f32 $5.000000000e-01, v11;
	v33 =	vmul.f32 $5.000000000e-01, v14  }
0x44d: {  	v58 =	vld [tilespmem:s21+$0x16010];
	v7 =	vshrl.u32 v14, $0x1;
	v49 =	vmul.f32 $5.000000000e-01, v20;
	v15 =	vmul.f32 v15, v15  }
0x44e: {  	v18 =	vmax.f32 v21, $1.000000000e-30;
	v17 =	vmax.f32 v17, $1.000000000e-30;
	v21 =	vmax.f32 v60, $1.000000000e-30  }
0x44f: {  	v19 =	vmax.f32 v31, $1.000000000e-30;
	v31 =	vmul.f32 $5.000000000e-01, v12;
	v35 =	vsub.s32 $0x5F3759DF, v35  }
0x450: {  	v38 =	vsub.s32 $0x5F3759DF, v7;
	v36 =	vsub.s32 $0x5F3759DF, v63;
	v59 =	vshrl.u32 v17, $0x1  }
0x451: {  	v43 =	vmul.f32 $5.000000000e-01, v17;
	v60 =	vshrl.u32 v19, $0x1;
	v45 =	vmul.f32 $5.000000000e-01, v19  }
0x452: {  	v46 =	vmul.f32 $5.000000000e-01, v18;
	v52 =	vmul.f32 $5.000000000e-01, v21;
	v61 =	vadd.f32 v15, v58  }
0x453: {  	v15 =	vmax.f32 v16, $1.000000000e-30;
	v16 =	vmax.f32 v30, $1.000000000e-30;
	v30 =	vmax.f32 v62, $1.000000000e-30  }
0x454: {  	v58 =	vshrl.u32 v18, $0x1;
	v62 =	vshrl.u32 v20, $0x1;
	v42 =	vsub.s32 $0x5F3759DF, v59  }
0x455: {  	v44 =	vsub.s32 $0x5F3759DF, v60;
	v63 =	vmul.f32 v36, v31;
	v5 =	vshrl.u32 v15, $0x1  }
0x456: {  	v57 =	vshrl.u32 v16, $0x1;
	v34 =	vmul.f32 $5.000000000e-01, v16;
	v40 =	vmul.f32 $5.000000000e-01, v15  }
0x457: {  	v53 =	vshrl.u32 v30, $0x1;
	v54 =	vmul.f32 $5.000000000e-01, v30;
	v41 =	vsub.s32 $0x5F3759DF, v58  }
0x458: {  	v48 =	vsub.s32 $0x5F3759DF, v62;
	v58 =	vmul.f32 v38, v33;
	v59 =	vmul.f32 v42, v43  }
0x459: {  	v24 =	vmax.f32 v61, $1.000000000e-30;
	v37 =	vsub.s32 $0x5F3759DF, v5;
	v5 =	vmul.f32 v35, v32  }
0x45a: {  	v61 =	vshrl.u32 v21, $0x1;
	v55 =	vmul.f32 v36, v63;
	v62 =	vmul.f32 v41, v46  }
0x45b: {  	v39 =	vsub.s32 $0x5F3759DF, v57;
	v51 =	vmul.f32 $5.000000000e-01, v24;
	v7 =	vmul.f32 v37, v40  }
0x45c: {  	v47 =	vsub.s32 $0x5F3759DF, v61;
	v60 =	vmul.f32 v39, v34;
	v61 =	vmul.f32 v44, v45  }
0x45d: {  	v53 =	vsub.s32 $0x5F3759DF, v53;
	v58 =	vmul.f32 v38, v58;
	v59 =	vmul.f32 v42, v59  }
0x45e: {  	v50 =	vshrl.u32 v24, $0x1;
	v56 =	vmul.f32 v35, v5;
	v63 =	vmul.f32 v47, v52  }
0x45f: {  	v50 =	vsub.s32 $0x5F3759DF, v50;
	v62 =	vmul.f32 v41, v62;
	v57 =	vmul.f32 v37, v7  }
0x460: {  	v55 =	vsub.f32 $1.500000000e+00, v55;
	v5 =	vmul.f32 v50, v51;
	v7 =	vmul.f32 v53, v54  }
0x461: {  	v60 =	vmul.f32 v39, v60;
	v61 =	vmul.f32 v44, v61;
	v58 =	vsub.f32 $1.500000000e+00, v58  }
0x462: {  	v59 =	vsub.f32 $1.500000000e+00, v59;
	v56 =	vsub.f32 $1.500000000e+00, v56;
	v36 =	vmul.f32 v36, v55  }
0x463: {  	v55 =	vmul.f32 v48, v49;
	v63 =	vmul.f32 v47, v63;
	v62 =	vsub.f32 $1.500000000e+00, v62  }
0x464: {  	v57 =	vsub.f32 $1.500000000e+00, v57;
	v38 =	vmul.f32 v38, v58;
	v42 =	vmul.f32 v42, v59  }
0x465: {  	v60 =	vsub.f32 $1.500000000e+00, v60;
	v35 =	vmul.f32 v35, v56;
	v55 =	vmul.f32 v48, v55  }
0x466: {  	v61 =	vsub.f32 $1.500000000e+00, v61;
	v56 =	vmul.f32 v50, v5;
	v41 =	vmul.f32 v41, v62  }
0x467: {  	v37 =	vmul.f32 v37, v57;
	v57 =	vmul.f32 v53, v7  }
0x468: {  	v63 =	vsub.f32 $1.500000000e+00, v63;
	v39 =	vmul.f32 v39, v60;
	v44 =	vmul.f32 v44, v61  }
0x469: {  	v58 =	vmul.f32 v38, v33;
	v59 =	vmul.f32 v42, v43  }
0x46a: {  	v47 =	vmul.f32 v47, v63;
	v63 =	vmul.f32 v36, v31  }
0x46b: {  	v5 =	vmul.f32 v35, v32;
	v62 =	vmul.f32 v41, v46  }
0x46c: {  	v55 =	vsub.f32 $1.500000000e+00, v55;
	v7 =	vmul.f32 v37, v40;
	v60 =	vmul.f32 v39, v34  }
0x46d: {  	v56 =	vsub.f32 $1.500000000e+00, v56;
	v61 =	vmul.f32 v44, v45;
	v58 =	vmul.f32 v58, v38  }
0x46e: {  	v59 =	vmul.f32 v59, v42;
	v48 =	vmul.f32 v48, v55  }
0x46f: {  	v57 =	vsub.f32 $1.500000000e+00, v57;
	v50 =	vmul.f32 v50, v56;
	v55 =	vmul.f32 v63, v36  }
0x470: {  	v56 =	vmul.f32 v5, v35;
	v63 =	vmul.f32 v47, v52  }
0x471: {  	v62 =	vmul.f32 v62, v41;
	v53 =	vmul.f32 v53, v57  }
0x472: {  	v57 =	vmul.f32 v7, v37;
	v60 =	vmul.f32 v60, v39;
	v58 =	vsub.f32 $1.500000000e+00, v58  }
0x473: {  	v61 =	vmul.f32 v61, v44;
	v59 =	vsub.f32 $1.500000000e+00, v59;
	v55 =	vsub.f32 $1.500000000e+00, v55  }
0x474: {  	v56 =	vsub.f32 $1.500000000e+00, v56;
	v5 =	vmul.f32 v50, v51;
	v63 =	vmul.f32 v63, v47  }
0x475: {  	v62 =	vsub.f32 $1.500000000e+00, v62;
	v7 =	vmul.f32 v53, v54;
	v38 =	vmul.f32 v58, v38  }
0x476: {  	v57 =	vsub.f32 $1.500000000e+00, v57;
	v42 =	vmul.f32 v59, v42;
	v36 =	vmul.f32 v55, v36  }
0x477: {  	v60 =	vsub.f32 $1.500000000e+00, v60;
	v55 =	vmul.f32 v48, v49;
	v35 =	vmul.f32 v56, v35  }
0x478: {  	v61 =	vsub.f32 $1.500000000e+00, v61;
	v56 =	vmul.f32 v5, v50;
	v41 =	vmul.f32 v62, v41  }
0x479: {  	v37 =	vmul.f32 v57, v37;
	v57 =	vmul.f32 v7, v53  }
0x47a: {  	v63 =	vsub.f32 $1.500000000e+00, v63;
	v39 =	vmul.f32 v60, v39;
	v44 =	vmul.f32 v61, v44  }
0x47b: {  	v33 =	vmul.f32 v38, v33;
	v43 =	vmul.f32 v42, v43  }
0x47c: {  	v55 =	vmul.f32 v55, v48;
	v47 =	vmul.f32 v63, v47  }
0x47d: {  	v31 =	vmul.f32 v36, v31;
	v32 =	vmul.f32 v35, v32  }
0x47e: {  	v46 =	vmul.f32 v41, v46;
	v40 =	vmul.f32 v37, v40  }
0x47f: {  	v56 =	vsub.f32 $1.500000000e+00, v56;
	v34 =	vmul.f32 v39, v34;
	v45 =	vmul.f32 v44, v45  }
0x480: {  	v33 =	vmul.f32 v33, v38;
	v43 =	vmul.f32 v43, v42  }
0x481: {  	v57 =	vsub.f32 $1.500000000e+00, v57;
	v50 =	vmul.f32 v56, v50;
	v52 =	vmul.f32 v47, v52  }
0x482: {  	v55 =	vsub.f32 $1.500000000e+00, v55;
	v31 =	vmul.f32 v31, v36;
	v32 =	vmul.f32 v32, v35  }
0x483: {  	v46 =	vmul.f32 v46, v41;
	v53 =	vmul.f32 v57, v53  }
0x484: {  	v62 =	vld [tilespmem:s21+$0x10800];
	v40 =	vmul.f32 v40, v37;
	v48 =	vmul.f32 v55, v48  }
0x485: {  	v10 =	vsub.f32 v13, v10;
	v61 =	vld [tilespmem:s21+$0x10000];
	v51 =	vmul.f32 v50, v51;
	v54 =	vmul.f32 v53, v54  }
0x486: {  	v5 =	vld [tilespmem:s21+$0x11800];
	v33 =	vsub.f32 $1.500000000e+00, v33;
	v45 =	vmul.f32 v45, v44;
	v49 =	vmul.f32 v48, v49  }
0x487: {  	v63 =	vld [tilespmem:s21+$0x11000];
	v43 =	vsub.f32 $1.500000000e+00, v43;
	v13 =	vmul.f32 v51, v50;
	v54 =	vmul.f32 v54, v53  }
0x488: {  	v52 =	vmul.f32 v52, v47;
	v45 =	vsub.f32 $1.500000000e+00, v45;
	v49 =	vmul.f32 v49, v48  }
0x489: {  	v3 =	vld [tilespmem:s21+$0x15000];
	v34 =	vmul.f32 v34, v39;
	v13 =	vsub.f32 $1.500000000e+00, v13;
	v54 =	vsub.f32 $1.500000000e+00, v54  }
0x48a: {  	v58 =	vld [tilespmem:s21+$0x12000];
	v52 =	vsub.f32 $1.500000000e+00, v52;
	v44 =	vmul.f32 v45, v44;
	v49 =	vsub.f32 $1.500000000e+00, v49  }
0x48b: {  	v60 =	vld [tilespmem:s21+$0x13800];
	v31 =	vsub.f32 $1.500000000e+00, v31;
	v13 =	vmul.f32 v13, v50;
	v7 =	vmul.f32 v54, v53  }
0x48c: {  	v40 =	vsub.f32 $1.500000000e+00, v40;
	v55 =	vld.idx.msk [tilespmem:v62+s2+$0x0], $0xffff;
	v47 =	vmul.f32 v52, v47;
	v48 =	vmul.f32 v49, v48  }
0x48d: {  	v45 =	vld.idx.msk [tilespmem:v61+s2+$0x0], $0xffff;
	v13 =	vmul.f32 v13, v24;
	v24 =	vmul.f32 v7, v30;
	v30 =	vsub.f32 $1.500000000e+00, v46  }
0x48e: {  	v34 =	vsub.f32 $1.500000000e+00, v34;
	v42 =	vmul.f32 v43, v42;
	v61 =	vld.idx.msk [tilespmem:v5+s2+$0x0], $0xffff;
	v21 =	vmul.f32 v47, v21  }
0x48f: {  	v56 =	vld.idx.msk [tilespmem:v63+s2+$0x0], $0xffff;
	v20 =	vmul.f32 v48, v20;
	v30 =	vmul.f32 v30, v41;
	v54 =	vmin.f32 v13, v24  }
0x490: {  	v31 =	vmul.f32 v31, v36;
	v63 =	vld [tilespmem:s21+$0x14000];
	v19 =	vmul.f32 v44, v19;
	v41 =	vmin.f32 v54, v21  }
0x491: {  	v53 =	vld [tilespmem:s21+$0x12800];
	v18 =	vmul.f32 v30, v18;
	v30 =	vmul.f32 v34, v39;
	v59 =	vmin.f32 v41, v20  }
0x492: {  	v17 =	vmul.f32 v42, v17;
	v37 =	vmul.f32 v40, v37;
	v49 =	vld [tilespmem:s21+$0x13000];
	v34 =	vmin.f32 v59, v19  }
0x493: {  	v52 =	vld.idx.msk [tilespmem:v58+s2+$0x0], $0xffff;
	v16 =	vmul.f32 v30, v16;
	v30 =	vmul.f32 v33, v38;
	v62 =	vmin.f32 v34, v18  }
0x494: {  	v32 =	vsub.f32 $1.500000000e+00, v32;
	v15 =	vmul.f32 v37, v15;
	v50 =	vld [tilespmem:s21+$0x15800];
	v33 =	vmin.f32 v62, v17  }
0x495: {  	v12 =	vmul.f32 v31, v12;
	v46 =	vld [tilespmem:s21+$0x1D000];
	v14 =	vmul.f32 v30, v14;
	v48 =	vmin.f32 v33, v16  }
0x496: {  	v38 =	vld [tilespmem:s21+$0x14800];
	[tilespmem:$0x1FFA0] =	vst v0;
	v0 =	vmul.f32 v8, v1;
	v30 =	vmul.f32 v32, v35;
	v31 =	vmin.f32 v48, v15  }
0x497: {  	v2 =	vmul.f32 v8, v2;
	v51 =	vmin.f32 v31, v14  }
0x498: {  	(erf) = vpow2.f32 v4;
	v30 =	vmul.f32 v30, v11;
	v4 =	vmin.f32 v51, v12  }
0x499: {  	v53 =	vld.idx.msk [tilespmem:v53+s2+$0x0], $0xffff;
	[tilespmem:$0x1FFC0] =	vst v0  }
0x49a: {  	v54 =	vld.idx.msk [tilespmem:v49+s2+$0x0], $0xffff;
	[tilespmem:$0x1FFD0] =	vst v2;
	v0 =	vpop (erf);
	v31 =	vmin.f32 v4, v30  }
0x49b: {  	v57 =	vld.idx.msk [tilespmem:v3+s2+$0x0], $0xffff;
	v1 =	vsub.f32 v31, v13;
	v4 =	vpop (erf)  }
0x49c: {  	v59 =	vld.idx.msk [tilespmem:v50+s2+$0x0], $0xffff;
	v11 =	vpop (erf)  }
0x49d: {  	v13 =	vld.idx.msk [tilespmem:v60+s2+$0x0], $0xffff;
	v7 =	vpop (erf)  }
0x49e: {  	v2 =	vsub.f32 v31, v24;
	v24 =	vsub.f32 v55, v46;
	v55 =	vld.idx.msk [tilespmem:v63+s2+$0x0], $0xffff;
	v5 =	vpop (erf)  }
0x49f: {  	v41 =	vld.idx.msk [tilespmem:v38+s2+$0x0], $0xffff;
	v62 =	vmul.f32 $1.442695020e+00, v1;
	v1 =	vpop (erf)  }
0x4a0: {  	[tilespmem:$0x1FF00] =	vst v1;
	v1 =	vld [tilespmem:$0x1FEA0];
	_ =	sdelay $0x3  }
0x4a1: {  	v10 =	vmul.f32 $1.442695020e+00, v10  }
0x4a2: {  	(erf) = vpow2.f32 v6;
	v42 =	vsub.f32 v56, v46;
	v1 =	vmul.f32 v8, v1  }
0x4a3: {  	(erf) = vpow2.f32 v9;
	v35 =	vsub.f32 v45, v46;
	v63 =	vsub.f32 v61, v46  }
0x4a4: {  	(erf) = vpow2.f32 v10;
	v21 =	vsub.f32 v31, v21;
	v20 =	vsub.f32 v31, v20  }
0x4a5: {  	v35 =	vmul.f32 v35, v35;
	v19 =	vsub.f32 v31, v19;
	v18 =	vsub.f32 v31, v18  }
0x4a6: {  	v17 =	vsub.f32 v31, v17;
	v16 =	vsub.f32 v31, v16;
	v56 =	vmul.f32 $1.442695020e+00, v2;
	[tilespmem:$0x1FFE0] =	vst v1;
	v1 =	vpop (erf)  }
0x4a7: {  	v14 =	vsub.f32 v31, v14;
	v60 =	vmul.f32 $1.442695020e+00, v21;
	v61 =	vmul.f32 $1.442695020e+00, v20;
	[tilespmem:$0x1FF10] =	vst v1;
	v1 =	vld [tilespmem:$0x1FEC0]  }
0x4a8: {  	v12 =	vsub.f32 v31, v12;
	v19 =	vmul.f32 $1.442695020e+00, v19;
	v18 =	vmul.f32 $1.442695020e+00, v18  }
0x4a9: {  	v30 =	vsub.f32 v31, v30;
	v17 =	vmul.f32 $1.442695020e+00, v17;
	(erf) = vpow2.f32 v62  }
0x4aa: {  	v32 =	vsub.f32 v54, v46;
	v38 =	vmul.f32 $1.442695020e+00, v16;
	v14 =	vmul.f32 $1.442695020e+00, v14  }
0x4ab: {  	v36 =	vsub.f32 v57, v46;
	v12 =	vmul.f32 $1.442695020e+00, v12;
	(erf) = vpow2.f32 v56;
	v21 =	vld [tilespmem:s21+$0x16000]  }
0x4ac: {  	v37 =	vsub.f32 v59, v46;
	v30 =	vmul.f32 $1.442695020e+00, v30;
	v6 =	vpop (erf);
	v1 =	vmul.f32 v8, v1  }
0x4ad: {  	v58 =	vsub.f32 v53, v46;
	v32 =	vmul.f32 v32, v32;
	(erf) = vpow2.f32 v60;
	[tilespmem:$0x1FEB0] =	vst v6  }
0x4ae: {  	v36 =	vmul.f32 v36, v36;
	v37 =	vmul.f32 v37, v37;
	v13 =	vsub.f32 v13, v46;
	v8 =	vpop (erf);
	[tilespmem:$0x1FFF0] =	vst v1  }
0x4af: {  	v51 =	vsub.f32 v55, v46;
	v54 =	vsub.f32 v41, v46;
	(erf) = vpow2.f32 v61;
	v10 =	vpop (erf);
	v20 =	vld [tilespmem:s21+$0x16800]  }
0x4b0: {  	v41 =	vmul.f32 v58, v58;
	v55 =	vmul.f32 v13, v13;
	v21 =	vadd.f32 v35, v21;
	v9 =	vpop (erf);
	v62 =	vld [tilespmem:s21+$0x17000]  }
0x4b1: {  	v51 =	vmul.f32 v51, v51;
	(erf) = vpow2.f32 v19;
	v1 =	vpop (erf)  }
0x4b2: {  	v19 =	vmul.f32 v24, v24;
	v43 =	vmax.f32 v21, $1.000000000e-30;
	[tilespmem:$0x1FFB0] =	vst v1;
	v3 =	vpop (erf);
	(erf) = vpow2.f32 v18  }
0x4b3: {  	v44 =	vsub.f32 v52, v46;
	v24 =	vmul.f32 v42, v42;
	v48 =	vmul.f32 $5.000000000e-01, v43;
	v1 =	vld [tilespmem:s21+$0x1A000]  }
0x4b4: {  	v33 =	vld [tilespmem:s21+$0x1B000];
	v18 =	vadd.f32 v19, v20;
	v19 =	vmul.f32 v63, v63;
	v20 =	vsub.f32 v31, v15;
	v15 =	vpop (erf)  }
0x4b5: {  	v63 =	vld [tilespmem:s21+$0x17800];
	(erf) = vpow2.f32 v17;
	v17 =	vadd.f32 v24, v62;
	v34 =	vadd.f32 v15, v3  }
0x4b6: {  	v21 =	vld [tilespmem:s21+$0x18000];
	v24 =	vmul.f32 v44, v44;
	v16 =	vpop (erf);
	(erf) = vpow2.f32 v38;
	v2 =	vmax.f32 v18, $1.000000000e-30  }
0x4b7: {  	v20 =	vmul.f32 $1.442695020e+00, v20;
	v39 =	vadd.f32 v34, v16;
	v38 =	vshrl.u32 v2, $0x1  }
0x4b8: {  	v49 =	vmul.f32 $5.000000000e-01, v2;
	v34 =	vmul.f32 v54, v54;
	v51 =	vadd.f32 v51, v1;
	v18 =	vpop (erf)  }
0x4b9: {  	v36 =	vadd.f32 v36, v33;
	(erf) = vpow2.f32 v20;
	v44 =	vadd.f32 v39, v18  }
0x4ba: {  	v35 =	vadd.f32 v19, v63;
	v19 =	vpop (erf);
	(erf) = vpow2.f32 v14;
	v14 =	vshrl.u32 v43, $0x1  }
0x4bb: {  	v39 =	vld [tilespmem:s21+$0x18800];
	v20 =	vpop (erf);
	(erf) = vpow2.f32 v12;
	v12 =	vadd.f32 v24, v21;
	v56 =	vsub.s32 $0x5F3759DF, v14  }
0x4bc: {  	v31 =	vadd.f32 v44, v19;
	v44 =	vmax.f32 v17, $1.000000000e-30;
	v45 =	vmax.f32 v35, $1.000000000e-30  }
0x4bd: {  	v35 =	vmul.f32 v56, v48;
	v40 =	vshrl.u32 v44, $0x1;
	v53 =	vmul.f32 $5.000000000e-01, v44  }
0x4be: {  	v50 =	vmul.f32 $5.000000000e-01, v45;
	v46 =	vmax.f32 v12, $1.000000000e-30;
	v31 =	vadd.f32 v31, v20  }
0x4bf: {  	v60 =	vpop (erf);
	(erf) = vpow2.f32 v30;
	v59 =	vsub.s32 $0x5F3759DF, v40;
	v52 =	vmul.f32 $5.000000000e-01, v46  }
0x4c0: {  	v30 =	vld [tilespmem:s21+$0x19000];
	v35 =	vmul.f32 v56, v35;
	v47 =	vadd.f32 v41, v39;
	v39 =	vshrl.u32 v46, $0x1  }
0x4c1: {  	v41 =	vld [tilespmem:s21+$0x19800];
	v14 =	vadd.f32 v31, v60;
	v31 =	vsub.s32 $0x5F3759DF, v38;
	v38 =	vshrl.u32 v45, $0x1  }
0x4c2: {  	v62 =	vsub.s32 $0x5F3759DF, v39;
	v35 =	vsub.f32 $1.500000000e+00, v35;
	v42 =	vmul.f32 v31, v49  }
0x4c3: {  	v24 =	vpop (erf);
	v61 =	vsub.s32 $0x5F3759DF, v38;
	v47 =	vmax.f32 v47, $1.000000000e-30;
	v39 =	vmul.f32 v62, v52  }
0x4c4: {  	v14 =	vadd.f32 v14, v24;
	v1 =	vshrl.u32 v47, $0x1;
	v35 =	vmul.f32 v56, v35  }
0x4c5: {  	v30 =	vadd.f32 v32, v30;
	v32 =	vmul.f32 v59, v53;
	v1 =	vsub.s32 $0x5F3759DF, v1  }
0x4c6: {  	v17 =	vpop (erf);
	v28 =	vmul.f32 v62, v39;
	v57 =	vadd.f32 v55, v41;
	v41 =	vmul.f32 v31, v42  }
0x4c7: {  	v14 =	vadd.f32 v14, v17;
	v42 =	vmul.f32 v61, v50;
	v55 =	vmul.f32 $5.000000000e-01, v47  }
0x4c8: {  	v13 =	vpop (erf);
	v30 =	vmax.f32 v30, $1.000000000e-30;
	v32 =	vmul.f32 v59, v32;
	v28 =	vsub.f32 $1.500000000e+00, v28  }
0x4c9: {  	v12 =	vadd.f32 v14, v13;
	v58 =	vmul.f32 v61, v42;
	v54 =	vsub.f32 $1.500000000e+00, v41  }
0x4ca: {  	v56 =	vmul.f32 $5.000000000e-01, v30;
	v25 =	vmul.f32 v1, v55;
	v32 =	vsub.f32 $1.500000000e+00, v32  }
0x4cb: {  	v14 =	vpop (erf);
	v58 =	vsub.f32 $1.500000000e+00, v58;
	v63 =	vmul.f32 v31, v54;
	v31 =	vmax.f32 v57, $1.000000000e-30  }
0x4cc: {  	v41 =	vld [tilespmem:s21+$0x1A800];
	v29 =	vmul.f32 v1, v25;
	v40 =	vadd.f32 v12, v14;
	v59 =	vmul.f32 v59, v32  }
0x4cd: {  	v42 =	vshrl.u32 v31, $0x1;
	v32 =	vmax.f32 v51, $1.000000000e-30;
	v54 =	vmul.f32 $5.000000000e-01, v31  }
0x4ce: {  	v61 =	vmul.f32 v61, v58;
	v22 =	vsub.s32 $0x5F3759DF, v42;
	v23 =	vshrl.u32 v32, $0x1  }
0x4cf: {  	v12 =	vpop (erf);
	v51 =	vmul.f32 $5.000000000e-01, v32;
	v42 =	vmul.f32 v62, v28;
	v29 =	vsub.f32 $1.500000000e+00, v29  }
0x4d0: {  	v38 =	vadd.f32 v40, v12;
	v40 =	vshrl.u32 v30, $0x1;
	v23 =	vsub.s32 $0x5F3759DF, v23  }
0x4d1: {  	v58 =	vld [tilespmem:s21+$0x1B800];
	v27 =	vmul.f32 v22, v54;
	v34 =	vadd.f32 v34, v41;
	v25 =	vmul.f32 v23, v51  }
0x4d2: {  	v57 =	vsub.s32 $0x5F3759DF, v40;
	v41 =	vmul.f32 v1, v29;
	v1 =	vmul.f32 v59, v53  }
0x4d3: {  	(erf) = vrcp.f32 v38;
	v26 =	vmul.f32 v57, v56  }
0x4d4: {  	v27 =	vmul.f32 v22, v27;
	v33 =	vmax.f32 v34, $1.000000000e-30;
	v34 =	vmax.f32 v36, $1.000000000e-30  }
0x4d5: {  	v36 =	vmul.f32 v63, v49;
	v25 =	vmul.f32 v23, v25;
	v62 =	vshrl.u32 v33, $0x1  }
0x4d6: {  	v26 =	vmul.f32 v57, v26;
	v27 =	vsub.f32 $1.500000000e+00, v27;
	v39 =	vadd.f32 v37, v58  }
0x4d7: {  	v58 =	vmul.f32 $5.000000000e-01, v33;
	v37 =	vsub.s32 $0x5F3759DF, v62;
	v25 =	vsub.f32 $1.500000000e+00, v25  }
0x4d8: {  	v36 =	vmul.f32 v36, v63;
	v26 =	vsub.f32 $1.500000000e+00, v26;
	v38 =	vmul.f32 v22, v27  }
0x4d9: {  	v22 =	vmul.f32 v37, v58;
	v40 =	vmul.f32 v23, v25  }
0x4da: {  	v36 =	vsub.f32 $1.500000000e+00, v36;
	v25 =	vmul.f32 v35, v48;
	v29 =	vmul.f32 v57, v26  }
0x4db: {  	v62 =	vshrl.u32 v34, $0x1;
	v57 =	vmul.f32 $5.000000000e-01, v34;
	v23 =	vmul.f32 v37, v22  }
0x4dc: {  	v62 =	vsub.s32 $0x5F3759DF, v62;
	v36 =	vmul.f32 v36, v63;
	v25 =	vmul.f32 v25, v35  }
0x4dd: {  	v63 =	vmul.f32 v41, v55;
	v22 =	vmul.f32 v62, v57  }
0x4de: {  	v1 =	vmul.f32 v1, v59;
	v25 =	vsub.f32 $1.500000000e+00, v25  }
0x4df: {  	v23 =	vsub.f32 $1.500000000e+00, v23;
	v63 =	vmul.f32 v63, v41;
	v22 =	vmul.f32 v62, v22  }
0x4e0: {  	v28 =	vmul.f32 v25, v35;
	v35 =	vsub.f32 $1.500000000e+00, v1;
	v1 =	vmul.f32 v61, v50  }
0x4e1: {  	v27 =	vmul.f32 v37, v23;
	v23 =	vmul.f32 v38, v54;
	v22 =	vsub.f32 $1.500000000e+00, v22  }
0x4e2: {  	v59 =	vmul.f32 v35, v59;
	v1 =	vmul.f32 v1, v61  }
0x4e3: {  	v35 =	vmax.f32 v39, $1.000000000e-30;
	v26 =	vmul.f32 v62, v22;
	v22 =	vmul.f32 v29, v56  }
0x4e4: {  	v25 =	vmul.f32 v40, v51;
	v23 =	vmul.f32 v23, v38;
	v39 =	vshrl.u32 v35, $0x1  }
0x4e5: {  	v37 =	vsub.f32 $1.500000000e+00, v1;
	v1 =	vmul.f32 $5.000000000e-01, v35;
	v22 =	vmul.f32 v22, v29  }
0x4e6: {  	v25 =	vmul.f32 v25, v40;
	v62 =	vmul.f32 v42, v52;
	v39 =	vsub.s32 $0x5F3759DF, v39  }
0x4e7: {  	v37 =	vmul.f32 v37, v61;
	v61 =	vmul.f32 v39, v1;
	v22 =	vsub.f32 $1.500000000e+00, v22  }
0x4e8: {  	v23 =	vsub.f32 $1.500000000e+00, v23;
	v53 =	vmul.f32 v59, v53;
	v62 =	vmul.f32 v62, v42  }
0x4e9: {  	v25 =	vsub.f32 $1.500000000e+00, v25;
	v61 =	vmul.f32 v39, v61;
	v22 =	vmul.f32 v22, v29  }
0x4ea: {  	v29 =	vmul.f32 v23, v38;
	v23 =	vmul.f32 v28, v48  }
0x4eb: {  	v48 =	vmul.f32 v25, v40;
	v25 =	vmul.f32 v36, v49;
	v61 =	vsub.f32 $1.500000000e+00, v61  }
0x4ec: {  	v62 =	vsub.f32 $1.500000000e+00, v62;
	v38 =	vmul.f32 v53, v59;
	v23 =	vmul.f32 v23, v28  }
0x4ed: {  	v63 =	vsub.f32 $1.500000000e+00, v63;
	v25 =	vmul.f32 v25, v36;
	v39 =	vmul.f32 v39, v61  }
0x4ee: {  	[tilespmem:$0x1FEE0] =	vst v0;
	v53 =	vadd.f32 v4, v0;
	v0 =	vld [tilespmem:$0x1FF20];
	v61 =	vmul.f32 v62, v42;
	v62 =	vmul.f32 v27, v58  }
0x4ef: {  	v41 =	vmul.f32 v63, v41;
	v63 =	vmul.f32 v26, v57;
	v25 =	vsub.f32 $1.500000000e+00, v25  }
0x4f0: {  	v23 =	vsub.f32 $1.500000000e+00, v23;
	v40 =	vmul.f32 v62, v27  }
0x4f1: {  	v42 =	vmul.f32 v63, v26;
	v25 =	vmul.f32 v25, v36  }
0x4f2: {  	v23 =	vmul.f32 v23, v28;
	v28 =	vadd.f32 v53, v11;
	v40 =	vsub.f32 $1.500000000e+00, v40  }
0x4f3: {  	[tilespmem:$0x1FED0] =	vst v4;
	v63 =	vsub.f32 $1.500000000e+00, v42;
	v4 =	vadd.f32 $5.000000000e-01, v0;
	v42 =	vmul.f32 v25, v2  }
0x4f4: {  	v53 =	vmul.f32 v40, v27;
	v27 =	vadd.f32 v28, v7;
	v28 =	vmul.f32 v37, v50  }
0x4f5: {  	[tilespmem:$0x1FEF0] =	vst v11;
	v50 =	vmul.f32 v63, v26;
	v26 =	vmul.f32 v61, v52;
	v52 =	vld [tilespmem:$0x1FF00]  }
0x4f6: {  	v25 =	vmul.f32 v28, v37;
	v28 =	vmul.f32 v41, v55;
	v55 =	vld [tilespmem:$0x1FF10];
	[tilespmem:s20+$0x16010] =	vst v4  }
0x4f7: {  	v0 =	vld [tilespmem:$0x1FF30];
	_ =	sdelay $0x4  }
0x4f8: {  	[tilespmem:s20+$0x16810] =	vst v0  }
0x4f9: {  	v0 =	vld [tilespmem:$0x1FF40];
	_ =	sdelay $0x4  }
0x4fa: {  	[tilespmem:s20+$0x17010] =	vst v0  }
0x4fb: {  	v0 =	vld [tilespmem:$0x1FF50];
	_ =	sdelay $0x4  }
0x4fc: {  	[tilespmem:s20+$0x17810] =	vst v0  }
0x4fd: {  	v0 =	vld [tilespmem:$0x1FF60];
	_ =	sdelay $0x4  }
0x4fe: {  	[tilespmem:s20+$0x18010] =	vst v0  }
0x4ff: {  	v0 =	vld [tilespmem:$0x1FF70];
	_ =	sdelay $0x4  }
0x500: {  	[tilespmem:s20+$0x18810] =	vst v0  }
0x501: {  	v0 =	vld [tilespmem:$0x1FF80];
	_ =	sdelay $0x4  }
0x502: {  	[tilespmem:s20+$0x19010] =	vst v0  }
0x503: {  	v0 =	vld [tilespmem:$0x1FFA0];
	_ =	sdelay $0x3  }
0x504: {  	[tilespmem:$0x1FF90] =	vst v9  }
0x505: {  	[tilespmem:s20+$0x19810] =	vst v0  }
0x506: {  	v0 =	vld [tilespmem:$0x1FFC0];
	_ =	sdelay $0x3  }
0x507: {  	v38 =	vsub.f32 $1.500000000e+00, v38  }
0x508: {  	v63 =	vld [tilespmem:$0x1FFB0];
	[tilespmem:s20+$0x1A010] =	vst v0  }
0x509: {  	v59 =	vmul.f32 v38, v59;
	v43 =	vmul.f32 v23, v43;
	v23 =	vadd.f32 v27, v5;
	v2 =	vld [tilespmem:$0x1FFD0]  }
0x50a: {  	v27 =	vmul.f32 v39, v1  }
0x50b: {  	v44 =	vmul.f32 v59, v44;
	v26 =	vmul.f32 v26, v61;
	v23 =	vadd.f32 v23, v52  }
0x50c: {  	v49 =	vmovc v7;
	v7 =	vmul.f32 v29, v54;
	v25 =	vsub.f32 $1.500000000e+00, v25;
	v27 =	vmul.f32 v27, v39  }
0x50d: {  	v57 =	vmul.f32 v50, v57;
	v26 =	vsub.f32 $1.500000000e+00, v26;
	v23 =	vadd.f32 v23, v55  }
0x50e: {  	v62 =	vmovc v5;
	v5 =	vmul.f32 v28, v41;
	v25 =	vmul.f32 v25, v37;
	v27 =	vsub.f32 $1.500000000e+00, v27;
	[tilespmem:s20+$0x1A810] =	vst v2  }
0x50f: {  	v26 =	vmul.f32 v26, v61;
	v23 =	vadd.f32 v23, v6;
	v6 =	vmul.f32 v22, v56;
	v2 =	vld [tilespmem:$0x1FFE0]  }
0x510: {  	v28 =	vmul.f32 v27, v39;
	v27 =	vsub.f32 $1.500000000e+00, v5;
	v45 =	vmul.f32 v25, v45  }
0x511: {  	v46 =	vmul.f32 v26, v46;
	v23 =	vadd.f32 v23, v8;
	v36 =	vmul.f32 v6, v22  }
0x512: {  	v26 =	vmul.f32 v7, v29;
	v27 =	vmul.f32 v27, v41;
	v25 =	vpop (erf)  }
0x513: {  	v56 =	vmovc v8;
	v25 =	vmul.f32 $5.000000000e-01, v25;
	v8 =	vadd.f32 v23, v10;
	v23 =	vsub.f32 $1.500000000e+00, v36  }
0x514: {  	v54 =	vmovc v10;
	v26 =	vsub.f32 $1.500000000e+00, v26;
	v36 =	vmul.f32 v27, v47;
	v10 =	vmul.f32 v48, v51;
	[tilespmem:s20+$0x1B010] =	vst v2  }
0x515: {  	v23 =	vmul.f32 v23, v22;
	v22 =	vadd.f32 v8, v9;
	v9 =	vmul.f32 v25, v3;
	v2 =	vld [tilespmem:$0x1FFF0]  }
0x516: {  	v51 =	vmul.f32 v53, v58;
	v27 =	vmul.f32 v26, v29  }
0x517: {  	v26 =	vmin.f32 v43, v42;
	v29 =	vmul.f32 v10, v48;
	v11 =	vadd.f32 $5.000000000e-01, v9  }
0x518: {  	v40 =	vmul.f32 v57, v50;
	v58 =	vmin.f32 v26, v44;
	v59 =	vmul.f32 v51, v53  }
0x519: {  	v37 =	vmul.f32 v28, v1;
	v61 =	vmin.f32 v58, v45;
	v26 =	vsub.f32 $1.500000000e+00, v29;
	[tilespmem:s21+$0x16010] =	vst v11  }
0x51a: {  	s22 =	simm.s32 $0x2;
	s23 =	simm.s32 $0x100;
	v38 =	vmin.f32 v61, v46;
	v29 =	vsub.f32 $1.500000000e+00, v59;
	v0 =	vadd.f32 v22, v63;
	[tilespmem:s20+$0x1B810] =	vst v2  }
.LBB2_6:
0x51b: {  	v30 =	vmul.f32 v23, v30;
	v37 =	vmul.f32 v37, v28  }
0x51c: {  	s24 =	sshra.s32 s23, $0x2;
	v39 =	vsub.f32 $1.500000000e+00, v40;
	v31 =	vmul.f32 v27, v31;
	v57 =	vmul.f32 v26, v48  }
0x51d: {  	v23 =	vld [tilespmem:s24+$0x1B810];
	v26 =	vmin.f32 v38, v36;
	v58 =	vmul.f32 v29, v53;
	v37 =	vsub.f32 $1.500000000e+00, v37  }
0x51e: {  	v27 =	vld [tilespmem:s24+$0x1B010];
	v29 =	vmin.f32 v26, v30;
	v32 =	vmul.f32 v57, v32;
	v39 =	vmul.f32 v39, v50  }
0x51f: {  	v22 =	vld [tilespmem:s24+$0x15810];
	v33 =	vmul.f32 v58, v33;
	v59 =	vmin.f32 v29, v31;
	v37 =	vmul.f32 v37, v28  }
0x520: {  	v5 =	vmul.f32 v25, v15;
	v15 =	vld [tilespmem:s24+$0x1D010];
	v34 =	vmul.f32 v39, v34;
	v61 =	vmin.f32 v59, v32  }
0x521: {  	(erf) = vrcp.f32 v0;
	v6 =	vld [tilespmem:s24+$0x15010];
	v4 =	vmin.f32 v61, v33;
	v35 =	vmul.f32 v37, v35  }
0x522: {  	v26 =	vld [tilespmem:s24+$0x1A810];
	v37 =	vmin.f32 v4, v34  }
0x523: {  	v16 =	vmul.f32 v25, v16;
	v18 =	vmul.f32 v25, v18;
	v29 =	vld [tilespmem:s24+$0x1A010];
	v37 =	vmin.f32 v37, v35  }
0x524: {  	v19 =	vmul.f32 v25, v19;
	v20 =	vmul.f32 v25, v20;
	v28 =	vld [tilespmem:s24+$0x19810];
	[tilespmem:s21+$0x16810] =	vst v5;
	v7 =	vsub.f32 v37, v43  }
0x525: {  	v38 =	vld [tilespmem:s24+$0x14810];
	[tilespmem:s21+$0x17010] =	vst v16;
	v16 =	vmul.f32 v25, v60;
	v41 =	vsub.f32 v37, v42;
	v8 =	vsub.f32 v37, v44  }
0x526: {  	v21 =	vld [tilespmem:s24+$0x14010];
	[tilespmem:s21+$0x17810] =	vst v18;
	v18 =	vmul.f32 v25, v24;
	v9 =	vsub.f32 v37, v45;
	v40 =	vmul.f32 $1.442695020e+00, v7  }
0x527: {  	v24 =	vld [tilespmem:s24+$0x13810];
	[tilespmem:s21+$0x18010] =	vst v19;
	v10 =	vsub.f32 v37, v46;
	v41 =	vmul.f32 $1.442695020e+00, v41;
	v42 =	vmul.f32 $1.442695020e+00, v8  }
0x528: {  	v19 =	vld [tilespmem:s24+$0x13010];
	[tilespmem:s21+$0x18810] =	vst v20;
	v11 =	vsub.f32 v37, v36;
	v43 =	vmul.f32 $1.442695020e+00, v9;
	(erf) = vpow2.f32 v40  }
0x529: {  	v20 =	vld [tilespmem:s24+$0x12810];
	v30 =	vsub.f32 v37, v30;
	[tilespmem:s21+$0x19010] =	vst v16;
	v44 =	vmul.f32 $1.442695020e+00, v10;
	(erf) = vpow2.f32 v41  }
0x52a: {  	v31 =	vsub.f32 v37, v31;
	v16 =	vld [tilespmem:s24+$0x12010];
	[tilespmem:s21+$0x19810] =	vst v18;
	v18 =	vpop (erf);
	v36 =	vmul.f32 $1.442695020e+00, v11;
	(erf) = vpow2.f32 v42  }
0x52b: {  	v0 =	vld [tilespmem:$0x1FEE0];
	v32 =	vsub.f32 v37, v32;
	v30 =	vmul.f32 $1.442695020e+00, v30;
	(erf) = vpow2.f32 v43  }
0x52c: {  	v33 =	vsub.f32 v37, v33;
	v46 =	vld [tilespmem:s24+$0x11810];
	v31 =	vmul.f32 $1.442695020e+00, v31;
	(erf) = vpow2.f32 v44  }
0x52d: {  	v47 =	vld [tilespmem:s24+$0x11010];
	v32 =	vmul.f32 $1.442695020e+00, v32;
	(erf) = vpow2.f32 v36  }
0x52e: {  	v34 =	vsub.f32 v37, v34;
	v33 =	vmul.f32 $1.442695020e+00, v33;
	v21 =	vld.idx.msk [tilespmem:v21+s2+$0x0], $0xffff;
	(erf) = vpow2.f32 v30  }
0x52f: {  	v18 =	vmul.f32 $5.000000000e-01, v18;
	v42 =	vld [tilespmem:s24+$0x10010];
	(erf) = vpow2.f32 v31  }
0x530: {  	v36 =	vld.idx.msk [tilespmem:v22+s2+$0x0], $0xffff;
	v22 =	vmul.f32 $1.442695020e+00, v34;
	(erf) = vpow2.f32 v32  }
0x531: {  	v24 =	vld.idx.msk [tilespmem:v24+s2+$0x0], $0xffff;
	v50 =	vpop (erf);
	(erf) = vpow2.f32 v33  }
0x532: {  	v43 =	vld [tilespmem:s24+$0x10810];
	v51 =	vpop (erf);
	(erf) = vpow2.f32 v22;
	v22 =	vmul.f32 v18, v0;
	v0 =	vmov v50  }
0x533: {  	[tilespmem:$0x1FEE0] =	vst v0;
	v32 =	vadd.f32 v51, v0;
	v0 =	vld [tilespmem:$0x1FED0]  }
0x534: {  	v2 =	vmul.f32 v25, v17;
	v19 =	vld.idx.msk [tilespmem:v19+s2+$0x0], $0xffff  }
0x535: {  	v13 =	vmul.f32 v25, v13;
	v14 =	vmul.f32 v25, v14;
	v30 =	vld.idx.msk [tilespmem:v6+s2+$0x0], $0xffff  }
0x536: {  	v25 =	vmul.f32 v25, v12;
	v57 =	vmul.f32 v18, v49;
	v31 =	vld.idx.msk [tilespmem:v38+s2+$0x0], $0xffff;
	[tilespmem:s21+$0x1A010] =	vst v2  }
0x537: {  	v35 =	vsub.f32 v37, v35;
	v58 =	vmul.f32 v18, v62;
	v59 =	vmul.f32 v18, v52;
	v20 =	vld.idx.msk [tilespmem:v20+s2+$0x0], $0xffff  }
0x538: {  	v61 =	vmul.f32 v18, v55;
	v21 =	vsub.f32 v21, v15;
	v53 =	vmul.f32 v18, v0;
	v0 =	vld [tilespmem:$0x1FEF0]  }
0x539: {  	v48 =	vmul.f32 $1.442695020e+00, v35;
	[tilespmem:s20+$0x17800] =	vst v57;
	v24 =	vsub.f32 v24, v15;
	v16 =	vld.idx.msk [tilespmem:v16+s2+$0x0], $0xffff;
	v19 =	vsub.f32 v19, v15  }
0x53a: {  	v5 =	vmul.f32 v18, v56;
	[tilespmem:s20+$0x18000] =	vst v58;
	v60 =	vld.idx.msk [tilespmem:v46+s2+$0x0], $0xffff;
	v21 =	vmul.f32 v21, v21  }
0x53b: {  	[tilespmem:s20+$0x18800] =	vst v59;
	v49 =	vld [tilespmem:s24+$0x18810];
	v24 =	vmul.f32 v24, v24;
	v36 =	vsub.f32 v36, v15;
	v19 =	vmul.f32 v19, v19;
	v17 =	vpop (erf)  }
0x53c: {  	[tilespmem:s20+$0x19000] =	vst v61;
	v42 =	vld.idx.msk [tilespmem:v42+s2+$0x0], $0xffff;
	v21 =	vadd.f32 v21, v29;
	(erf) = vpow2.f32 v48;
	v30 =	vsub.f32 v30, v15;
	v1 =	vpop (erf)  }
0x53d: {  	v48 =	vld [tilespmem:s24+$0x19010];
	v24 =	vadd.f32 v24, v28;
	v4 =	vadd.f32 $5.000000000e-01, v22;
	[tilespmem:$0x1FE90] =	vst v1;
	v11 =	vmul.f32 v18, v0;
	v0 =	vpop (erf)  }
0x53e: {  	v2 =	vmov v51;
	v51 =	vld [tilespmem:s24+$0x18010];
	v31 =	vsub.f32 v31, v15;
	v22 =	vadd.f32 v32, v17;
	[tilespmem:$0x1FD90] =	vst v0;
	v0 =	vpop (erf)  }
0x53f: {  	v36 =	vmul.f32 v36, v36;
	v16 =	vsub.f32 v16, v15;
	v20 =	vsub.f32 v20, v15;
	[tilespmem:$0x1FF00] =	vst v0;
	v0 =	vld [tilespmem:$0x1FEB0]  }
0x540: {  	v50 =	vsub.f32 v60, v15;
	v30 =	vmul.f32 v30, v30;
	[tilespmem:s20+$0x16000] =	vst v4;
	v31 =	vmul.f32 v31, v31  }
0x541: {  	v4 =	vld.idx.msk [tilespmem:v47+s2+$0x0], $0xffff;
	v23 =	vadd.f32 v36, v23;
	v1 =	vadd.f32 v22, v1;
	v16 =	vmul.f32 v16, v16  }
0x542: {  	v43 =	vld.idx.msk [tilespmem:v43+s2+$0x0], $0xffff;
	v20 =	vmul.f32 v20, v20;
	v27 =	vadd.f32 v30, v27;
	v26 =	vadd.f32 v31, v26  }
0x543: {  	v6 =	vmul.f32 v18, v54;
	v19 =	vadd.f32 v19, v48;
	[tilespmem:$0x1FDA0] =	vst v1;
	v58 =	vadd.f32 v16, v51  }
0x544: {  	v20 =	vadd.f32 v20, v49;
	v1 =	vmax.f32 v23, $1.000000000e-30;
	[tilespmem:s20+$0x16800] =	vst v53;
	v62 =	vmul.f32 v18, v0;
	v0 =	vpop (erf)  }
0x545: {  	v55 =	vld [tilespmem:s24+$0x16010];
	v53 =	vsub.f32 v42, v15;
	v3 =	vmax.f32 v26, $1.000000000e-30;
	v22 =	vmax.f32 v19, $1.000000000e-30;
	[tilespmem:$0x1FF10] =	vst v0;
	v0 =	vpop (erf)  }
0x546: {  	v23 =	vshrl.u32 v1, $0x1;
	v49 =	vmul.f32 $5.000000000e-01, v1;
	v33 =	vsub.f32 v4, v15;
	[tilespmem:$0x1FEB0] =	vst v0;
	v0 =	vld [tilespmem:$0x1FF90]  }
0x547: {  	v54 =	vld [tilespmem:s24+$0x17010];
	[tilespmem:$0x1FE10] =	vst v1;
	v15 =	vsub.f32 v43, v15;
	v20 =	vmax.f32 v20, $1.000000000e-30;
	v26 =	vmax.f32 v58, $1.000000000e-30  }
0x548: {  	v52 =	vld [tilespmem:s24+$0x17810];
	v23 =	vsub.s32 $0x5F3759DF, v23;
	v29 =	vmul.f32 v53, v53;
	v53 =	vmul.f32 $5.000000000e-01, v26;
	[tilespmem:s20+$0x17000] =	vst v11  }
0x549: {  	v56 =	vld [tilespmem:s24+$0x16810];
	v10 =	vshrl.u32 v20, $0x1;
	v1 =	vmul.f32 v23, v49;
	v33 =	vmul.f32 v33, v33;
	[tilespmem:s20+$0x19800] =	vst v62  }
0x54a: {  	v15 =	vmul.f32 v15, v15;
	v37 =	vadd.f32 v29, v55;
	v55 =	vmul.f32 $5.000000000e-01, v22;
	v30 =	vld [tilespmem:s24+$0x10000];
	[tilespmem:s20+$0x1A000] =	vst v5  }
0x54b: {  	v42 =	vshrl.u32 v26, $0x1;
	v1 =	vmul.f32 v23, v1;
	v31 =	vld [tilespmem:s24+$0x10800];
	[tilespmem:s20+$0x1A800] =	vst v6;
	v7 =	vmul.f32 v18, v0;
	v0 =	vpop (erf)  }
0x54c: {  	v11 =	vmul.f32 v50, v50;
	v28 =	vadd.f32 v33, v54;
	v50 =	vmul.f32 $5.000000000e-01, v3;
	[tilespmem:$0x1FDB0] =	vst v0;
	v0 =	vpop (erf)  }
0x54d: {  	v54 =	vmul.f32 $5.000000000e-01, v20;
	v32 =	vmax.f32 v37, $1.000000000e-30;
	v18 =	vmul.f32 v18, v63;
	[tilespmem:$0x1FDC0] =	vst v0  }
0x54e: {  	v4 =	vsub.f32 $1.500000000e+00, v1;
	v60 =	vadd.f32 v11, v52;
	v11 =	vshrl.u32 v22, $0x1;
	v57 =	vld [tilespmem:s24+$0x11000];
	[tilespmem:s20+$0x1B000] =	vst v7  }
0x54f: {  	v28 =	vmax.f32 v28, $1.000000000e-30;
	v11 =	vsub.s32 $0x5F3759DF, v11;
	v62 =	vadd.f32 v15, v56;
	v0 =	vpop (erf);
	v59 =	vld [tilespmem:s24+$0x11800];
	[tilespmem:s20+$0x1B800] =	vst v18;
	s20 =	smov.u32 s21;
	s21 =	smov.u32 s24  }
0x550: {  	v44 =	vshrl.u32 v28, $0x1;
	v23 =	vmul.f32 v23, v4;
	v8 =	vmul.f32 v11, v55;
	[tilespmem:$0x1FF90] =	vst v0;
	v0 =	vpop (erf);
	v61 =	vld [tilespmem:s21+$0x12000]  }
0x551: {  	v15 =	vsub.s32 $0x5F3759DF, v10;
	v5 =	vmax.f32 v24, $1.000000000e-30;
	v33 =	vmax.f32 v62, $1.000000000e-30;
	[tilespmem:$0x1FFB0] =	vst v0;
	v0 =	vmovc v17;
	v17 =	vld [tilespmem:s21+$0x12800]  }
0x552: {  	v6 =	vshrl.u32 v3, $0x1;
	v51 =	vmul.f32 $5.000000000e-01, v5;
	v63 =	vmax.f32 v21, $1.000000000e-30;
	[tilespmem:s20+$0x1B010] =	vst v14;
	v14 =	vld [tilespmem:s21+$0x13000]  }
0x553: {  	v58 =	vmul.f32 $5.000000000e-01, v33;
	v52 =	vmul.f32 $5.000000000e-01, v63;
	v7 =	vshrl.u32 v5, $0x1;
	[tilespmem:s20+$0x1A810] =	vst v13;
	v29 =	vld [tilespmem:s21+$0x1D000]  }
0x554: {  	v21 =	vld.idx.msk [tilespmem:v30+s2+$0x0], $0xffff;
	v13 =	vsub.s32 $0x5F3759DF, v42;
	[tilespmem:$0x1FEF0] =	vst v0;
	v0 =	vmax.f32 v27, $1.000000000e-30;
	v27 =	vmax.f32 v60, $1.000000000e-30  }
0x555: {  	[tilespmem:$0x1FDE0] =	vst v63;
	v24 =	vld.idx.msk [tilespmem:v31+s2+$0x0], $0xffff;
	v31 =	vshrl.u32 v63, $0x1;
	v60 =	vshrl.u32 v32, $0x1;
	v63 =	vsub.s32 $0x5F3759DF, v6  }
0x556: {  	v37 =	vld [tilespmem:s21+$0x13800];
	v6 =	vsub.s32 $0x5F3759DF, v7;
	v7 =	vsub.s32 $0x5F3759DF, v44;
	v44 =	vmul.f32 v15, v54  }
0x557: {  	[tilespmem:s20+$0x1B810] =	vst v25;
	v43 =	vld [tilespmem:s21+$0x14000];
	v25 =	vshrl.u32 v0, $0x1;
	v48 =	vmul.f32 $5.000000000e-01, v0;
	v56 =	vmul.f32 $5.000000000e-01, v27  }
0x558: {  	[tilespmem:$0x1FDD0] =	vst v5;
	v30 =	vld.idx.msk [tilespmem:v57+s2+$0x0], $0xffff;
	v46 =	vshrl.u32 v27, $0x1;
	v57 =	vmul.f32 $5.000000000e-01, v32;
	v5 =	vmul.f32 v63, v50  }
0x559: {  	v47 =	vld [tilespmem:s21+$0x14800];
	v9 =	vmul.f32 v6, v51;
	v10 =	vsub.s32 $0x5F3759DF, v60;
	v60 =	vmul.f32 v13, v53  }
0x55a: {  	[tilespmem:$0x1FED0] =	vst v2;
	v62 =	vld [tilespmem:s21+$0x15000];
	v25 =	vsub.s32 $0x5F3759DF, v25;
	v46 =	vsub.s32 $0x5F3759DF, v46;
	v44 =	vmul.f32 v15, v44  }
0x55b: {  	[tilespmem:$0x1FDF0] =	vst v3;
	v3 =	vld [tilespmem:s21+$0x18800];
	v31 =	vsub.s32 $0x5F3759DF, v31;
	v36 =	vmul.f32 v25, v48;
	v2 =	vmul.f32 v46, v56  }
0x55c: {  	v18 =	vld [tilespmem:s21+$0x15800];
	v5 =	vmul.f32 v63, v5;
	v60 =	vmul.f32 v13, v60;
	v41 =	vsub.f32 v21, v29  }
0x55d: {  	v21 =	vmul.f32 v10, v57;
	v44 =	vsub.f32 $1.500000000e+00, v44;
	v42 =	vsub.f32 v24, v29;
	v40 =	vld.idx.msk [tilespmem:v59+s2+$0x0], $0xffff  }
0x55e: {  	[tilespmem:$0x1FE00] =	vst v0;
	v0 =	vmul.f32 v25, v36;
	v2 =	vmul.f32 v46, v2;
	v5 =	vsub.f32 $1.500000000e+00, v5;
	v45 =	vld.idx.msk [tilespmem:v61+s2+$0x0], $0xffff  }
0x55f: {  	v60 =	vsub.f32 $1.500000000e+00, v60;
	v59 =	vmul.f32 $5.000000000e-01, v28;
	v15 =	vmul.f32 v15, v44;
	v61 =	vld.idx.msk [tilespmem:v17+s2+$0x0], $0xffff  }
0x560: {  	[tilespmem:$0x1FE20] =	vst v3;
	v17 =	vshrl.u32 v33, $0x1;
	v19 =	vld.idx.msk [tilespmem:v14+s2+$0x0], $0xffff;
	v14 =	vmul.f32 v31, v52;
	v3 =	vsub.f32 $1.500000000e+00, v0  }
0x561: {  	v0 =	vld [tilespmem:s21+$0x19000];
	v5 =	vmul.f32 v63, v5;
	v13 =	vmul.f32 v13, v60;
	v17 =	vsub.s32 $0x5F3759DF, v17  }
0x562: {  	v24 =	vld.idx.msk [tilespmem:v43+s2+$0x0], $0xffff;
	v43 =	vsub.f32 v30, v29;
	v12 =	vmul.f32 v7, v59;
	v16 =	vmul.f32 v17, v58  }
0x563: {  	v2 =	vsub.f32 $1.500000000e+00, v2;
	v30 =	vmul.f32 v31, v14;
	v25 =	vmul.f32 v25, v3  }
0x564: {  	v12 =	vmul.f32 v7, v12;
	v14 =	vsub.f32 v40, v29;
	v40 =	vld.idx.msk [tilespmem:v47+s2+$0x0], $0xffff;
	v47 =	vmul.f32 v11, v8  }
0x565: {  	v8 =	vmul.f32 v6, v9;
	v30 =	vsub.f32 $1.500000000e+00, v30;
	v16 =	vmul.f32 v17, v16  }
0x566: {  	[tilespmem:$0x1FE30] =	vst v0;
	v0 =	vmul.f32 v10, v21;
	v12 =	vsub.f32 $1.500000000e+00, v12;
	v60 =	vsub.f32 v61, v29  }
0x567: {  	v4 =	vsub.f32 v24, v29;
	v24 =	vmul.f32 v5, v50;
	v61 =	vmul.f32 v15, v54  }
0x568: {  	v37 =	vld.idx.msk [tilespmem:v37+s2+$0x0], $0xffff;
	v47 =	vsub.f32 $1.500000000e+00, v47;
	v30 =	vmul.f32 v31, v30;
	v14 =	vmul.f32 v14, v14  }
0x569: {  	v18 =	vld.idx.msk [tilespmem:v18+s2+$0x0], $0xffff;
	v1 =	vsub.f32 $1.500000000e+00, v8;
	v7 =	vmul.f32 v7, v12;
	v12 =	vmul.f32 v46, v2  }
0x56a: {  	v9 =	vld.idx.msk [tilespmem:v62+s2+$0x0], $0xffff;
	v16 =	vsub.f32 $1.500000000e+00, v16;
	v24 =	vmul.f32 v24, v5;
	v61 =	vmul.f32 v61, v15  }
0x56b: {  	v3 =	vld [tilespmem:s21+$0x1A800];
	v0 =	vsub.f32 $1.500000000e+00, v0;
	v4 =	vmul.f32 v4, v4;
	v11 =	vmul.f32 v11, v47  }
0x56c: {  	v6 =	vmul.f32 v6, v1;
	v47 =	vsub.f32 v19, v29;
	v19 =	vmul.f32 v30, v52  }
0x56d: {  	v45 =	vsub.f32 v45, v29;
	v2 =	vmul.f32 v10, v0;
	v10 =	vmul.f32 v17, v16  }
0x56e: {  	v46 =	vsub.f32 v37, v29;
	v16 =	vmul.f32 v25, v48;
	v17 =	vmul.f32 v23, v49  }
0x56f: {  	v37 =	vsub.f32 v40, v29;
	v31 =	vsub.f32 v9, v29;
	v9 =	vmul.f32 v13, v53  }
0x570: {  	[tilespmem:$0x1FE60] =	vst v3;
	v3 =	vld [tilespmem:s21+$0x1B000];
	v29 =	vsub.f32 v18, v29;
	v18 =	vmul.f32 v7, v59;
	v63 =	vmul.f32 v12, v56  }
0x571: {  	v40 =	vmul.f32 v11, v55;
	v44 =	vmul.f32 v6, v51  }
0x572: {  	v1 =	vld [tilespmem:s21+$0x1B800];
	v19 =	vmul.f32 v19, v30;
	v16 =	vmul.f32 v16, v25  }
0x573: {  	v24 =	vsub.f32 $1.500000000e+00, v24;
	v17 =	vmul.f32 v17, v23;
	v9 =	vmul.f32 v9, v13  }
0x574: {  	v63 =	vmul.f32 v63, v12;
	v18 =	vmul.f32 v18, v7  }
0x575: {  	v5 =	vmul.f32 v24, v5;
	[tilespmem:$0x1FE70] =	vst v3;
	v3 =	vmul.f32 v10, v58  }
0x576: {  	v62 =	vld [tilespmem:s21+$0x19800];
	v61 =	vsub.f32 $1.500000000e+00, v61;
	v40 =	vmul.f32 v40, v11;
	v44 =	vmul.f32 v44, v6  }
0x577: {  	v19 =	vsub.f32 $1.500000000e+00, v19;
	[tilespmem:$0x1FE80] =	vst v1;
	v1 =	vmul.f32 v2, v57;
	v16 =	vsub.f32 $1.500000000e+00, v16  }
0x578: {  	v17 =	vsub.f32 $1.500000000e+00, v17;
	v9 =	vsub.f32 $1.500000000e+00, v9;
	v3 =	vmul.f32 v3, v10  }
0x579: {  	v63 =	vsub.f32 $1.500000000e+00, v63;
	v19 =	vmul.f32 v19, v30;
	v1 =	vmul.f32 v1, v2  }
0x57a: {  	v18 =	vsub.f32 $1.500000000e+00, v18;
	v16 =	vmul.f32 v16, v25;
	v17 =	vmul.f32 v17, v23  }
0x57b: {  	[tilespmem:$0x1FE40] =	vst v62;
	v62 =	vld [tilespmem:s21+$0x1A000];
	v40 =	vsub.f32 $1.500000000e+00, v40;
	v9 =	vmul.f32 v9, v13;
	v13 =	vmul.f32 v61, v15  }
0x57c: {  	v44 =	vsub.f32 $1.500000000e+00, v44;
	v7 =	vmul.f32 v18, v7;
	v12 =	vmul.f32 v63, v12  }
0x57d: {  	v18 =	vmul.f32 v5, v50;
	v11 =	vmul.f32 v40, v11  }
0x57e: {  	v6 =	vmul.f32 v44, v6;
	v15 =	vmul.f32 v19, v52  }
0x57f: {  	v0 =	vld [tilespmem:$0x1FDA0];
	v25 =	vmul.f32 v9, v53;
	v30 =	vmul.f32 v13, v54  }
0x580: {  	[tilespmem:$0x1FE50] =	vst v62;
	v62 =	vld [tilespmem:$0x1FD90];
	v3 =	vsub.f32 $1.500000000e+00, v3;
	v54 =	vmul.f32 v7, v59;
	v18 =	vmul.f32 v18, v5  }
0x581: {  	v1 =	vsub.f32 $1.500000000e+00, v1;
	v23 =	vmul.f32 v11, v55;
	v24 =	vmul.f32 v6, v51  }
0x582: {  	v55 =	vmul.f32 v12, v56;
	v15 =	vmul.f32 v15, v19  }
0x583: {  	v8 =	vld [tilespmem:$0x1FF00];
	v1 =	vmul.f32 v1, v2;
	v2 =	vmul.f32 v3, v10  }
0x584: {  	v3 =	vmul.f32 v16, v48;
	v10 =	vmul.f32 v17, v49  }
0x585: {  	v0 =	vadd.f32 v0, v62;
	v40 =	vmul.f32 v54, v7;
	v30 =	vmul.f32 v30, v13  }
0x586: {  	v18 =	vsub.f32 $1.500000000e+00, v18;
	v25 =	vmul.f32 v25, v9;
	v23 =	vmul.f32 v23, v11  }
0x587: {  	v39 =	vld [tilespmem:s21+$0x17800];
	v24 =	vmul.f32 v24, v6;
	v15 =	vsub.f32 $1.500000000e+00, v15;
	v57 =	vmul.f32 v1, v57  }
0x588: {  	v0 =	vadd.f32 v0, v8;
	v8 =	vld [tilespmem:$0x1FF10];
	v59 =	vmul.f32 v2, v58;
	v3 =	vmul.f32 v3, v16  }
0x589: {  	v53 =	vld [tilespmem:$0x1FDE0];
	v10 =	vmul.f32 v10, v17;
	v40 =	vsub.f32 $1.500000000e+00, v40;
	v25 =	vsub.f32 $1.500000000e+00, v25  }
0x58a: {  	v44 =	vld [tilespmem:$0x1FEB0];
	v30 =	vsub.f32 $1.500000000e+00, v30;
	v5 =	vmul.f32 v18, v5;
	v15 =	vmul.f32 v15, v19  }
0x58b: {  	v54 =	vld [tilespmem:$0x1FDF0];
	v23 =	vsub.f32 $1.500000000e+00, v23;
	v48 =	vmul.f32 v57, v1;
	v49 =	vmul.f32 v59, v2  }
0x58c: {  	v24 =	vsub.f32 $1.500000000e+00, v24;
	v7 =	vmul.f32 v40, v7;
	v9 =	vmul.f32 v25, v9  }
0x58d: {  	v13 =	vmul.f32 v30, v13;
	v11 =	vmul.f32 v23, v11;
	v0 =	vadd.f32 v0, v8  }
0x58e: {  	v6 =	vmul.f32 v24, v6;
	v15 =	vmul.f32 v15, v53;
	v48 =	vsub.f32 $1.500000000e+00, v48  }
0x58f: {  	v61 =	vld [tilespmem:$0x1FDB0];
	v49 =	vsub.f32 $1.500000000e+00, v49;
	v0 =	vadd.f32 v0, v44;
	v44 =	vmul.f32 v55, v12  }
0x590: {  	v14 =	vadd.f32 v14, v39;
	v5 =	vmul.f32 v5, v54;
	v1 =	vmul.f32 v48, v1  }
0x591: {  	v21 =	vld [tilespmem:$0x1FDC0];
	v53 =	vmul.f32 v31, v31;
	v2 =	vmul.f32 v49, v2;
	v44 =	vsub.f32 $1.500000000e+00, v44  }
0x592: {  	v52 =	vld [tilespmem:$0x1FDD0];
	v3 =	vsub.f32 $1.500000000e+00, v3;
	v7 =	vmul.f32 v7, v28;
	v1 =	vmul.f32 v1, v32  }
0x593: {  	v56 =	vld [tilespmem:$0x1FF90];
	v10 =	vsub.f32 $1.500000000e+00, v10;
	v2 =	vmul.f32 v2, v33;
	v12 =	vmul.f32 v44, v12  }
0x594: {  	v34 =	vld [tilespmem:s21+$0x16000];
	v9 =	vmul.f32 v9, v26;
	v13 =	vmul.f32 v13, v20;
	v0 =	vadd.f32 v0, v61  }
0x595: {  	v3 =	vmul.f32 v3, v16;
	v55 =	vld [tilespmem:$0x1FE00];
	v25 =	vmin.f32 v1, v2;
	v12 =	vmul.f32 v12, v27  }
0x596: {  	v10 =	vmul.f32 v10, v17;
	v0 =	vadd.f32 v0, v21;
	v23 =	vmin.f32 v25, v7  }
0x597: {  	v35 =	vld [tilespmem:s21+$0x16800];
	v17 =	vmul.f32 v41, v41;
	v11 =	vmul.f32 v11, v22;
	v20 =	vmin.f32 v23, v12  }
0x598: {  	v6 =	vmul.f32 v6, v52;
	v0 =	vadd.f32 v0, v56;
	v56 =	vld [tilespmem:$0x1FE10];
	v19 =	vmin.f32 v20, v9  }
0x599: {  	v17 =	vadd.f32 v17, v34;
	v25 =	vmul.f32 v29, v29;
	v18 =	vmin.f32 v19, v13  }
0x59a: {  	v38 =	vld [tilespmem:s21+$0x17000];
	v3 =	vmul.f32 v3, v55;
	v16 =	vmin.f32 v18, v11;
	v18 =	vmul.f32 v42, v42  }
0x59b: {  	v27 =	vmax.f32 v17, $1.000000000e-30;
	v17 =	vmul.f32 v60, v60;
	v16 =	vmin.f32 v16, v6  }
0x59c: {  	v41 =	vmul.f32 $5.000000000e-01, v27;
	v16 =	vmin.f32 v16, v15;
	v18 =	vadd.f32 v18, v35  }
0x59d: {  	v19 =	vmul.f32 v43, v43;
	v10 =	vmul.f32 v10, v56;
	v16 =	vmin.f32 v16, v5  }
0x59e: {  	v16 =	vmin.f32 v16, v3;
	v26 =	vmax.f32 v18, $1.000000000e-30;
	v18 =	vshrl.u32 v27, $0x1  }
0x59f: {  	v39 =	vld [tilespmem:$0x1FE20];
	v20 =	vmin.f32 v16, v10;
	v16 =	vadd.f32 v19, v38;
	v19 =	vmul.f32 v45, v45  }
0x5a0: {  	v22 =	vshrl.u32 v26, $0x1;
	v42 =	vmul.f32 $5.000000000e-01, v26;
	v1 =	vsub.f32 v20, v1  }
0x5a1: {  	v58 =	vsub.s32 $0x5F3759DF, v18;
	v2 =	vsub.f32 v20, v2;
	v7 =	vsub.f32 v20, v7  }
0x5a2: {  	v57 =	vsub.f32 v20, v12;
	v9 =	vsub.f32 v20, v9;
	v1 =	vmul.f32 $1.442695020e+00, v1  }
0x5a3: {  	v36 =	vld [tilespmem:s21+$0x18000];
	v59 =	vsub.s32 $0x5F3759DF, v22;
	v12 =	vsub.f32 v20, v13;
	v11 =	vsub.f32 v20, v11  }
0x5a4: {  	v33 =	vmul.f32 v58, v41;
	v13 =	vadd.f32 v17, v39;
	(erf) = vpow2.f32 v1  }
0x5a5: {  	v6 =	vsub.f32 v20, v6;
	v28 =	vmax.f32 v16, $1.000000000e-30;
	v2 =	vmul.f32 $1.442695020e+00, v2  }
0x5a6: {  	v17 =	vsub.f32 v20, v15;
	v9 =	vmul.f32 $1.442695020e+00, v9;
	v43 =	vmul.f32 $5.000000000e-01, v28  }
0x5a7: {  	v5 =	vsub.f32 v20, v5;
	v1 =	vmul.f32 $1.442695020e+00, v7;
	(erf) = vpow2.f32 v2  }
0x5a8: {  	v12 =	vmul.f32 $1.442695020e+00, v12;
	v11 =	vmul.f32 $1.442695020e+00, v11;
	v2 =	vadd.f32 v19, v36  }
0x5a9: {  	v10 =	vsub.f32 v20, v10;
	v7 =	vmul.f32 $1.442695020e+00, v57;
	(erf) = vpow2.f32 v1  }
0x5aa: {  	v6 =	vmul.f32 $1.442695020e+00, v6;
	v17 =	vmul.f32 $1.442695020e+00, v17;
	v38 =	vmax.f32 v2, $1.000000000e-30;
	v2 =	vld [tilespmem:$0x1FE30]  }
0x5ab: {  	v32 =	vshrl.u32 v28, $0x1;
	v5 =	vmul.f32 $1.442695020e+00, v5;
	(erf) = vpow2.f32 v7  }
0x5ac: {  	v10 =	vmul.f32 $1.442695020e+00, v10;
	v39 =	vmax.f32 v13, $1.000000000e-30;
	(erf) = vpow2.f32 v9  }
0x5ad: {  	v13 =	vshrl.u32 v39, $0x1;
	v1 =	vmul.f32 v47, v47;
	v48 =	vpop (erf);
	(erf) = vpow2.f32 v12  }
0x5ae: {  	v22 =	vsub.s32 $0x5F3759DF, v13;
	v36 =	vmax.f32 v14, $1.000000000e-30;
	v14 =	vmul.f32 v46, v46  }
0x5af: {  	v44 =	vmul.f32 $5.000000000e-01, v36;
	v7 =	vsub.s32 $0x5F3759DF, v32;
	v1 =	vadd.f32 v1, v2  }
0x5b0: {  	v50 =	vmul.f32 v7, v43;
	v2 =	vsub.f32 v20, v3;
	v12 =	vmul.f32 v59, v42;
	v15 =	vpop (erf)  }
0x5b1: {  	(erf) = vpow2.f32 v11;
	v30 =	vmax.f32 v1, $1.000000000e-30;
	v1 =	vld [tilespmem:$0x1FE50];
	v40 =	vadd.f32 v15, v48  }
0x5b2: {  	v49 =	vshrl.u32 v36, $0x1;
	v9 =	vmul.f32 v58, v33;
	v2 =	vmul.f32 $1.442695020e+00, v2;
	v16 =	vpop (erf)  }
0x5b3: {  	(erf) = vpow2.f32 v6;
	v52 =	vmul.f32 v59, v12;
	v8 =	vadd.f32 v40, v16  }
0x5b4: {  	v51 =	vshrl.u32 v38, $0x1;
	v6 =	vmul.f32 v7, v50;
	v18 =	vpop (erf);
	(erf) = vpow2.f32 v17  }
0x5b5: {  	v23 =	vshrl.u32 v30, $0x1;
	v19 =	vpop (erf);
	(erf) = vpow2.f32 v5;
	v3 =	vadd.f32 v8, v18  }
0x5b6: {  	v45 =	vmul.f32 $5.000000000e-01, v30;
	v1 =	vadd.f32 v4, v1;
	v20 =	vpop (erf);
	(erf) = vpow2.f32 v2;
	v2 =	vld [tilespmem:$0x1FE40]  }
0x5b7: {  	v50 =	vsub.s32 $0x5F3759DF, v23;
	v5 =	vsub.s32 $0x5F3759DF, v49;
	v3 =	vadd.f32 v3, v19  }
0x5b8: {  	v40 =	vmul.f32 $5.000000000e-01, v38;
	v12 =	vmul.f32 v5, v44;
	v32 =	vmax.f32 v1, $1.000000000e-30;
	v1 =	vld [tilespmem:$0x1FE70]  }
0x5b9: {  	v11 =	vsub.s32 $0x5F3759DF, v51;
	v57 =	vmul.f32 v50, v45;
	v3 =	vadd.f32 v3, v20  }
0x5ba: {  	v9 =	vsub.f32 $1.500000000e+00, v9;
	v54 =	vmul.f32 v11, v40;
	v55 =	vmul.f32 v5, v12;
	v60 =	vpop (erf)  }
0x5bb: {  	(erf) = vpow2.f32 v10;
	v3 =	vadd.f32 v3, v60;
	v2 =	vadd.f32 v14, v2  }
0x5bc: {  	v4 =	vsub.f32 $1.500000000e+00, v6;
	v6 =	vmul.f32 v11, v54;
	v46 =	vmul.f32 $5.000000000e-01, v32;
	v24 =	vpop (erf)  }
0x5bd: {  	v1 =	vadd.f32 v53, v1;
	v3 =	vadd.f32 v3, v24;
	v31 =	vmax.f32 v2, $1.000000000e-30;
	v2 =	vld [tilespmem:$0x1FE60]  }
0x5be: {  	v10 =	vsub.f32 $1.500000000e+00, v52;
	v17 =	vpop (erf);
	v14 =	vmul.f32 v37, v37;
	v37 =	vmul.f32 $5.000000000e-01, v39  }
0x5bf: {  	v34 =	vmax.f32 v1, $1.000000000e-30;
	v1 =	vmul.f32 v7, v4;
	v3 =	vadd.f32 v3, v17  }
0x5c0: {  	v13 =	vpop (erf);
	v4 =	vsub.f32 $1.500000000e+00, v6;
	v6 =	vmul.f32 v50, v57;
	v23 =	vshrl.u32 v31, $0x1  }
0x5c1: {  	v3 =	vadd.f32 v3, v13;
	v51 =	vsub.s32 $0x5F3759DF, v23;
	v23 =	vshrl.u32 v32, $0x1  }
0x5c2: {  	v56 =	vmul.f32 v22, v37;
	v52 =	vsub.s32 $0x5F3759DF, v23;
	v2 =	vadd.f32 v14, v2;
	v14 =	vpop (erf)  }
0x5c3: {  	v47 =	vmul.f32 $5.000000000e-01, v34;
	v7 =	vmul.f32 v52, v46;
	v3 =	vadd.f32 v3, v14  }
0x5c4: {  	v29 =	vmul.f32 $5.000000000e-01, v31;
	v6 =	vsub.f32 $1.500000000e+00, v6;
	v12 =	vpop (erf);
	v33 =	vmax.f32 v2, $1.000000000e-30;
	v2 =	vld [tilespmem:$0x1FE80]  }
0x5c5: {  	v4 =	vmul.f32 v11, v4;
	v7 =	vmul.f32 v52, v7;
	v3 =	vadd.f32 v3, v12  }
0x5c6: {  	v53 =	vshrl.u32 v34, $0x1;
	v6 =	vmul.f32 v50, v6;
	v23 =	vmul.f32 $5.000000000e-01, v33  }
0x5c7: {  	v7 =	vsub.f32 $1.500000000e+00, v7;
	(erf) = vrcp.f32 v3;
	v3 =	vmul.f32 v58, v9  }
0x5c8: {  	v9 =	vmul.f32 v59, v10;
	v58 =	vsub.f32 $1.500000000e+00, v55;
	v59 =	vmul.f32 v51, v29  }
0x5c9: {  	v7 =	vmul.f32 v52, v7;
	v2 =	vadd.f32 v25, v2;
	v25 =	vmul.f32 v22, v56  }
0x5ca: {  	v53 =	vsub.s32 $0x5F3759DF, v53;
	v54 =	vmul.f32 v3, v41;
	v5 =	vmul.f32 v5, v58  }
0x5cb: {  	v56 =	vshrl.u32 v33, $0x1;
	v55 =	vmul.f32 v51, v59;
	v58 =	vmul.f32 v1, v43  }
0x5cc: {  	v8 =	vsub.s32 $0x5F3759DF, v56;
	v35 =	vmax.f32 v2, $1.000000000e-30;
	v2 =	vmul.f32 v9, v42  }
0x5cd: {  	v10 =	vsub.f32 $1.500000000e+00, v25;
	v56 =	vmul.f32 v8, v23;
	v54 =	vmul.f32 v54, v3  }
0x5ce: {  	v59 =	vmul.f32 v5, v44;
	v57 =	vshrl.u32 v35, $0x1;
	v49 =	vmul.f32 $5.000000000e-01, v35  }
0x5cf: {  	v11 =	vsub.s32 $0x5F3759DF, v57;
	v57 =	vmul.f32 v53, v47;
	v2 =	vmul.f32 v2, v9  }
0x5d0: {  	v55 =	vsub.f32 $1.500000000e+00, v55;
	v10 =	vmul.f32 v22, v10;
	v22 =	vmul.f32 v8, v56  }
0x5d1: {  	v54 =	vsub.f32 $1.500000000e+00, v54;
	v56 =	vmul.f32 v58, v1;
	v50 =	vmul.f32 v59, v5  }
0x5d2: {  	v51 =	vmul.f32 v51, v55;
	v58 =	vmul.f32 v11, v49;
	v2 =	vsub.f32 $1.500000000e+00, v2  }
0x5d3: {  	v22 =	vsub.f32 $1.500000000e+00, v22;
	v57 =	vmul.f32 v53, v57;
	v59 =	vmul.f32 v10, v37  }
0x5d4: {  	v56 =	vsub.f32 $1.500000000e+00, v56;
	v3 =	vmul.f32 v54, v3;
	v54 =	vmul.f32 v51, v29;
	v25 =	vpop (erf)  }
0x5d5: {  	v25 =	vmul.f32 $5.000000000e-01, v25;
	v55 =	vsub.f32 $1.500000000e+00, v57;
	v57 =	vmul.f32 v11, v58  }
0x5d6: {  	v58 =	vmul.f32 v6, v45;
	v2 =	vmul.f32 v2, v9  }
0x5d7: {  	v50 =	vsub.f32 $1.500000000e+00, v50;
	v1 =	vmul.f32 v56, v1;
	v8 =	vmul.f32 v8, v22  }
0x5d8: {  	v56 =	vmul.f32 v7, v46;
	v41 =	vmul.f32 v3, v41  }
0x5d9: {  	v5 =	vmul.f32 v50, v5;
	v48 =	vmul.f32 v25, v48  }
0x5da: {  	v9 =	vsub.f32 $1.500000000e+00, v57;
	v57 =	vmul.f32 v59, v10;
	v52 =	vmul.f32 v58, v6  }
0x5db: {  	v55 =	vmul.f32 v53, v55;
	v42 =	vmul.f32 v2, v42  }
0x5dc: {  	v58 =	vmul.f32 v54, v51;
	v53 =	vmul.f32 v8, v23  }
0x5dd: {  	v43 =	vmul.f32 v1, v43;
	v41 =	vmul.f32 v41, v3  }
0x5de: {  	v44 =	vmul.f32 v5, v44;
	v48 =	vadd.f32 $5.000000000e-01, v48;
	v9 =	vmul.f32 v11, v9  }
0x5df: {  	v22 =	vsub.f32 $1.500000000e+00, v57;
	v59 =	vmul.f32 v55, v47;
	v42 =	vmul.f32 v42, v2  }
0x5e0: {  	v50 =	vsub.f32 $1.500000000e+00, v52;
	v43 =	vmul.f32 v43, v1;
	v44 =	vmul.f32 v44, v5  }
0x5e1: {  	v11 =	vsub.f32 $1.500000000e+00, v58;
	[tilespmem:s21+$0x16010] =	vst v48;
	v48 =	vmul.f32 v4, v40;
	v10 =	vmul.f32 v22, v10  }
0x5e2: {  	v41 =	vsub.f32 $1.500000000e+00, v41;
	v22 =	vmul.f32 v53, v8;
	v6 =	vmul.f32 v50, v6  }
0x5e3: {  	v57 =	vmul.f32 v59, v55;
	v11 =	vmul.f32 v11, v51  }
0x5e4: {  	v42 =	vsub.f32 $1.500000000e+00, v42;
	v3 =	vmul.f32 v41, v3;
	v48 =	vmul.f32 v48, v4  }
0x5e5: {  	v43 =	vsub.f32 $1.500000000e+00, v43;
	v37 =	vmul.f32 v10, v37;
	v45 =	vmul.f32 v6, v45  }
0x5e6: {  	v22 =	vsub.f32 $1.500000000e+00, v22;
	v2 =	vmul.f32 v42, v2;
	v29 =	vmul.f32 v11, v29  }
0x5e7: {  	v50 =	vsub.f32 $1.500000000e+00, v57;
	v1 =	vmul.f32 v43, v1;
	v43 =	vmul.f32 v3, v27  }
0x5e8: {  	v44 =	vsub.f32 $1.500000000e+00, v44;
	v37 =	vmul.f32 v37, v10;
	v53 =	vmul.f32 v22, v8  }
0x5e9: {  	v48 =	vsub.f32 $1.500000000e+00, v48;
	v22 =	vmul.f32 v45, v6;
	v50 =	vmul.f32 v50, v55  }
0x5ea: {  	v63 =	vld [tilespmem:$0x1FFB0];
	v42 =	vmul.f32 v2, v26;
	v2 =	vmul.f32 v44, v5  }
0x5eb: {  	v44 =	vmul.f32 v1, v28;
	v4 =	vmul.f32 v48, v4  }
0x5ec: {  	v48 =	vmul.f32 v56, v7;
	v56 =	vmov v61;
	v61 =	vmul.f32 v9, v49  }
0x5ed: {  	v3 =	vsub.f32 $1.500000000e+00, v22;
	v22 =	vmul.f32 v53, v23;
	v40 =	vmul.f32 v4, v40  }
0x5ee: {  	v45 =	vmul.f32 v2, v36;
	v2 =	vmul.f32 v50, v47;
	v48 =	vsub.f32 $1.500000000e+00, v48  }
0x5ef: {  	v0 =	vadd.f32 v0, v63;
	v58 =	vmul.f32 v61, v9;
	v40 =	vmul.f32 v40, v4  }
0x5f0: {  	v61 =	vsub.f32 $1.500000000e+00, v37;
	v23 =	vmul.f32 v3, v6;
	v48 =	vmul.f32 v48, v7  }
0x5f1: {  	s22 =	sadd.s32 $0x2, s22;
	v59 =	vsub.f32 $1.500000000e+00, v58;
	v58 =	vmul.f32 v29, v11;
	v40 =	vsub.f32 $1.500000000e+00, v40  }
0x5f2: {  	p0 =	slt.u32 s22, $0x7E;
	v1 =	vmin.f32 v43, v42;
	v8 =	vmul.f32 v61, v10;
	v61 =	vmul.f32 v22, v53  }
.Ltmp2:
0x5f3: {  	v1 =	vmin.f32 v1, v44;
	v57 =	vmul.f32 v48, v46;
	v4 =	vmul.f32 v40, v4;
	(pc) =	sbr.rel @p0 .LBB2_6-.Ltmp2, $4  }
0x5f4: {  	v1 =	vmin.f32 v1, v45;
	v28 =	vmul.f32 v59, v9;
	v36 =	vmul.f32 v8, v39  }
0x5f5: {  	v52 =	vld [tilespmem:$0x1FF00];
	v5 =	vsub.f32 $1.500000000e+00, v58;
	v59 =	vmul.f32 v57, v48;
	v46 =	vmul.f32 v4, v38  }
0x5f6: {  	v55 =	vld [tilespmem:$0x1FF10];
	v29 =	vsub.f32 $1.500000000e+00, v61;
	v37 =	vmul.f32 v28, v49;
	v40 =	vmul.f32 v2, v50  }
0x5f7: {  	s23 =	sadd.s32 $0x80, s23;
	v54 =	vmovc v21;
	v49 =	vld [tilespmem:$0x1FE90];
	v27 =	vmul.f32 v5, v11;
	v26 =	vsub.f32 $1.500000000e+00, v59;
	v38 =	vmin.f32 v1, v46  }
0x5f8: {  	v1 =	vmul.f32 v23, v30;
	v2 =	vmul.f32 v37, v28  }
0x5f9: {  	v3 =	vsub.f32 $1.500000000e+00, v40;
	v6 =	vmin.f32 v38, v36;
	v5 =	vmul.f32 v26, v48  }
0x5fa: {  	v7 =	vmul.f32 v29, v53;
	v4 =	vmul.f32 v27, v31;
	v2 =	vsub.f32 $1.500000000e+00, v2  }
0x5fb: {  	v6 =	vmin.f32 v6, v1;
	v3 =	vmul.f32 v3, v50;
	v5 =	vmul.f32 v5, v32  }
0x5fc: {  	v7 =	vmul.f32 v7, v33;
	v6 =	vmin.f32 v6, v4;
	v2 =	vmul.f32 v2, v28  }
0x5fd: {  	v3 =	vmul.f32 v3, v34;
	v6 =	vmin.f32 v6, v5  }
0x5fe: {  	v2 =	vmul.f32 v2, v35;
	v6 =	vmin.f32 v6, v7  }
0x5ff: {  	v6 =	vmin.f32 v6, v3  }
0x600: {  	v6 =	vmin.f32 v6, v2  }
0x601: {  	v8 =	vsub.f32 v6, v43  }
0x602: {  	v9 =	vsub.f32 v6, v42  }
0x603: {  	v8 =	vmul.f32 $1.442695020e+00, v8  }
0x604: {  	(erf) = vrcp.f32 v0;
	v21 =	vsub.f32 v6, v44;
	v9 =	vmul.f32 $1.442695020e+00, v9  }
0x605: {  	(erf) = vpow2.f32 v8  }
0x606: {  	v22 =	vsub.f32 v6, v45;
	v0 =	vmul.f32 $1.442695020e+00, v21;
	(erf) = vpow2.f32 v9;
	_ =	sdelay $0x1  }
0x607: {  	v23 =	vsub.f32 v6, v46;
	v8 =	vmul.f32 $1.442695020e+00, v22;
	(erf) = vpow2.f32 v0;
	_ =	sdelay $0x1  }
0x608: {  	v26 =	vsub.f32 v6, v36;
	v9 =	vmul.f32 $1.442695020e+00, v23;
	(erf) = vpow2.f32 v8;
	_ =	sdelay $0x1  }
0x609: {  	v1 =	vsub.f32 v6, v1;
	v0 =	vmul.f32 $1.442695020e+00, v26;
	(erf) = vpow2.f32 v9  }
0x60a: {  	v27 =	vpop (erf)  }
0x60b: {  	v4 =	vsub.f32 v6, v4;
	v1 =	vmul.f32 $1.442695020e+00, v1;
	(erf) = vpow2.f32 v0;
	v28 =	vpop (erf)  }
0x60c: {  	v5 =	vsub.f32 v6, v5;
	v29 =	vpop (erf)  }
0x60d: {  	v4 =	vmul.f32 $1.442695020e+00, v4;
	(erf) = vpow2.f32 v1;
	v30 =	vadd.f32 v29, v28  }
0x60e: {  	v7 =	vsub.f32 v6, v7;
	v10 =	vpop (erf)  }
0x60f: {  	v5 =	vmul.f32 $1.442695020e+00, v5;
	(erf) = vpow2.f32 v4;
	v1 =	vadd.f32 v30, v10  }
0x610: {  	v37 =	vmul.f32 v25, v16;
	v38 =	vmul.f32 v25, v18;
	v3 =	vsub.f32 v6, v3;
	v31 =	vpop (erf)  }
0x611: {  	v7 =	vmul.f32 $1.442695020e+00, v7;
	(erf) = vpow2.f32 v5;
	v1 =	vadd.f32 v1, v31  }
0x612: {  	v40 =	vmul.f32 v25, v19;
	v41 =	vmul.f32 v25, v20;
	[tilespmem:s21+$0x17010] =	vst v37;
	v2 =	vsub.f32 v6, v2;
	v32 =	vpop (erf)  }
0x613: {  	[tilespmem:s21+$0x17810] =	vst v38;
	v3 =	vmul.f32 $1.442695020e+00, v3;
	(erf) = vpow2.f32 v7;
	v1 =	vadd.f32 v1, v32  }
0x614: {  	[tilespmem:s21+$0x18010] =	vst v40;
	v36 =	vmul.f32 v25, v15;
	v43 =	vmul.f32 v25, v60;
	v33 =	vpop (erf)  }
0x615: {  	[tilespmem:s21+$0x18810] =	vst v41;
	v2 =	vmul.f32 $1.442695020e+00, v2;
	(erf) = vpow2.f32 v3;
	v1 =	vadd.f32 v1, v33  }
0x616: {  	v44 =	vmul.f32 v25, v24;
	[tilespmem:s21+$0x16810] =	vst v36;
	v34 =	vpop (erf)  }
0x617: {  	v17 =	vmul.f32 v25, v17;
	v15 =	vld [tilespmem:$0x1FEE0];
	[tilespmem:s21+$0x19010] =	vst v43;
	(erf) = vpow2.f32 v2;
	v1 =	vadd.f32 v1, v34  }
0x618: {  	[tilespmem:s21+$0x19810] =	vst v44;
	v35 =	vpop (erf)  }
0x619: {  	[tilespmem:s21+$0x1A010] =	vst v17;
	v1 =	vadd.f32 v1, v35  }
0x61a: {  	v17 =	vld [tilespmem:$0x1FED0];
	v11 =	vpop (erf)  }
0x61b: {  	v1 =	vadd.f32 v1, v11  }
0x61c: {  	v39 =	vpop (erf)  }
0x61d: {  	v8 =	vmul.f32 $5.000000000e-01, v27;
	v1 =	vadd.f32 v1, v39  }
0x61e: {  	v46 =	vld [tilespmem:$0x1FEF0];
	v42 =	vpop (erf)  }
0x61f: {  	v17 =	vmul.f32 v8, v17;
	v1 =	vadd.f32 v1, v42  }
0x620: {  	v15 =	vmul.f32 v8, v15;
	v47 =	vmul.f32 v8, v49;
	v45 =	vpop (erf)  }
0x621: {  	v48 =	vmul.f32 v8, v62;
	[tilespmem:s20+$0x16800] =	vst v17;
	v1 =	vadd.f32 v1, v45  }
0x622: {  	v15 =	vadd.f32 $5.000000000e-01, v15;
	[tilespmem:s20+$0x17800] =	vst v47  }
0x623: {  	[tilespmem:s20+$0x18000] =	vst v48;
	(erf) = vrcp.f32 v1;
	v1 =	vmul.f32 v8, v46  }
0x624: {  	[tilespmem:s20+$0x16000] =	vst v15  }
0x625: {  	[tilespmem:s20+$0x17000] =	vst v1  }
0x626: {  	v17 =	vld [tilespmem:$0x1FEB0];
	_ =	sdelay $0x2  }
0x627: {  	v49 =	vmul.f32 v8, v52  }
0x628: {  	v50 =	vmul.f32 v8, v55  }
0x629: {  	[tilespmem:s20+$0x18800] =	vst v49;
	v17 =	vmul.f32 v8, v17  }
0x62a: {  	v51 =	vmul.f32 v8, v56;
	[tilespmem:s20+$0x19000] =	vst v50  }
0x62b: {  	v52 =	vmul.f32 v8, v54;
	[tilespmem:s20+$0x19800] =	vst v17  }
0x62c: {  	v13 =	vmul.f32 v25, v13;
	v53 =	vpop (erf);
	v17 =	vld [tilespmem:$0x1FF90];
	[tilespmem:s20+$0x1A000] =	vst v51  }
0x62d: {  	v14 =	vmul.f32 v25, v14;
	v1 =	vmul.f32 $5.000000000e-01, v53;
	[tilespmem:s20+$0x1A800] =	vst v52  }
0x62e: {  	v54 =	vmul.f32 v25, v12;
	[tilespmem:s21+$0x1A810] =	vst v13  }
0x62f: {  	[tilespmem:s21+$0x1B010] =	vst v14;
	v55 =	vmul.f32 v1, v29  }
0x630: {  	[tilespmem:s21+$0x1B810] =	vst v54;
	v56 =	vmul.f32 v1, v10  }
0x631: {  	v57 =	vmul.f32 v1, v31;
	[tilespmem:s21+$0x16800] =	vst v55  }
0x632: {  	v58 =	vmul.f32 v1, v32;
	[tilespmem:s21+$0x17000] =	vst v56  }
0x633: {  	v59 =	vmul.f32 v1, v33;
	[tilespmem:s21+$0x17800] =	vst v57  }
0x634: {  	v60 =	vmul.f32 v1, v34;
	[tilespmem:s21+$0x18000] =	vst v58  }
0x635: {  	v2 =	vmul.f32 v1, v35;
	[tilespmem:s21+$0x18800] =	vst v59  }
0x636: {  	v0 =	vmul.f32 v1, v28;
	v61 =	vmul.f32 v1, v11;
	[tilespmem:s21+$0x19000] =	vst v60  }
0x637: {  	v62 =	vmul.f32 v1, v39;
	[tilespmem:s21+$0x19800] =	vst v2  }
0x638: {  	v0 =	vadd.f32 $5.000000000e-01, v0;
	[tilespmem:s21+$0x1A000] =	vst v61  }
0x639: {  	[tilespmem:s21+$0x1A800] =	vst v62;
	v17 =	vmul.f32 v8, v17  }
0x63a: {  	v8 =	vmul.f32 v8, v63;
	[tilespmem:s21+$0x16000] =	vst v0  }
0x63b: {  	v63 =	vmul.f32 v1, v42;
	[tilespmem:s20+$0x1B000] =	vst v17  }
0x63c: {  	v1 =	vmul.f32 v1, v45;
	[tilespmem:s20+$0x1B800] =	vst v8  }
0x63d: {  	[tilespmem:s21+$0x1B000] =	vst v63  }
0x63e: {  	[tilespmem:s21+$0x1B800] =	vst v1  }
0x63f: {  	s19 =	sadd.s32 $0x1, s19;
	_ =	strace $0x9000004D  }
0x640: {  	p0 =	sne.s32 s19, s10;
	_ =	strace $0x8000004E  }
0x641: {  	[hbm4b:s9+s11] =	stream.strided.scatter [tilespmem:s18], [sflag:$0x4], $0x6000, s12, s11, $0x200038;
	[tilespmem:$0x1D800] =	vst v63  }
.Ltmp3:
0x642: {  	_ = 	snop;
	(pc) =	sbr.rel @p0 .LBB2_1-.Ltmp3, $4  }
0x643: {  	_ =	swait.ge [sflag:s17], $0x6000  }
0x644: {  	[sflag:s17] =	ssyncset.done $0x0  }
0x645: {  	[sflag:s17] =	ssyncadd.s32 $0xFFFFA000  }
0x646: {  	_ =	strace $0x9000004E  }
0x647: {  	_ =	sfence.sel $0x180000  }
0x648: {  	[bflag:$0x0] =	sbarrier.arrive $0xFFFF  }
0x649: {  	p0 =	sne.s32 s1, $0x0;
	_ =	strace $0x90000047  }
0x64a: {  	s0 =	sadd.s32 @!p0 $0x100000, s0;
	[bflag:$0x2] =	sbarrier.arrive $0xFFFF  }
0x64b: {  	[sflag:s0] =	ssyncadd.tile.s32 @!p0 $0x1;
	_ =	shalt  }
.Lfunc_end2:
_tile_overlayer_lowered:
.L_overlay_start_2:
0x64c: {  	(tag) =	ssettag $0x2  }
0x64d: {  	s0 =	rddreg [dreg:$0x0];
	s2 =	stileid.u32  }
0x64e: {  	s1 =	rddreg [dreg:$0x1];
	p0 =	sne.s32 s2, $0x0  }
0x64f: {  	s3 =	rddreg [dreg:$0x2];
	[bflag:$0x3] =	sbarrier.arrive $0xFFFF;
	s2 =	simm.s32 @!p0 $0x1C04  }
0x650: {  	[timem:s3], [sflag:s2] =	dma.local @!p0 [hbm:s0], s1  }
0x651: {  	s0 =	simm.s32 @!p0 $0x4  }
0x652: {  	_ =	swait.ge @!p0 [sflag:s0], s1  }
0x653: {  	s1 =	ssub.s32 @!p0 $0x0, s1;
	[sflag:s0] =	ssyncset.done @!p0 $0x0  }
0x654: {  	[sflag:s0] =	ssyncadd.s32 @!p0 s1  }
0x655: {  	[bflag:$0x3] =	sbarrier.arrive $0xFFFF  }
0x656: {  	_ =	shalt  }

</sc_bundles>
